<compile_context>
chip_gen: v7x
topology: tpu7x:2x2x1
jax: 0.10.2.dev20260603
libtpu: 0.0.44.dev20260713+nightly
codegen_flags: <defaults>
</compile_context>

<pallas_src>
import functools

import jax
import jax.numpy as jnp
from jax import lax
from jax.experimental import pallas as pl
from jax.experimental.pallas import tpu as pltpu
from jax.experimental.pallas import tpu_sc as plsc

N = 2048
E = 32768
C = 128

NC = 2
NS = 16
NW = NC * NS
EPW = E // NW
SPW = N // NW
CHUNK = 128
RCHUNK = EPW // CHUNK
NCHUNK = RCHUNK + 1
DCHUNK = E // NS // CHUNK
TRASH = N
HIST_ROWS = 2304
AGG_ROWS = 2560
OPW = N // NS

_MESH = plsc.VectorSubcoreMesh(core_axis_name="c", subcore_axis_name="s")


_GATHER_DNUMS = lax.GatherDimensionNumbers(
    offset_dims=(), collapsed_slice_dims=(0,), start_index_map=(0,))


def _lane_broadcast(vec, j):
    idx = jnp.full((16, 1), j, jnp.int32)
    return lax.gather(vec, idx, _GATHER_DNUMS, (1,),
                      mode=lax.GatherScatterMode.PROMISE_IN_BOUNDS)


def _fill_tail_chunk(idx_buf, wid, tail_value):
    iota16 = lax.iota(jnp.int32, 16)
    base = wid * SPW
    for k in range(SPW // 16):
        idx_buf[RCHUNK, pl.ds(k * 16, 16)] = base + k * 16 + iota16
    for k in range(SPW // 16, CHUNK // 16):
        idx_buf[RCHUNK, pl.ds(k * 16, 16)] = jnp.full((16,), tail_value, jnp.int32)


@functools.partial(
    pl.kernel,
    out_type=[
        jax.ShapeDtypeStruct((NC, N, C), jnp.float32),
        jax.ShapeDtypeStruct((NC, N), jnp.float32),
        jax.ShapeDtypeStruct((N,), jnp.float32),
    ],
    mesh=_MESH,
    scratch_types=[
        pltpu.VMEM((DCHUNK + 1, CHUNK), jnp.int32),
        pltpu.VMEM((NCHUNK, CHUNK), jnp.int32),
        pltpu.VMEM((NCHUNK, CHUNK), jnp.int32),
        pltpu.VMEM((CHUNK, C), jnp.float32),
        pltpu.VMEM((CHUNK, C), jnp.float32),
        pltpu.VMEM((CHUNK,), jnp.float32),
        pltpu.VMEM((HIST_ROWS // NS,), jnp.float32),
        pltpu.VMEM((CHUNK,), jnp.float32),
        pltpu.VMEM((CHUNK,), jnp.float32),
        pltpu.VMEM((NCHUNK, CHUNK), jnp.float32),
        pltpu.VMEM((16, C), jnp.float32),
        pltpu.VMEM_SHARED((HIST_ROWS,), jnp.float32),
        pltpu.VMEM_SHARED((HIST_ROWS,), jnp.float32),
        pltpu.VMEM_SHARED((N,), jnp.float32),
        pltpu.VMEM_SHARED((N, C), jnp.float32),
        pltpu.VMEM_SHARED((AGG_ROWS, C), jnp.float32),
        pltpu.SemaphoreType.DMA,
        pltpu.SemaphoreType.DMA,
        pltpu.SemaphoreType.DMA,
        pltpu.SemaphoreType.DMA,
        pltpu.SemaphoreType.DMA,
    ],
)
def _mega_call(x_hbm, ei_hbm, aggx_out, t_out, isq_out,
               rowd_buf, col_buf, row_buf, gbuf0, gbuf1, ones_v, zvec,
               wvec, isqv, tvals, zrow,
               deg_sh, t_sh, isq_sh, xs_sh, agg_sh, sg0, sg1, ss, sc0, sc1):
    c = lax.axis_index("c")
    s = lax.axis_index("s")
    wid = c * NS + s
    iota16 = lax.iota(jnp.int32, 16)
    f32 = jnp.float32

    for k in range(CHUNK // 16):
        ones_v[pl.ds(k * 16, 16)] = jnp.ones((16,), f32)
    zchunk = HIST_ROWS // NS
    for k in range(zchunk // 16):
        zvec[pl.ds(k * 16, 16)] = jnp.zeros((16,), f32)
    for r in range(16):
        for k in range(C // 16):
            zrow[r, pl.ds(k * 16, 16)] = jnp.zeros((16,), f32)

    pltpu.sync_copy(zvec, deg_sh.at[pl.ds(s * zchunk, zchunk)])
    pltpu.sync_copy(zvec, t_sh.at[pl.ds(s * zchunk, zchunk)])

    pltpu.sync_copy(ei_hbm.at[0, pl.ds(s * DCHUNK, DCHUNK)],
                    rowd_buf.at[pl.ds(0, DCHUNK)])
    for k in range(CHUNK // 16):
        rowd_buf[DCHUNK, pl.ds(k * 16, 16)] = s * CHUNK + k * 16 + iota16
    pltpu.sync_copy(ei_hbm.at[1, pl.ds(wid * RCHUNK, RCHUNK)],
                    col_buf.at[pl.ds(0, RCHUNK)])
    pltpu.sync_copy(ei_hbm.at[0, pl.ds(wid * RCHUNK, RCHUNK)],
                    row_buf.at[pl.ds(0, RCHUNK)])
    _fill_tail_chunk(col_buf, wid, 0)
    _fill_tail_chunk(row_buf, wid, TRASH)

    plsc.subcore_barrier()

    deg_handles = [
        pltpu.async_copy(ones_v, deg_sh.at[rowd_buf.at[g]], ss, add=True)
        for g in range(DCHUNK + 1)
    ]
    pltpu.sync_copy(x_hbm.at[pl.ds(s * OPW, OPW)], gbuf0)
    zrows = AGG_ROWS // NS
    for j in range(zrows // 16):
        pltpu.sync_copy(zrow, agg_sh.at[pl.ds(s * zrows + j * 16, 16)])
    for h in deg_handles:
        h.wait()

    plsc.subcore_barrier()

    pltpu.sync_copy(deg_sh.at[pl.ds(s * OPW, OPW)], wvec)
    for k in range(CHUNK // 16):
        d = wvec[pl.ds(k * 16, 16)]
        i = lax.bitcast_convert_type(d, jnp.int32)
        y = lax.bitcast_convert_type(0x5F3759DF - (i >> 1), f32)
        for _ in range(3):
            y = y * (f32(1.5) - f32(0.5) * d * y * y)
        isqv[pl.ds(k * 16, 16)] = y
    pltpu.sync_copy(isqv, isq_sh.at[pl.ds(s * OPW, OPW)])

    @pl.when(c == 0)
    def _():
        pltpu.sync_copy(isqv, isq_out.at[pl.ds(s * OPW, OPW)])

    def _scale_row(r, carry):
        vec = isqv[pl.ds((r // 16) * 16, 16)]
        w = _lane_broadcast(vec, r % 16)
        for k in range(C // 16):
            gbuf0[r, pl.ds(k * 16, 16)] = gbuf0[r, pl.ds(k * 16, 16)] * w
        return carry

    lax.fori_loop(0, OPW, _scale_row, 0)
    pltpu.sync_copy(gbuf0, xs_sh.at[pl.ds(s * OPW, OPW)])

    plsc.subcore_barrier()

    bufs = (gbuf0, gbuf1)
    gsems = (sg0, sg1)
    ssems = (sc0, sc1)
    tg_handles = [
        pltpu.async_copy(isq_sh.at[col_buf.at[g]], tvals.at[g], ss)
        for g in range(NCHUNK)
    ]
    handles = {}
    sc_handles = {}
    handles[0] = pltpu.async_copy(xs_sh.at[col_buf.at[0]], bufs[0], gsems[0])
    for g in range(NCHUNK):
        if g + 1 < NCHUNK:
            handles[g + 1] = pltpu.async_copy(
                xs_sh.at[col_buf.at[g + 1]], bufs[(g + 1) % 2],
                gsems[(g + 1) % 2])
        handles[g].wait()
        if g >= 2:
            sc_handles[g - 2].wait()
        sc_handles[g] = pltpu.async_copy(
            bufs[g % 2], agg_sh.at[row_buf.at[g]], ssems[g % 2], add=True)
    for h in tg_handles:
        h.wait()
    ts_handles = [
        pltpu.async_copy(tvals.at[g], t_sh.at[row_buf.at[g]], ss, add=True)
        for g in range(NCHUNK)
    ]
    sc_handles[NCHUNK - 2].wait()
    sc_handles[NCHUNK - 1].wait()
    for h in ts_handles:
        h.wait()

    plsc.subcore_barrier()

    pltpu.sync_copy(agg_sh.at[pl.ds(s * OPW, OPW)], gbuf0)
    pltpu.sync_copy(gbuf0, aggx_out.at[c, pl.ds(s * OPW, OPW)])
    pltpu.sync_copy(t_sh.at[pl.ds(s * OPW, OPW)], wvec)
    pltpu.sync_copy(wvec, t_out.at[c, pl.ds(s * OPW, OPW)])


def _finish_body(aggp_ref, tp_ref, isq_ref, w_ref, b_ref, out_ref):
    aggx = aggp_ref[0] + aggp_ref[1]
    t = tp_ref[0] + tp_ref[1]
    isq = isq_ref[...]
    mm = lax.dot_general(aggx, w_ref[...],
                         (((1,), (1,)), ((), ())),
                         preferred_element_type=jnp.float32)
    out_ref[...] = isq * mm + (isq * t) * b_ref[...]


def kernel(x, edge_index, W, b):
    ei = edge_index.reshape(2, E // CHUNK, CHUNK)

    aggx_p, t_p, isq = _mega_call(x, ei)

    out = pl.pallas_call(
        _finish_body,
        out_shape=jax.ShapeDtypeStruct((N, C), jnp.float32),
    )(aggx_p, t_p.reshape(NC, N, 1), isq.reshape(N, 1), W, b.reshape(1, C))
    return out

# --- scband reference (transcript-rebuilt; emitter-appended) ---
"""Pipeline reference for scband-gcnconv-6846177869851 (READ-ONLY COPY).

The authoritative reference and input builder live on the scoring server;
editing this copy changes nothing except your own understanding.
"""

import jax, jax.numpy as jnp
import numpy as np

N = 2048
E = 32768
C_IN = 128
C_OUT = 128


def setup_inputs(seed: int = 0) -> dict:
    key = jax.random.key(seed)
    k1, k2, k3, k4 = jax.random.split(key, 4)
    x = jax.random.normal(k1, (N, C_IN), dtype=jnp.float32)
    edge_index = jax.random.randint(k2, (2, E), 0, N, dtype=jnp.int32)
    # nn.Linear params: weight [out, in], bias [out]
    bound = 1.0 / np.sqrt(C_IN)
    W = jax.random.uniform(k3, (C_OUT, C_IN), dtype=jnp.float32, minval=-bound, maxval=bound)
    b = jax.random.uniform(k4, (C_OUT,), dtype=jnp.float32, minval=-bound, maxval=bound)
    return {"x": x, "edge_index": edge_index, "W": W, "b": b}


def reference(x, edge_index, W, b):
    num_nodes = x.shape[0]
    # addSelfConnect: append (i, i) for every node
    selfconn = jnp.stack([jnp.arange(num_nodes, dtype=edge_index.dtype)] * 2, axis=0)
    ei = jnp.concatenate([edge_index, selfconn], axis=1)
    # linear
    h = x @ W.T + b
    row, col = ei[0], ei[1]
    # calDegree: counts of node occurrences in row (self-loops guarantee deg >= 1)
    deg = jnp.bincount(row, length=num_nodes).astype(jnp.float32)
    deg_sqrt = deg ** -0.5
    norm = deg_sqrt[row] * deg_sqrt[col]
    # gather source features and scale
    tar = norm[:, None] * jnp.take(h, col, axis=0)
    # AggrSum: mask @ H is mathematically a scatter-add (segment sum) by row
    aggr = jax.ops.segment_sum(tar, row, num_segments=num_nodes)
    return aggr

if __name__ == "__main__":
    import jax
    _d = setup_inputs()
    print(jax.jit(kernel)(*tuple(_d.values())))

</pallas_src>

<mosaic_0001>
#map = affine_map<(d0, d1) -> (0, 0)>
#map1 = affine_map<(d0, d1) -> (0, 0, 0)>
#map2 = affine_map<(d0, d1) -> (0)>
module attributes {stable_mosaic.version = 14 : i64} {
  func.func @_mega_call(%arg0: i32, %arg1: i32, %arg2: memref<2048x128xf32, #tpu.memory_space<hbm>>, %arg3: memref<2x256x128xi32, #tpu.memory_space<hbm>>, %arg4: memref<2x2048x128xf32, #tpu.memory_space<hbm>>, %arg5: memref<2x2048xf32, #tpu.memory_space<hbm>>, %arg6: memref<2048xf32, #tpu.memory_space<hbm>>, %arg7: memref<17x128xi32, #tpu.memory_space<vmem>>, %arg8: memref<9x128xi32, #tpu.memory_space<vmem>>, %arg9: memref<9x128xi32, #tpu.memory_space<vmem>>, %arg10: memref<128x128xf32, #tpu.memory_space<vmem>>, %arg11: memref<128x128xf32, #tpu.memory_space<vmem>>, %arg12: memref<128xf32, #tpu.memory_space<vmem>>, %arg13: memref<144xf32, #tpu.memory_space<vmem>>, %arg14: memref<128xf32, #tpu.memory_space<vmem>>, %arg15: memref<128xf32, #tpu.memory_space<vmem>>, %arg16: memref<9x128xf32, #tpu.memory_space<vmem>>, %arg17: memref<16x128xf32, #tpu.memory_space<vmem>>, %arg18: memref<2304xf32, #tpu.memory_space<vmem_shared>>, %arg19: memref<2304xf32, #tpu.memory_space<vmem_shared>>, %arg20: memref<2048xf32, #tpu.memory_space<vmem_shared>>, %arg21: memref<2048x128xf32, #tpu.memory_space<vmem_shared>>, %arg22: memref<2560x128xf32, #tpu.memory_space<vmem_shared>>, %arg23: memref<!tpu.dma_semaphore, #tpu.memory_space<semaphore_mem>>, %arg24: memref<!tpu.dma_semaphore, #tpu.memory_space<semaphore_mem>>, %arg25: memref<!tpu.dma_semaphore, #tpu.memory_space<semaphore_mem>>, %arg26: memref<!tpu.dma_semaphore, #tpu.memory_space<semaphore_mem>>, %arg27: memref<!tpu.dma_semaphore, #tpu.memory_space<semaphore_mem>>) attributes {dimension_semantics = [#tpu.dimension_semantics<core_parallel>, #tpu.dimension_semantics<subcore_parallel>], iteration_bounds = array<i64: 2, 16>, scalar_prefetch = 0 : i64, scratch_operands = 21 : i64, tpu.core_type = #tpu.core_type<sc_vector_subcore>, window_params = [{transform_indices = #map}, {transform_indices = #map1}, {transform_indices = #map1}, {transform_indices = #map}, {transform_indices = #map2}]} {
    %mul3A = arith.constant 16 : i32
    %mul3A_0 = arith.muli %arg0, %mul3A : i32
    %add3A = arith.addi %mul3A_0, %arg1 : i32
    %iota3A = tpu.iota {dimensions = array<i32: 0>} : vector<16xi32>
    %broadcast_in_dim3A = arith.constant 1.000000e+00 : f32
    %broadcast_in_dim3A_1 = vector.broadcast %broadcast_in_dim3A : f32 to vector<16xf32>
    %swap3A = arith.constant 0 : index
    %swap3A_2 = tpu.vector_load %arg12[%swap3A] {strides = array<i32>} : memref<128xf32, #tpu.memory_space<vmem>>, vector<16xf32>,
    %swap3A_3 = vector.shape_cast %swap3A_2 : vector<16xf32> to vector<16xf32>
    %swap3A_4 = vector.shape_cast %broadcast_in_dim3A_1 : vector<16xf32> to vector<16xf32>
    tpu.vector_store %arg12[%swap3A], %swap3A_4 {strides = array<i32>} : memref<128xf32, #tpu.memory_space<vmem>>, vector<16xf32>,
    %broadcast_in_dim3A_5 = arith.constant 1.000000e+00 : f32
    %broadcast_in_dim3A_6 = vector.broadcast %broadcast_in_dim3A_5 : f32 to vector<16xf32>
    %swap3A_7 = arith.constant 16 : index
    %swap3A_8 = tpu.vector_load %arg12[%swap3A_7] {strides = array<i32>} : memref<128xf32, #tpu.memory_space<vmem>>, vector<16xf32>,
    %swap3A_9 = vector.shape_cast %swap3A_8 : vector<16xf32> to vector<16xf32>
    %swap3A_10 = vector.shape_cast %broadcast_in_dim3A_6 : vector<16xf32> to vector<16xf32>
    tpu.vector_store %arg12[%swap3A_7], %swap3A_10 {strides = array<i32>} : memref<128xf32, #tpu.memory_space<vmem>>, vector<16xf32>,
    %broadcast_in_dim3A_11 = arith.constant 1.000000e+00 : f32
    %broadcast_in_dim3A_12 = vector.broadcast %broadcast_in_dim3A_11 : f32 to vector<16xf32>
    %swap3A_13 = arith.constant 32 : index
    %swap3A_14 = tpu.vector_load %arg12[%swap3A_13] {strides = array<i32>} : memref<128xf32, #tpu.memory_space<vmem>>, vector<16xf32>,
    %swap3A_15 = vector.shape_cast %swap3A_14 : vector<16xf32> to vector<16xf32>
    %swap3A_16 = vector.shape_cast %broadcast_in_dim3A_12 : vector<16xf32> to vector<16xf32>
    tpu.vector_store %arg12[%swap3A_13], %swap3A_16 {strides = array<i32>} : memref<128xf32, #tpu.memory_space<vmem>>, vector<16xf32>,
    %broadcast_in_dim3A_17 = arith.constant 1.000000e+00 : f32
    %broadcast_in_dim3A_18 = vector.broadcast %broadcast_in_dim3A_17 : f32 to vector<16xf32>
    %swap3A_19 = arith.constant 48 : index
    %swap3A_20 = tpu.vector_load %arg12[%swap3A_19] {strides = array<i32>} : memref<128xf32, #tpu.memory_space<vmem>>, vector<16xf32>,
    %swap3A_21 = vector.shape_cast %swap3A_20 : vector<16xf32> to vector<16xf32>
    %swap3A_22 = vector.shape_cast %broadcast_in_dim3A_18 : vector<16xf32> to vector<16xf32>
    tpu.vector_store %arg12[%swap3A_19], %swap3A_22 {strides = array<i32>} : memref<128xf32, #tpu.memory_space<vmem>>, vector<16xf32>,
    %broadcast_in_dim3A_23 = arith.constant 1.000000e+00 : f32
    %broadcast_in_dim3A_24 = vector.broadcast %broadcast_in_dim3A_23 : f32 to vector<16xf32>
    %swap3A_25 = arith.constant 64 : index
    %swap3A_26 = tpu.vector_load %arg12[%swap3A_25] {strides = array<i32>} : memref<128xf32, #tpu.memory_space<vmem>>, vector<16xf32>,
    %swap3A_27 = vector.shape_cast %swap3A_26 : vector<16xf32> to vector<16xf32>
    %swap3A_28 = vector.shape_cast %broadcast_in_dim3A_24 : vector<16xf32> to vector<16xf32>
    tpu.vector_store %arg12[%swap3A_25], %swap3A_28 {strides = array<i32>} : memref<128xf32, #tpu.memory_space<vmem>>, vector<16xf32>,
    %broadcast_in_dim3A_29 = arith.constant 1.000000e+00 : f32
    %broadcast_in_dim3A_30 = vector.broadcast %broadcast_in_dim3A_29 : f32 to vector<16xf32>
    %swap3A_31 = arith.constant 80 : index
    %swap3A_32 = tpu.vector_load %arg12[%swap3A_31] {strides = array<i32>} : memref<128xf32, #tpu.memory_space<vmem>>, vector<16xf32>,
    %swap3A_33 = vector.shape_cast %swap3A_32 : vector<16xf32> to vector<16xf32>
    %swap3A_34 = vector.shape_cast %broadcast_in_dim3A_30 : vector<16xf32> to vector<16xf32>
    tpu.vector_store %arg12[%swap3A_31], %swap3A_34 {strides = array<i32>} : memref<128xf32, #tpu.memory_space<vmem>>, vector<16xf32>,
    %broadcast_in_dim3A_35 = arith.constant 1.000000e+00 : f32
    %broadcast_in_dim3A_36 = vector.broadcast %broadcast_in_dim3A_35 : f32 to vector<16xf32>
    %swap3A_37 = arith.constant 96 : index
    %swap3A_38 = tpu.vector_load %arg12[%swap3A_37] {strides = array<i32>} : memref<128xf32, #tpu.memory_space<vmem>>, vector<16xf32>,
    %swap3A_39 = vector.shape_cast %swap3A_38 : vector<16xf32> to vector<16xf32>
    %swap3A_40 = vector.shape_cast %broadcast_in_dim3A_36 : vector<16xf32> to vector<16xf32>
    tpu.vector_store %arg12[%swap3A_37], %swap3A_40 {strides = array<i32>} : memref<128xf32, #tpu.memory_space<vmem>>, vector<16xf32>,
    %broadcast_in_dim3A_41 = arith.constant 1.000000e+00 : f32
    %broadcast_in_dim3A_42 = vector.broadcast %broadcast_in_dim3A_41 : f32 to vector<16xf32>
    %swap3A_43 = arith.constant 112 : index
    %swap3A_44 = tpu.vector_load %arg12[%swap3A_43] {strides = array<i32>} : memref<128xf32, #tpu.memory_space<vmem>>, vector<16xf32>,
    %swap3A_45 = vector.shape_cast %swap3A_44 : vector<16xf32> to vector<16xf32>
    %swap3A_46 = vector.shape_cast %broadcast_in_dim3A_42 : vector<16xf32> to vector<16xf32>
    tpu.vector_store %arg12[%swap3A_43], %swap3A_46 {strides = array<i32>} : memref<128xf32, #tpu.memory_space<vmem>>, vector<16xf32>,
    %broadcast_in_dim3A_47 = arith.constant 0.000000e+00 : f32
    %broadcast_in_dim3A_48 = vector.broadcast %broadcast_in_dim3A_47 : f32 to vector<16xf32>
    %swap3A_49 = arith.constant 0 : index
    %swap3A_50 = tpu.vector_load %arg13[%swap3A_49] {strides = array<i32>} : memref<144xf32, #tpu.memory_space<vmem>>, vector<16xf32>,
    %swap3A_51 = vector.shape_cast %swap3A_50 : vector<16xf32> to vector<16xf32>
    %swap3A_52 = vector.shape_cast %broadcast_in_dim3A_48 : vector<16xf32> to vector<16xf32>
    tpu.vector_store %arg13[%swap3A_49], %swap3A_52 {strides = array<i32>} : memref<144xf32, #tpu.memory_space<vmem>>, vector<16xf32>,
    %broadcast_in_dim3A_53 = arith.constant 0.000000e+00 : f32
    %broadcast_in_dim3A_54 = vector.broadcast %broadcast_in_dim3A_53 : f32 to vector<16xf32>
    %swap3A_55 = arith.constant 16 : index
    %swap3A_56 = tpu.vector_load %arg13[%swap3A_55] {strides = array<i32>} : memref<144xf32, #tpu.memory_space<vmem>>, vector<16xf32>,
    %swap3A_57 = vector.shape_cast %swap3A_56 : vector<16xf32> to vector<16xf32>
    %swap3A_58 = vector.shape_cast %broadcast_in_dim3A_54 : vector<16xf32> to vector<16xf32>
    tpu.vector_store %arg13[%swap3A_55], %swap3A_58 {strides = array<i32>} : memref<144xf32, #tpu.memory_space<vmem>>, vector<16xf32>,
    %broadcast_in_dim3A_59 = arith.constant 0.000000e+00 : f32
    %broadcast_in_dim3A_60 = vector.broadcast %broadcast_in_dim3A_59 : f32 to vector<16xf32>
    %swap3A_61 = arith.constant 32 : index
    %swap3A_62 = tpu.vector_load %arg13[%swap3A_61] {strides = array<i32>} : memref<144xf32, #tpu.memory_space<vmem>>, vector<16xf32>,
    %swap3A_63 = vector.shape_cast %swap3A_62 : vector<16xf32> to vector<16xf32>
    %swap3A_64 = vector.shape_cast %broadcast_in_dim3A_60 : vector<16xf32> to vector<16xf32>
    tpu.vector_store %arg13[%swap3A_61], %swap3A_64 {strides = array<i32>} : memref<144xf32, #tpu.memory_space<vmem>>, vector<16xf32>,
    %broadcast_in_dim3A_65 = arith.constant 0.000000e+00 : f32
    %broadcast_in_dim3A_66 = vector.broadcast %broadcast_in_dim3A_65 : f32 to vector<16xf32>
    %swap3A_67 = arith.constant 48 : index
    %swap3A_68 = tpu.vector_load %arg13[%swap3A_67] {strides = array<i32>} : memref<144xf32, #tpu.memory_space<vmem>>, vector<16xf32>,
    %swap3A_69 = vector.shape_cast %swap3A_68 : vector<16xf32> to vector<16xf32>
    %swap3A_70 = vector.shape_cast %broadcast_in_dim3A_66 : vector<16xf32> to vector<16xf32>
    tpu.vector_store %arg13[%swap3A_67], %swap3A_70 {strides = array<i32>} : memref<144xf32, #tpu.memory_space<vmem>>, vector<16xf32>,
    %broadcast_in_dim3A_71 = arith.constant 0.000000e+00 : f32
    %broadcast_in_dim3A_72 = vector.broadcast %broadcast_in_dim3A_71 : f32 to vector<16xf32>
    %swap3A_73 = arith.constant 64 : index
    %swap3A_74 = tpu.vector_load %arg13[%swap3A_73] {strides = array<i32>} : memref<144xf32, #tpu.memory_space<vmem>>, vector<16xf32>,
    %swap3A_75 = vector.shape_cast %swap3A_74 : vector<16xf32> to vector<16xf32>
    %swap3A_76 = vector.shape_cast %broadcast_in_dim3A_72 : vector<16xf32> to vector<16xf32>
    tpu.vector_store %arg13[%swap3A_73], %swap3A_76 {strides = array<i32>} : memref<144xf32, #tpu.memory_space<vmem>>, vector<16xf32>,
    %broadcast_in_dim3A_77 = arith.constant 0.000000e+00 : f32
    %broadcast_in_dim3A_78 = vector.broadcast %broadcast_in_dim3A_77 : f32 to vector<16xf32>
    %swap3A_79 = arith.constant 80 : index
    %swap3A_80 = tpu.vector_load %arg13[%swap3A_79] {strides = array<i32>} : memref<144xf32, #tpu.memory_space<vmem>>, vector<16xf32>,
    %swap3A_81 = vector.shape_cast %swap3A_80 : vector<16xf32> to vector<16xf32>
    %swap3A_82 = vector.shape_cast %broadcast_in_dim3A_78 : vector<16xf32> to vector<16xf32>
    tpu.vector_store %arg13[%swap3A_79], %swap3A_82 {strides = array<i32>} : memref<144xf32, #tpu.memory_space<vmem>>, vector<16xf32>,
    %broadcast_in_dim3A_83 = arith.constant 0.000000e+00 : f32
    %broadcast_in_dim3A_84 = vector.broadcast %broadcast_in_dim3A_83 : f32 to vector<16xf32>
    %swap3A_85 = arith.constant 96 : index
    %swap3A_86 = tpu.vector_load %arg13[%swap3A_85] {strides = array<i32>} : memref<144xf32, #tpu.memory_space<vmem>>, vector<16xf32>,
    %swap3A_87 = vector.shape_cast %swap3A_86 : vector<16xf32> to vector<16xf32>
    %swap3A_88 = vector.shape_cast %broadcast_in_dim3A_84 : vector<16xf32> to vector<16xf32>
    tpu.vector_store %arg13[%swap3A_85], %swap3A_88 {strides = array<i32>} : memref<144xf32, #tpu.memory_space<vmem>>, vector<16xf32>,
    %broadcast_in_dim3A_89 = arith.constant 0.000000e+00 : f32
    %broadcast_in_dim3A_90 = vector.broadcast %broadcast_in_dim3A_89 : f32 to vector<16xf32>
    %swap3A_91 = arith.constant 112 : index
    %swap3A_92 = tpu.vector_load %arg13[%swap3A_91] {strides = array<i32>} : memref<144xf32, #tpu.memory_space<vmem>>, vector<16xf32>,
    %swap3A_93 = vector.shape_cast %swap3A_92 : vector<16xf32> to vector<16xf32>
    %swap3A_94 = vector.shape_cast %broadcast_in_dim3A_90 : vector<16xf32> to vector<16xf32>
    tpu.vector_store %arg13[%swap3A_91], %swap3A_94 {strides = array<i32>} : memref<144xf32, #tpu.memory_space<vmem>>, vector<16xf32>,
    %broadcast_in_dim3A_95 = arith.constant 0.000000e+00 : f32
    %broadcast_in_dim3A_96 = vector.broadcast %broadcast_in_dim3A_95 : f32 to vector<16xf32>
    %swap3A_97 = arith.constant 128 : index
    %swap3A_98 = tpu.vector_load %arg13[%swap3A_97] {strides = array<i32>} : memref<144xf32, #tpu.memory_space<vmem>>, vector<16xf32>,
    %swap3A_99 = vector.shape_cast %swap3A_98 : vector<16xf32> to vector<16xf32>
    %swap3A_100 = vector.shape_cast %broadcast_in_dim3A_96 : vector<16xf32> to vector<16xf32>
    tpu.vector_store %arg13[%swap3A_97], %swap3A_100 {strides = array<i32>} : memref<144xf32, #tpu.memory_space<vmem>>, vector<16xf32>,
    %broadcast_in_dim3A_101 = arith.constant 0.000000e+00 : f32
    %broadcast_in_dim3A_102 = vector.broadcast %broadcast_in_dim3A_101 : f32 to vector<16xf32>
    %swap3A_103 = arith.constant 0 : i32
    %swap3A_104 = arith.index_cast %swap3A_103 : i32 to index
    %swap3A_105 = arith.constant 0 : index
    %swap3A_106 = tpu.vector_load %arg17[%swap3A_104, %swap3A_105] {strides = array<i32>} : memref<16x128xf32, #tpu.memory_space<vmem>>, vector<1x16xf32>,
    %swap3A_107 = vector.shape_cast %swap3A_106 : vector<1x16xf32> to vector<16xf32>
    %swap3A_108 = vector.shape_cast %broadcast_in_dim3A_102 : vector<16xf32> to vector<1x16xf32>
    tpu.vector_store %arg17[%swap3A_104, %swap3A_105], %swap3A_108 {strides = array<i32>} : memref<16x128xf32, #tpu.memory_space<vmem>>, vector<1x16xf32>,
    %broadcast_in_dim3A_109 = arith.constant 0.000000e+00 : f32
    %broadcast_in_dim3A_110 = vector.broadcast %broadcast_in_dim3A_109 : f32 to vector<16xf32>
    %swap3A_111 = arith.constant 0 : i32
    %swap3A_112 = arith.index_cast %swap3A_111 : i32 to index
    %swap3A_113 = arith.constant 16 : index
    %swap3A_114 = tpu.vector_load %arg17[%swap3A_112, %swap3A_113] {strides = array<i32>} : memref<16x128xf32, #tpu.memory_space<vmem>>, vector<1x16xf32>,
    %swap3A_115 = vector.shape_cast %swap3A_114 : vector<1x16xf32> to vector<16xf32>
    %swap3A_116 = vector.shape_cast %broadcast_in_dim3A_110 : vector<16xf32> to vector<1x16xf32>
    tpu.vector_store %arg17[%swap3A_112, %swap3A_113], %swap3A_116 {strides = array<i32>} : memref<16x128xf32, #tpu.memory_space<vmem>>, vector<1x16xf32>,
    %broadcast_in_dim3A_117 = arith.constant 0.000000e+00 : f32
    %broadcast_in_dim3A_118 = vector.broadcast %broadcast_in_dim3A_117 : f32 to vector<16xf32>
    %swap3A_119 = arith.constant 0 : i32
    %swap3A_120 = arith.index_cast %swap3A_119 : i32 to index
    %swap3A_121 = arith.constant 32 : index
    %swap3A_122 = tpu.vector_load %arg17[%swap3A_120, %swap3A_121] {strides = array<i32>} : memref<16x128xf32, #tpu.memory_space<vmem>>, vector<1x16xf32>,
    %swap3A_123 = vector.shape_cast %swap3A_122 : vector<1x16xf32> to vector<16xf32>
    %swap3A_124 = vector.shape_cast %broadcast_in_dim3A_118 : vector<16xf32> to vector<1x16xf32>
    tpu.vector_store %arg17[%swap3A_120, %swap3A_121], %swap3A_124 {strides = array<i32>} : memref<16x128xf32, #tpu.memory_space<vmem>>, vector<1x16xf32>,
    %broadcast_in_dim3A_125 = arith.constant 0.000000e+00 : f32
    %broadcast_in_dim3A_126 = vector.broadcast %broadcast_in_dim3A_125 : f32 to vector<16xf32>
    %swap3A_127 = arith.constant 0 : i32
    %swap3A_128 = arith.index_cast %swap3A_127 : i32 to index
    %swap3A_129 = arith.constant 48 : index
    %swap3A_130 = tpu.vector_load %arg17[%swap3A_128, %swap3A_129] {strides = array<i32>} : memref<16x128xf32, #tpu.memory_space<vmem>>, vector<1x16xf32>,
    %swap3A_131 = vector.shape_cast %swap3A_130 : vector<1x16xf32> to vector<16xf32>
    %swap3A_132 = vector.shape_cast %broadcast_in_dim3A_126 : vector<16xf32> to vector<1x16xf32>
    tpu.vector_store %arg17[%swap3A_128, %swap3A_129], %swap3A_132 {strides = array<i32>} : memref<16x128xf32, #tpu.memory_space<vmem>>, vector<1x16xf32>,
    %broadcast_in_dim3A_133 = arith.constant 0.000000e+00 : f32
    %broadcast_in_dim3A_134 = vector.broadcast %broadcast_in_dim3A_133 : f32 to vector<16xf32>
    %swap3A_135 = arith.constant 0 : i32
    %swap3A_136 = arith.index_cast %swap3A_135 : i32 to index
    %swap3A_137 = arith.constant 64 : index
    %swap3A_138 = tpu.vector_load %arg17[%swap3A_136, %swap3A_137] {strides = array<i32>} : memref<16x128xf32, #tpu.memory_space<vmem>>, vector<1x16xf32>,
    %swap3A_139 = vector.shape_cast %swap3A_138 : vector<1x16xf32> to vector<16xf32>
    %swap3A_140 = vector.shape_cast %broadcast_in_dim3A_134 : vector<16xf32> to vector<1x16xf32>
    tpu.vector_store %arg17[%swap3A_136, %swap3A_137], %swap3A_140 {strides = array<i32>} : memref<16x128xf32, #tpu.memory_space<vmem>>, vector<1x16xf32>,
    %broadcast_in_dim3A_141 = arith.constant 0.000000e+00 : f32
    %broadcast_in_dim3A_142 = vector.broadcast %broadcast_in_dim3A_141 : f32 to vector<16xf32>
    %swap3A_143 = arith.constant 0 : i32
    %swap3A_144 = arith.index_cast %swap3A_143 : i32 to index
    %swap3A_145 = arith.constant 80 : index
    %swap3A_146 = tpu.vector_load %arg17[%swap3A_144, %swap3A_145] {strides = array<i32>} : memref<16x128xf32, #tpu.memory_space<vmem>>, vector<1x16xf32>,
    %swap3A_147 = vector.shape_cast %swap3A_146 : vector<1x16xf32> to vector<16xf32>
    %swap3A_148 = vector.shape_cast %broadcast_in_dim3A_142 : vector<16xf32> to vector<1x16xf32>
    tpu.vector_store %arg17[%swap3A_144, %swap3A_145], %swap3A_148 {strides = array<i32>} : memref<16x128xf32, #tpu.memory_space<vmem>>, vector<1x16xf32>,
    %broadcast_in_dim3A_149 = arith.constant 0.000000e+00 : f32
    %broadcast_in_dim3A_150 = vector.broadcast %broadcast_in_dim3A_149 : f32 to vector<16xf32>
    %swap3A_151 = arith.constant 0 : i32
    %swap3A_152 = arith.index_cast %swap3A_151 : i32 to index
    %swap3A_153 = arith.constant 96 : index
    %swap3A_154 = tpu.vector_load %arg17[%swap3A_152, %swap3A_153] {strides = array<i32>} : memref<16x128xf32, #tpu.memory_space<vmem>>, vector<1x16xf32>,
    %swap3A_155 = vector.shape_cast %swap3A_154 : vector<1x16xf32> to vector<16xf32>
    %swap3A_156 = vector.shape_cast %broadcast_in_dim3A_150 : vector<16xf32> to vector<1x16xf32>
    tpu.vector_store %arg17[%swap3A_152, %swap3A_153], %swap3A_156 {strides = array<i32>} : memref<16x128xf32, #tpu.memory_space<vmem>>, vector<1x16xf32>,
    %broadcast_in_dim3A_157 = arith.constant 0.000000e+00 : f32
    %broadcast_in_dim3A_158 = vector.broadcast %broadcast_in_dim3A_157 : f32 to vector<16xf32>
    %swap3A_159 = arith.constant 0 : i32
    %swap3A_160 = arith.index_cast %swap3A_159 : i32 to index
    %swap3A_161 = arith.constant 112 : index
    %swap3A_162 = tpu.vector_load %arg17[%swap3A_160, %swap3A_161] {strides = array<i32>} : memref<16x128xf32, #tpu.memory_space<vmem>>, vector<1x16xf32>,
    %swap3A_163 = vector.shape_cast %swap3A_162 : vector<1x16xf32> to vector<16xf32>
    %swap3A_164 = vector.shape_cast %broadcast_in_dim3A_158 : vector<16xf32> to vector<1x16xf32>
    tpu.vector_store %arg17[%swap3A_160, %swap3A_161], %swap3A_164 {strides = array<i32>} : memref<16x128xf32, #tpu.memory_space<vmem>>, vector<1x16xf32>,
    %broadcast_in_dim3A_165 = arith.constant 0.000000e+00 : f32
    %broadcast_in_dim3A_166 = vector.broadcast %broadcast_in_dim3A_165 : f32 to vector<16xf32>
    %swap3A_167 = arith.constant 1 : i32
    %swap3A_168 = arith.index_cast %swap3A_167 : i32 to index
    %swap3A_169 = arith.constant 0 : index
    %swap3A_170 = tpu.vector_load %arg17[%swap3A_168, %swap3A_169] {strides = array<i32>} : memref<16x128xf32, #tpu.memory_space<vmem>>, vector<1x16xf32>,
    %swap3A_171 = vector.shape_cast %swap3A_170 : vector<1x16xf32> to vector<16xf32>
    %swap3A_172 = vector.shape_cast %broadcast_in_dim3A_166 : vector<16xf32> to vector<1x16xf32>
    tpu.vector_store %arg17[%swap3A_168, %swap3A_169], %swap3A_172 {strides = array<i32>} : memref<16x128xf32, #tpu.memory_space<vmem>>, vector<1x16xf32>,
    %broadcast_in_dim3A_173 = arith.constant 0.000000e+00 : f32
    %broadcast_in_dim3A_174 = vector.broadcast %broadcast_in_dim3A_173 : f32 to vector<16xf32>
    %swap3A_175 = arith.constant 1 : i32
    %swap3A_176 = arith.index_cast %swap3A_175 : i32 to index
    %swap3A_177 = arith.constant 16 : index
    %swap3A_178 = tpu.vector_load %arg17[%swap3A_176, %swap3A_177] {strides = array<i32>} : memref<16x128xf32, #tpu.memory_space<vmem>>, vector<1x16xf32>,
    %swap3A_179 = vector.shape_cast %swap3A_178 : vector<1x16xf32> to vector<16xf32>
    %swap3A_180 = vector.shape_cast %broadcast_in_dim3A_174 : vector<16xf32> to vector<1x16xf32>
    tpu.vector_store %arg17[%swap3A_176, %swap3A_177], %swap3A_180 {strides = array<i32>} : memref<16x128xf32, #tpu.memory_space<vmem>>, vector<1x16xf32>,
    %broadcast_in_dim3A_181 = arith.constant 0.000000e+00 : f32
    %broadcast_in_dim3A_182 = vector.broadcast %broadcast_in_dim3A_181 : f32 to vector<16xf32>
    %swap3A_183 = arith.constant 1 : i32
    %swap3A_184 = arith.index_cast %swap3A_183 : i32 to index
    %swap3A_185 = arith.constant 32 : index
    %swap3A_186 = tpu.vector_load %arg17[%swap3A_184, %swap3A_185] {strides = array<i32>} : memref<16x128xf32, #tpu.memory_space<vmem>>, vector<1x16xf32>,
    %swap3A_187 = vector.shape_cast %swap3A_186 : vector<1x16xf32> to vector<16xf32>
    %swap3A_188 = vector.shape_cast %broadcast_in_dim3A_182 : vector<16xf32> to vector<1x16xf32>
    tpu.vector_store %arg17[%swap3A_184, %swap3A_185], %swap3A_188 {strides = array<i32>} : memref<16x128xf32, #tpu.memory_space<vmem>>, vector<1x16xf32>,
    %broadcast_in_dim3A_189 = arith.constant 0.000000e+00 : f32
    %broadcast_in_dim3A_190 = vector.broadcast %broadcast_in_dim3A_189 : f32 to vector<16xf32>
    %swap3A_191 = arith.constant 1 : i32
    %swap3A_192 = arith.index_cast %swap3A_191 : i32 to index
    %swap3A_193 = arith.constant 48 : index
    %swap3A_194 = tpu.vector_load %arg17[%swap3A_192, %swap3A_193] {strides = array<i32>} : memref<16x128xf32, #tpu.memory_space<vmem>>, vector<1x16xf32>,
    %swap3A_195 = vector.shape_cast %swap3A_194 : vector<1x16xf32> to vector<16xf32>
    %swap3A_196 = vector.shape_cast %broadcast_in_dim3A_190 : vector<16xf32> to vector<1x16xf32>
    tpu.vector_store %arg17[%swap3A_192, %swap3A_193], %swap3A_196 {strides = array<i32>} : memref<16x128xf32, #tpu.memory_space<vmem>>, vector<1x16xf32>,
    %broadcast_in_dim3A_197 = arith.constant 0.000000e+00 : f32
    %broadcast_in_dim3A_198 = vector.broadcast %broadcast_in_dim3A_197 : f32 to vector<16xf32>
    %swap3A_199 = arith.constant 1 : i32
    %swap3A_200 = arith.index_cast %swap3A_199 : i32 to index
    %swap3A_201 = arith.constant 64 : index
    %swap3A_202 = tpu.vector_load %arg17[%swap3A_200, %swap3A_201] {strides = array<i32>} : memref<16x128xf32, #tpu.memory_space<vmem>>, vector<1x16xf32>,
    %swap3A_203 = vector.shape_cast %swap3A_202 : vector<1x16xf32> to vector<16xf32>
    %swap3A_204 = vector.shape_cast %broadcast_in_dim3A_198 : vector<16xf32> to vector<1x16xf32>
    tpu.vector_store %arg17[%swap3A_200, %swap3A_201], %swap3A_204 {strides = array<i32>} : memref<16x128xf32, #tpu.memory_space<vmem>>, vector<1x16xf32>,
    %broadcast_in_dim3A_205 = arith.constant 0.000000e+00 : f32
    %broadcast_in_dim3A_206 = vector.broadcast %broadcast_in_dim3A_205 : f32 to vector<16xf32>
    %swap3A_207 = arith.constant 1 : i32
    %swap3A_208 = arith.index_cast %swap3A_207 : i32 to index
    %swap3A_209 = arith.constant 80 : index
    %swap3A_210 = tpu.vector_load %arg17[%swap3A_208, %swap3A_209] {strides = array<i32>} : memref<16x128xf32, #tpu.memory_space<vmem>>, vector<1x16xf32>,
    %swap3A_211 = vector.shape_cast %swap3A_210 : vector<1x16xf32> to vector<16xf32>
    %swap3A_212 = vector.shape_cast %broadcast_in_dim3A_206 : vector<16xf32> to vector<1x16xf32>
    tpu.vector_store %arg17[%swap3A_208, %swap3A_209], %swap3A_212 {strides = array<i32>} : memref<16x128xf32, #tpu.memory_space<vmem>>, vector<1x16xf32>,
    %broadcast_in_dim3A_213 = arith.constant 0.000000e+00 : f32
    %broadcast_in_dim3A_214 = vector.broadcast %broadcast_in_dim3A_213 : f32 to vector<16xf32>
    %swap3A_215 = arith.constant 1 : i32
    %swap3A_216 = arith.index_cast %swap3A_215 : i32 to index
    %swap3A_217 = arith.constant 96 : index
    %swap3A_218 = tpu.vector_load %arg17[%swap3A_216, %swap3A_217] {strides = array<i32>} : memref<16x128xf32, #tpu.memory_space<vmem>>, vector<1x16xf32>,
    %swap3A_219 = vector.shape_cast %swap3A_218 : vector<1x16xf32> to vector<16xf32>
    %swap3A_220 = vector.shape_cast %broadcast_in_dim3A_214 : vector<16xf32> to vector<1x16xf32>
    tpu.vector_store %arg17[%swap3A_216, %swap3A_217], %swap3A_220 {strides = array<i32>} : memref<16x128xf32, #tpu.memory_space<vmem>>, vector<1x16xf32>,
    %broadcast_in_dim3A_221 = arith.constant 0.000000e+00 : f32
    %broadcast_in_dim3A_222 = vector.broadcast %broadcast_in_dim3A_221 : f32 to vector<16xf32>
    %swap3A_223 = arith.constant 1 : i32
    %swap3A_224 = arith.index_cast %swap3A_223 : i32 to index
    %swap3A_225 = arith.constant 112 : index
    %swap3A_226 = tpu.vector_load %arg17[%swap3A_224, %swap3A_225] {strides = array<i32>} : memref<16x128xf32, #tpu.memory_space<vmem>>, vector<1x16xf32>,
    %swap3A_227 = vector.shape_cast %swap3A_226 : vector<1x16xf32> to vector<16xf32>
    %swap3A_228 = vector.shape_cast %broadcast_in_dim3A_222 : vector<16xf32> to vector<1x16xf32>
    tpu.vector_store %arg17[%swap3A_224, %swap3A_225], %swap3A_228 {strides = array<i32>} : memref<16x128xf32, #tpu.memory_space<vmem>>, vector<1x16xf32>,
    %broadcast_in_dim3A_229 = arith.constant 0.000000e+00 : f32
    %broadcast_in_dim3A_230 = vector.broadcast %broadcast_in_dim3A_229 : f32 to vector<16xf32>
    %swap3A_231 = arith.constant 2 : i32
    %swap3A_232 = arith.index_cast %swap3A_231 : i32 to index
    %swap3A_233 = arith.constant 0 : index
    %swap3A_234 = tpu.vector_load %arg17[%swap3A_232, %swap3A_233] {strides = array<i32>} : memref<16x128xf32, #tpu.memory_space<vmem>>, vector<1x16xf32>,
    %swap3A_235 = vector.shape_cast %swap3A_234 : vector<1x16xf32> to vector<16xf32>
    %swap3A_236 = vector.shape_cast %broadcast_in_dim3A_230 : vector<16xf32> to vector<1x16xf32>
    tpu.vector_store %arg17[%swap3A_232, %swap3A_233], %swap3A_236 {strides = array<i32>} : memref<16x128xf32, #tpu.memory_space<vmem>>, vector<1x16xf32>,
    %broadcast_in_dim3A_237 = arith.constant 0.000000e+00 : f32
    %broadcast_in_dim3A_238 = vector.broadcast %broadcast_in_dim3A_237 : f32 to vector<16xf32>
    %swap3A_239 = arith.constant 2 : i32
    %swap3A_240 = arith.index_cast %swap3A_239 : i32 to index
    %swap3A_241 = arith.constant 16 : index
    %swap3A_242 = tpu.vector_load %arg17[%swap3A_240, %swap3A_241] {strides = array<i32>} : memref<16x128xf32, #tpu.memory_space<vmem>>, vector<1x16xf32>,
    %swap3A_243 = vector.shape_cast %swap3A_242 : vector<1x16xf32> to vector<16xf32>
    %swap3A_244 = vector.shape_cast %broadcast_in_dim3A_238 : vector<16xf32> to vector<1x16xf32>
    tpu.vector_store %arg17[%swap3A_240, %swap3A_241], %swap3A_244 {strides = array<i32>} : memref<16x128xf32, #tpu.memory_space<vmem>>, vector<1x16xf32>,
    %broadcast_in_dim3A_245 = arith.constant 0.000000e+00 : f32
    %broadcast_in_dim3A_246 = vector.broadcast %broadcast_in_dim3A_245 : f32 to vector<16xf32>
    %swap3A_247 = arith.constant 2 : i32
    %swap3A_248 = arith.index_cast %swap3A_247 : i32 to index
    %swap3A_249 = arith.constant 32 : index
    %swap3A_250 = tpu.vector_load %arg17[%swap3A_248, %swap3A_249] {strides = array<i32>} : memref<16x128xf32, #tpu.memory_space<vmem>>, vector<1x16xf32>,
    %swap3A_251 = vector.shape_cast %swap3A_250 : vector<1x16xf32> to vector<16xf32>
    %swap3A_252 = vector.shape_cast %broadcast_in_dim3A_246 : vector<16xf32> to vector<1x16xf32>
    tpu.vector_store %arg17[%swap3A_248, %swap3A_249], %swap3A_252 {strides = array<i32>} : memref<16x128xf32, #tpu.memory_space<vmem>>, vector<1x16xf32>,
    %broadcast_in_dim3A_253 = arith.constant 0.000000e+00 : f32
    %broadcast_in_dim3A_254 = vector.broadcast %broadcast_in_dim3A_253 : f32 to vector<16xf32>
    %swap3A_255 = arith.constant 2 : i32
    %swap3A_256 = arith.index_cast %swap3A_255 : i32 to index
    %swap3A_257 = arith.constant 48 : index
    %swap3A_258 = tpu.vector_load %arg17[%swap3A_256, %swap3A_257] {strides = array<i32>} : memref<16x128xf32, #tpu.memory_space<vmem>>, vector<1x16xf32>,
    %swap3A_259 = vector.shape_cast %swap3A_258 : vector<1x16xf32> to vector<16xf32>
    %swap3A_260 = vector.shape_cast %broadcast_in_dim3A_254 : vector<16xf32> to vector<1x16xf32>
    tpu.vector_store %arg17[%swap3A_256, %swap3A_257], %swap3A_260 {strides = array<i32>} : memref<16x128xf32, #tpu.memory_space<vmem>>, vector<1x16xf32>,
    %broadcast_in_dim3A_261 = arith.constant 0.000000e+00 : f32
    %broadcast_in_dim3A_262 = vector.broadcast %broadcast_in_dim3A_261 : f32 to vector<16xf32>
    %swap3A_263 = arith.constant 2 : i32
    %swap3A_264 = arith.index_cast %swap3A_263 : i32 to index
    %swap3A_265 = arith.constant 64 : index
    %swap3A_266 = tpu.vector_load %arg17[%swap3A_264, %swap3A_265] {strides = array<i32>} : memref<16x128xf32, #tpu.memory_space<vmem>>, vector<1x16xf32>,
    %swap3A_267 = vector.shape_cast %swap3A_266 : vector<1x16xf32> to vector<16xf32>
    %swap3A_268 = vector.shape_cast %broadcast_in_dim3A_262 : vector<16xf32> to vector<1x16xf32>
    tpu.vector_store %arg17[%swap3A_264, %swap3A_265], %swap3A_268 {strides = array<i32>} : memref<16x128xf32, #tpu.memory_space<vmem>>, vector<1x16xf32>,
    %broadcast_in_dim3A_269 = arith.constant 0.000000e+00 : f32
    %broadcast_in_dim3A_270 = vector.broadcast %broadcast_in_dim3A_269 : f32 to vector<16xf32>
    %swap3A_271 = arith.constant 2 : i32
    %swap3A_272 = arith.index_cast %swap3A_271 : i32 to index
    %swap3A_273 = arith.constant 80 : index
    %swap3A_274 = tpu.vector_load %arg17[%swap3A_272, %swap3A_273] {strides = array<i32>} : memref<16x128xf32, #tpu.memory_space<vmem>>, vector<1x16xf32>,
    %swap3A_275 = vector.shape_cast %swap3A_274 : vector<1x16xf32> to vector<16xf32>
    %swap3A_276 = vector.shape_cast %broadcast_in_dim3A_270 : vector<16xf32> to vector<1x16xf32>
    tpu.vector_store %arg17[%swap3A_272, %swap3A_273], %swap3A_276 {strides = array<i32>} : memref<16x128xf32, #tpu.memory_space<vmem>>, vector<1x16xf32>,
    %broadcast_in_dim3A_277 = arith.constant 0.000000e+00 : f32
    %broadcast_in_dim3A_278 = vector.broadcast %broadcast_in_dim3A_277 : f32 to vector<16xf32>
    %swap3A_279 = arith.constant 2 : i32
    %swap3A_280 = arith.index_cast %swap3A_279 : i32 to index
    %swap3A_281 = arith.constant 96 : index
    %swap3A_282 = tpu.vector_load %arg17[%swap3A_280, %swap3A_281] {strides = array<i32>} : memref<16x128xf32, #tpu.memory_space<vmem>>, vector<1x16xf32>,
    %swap3A_283 = vector.shape_cast %swap3A_282 : vector<1x16xf32> to vector<16xf32>
    %swap3A_284 = vector.shape_cast %broadcast_in_dim3A_278 : vector<16xf32> to vector<1x16xf32>
    tpu.vector_store %arg17[%swap3A_280, %swap3A_281], %swap3A_284 {strides = array<i32>} : memref<16x128xf32, #tpu.memory_space<vmem>>, vector<1x16xf32>,
    %broadcast_in_dim3A_285 = arith.constant 0.000000e+00 : f32
    %broadcast_in_dim3A_286 = vector.broadcast %broadcast_in_dim3A_285 : f32 to vector<16xf32>
    %swap3A_287 = arith.constant 2 : i32
    %swap3A_288 = arith.index_cast %swap3A_287 : i32 to index
    %swap3A_289 = arith.constant 112 : index
    %swap3A_290 = tpu.vector_load %arg17[%swap3A_288, %swap3A_289] {strides = array<i32>} : memref<16x128xf32, #tpu.memory_space<vmem>>, vector<1x16xf32>,
    %swap3A_291 = vector.shape_cast %swap3A_290 : vector<1x16xf32> to vector<16xf32>
    %swap3A_292 = vector.shape_cast %broadcast_in_dim3A_286 : vector<16xf32> to vector<1x16xf32>
    tpu.vector_store %arg17[%swap3A_288, %swap3A_289], %swap3A_292 {strides = array<i32>} : memref<16x128xf32, #tpu.memory_space<vmem>>, vector<1x16xf32>,
    %broadcast_in_dim3A_293 = arith.constant 0.000000e+00 : f32
    %broadcast_in_dim3A_294 = vector.broadcast %broadcast_in_dim3A_293 : f32 to vector<16xf32>
    %swap3A_295 = arith.constant 3 : i32
    %swap3A_296 = arith.index_cast %swap3A_295 : i32 to index
    %swap3A_297 = arith.constant 0 : index
    %swap3A_298 = tpu.vector_load %arg17[%swap3A_296, %swap3A_297] {strides = array<i32>} : memref<16x128xf32, #tpu.memory_space<vmem>>, vector<1x16xf32>,
    %swap3A_299 = vector.shape_cast %swap3A_298 : vector<1x16xf32> to vector<16xf32>
    %swap3A_300 = vector.shape_cast %broadcast_in_dim3A_294 : vector<16xf32> to vector<1x16xf32>
    tpu.vector_store %arg17[%swap3A_296, %swap3A_297], %swap3A_300 {strides = array<i32>} : memref<16x128xf32, #tpu.memory_space<vmem>>, vector<1x16xf32>,
    %broadcast_in_dim3A_301 = arith.constant 0.000000e+00 : f32
    %broadcast_in_dim3A_302 = vector.broadcast %broadcast_in_dim3A_301 : f32 to vector<16xf32>
    %swap3A_303 = arith.constant 3 : i32
    %swap3A_304 = arith.index_cast %swap3A_303 : i32 to index
    %swap3A_305 = arith.constant 16 : index
    %swap3A_306 = tpu.vector_load %arg17[%swap3A_304, %swap3A_305] {strides = array<i32>} : memref<16x128xf32, #tpu.memory_space<vmem>>, vector<1x16xf32>,
    %swap3A_307 = vector.shape_cast %swap3A_306 : vector<1x16xf32> to vector<16xf32>
    %swap3A_308 = vector.shape_cast %broadcast_in_dim3A_302 : vector<16xf32> to vector<1x16xf32>
    tpu.vector_store %arg17[%swap3A_304, %swap3A_305], %swap3A_308 {strides = array<i32>} : memref<16x128xf32, #tpu.memory_space<vmem>>, vector<1x16xf32>,
    %broadcast_in_dim3A_309 = arith.constant 0.000000e+00 : f32
    %broadcast_in_dim3A_310 = vector.broadcast %broadcast_in_dim3A_309 : f32 to vector<16xf32>
    %swap3A_311 = arith.constant 3 : i32
    %swap3A_312 = arith.index_cast %swap3A_311 : i32 to index
    %swap3A_313 = arith.constant 32 : index
    %swap3A_314 = tpu.vector_load %arg17[%swap3A_312, %swap3A_313] {strides = array<i32>} : memref<16x128xf32, #tpu.memory_space<vmem>>, vector<1x16xf32>,
    %swap3A_315 = vector.shape_cast %swap3A_314 : vector<1x16xf32> to vector<16xf32>
    %swap3A_316 = vector.shape_cast %broadcast_in_dim3A_310 : vector<16xf32> to vector<1x16xf32>
    tpu.vector_store %arg17[%swap3A_312, %swap3A_313], %swap3A_316 {strides = array<i32>} : memref<16x128xf32, #tpu.memory_space<vmem>>, vector<1x16xf32>,
    %broadcast_in_dim3A_317 = arith.constant 0.000000e+00 : f32
    %broadcast_in_dim3A_318 = vector.broadcast %broadcast_in_dim3A_317 : f32 to vector<16xf32>
    %swap3A_319 = arith.constant 3 : i32
    %swap3A_320 = arith.index_cast %swap3A_319 : i32 to index
    %swap3A_321 = arith.constant 48 : index
    %swap3A_322 = tpu.vector_load %arg17[%swap3A_320, %swap3A_321] {strides = array<i32>} : memref<16x128xf32, #tpu.memory_space<vmem>>, vector<1x16xf32>,
    %swap3A_323 = vector.shape_cast %swap3A_322 : vector<1x16xf32> to vector<16xf32>
    %swap3A_324 = vector.shape_cast %broadcast_in_dim3A_318 : vector<16xf32> to vector<1x16xf32>
    tpu.vector_store %arg17[%swap3A_320, %swap3A_321], %swap3A_324 {strides = array<i32>} : memref<16x128xf32, #tpu.memory_space<vmem>>, vector<1x16xf32>,
    %broadcast_in_dim3A_325 = arith.constant 0.000000e+00 : f32
    %broadcast_in_dim3A_326 = vector.broadcast %broadcast_in_dim3A_325 : f32 to vector<16xf32>
    %swap3A_327 = arith.constant 3 : i32
    %swap3A_328 = arith.index_cast %swap3A_327 : i32 to index
    %swap3A_329 = arith.constant 64 : index
    %swap3A_330 = tpu.vector_load %arg17[%swap3A_328, %swap3A_329] {strides = array<i32>} : memref<16x128xf32, #tpu.memory_space<vmem>>, vector<1x16xf32>,
    %swap3A_331 = vector.shape_cast %swap3A_330 : vector<1x16xf32> to vector<16xf32>
    %swap3A_332 = vector.shape_cast %broadcast_in_dim3A_326 : vector<16xf32> to vector<1x16xf32>
    tpu.vector_store %arg17[%swap3A_328, %swap3A_329], %swap3A_332 {strides = array<i32>} : memref<16x128xf32, #tpu.memory_space<vmem>>, vector<1x16xf32>,
    %broadcast_in_dim3A_333 = arith.constant 0.000000e+00 : f32
    %broadcast_in_dim3A_334 = vector.broadcast %broadcast_in_dim3A_333 : f32 to vector<16xf32>
    %swap3A_335 = arith.constant 3 : i32
    %swap3A_336 = arith.index_cast %swap3A_335 : i32 to index
    %swap3A_337 = arith.constant 80 : index
    %swap3A_338 = tpu.vector_load %arg17[%swap3A_336, %swap3A_337] {strides = array<i32>} : memref<16x128xf32, #tpu.memory_space<vmem>>, vector<1x16xf32>,
    %swap3A_339 = vector.shape_cast %swap3A_338 : vector<1x16xf32> to vector<16xf32>
    %swap3A_340 = vector.shape_cast %broadcast_in_dim3A_334 : vector<16xf32> to vector<1x16xf32>
    tpu.vector_store %arg17[%swap3A_336, %swap3A_337], %swap3A_340 {strides = array<i32>} : memref<16x128xf32, #tpu.memory_space<vmem>>, vector<1x16xf32>,
    %broadcast_in_dim3A_341 = arith.constant 0.000000e+00 : f32
    %broadcast_in_dim3A_342 = vector.broadcast %broadcast_in_dim3A_341 : f32 to vector<16xf32>
    %swap3A_343 = arith.constant 3 : i32
    %swap3A_344 = arith.index_cast %swap3A_343 : i32 to index
    %swap3A_345 = arith.constant 96 : index
    %swap3A_346 = tpu.vector_load %arg17[%swap3A_344, %swap3A_345] {strides = array<i32>} : memref<16x128xf32, #tpu.memory_space<vmem>>, vector<1x16xf32>,
    %swap3A_347 = vector.shape_cast %swap3A_346 : vector<1x16xf32> to vector<16xf32>
    %swap3A_348 = vector.shape_cast %broadcast_in_dim3A_342 : vector<16xf32> to vector<1x16xf32>
    tpu.vector_store %arg17[%swap3A_344, %swap3A_345], %swap3A_348 {strides = array<i32>} : memref<16x128xf32, #tpu.memory_space<vmem>>, vector<1x16xf32>,
    %broadcast_in_dim3A_349 = arith.constant 0.000000e+00 : f32
    %broadcast_in_dim3A_350 = vector.broadcast %broadcast_in_dim3A_349 : f32 to vector<16xf32>
    %swap3A_351 = arith.constant 3 : i32
    %swap3A_352 = arith.index_cast %swap3A_351 : i32 to index
    %swap3A_353 = arith.constant 112 : index
    %swap3A_354 = tpu.vector_load %arg17[%swap3A_352, %swap3A_353] {strides = array<i32>} : memref<16x128xf32, #tpu.memory_space<vmem>>, vector<1x16xf32>,
    %swap3A_355 = vector.shape_cast %swap3A_354 : vector<1x16xf32> to vector<16xf32>
    %swap3A_356 = vector.shape_cast %broadcast_in_dim3A_350 : vector<16xf32> to vector<1x16xf32>
    tpu.vector_store %arg17[%swap3A_352, %swap3A_353], %swap3A_356 {strides = array<i32>} : memref<16x128xf32, #tpu.memory_space<vmem>>, vector<1x16xf32>,
    %broadcast_in_dim3A_357 = arith.constant 0.000000e+00 : f32
    %broadcast_in_dim3A_358 = vector.broadcast %broadcast_in_dim3A_357 : f32 to vector<16xf32>
    %swap3A_359 = arith.constant 4 : i32
    %swap3A_360 = arith.index_cast %swap3A_359 : i32 to index
    %swap3A_361 = arith.constant 0 : index
    %swap3A_362 = tpu.vector_load %arg17[%swap3A_360, %swap3A_361] {strides = array<i32>} : memref<16x128xf32, #tpu.memory_space<vmem>>, vector<1x16xf32>,
    %swap3A_363 = vector.shape_cast %swap3A_362 : vector<1x16xf32> to vector<16xf32>
    %swap3A_364 = vector.shape_cast %broadcast_in_dim3A_358 : vector<16xf32> to vector<1x16xf32>
    tpu.vector_store %arg17[%swap3A_360, %swap3A_361], %swap3A_364 {strides = array<i32>} : memref<16x128xf32, #tpu.memory_space<vmem>>, vector<1x16xf32>,
    %broadcast_in_dim3A_365 = arith.constant 0.000000e+00 : f32
    %broadcast_in_dim3A_366 = vector.broadcast %broadcast_in_dim3A_365 : f32 to vector<16xf32>
    %swap3A_367 = arith.constant 4 : i32
    %swap3A_368 = arith.index_cast %swap3A_367 : i32 to index
    %swap3A_369 = arith.constant 16 : index
    %swap3A_370 = tpu.vector_load %arg17[%swap3A_368, %swap3A_369] {strides = array<i32>} : memref<16x128xf32, #tpu.memory_space<vmem>>, vector<1x16xf32>,
    %swap3A_371 = vector.shape_cast %swap3A_370 : vector<1x16xf32> to vector<16xf32>
    %swap3A_372 = vector.shape_cast %broadcast_in_dim3A_366 : vector<16xf32> to vector<1x16xf32>
    tpu.vector_store %arg17[%swap3A_368, %swap3A_369], %swap3A_372 {strides = array<i32>} : memref<16x128xf32, #tpu.memory_space<vmem>>, vector<1x16xf32>,
    %broadcast_in_dim3A_373 = arith.constant 0.000000e+00 : f32
    %broadcast_in_dim3A_374 = vector.broadcast %broadcast_in_dim3A_373 : f32 to vector<16xf32>
    %swap3A_375 = arith.constant 4 : i32
    %swap3A_376 = arith.index_cast %swap3A_375 : i32 to index
    %swap3A_377 = arith.constant 32 : index
    %swap3A_378 = tpu.vector_load %arg17[%swap3A_376, %swap3A_377] {strides = array<i32>} : memref<16x128xf32, #tpu.memory_space<vmem>>, vector<1x16xf32>,
    %swap3A_379 = vector.shape_cast %swap3A_378 : vector<1x16xf32> to vector<16xf32>
    %swap3A_380 = vector.shape_cast %broadcast_in_dim3A_374 : vector<16xf32> to vector<1x16xf32>
    tpu.vector_store %arg17[%swap3A_376, %swap3A_377], %swap3A_380 {strides = array<i32>} : memref<16x128xf32, #tpu.memory_space<vmem>>, vector<1x16xf32>,
    %broadcast_in_dim3A_381 = arith.constant 0.000000e+00 : f32
    %broadcast_in_dim3A_382 = vector.broadcast %broadcast_in_dim3A_381 : f32 to vector<16xf32>
    %swap3A_383 = arith.constant 4 : i32
    %swap3A_384 = arith.index_cast %swap3A_383 : i32 to index
    %swap3A_385 = arith.constant 48 : index
    %swap3A_386 = tpu.vector_load %arg17[%swap3A_384, %swap3A_385] {strides = array<i32>} : memref<16x128xf32, #tpu.memory_space<vmem>>, vector<1x16xf32>,
    %swap3A_387 = vector.shape_cast %swap3A_386 : vector<1x16xf32> to vector<16xf32>
    %swap3A_388 = vector.shape_cast %broadcast_in_dim3A_382 : vector<16xf32> to vector<1x16xf32>
    tpu.vector_store %arg17[%swap3A_384, %swap3A_385], %swap3A_388 {strides = array<i32>} : memref<16x128xf32, #tpu.memory_space<vmem>>, vector<1x16xf32>,
    %broadcast_in_dim3A_389 = arith.constant 0.000000e+00 : f32
    %broadcast_in_dim3A_390 = vector.broadcast %broadcast_in_dim3A_389 : f32 to vector<16xf32>
    %swap3A_391 = arith.constant 4 : i32
    %swap3A_392 = arith.index_cast %swap3A_391 : i32 to index
    %swap3A_393 = arith.constant 64 : index
    %swap3A_394 = tpu.vector_load %arg17[%swap3A_392, %swap3A_393] {strides = array<i32>} : memref<16x128xf32, #tpu.memory_space<vmem>>, vector<1x16xf32>,
    %swap3A_395 = vector.shape_cast %swap3A_394 : vector<1x16xf32> to vector<16xf32>
    %swap3A_396 = vector.shape_cast %broadcast_in_dim3A_390 : vector<16xf32> to vector<1x16xf32>
    tpu.vector_store %arg17[%swap3A_392, %swap3A_393], %swap3A_396 {strides = array<i32>} : memref<16x128xf32, #tpu.memory_space<vmem>>, vector<1x16xf32>,
    %broadcast_in_dim3A_397 = arith.constant 0.000000e+00 : f32
    %broadcast_in_dim3A_398 = vector.broadcast %broadcast_in_dim3A_397 : f32 to vector<16xf32>
    %swap3A_399 = arith.constant 4 : i32
    %swap3A_400 = arith.index_cast %swap3A_399 : i32 to index
    %swap3A_401 = arith.constant 80 : index
    %swap3A_402 = tpu.vector_load %arg17[%swap3A_400, %swap3A_401] {strides = array<i32>} : memref<16x128xf32, #tpu.memory_space<vmem>>, vector<1x16xf32>,
    %swap3A_403 = vector.shape_cast %swap3A_402 : vector<1x16xf32> to vector<16xf32>
    %swap3A_404 = vector.shape_cast %broadcast_in_dim3A_398 : vector<16xf32> to vector<1x16xf32>
    tpu.vector_store %arg17[%swap3A_400, %swap3A_401], %swap3A_404 {strides = array<i32>} : memref<16x128xf32, #tpu.memory_space<vmem>>, vector<1x16xf32>,
    %broadcast_in_dim3A_405 = arith.constant 0.000000e+00 : f32
    %broadcast_in_dim3A_406 = vector.broadcast %broadcast_in_dim3A_405 : f32 to vector<16xf32>
    %swap3A_407 = arith.constant 4 : i32
    %swap3A_408 = arith.index_cast %swap3A_407 : i32 to index
    %swap3A_409 = arith.constant 96 : index
    %swap3A_410 = tpu.vector_load %arg17[%swap3A_408, %swap3A_409] {strides = array<i32>} : memref<16x128xf32, #tpu.memory_space<vmem>>, vector<1x16xf32>,
    %swap3A_411 = vector.shape_cast %swap3A_410 : vector<1x16xf32> to vector<16xf32>
    %swap3A_412 = vector.shape_cast %broadcast_in_dim3A_406 : vector<16xf32> to vector<1x16xf32>
    tpu.vector_store %arg17[%swap3A_408, %swap3A_409], %swap3A_412 {strides = array<i32>} : memref<16x128xf32, #tpu.memory_space<vmem>>, vector<1x16xf32>,
    %broadcast_in_dim3A_413 = arith.constant 0.000000e+00 : f32
    %broadcast_in_dim3A_414 = vector.broadcast %broadcast_in_dim3A_413 : f32 to vector<16xf32>
    %swap3A_415 = arith.constant 4 : i32
    %swap3A_416 = arith.index_cast %swap3A_415 : i32 to index
    %swap3A_417 = arith.constant 112 : index
    %swap3A_418 = tpu.vector_load %arg17[%swap3A_416, %swap3A_417] {strides = array<i32>} : memref<16x128xf32, #tpu.memory_space<vmem>>, vector<1x16xf32>,
    %swap3A_419 = vector.shape_cast %swap3A_418 : vector<1x16xf32> to vector<16xf32>
    %swap3A_420 = vector.shape_cast %broadcast_in_dim3A_414 : vector<16xf32> to vector<1x16xf32>
    tpu.vector_store %arg17[%swap3A_416, %swap3A_417], %swap3A_420 {strides = array<i32>} : memref<16x128xf32, #tpu.memory_space<vmem>>, vector<1x16xf32>,
    %broadcast_in_dim3A_421 = arith.constant 0.000000e+00 : f32
    %broadcast_in_dim3A_422 = vector.broadcast %broadcast_in_dim3A_421 : f32 to vector<16xf32>
    %swap3A_423 = arith.constant 5 : i32
    %swap3A_424 = arith.index_cast %swap3A_423 : i32 to index
    %swap3A_425 = arith.constant 0 : index
    %swap3A_426 = tpu.vector_load %arg17[%swap3A_424, %swap3A_425] {strides = array<i32>} : memref<16x128xf32, #tpu.memory_space<vmem>>, vector<1x16xf32>,
    %swap3A_427 = vector.shape_cast %swap3A_426 : vector<1x16xf32> to vector<16xf32>
    %swap3A_428 = vector.shape_cast %broadcast_in_dim3A_422 : vector<16xf32> to vector<1x16xf32>
    tpu.vector_store %arg17[%swap3A_424, %swap3A_425], %swap3A_428 {strides = array<i32>} : memref<16x128xf32, #tpu.memory_space<vmem>>, vector<1x16xf32>,
    %broadcast_in_dim3A_429 = arith.constant 0.000000e+00 : f32
    %broadcast_in_dim3A_430 = vector.broadcast %broadcast_in_dim3A_429 : f32 to vector<16xf32>
    %swap3A_431 = arith.constant 5 : i32
    %swap3A_432 = arith.index_cast %swap3A_431 : i32 to index
    %swap3A_433 = arith.constant 16 : index
    %swap3A_434 = tpu.vector_load %arg17[%swap3A_432, %swap3A_433] {strides = array<i32>} : memref<16x128xf32, #tpu.memory_space<vmem>>, vector<1x16xf32>,
    %swap3A_435 = vector.shape_cast %swap3A_434 : vector<1x16xf32> to vector<16xf32>
    %swap3A_436 = vector.shape_cast %broadcast_in_dim3A_430 : vector<16xf32> to vector<1x16xf32>
    tpu.vector_store %arg17[%swap3A_432, %swap3A_433], %swap3A_436 {strides = array<i32>} : memref<16x128xf32, #tpu.memory_space<vmem>>, vector<1x16xf32>,
    %broadcast_in_dim3A_437 = arith.constant 0.000000e+00 : f32
    %broadcast_in_dim3A_438 = vector.broadcast %broadcast_in_dim3A_437 : f32 to vector<16xf32>
    %swap3A_439 = arith.constant 5 : i32
    %swap3A_440 = arith.index_cast %swap3A_439 : i32 to index
    %swap3A_441 = arith.constant 32 : index
    %swap3A_442 = tpu.vector_load %arg17[%swap3A_440, %swap3A_441] {strides = array<i32>} : memref<16x128xf32, #tpu.memory_space<vmem>>, vector<1x16xf32>,
    %swap3A_443 = vector.shape_cast %swap3A_442 : vector<1x16xf32> to vector<16xf32>
    %swap3A_444 = vector.shape_cast %broadcast_in_dim3A_438 : vector<16xf32> to vector<1x16xf32>
    tpu.vector_store %arg17[%swap3A_440, %swap3A_441], %swap3A_444 {strides = array<i32>} : memref<16x128xf32, #tpu.memory_space<vmem>>, vector<1x16xf32>,
    %broadcast_in_dim3A_445 = arith.constant 0.000000e+00 : f32
    %broadcast_in_dim3A_446 = vector.broadcast %broadcast_in_dim3A_445 : f32 to vector<16xf32>
    %swap3A_447 = arith.constant 5 : i32
    %swap3A_448 = arith.index_cast %swap3A_447 : i32 to index
    %swap3A_449 = arith.constant 48 : index
    %swap3A_450 = tpu.vector_load %arg17[%swap3A_448, %swap3A_449] {strides = array<i32>} : memref<16x128xf32, #tpu.memory_space<vmem>>, vector<1x16xf32>,
    %swap3A_451 = vector.shape_cast %swap3A_450 : vector<1x16xf32> to vector<16xf32>
    %swap3A_452 = vector.shape_cast %broadcast_in_dim3A_446 : vector<16xf32> to vector<1x16xf32>
    tpu.vector_store %arg17[%swap3A_448, %swap3A_449], %swap3A_452 {strides = array<i32>} : memref<16x128xf32, #tpu.memory_space<vmem>>, vector<1x16xf32>,
    %broadcast_in_dim3A_453 = arith.constant 0.000000e+00 : f32
    %broadcast_in_dim3A_454 = vector.broadcast %broadcast_in_dim3A_453 : f32 to vector<16xf32>
    %swap3A_455 = arith.constant 5 : i32
    %swap3A_456 = arith.index_cast %swap3A_455 : i32 to index
    %swap3A_457 = arith.constant 64 : index
    %swap3A_458 = tpu.vector_load %arg17[%swap3A_456, %swap3A_457] {strides = array<i32>} : memref<16x128xf32, #tpu.memory_space<vmem>>, vector<1x16xf32>,
    %swap3A_459 = vector.shape_cast %swap3A_458 : vector<1x16xf32> to vector<16xf32>
    %swap3A_460 = vector.shape_cast %broadcast_in_dim3A_454 : vector<16xf32> to vector<1x16xf32>
    tpu.vector_store %arg17[%swap3A_456, %swap3A_457], %swap3A_460 {strides = array<i32>} : memref<16x128xf32, #tpu.memory_space<vmem>>, vector<1x16xf32>,
    %broadcast_in_dim3A_461 = arith.constant 0.000000e+00 : f32
    %broadcast_in_dim3A_462 = vector.broadcast %broadcast_in_dim3A_461 : f32 to vector<16xf32>
    %swap3A_463 = arith.constant 5 : i32
    %swap3A_464 = arith.index_cast %swap3A_463 : i32 to index
    %swap3A_465 = arith.constant 80 : index
    %swap3A_466 = tpu.vector_load %arg17[%swap3A_464, %swap3A_465] {strides = array<i32>} : memref<16x128xf32, #tpu.memory_space<vmem>>, vector<1x16xf32>,
    %swap3A_467 = vector.shape_cast %swap3A_466 : vector<1x16xf32> to vector<16xf32>
    %swap3A_468 = vector.shape_cast %broadcast_in_dim3A_462 : vector<16xf32> to vector<1x16xf32>
    tpu.vector_store %arg17[%swap3A_464, %swap3A_465], %swap3A_468 {strides = array<i32>} : memref<16x128xf32, #tpu.memory_space<vmem>>, vector<1x16xf32>,
    %broadcast_in_dim3A_469 = arith.constant 0.000000e+00 : f32
    %broadcast_in_dim3A_470 = vector.broadcast %broadcast_in_dim3A_469 : f32 to vector<16xf32>
    %swap3A_471 = arith.constant 5 : i32
    %swap3A_472 = arith.index_cast %swap3A_471 : i32 to index
    %swap3A_473 = arith.constant 96 : index
    %swap3A_474 = tpu.vector_load %arg17[%swap3A_472, %swap3A_473] {strides = array<i32>} : memref<16x128xf32, #tpu.memory_space<vmem>>, vector<1x16xf32>,
    %swap3A_475 = vector.shape_cast %swap3A_474 : vector<1x16xf32> to vector<16xf32>
    %swap3A_476 = vector.shape_cast %broadcast_in_dim3A_470 : vector<16xf32> to vector<1x16xf32>
    tpu.vector_store %arg17[%swap3A_472, %swap3A_473], %swap3A_476 {strides = array<i32>} : memref<16x128xf32, #tpu.memory_space<vmem>>, vector<1x16xf32>,
    %broadcast_in_dim3A_477 = arith.constant 0.000000e+00 : f32
    %broadcast_in_dim3A_478 = vector.broadcast %broadcast_in_dim3A_477 : f32 to vector<16xf32>
    %swap3A_479 = arith.constant 5 : i32
    %swap3A_480 = arith.index_cast %swap3A_479 : i32 to index
    %swap3A_481 = arith.constant 112 : index
    %swap3A_482 = tpu.vector_load %arg17[%swap3A_480, %swap3A_481] {strides = array<i32>} : memref<16x128xf32, #tpu.memory_space<vmem>>, vector<1x16xf32>,
    %swap3A_483 = vector.shape_cast %swap3A_482 : vector<1x16xf32> to vector<16xf32>
    %swap3A_484 = vector.shape_cast %broadcast_in_dim3A_478 : vector<16xf32> to vector<1x16xf32>
    tpu.vector_store %arg17[%swap3A_480, %swap3A_481], %swap3A_484 {strides = array<i32>} : memref<16x128xf32, #tpu.memory_space<vmem>>, vector<1x16xf32>,
    %broadcast_in_dim3A_485 = arith.constant 0.000000e+00 : f32
    %broadcast_in_dim3A_486 = vector.broadcast %broadcast_in_dim3A_485 : f32 to vector<16xf32>
    %swap3A_487 = arith.constant 6 : i32
    %swap3A_488 = arith.index_cast %swap3A_487 : i32 to index
    %swap3A_489 = arith.constant 0 : index
    %swap3A_490 = tpu.vector_load %arg17[%swap3A_488, %swap3A_489] {strides = array<i32>} : memref<16x128xf32, #tpu.memory_space<vmem>>, vector<1x16xf32>,
    %swap3A_491 = vector.shape_cast %swap3A_490 : vector<1x16xf32> to vector<16xf32>
    %swap3A_492 = vector.shape_cast %broadcast_in_dim3A_486 : vector<16xf32> to vector<1x16xf32>
    tpu.vector_store %arg17[%swap3A_488, %swap3A_489], %swap3A_492 {strides = array<i32>} : memref<16x128xf32, #tpu.memory_space<vmem>>, vector<1x16xf32>,
    %broadcast_in_dim3A_493 = arith.constant 0.000000e+00 : f32
    %broadcast_in_dim3A_494 = vector.broadcast %broadcast_in_dim3A_493 : f32 to vector<16xf32>
    %swap3A_495 = arith.constant 6 : i32
    %swap3A_496 = arith.index_cast %swap3A_495 : i32 to index
    %swap3A_497 = arith.constant 16 : index
    %swap3A_498 = tpu.vector_load %arg17[%swap3A_496, %swap3A_497] {strides = array<i32>} : memref<16x128xf32, #tpu.memory_space<vmem>>, vector<1x16xf32>,
    %swap3A_499 = vector.shape_cast %swap3A_498 : vector<1x16xf32> to vector<16xf32>
    %swap3A_500 = vector.shape_cast %broadcast_in_dim3A_494 : vector<16xf32> to vector<1x16xf32>
    tpu.vector_store %arg17[%swap3A_496, %swap3A_497], %swap3A_500 {strides = array<i32>} : memref<16x128xf32, #tpu.memory_space<vmem>>, vector<1x16xf32>,
    %broadcast_in_dim3A_501 = arith.constant 0.000000e+00 : f32
    %broadcast_in_dim3A_502 = vector.broadcast %broadcast_in_dim3A_501 : f32 to vector<16xf32>
    %swap3A_503 = arith.constant 6 : i32
    %swap3A_504 = arith.index_cast %swap3A_503 : i32 to index
    %swap3A_505 = arith.constant 32 : index
    %swap3A_506 = tpu.vector_load %arg17[%swap3A_504, %swap3A_505] {strides = array<i32>} : memref<16x128xf32, #tpu.memory_space<vmem>>, vector<1x16xf32>,
    %swap3A_507 = vector.shape_cast %swap3A_506 : vector<1x16xf32> to vector<16xf32>
    %swap3A_508 = vector.shape_cast %broadcast_in_dim3A_502 : vector<16xf32> to vector<1x16xf32>
    tpu.vector_store %arg17[%swap3A_504, %swap3A_505], %swap3A_508 {strides = array<i32>} : memref<16x128xf32, #tpu.memory_space<vmem>>, vector<1x16xf32>,
    %broadcast_in_dim3A_509 = arith.constant 0.000000e+00 : f32
    %broadcast_in_dim3A_510 = vector.broadcast %broadcast_in_dim3A_509 : f32 to vector<16xf32>
    %swap3A_511 = arith.constant 6 : i32
    %swap3A_512 = arith.index_cast %swap3A_511 : i32 to index
    %swap3A_513 = arith.constant 48 : index
    %swap3A_514 = tpu.vector_load %arg17[%swap3A_512, %swap3A_513] {strides = array<i32>} : memref<16x128xf32, #tpu.memory_space<vmem>>, vector<1x16xf32>,
    %swap3A_515 = vector.shape_cast %swap3A_514 : vector<1x16xf32> to vector<16xf32>
    %swap3A_516 = vector.shape_cast %broadcast_in_dim3A_510 : vector<16xf32> to vector<1x16xf32>
    tpu.vector_store %arg17[%swap3A_512, %swap3A_513], %swap3A_516 {strides = array<i32>} : memref<16x128xf32, #tpu.memory_space<vmem>>, vector<1x16xf32>,
    %broadcast_in_dim3A_517 = arith.constant 0.000000e+00 : f32
    %broadcast_in_dim3A_518 = vector.broadcast %broadcast_in_dim3A_517 : f32 to vector<16xf32>
    %swap3A_519 = arith.constant 6 : i32
    %swap3A_520 = arith.index_cast %swap3A_519 : i32 to index
    %swap3A_521 = arith.constant 64 : index
    %swap3A_522 = tpu.vector_load %arg17[%swap3A_520, %swap3A_521] {strides = array<i32>} : memref<16x128xf32, #tpu.memory_space<vmem>>, vector<1x16xf32>,
    %swap3A_523 = vector.shape_cast %swap3A_522 : vector<1x16xf32> to vector<16xf32>
    %swap3A_524 = vector.shape_cast %broadcast_in_dim3A_518 : vector<16xf32> to vector<1x16xf32>
    tpu.vector_store %arg17[%swap3A_520, %swap3A_521], %swap3A_524 {strides = array<i32>} : memref<16x128xf32, #tpu.memory_space<vmem>>, vector<1x16xf32>,
    %broadcast_in_dim3A_525 = arith.constant 0.000000e+00 : f32
    %broadcast_in_dim3A_526 = vector.broadcast %broadcast_in_dim3A_525 : f32 to vector<16xf32>
    %swap3A_527 = arith.constant 6 : i32
    %swap3A_528 = arith.index_cast %swap3A_527 : i32 to index
    %swap3A_529 = arith.constant 80 : index
    %swap3A_530 = tpu.vector_load %arg17[%swap3A_528, %swap3A_529] {strides = array<i32>} : memref<16x128xf32, #tpu.memory_space<vmem>>, vector<1x16xf32>,
    %swap3A_531 = vector.shape_cast %swap3A_530 : vector<1x16xf32> to vector<16xf32>
    %swap3A_532 = vector.shape_cast %broadcast_in_dim3A_526 : vector<16xf32> to vector<1x16xf32>
    tpu.vector_store %arg17[%swap3A_528, %swap3A_529], %swap3A_532 {strides = array<i32>} : memref<16x128xf32, #tpu.memory_space<vmem>>, vector<1x16xf32>,
    %broadcast_in_dim3A_533 = arith.constant 0.000000e+00 : f32
    %broadcast_in_dim3A_534 = vector.broadcast %broadcast_in_dim3A_533 : f32 to vector<16xf32>
    %swap3A_535 = arith.constant 6 : i32
    %swap3A_536 = arith.index_cast %swap3A_535 : i32 to index
    %swap3A_537 = arith.constant 96 : index
    %swap3A_538 = tpu.vector_load %arg17[%swap3A_536, %swap3A_537] {strides = array<i32>} : memref<16x128xf32, #tpu.memory_space<vmem>>, vector<1x16xf32>,
    %swap3A_539 = vector.shape_cast %swap3A_538 : vector<1x16xf32> to vector<16xf32>
    %swap3A_540 = vector.shape_cast %broadcast_in_dim3A_534 : vector<16xf32> to vector<1x16xf32>
    tpu.vector_store %arg17[%swap3A_536, %swap3A_537], %swap3A_540 {strides = array<i32>} : memref<16x128xf32, #tpu.memory_space<vmem>>, vector<1x16xf32>,
    %broadcast_in_dim3A_541 = arith.constant 0.000000e+00 : f32
    %broadcast_in_dim3A_542 = vector.broadcast %broadcast_in_dim3A_541 : f32 to vector<16xf32>
    %swap3A_543 = arith.constant 6 : i32
    %swap3A_544 = arith.index_cast %swap3A_543 : i32 to index
    %swap3A_545 = arith.constant 112 : index
    %swap3A_546 = tpu.vector_load %arg17[%swap3A_544, %swap3A_545] {strides = array<i32>} : memref<16x128xf32, #tpu.memory_space<vmem>>, vector<1x16xf32>,
    %swap3A_547 = vector.shape_cast %swap3A_546 : vector<1x16xf32> to vector<16xf32>
    %swap3A_548 = vector.shape_cast %broadcast_in_dim3A_542 : vector<16xf32> to vector<1x16xf32>
    tpu.vector_store %arg17[%swap3A_544, %swap3A_545], %swap3A_548 {strides = array<i32>} : memref<16x128xf32, #tpu.memory_space<vmem>>, vector<1x16xf32>,
    %broadcast_in_dim3A_549 = arith.constant 0.000000e+00 : f32
    %broadcast_in_dim3A_550 = vector.broadcast %broadcast_in_dim3A_549 : f32 to vector<16xf32>
    %swap3A_551 = arith.constant 7 : i32
    %swap3A_552 = arith.index_cast %swap3A_551 : i32 to index
    %swap3A_553 = arith.constant 0 : index
    %swap3A_554 = tpu.vector_load %arg17[%swap3A_552, %swap3A_553] {strides = array<i32>} : memref<16x128xf32, #tpu.memory_space<vmem>>, vector<1x16xf32>,
    %swap3A_555 = vector.shape_cast %swap3A_554 : vector<1x16xf32> to vector<16xf32>
    %swap3A_556 = vector.shape_cast %broadcast_in_dim3A_550 : vector<16xf32> to vector<1x16xf32>
    tpu.vector_store %arg17[%swap3A_552, %swap3A_553], %swap3A_556 {strides = array<i32>} : memref<16x128xf32, #tpu.memory_space<vmem>>, vector<1x16xf32>,
    %broadcast_in_dim3A_557 = arith.constant 0.000000e+00 : f32
    %broadcast_in_dim3A_558 = vector.broadcast %broadcast_in_dim3A_557 : f32 to vector<16xf32>
    %swap3A_559 = arith.constant 7 : i32
    %swap3A_560 = arith.index_cast %swap3A_559 : i32 to index
    %swap3A_561 = arith.constant 16 : index
    %swap3A_562 = tpu.vector_load %arg17[%swap3A_560, %swap3A_561] {strides = array<i32>} : memref<16x128xf32, #tpu.memory_space<vmem>>, vector<1x16xf32>,
    %swap3A_563 = vector.shape_cast %swap3A_562 : vector<1x16xf32> to vector<16xf32>
    %swap3A_564 = vector.shape_cast %broadcast_in_dim3A_558 : vector<16xf32> to vector<1x16xf32>
    tpu.vector_store %arg17[%swap3A_560, %swap3A_561], %swap3A_564 {strides = array<i32>} : memref<16x128xf32, #tpu.memory_space<vmem>>, vector<1x16xf32>,
    %broadcast_in_dim3A_565 = arith.constant 0.000000e+00 : f32
    %broadcast_in_dim3A_566 = vector.broadcast %broadcast_in_dim3A_565 : f32 to vector<16xf32>
    %swap3A_567 = arith.constant 7 : i32
    %swap3A_568 = arith.index_cast %swap3A_567 : i32 to index
    %swap3A_569 = arith.constant 32 : index
    %swap3A_570 = tpu.vector_load %arg17[%swap3A_568, %swap3A_569] {strides = array<i32>} : memref<16x128xf32, #tpu.memory_space<vmem>>, vector<1x16xf32>,
    %swap3A_571 = vector.shape_cast %swap3A_570 : vector<1x16xf32> to vector<16xf32>
    %swap3A_572 = vector.shape_cast %broadcast_in_dim3A_566 : vector<16xf32> to vector<1x16xf32>
    tpu.vector_store %arg17[%swap3A_568, %swap3A_569], %swap3A_572 {strides = array<i32>} : memref<16x128xf32, #tpu.memory_space<vmem>>, vector<1x16xf32>,
    %broadcast_in_dim3A_573 = arith.constant 0.000000e+00 : f32
    %broadcast_in_dim3A_574 = vector.broadcast %broadcast_in_dim3A_573 : f32 to vector<16xf32>
    %swap3A_575 = arith.constant 7 : i32
    %swap3A_576 = arith.index_cast %swap3A_575 : i32 to index
    %swap3A_577 = arith.constant 48 : index
    %swap3A_578 = tpu.vector_load %arg17[%swap3A_576, %swap3A_577] {strides = array<i32>} : memref<16x128xf32, #tpu.memory_space<vmem>>, vector<1x16xf32>,
    %swap3A_579 = vector.shape_cast %swap3A_578 : vector<1x16xf32> to vector<16xf32>
    %swap3A_580 = vector.shape_cast %broadcast_in_dim3A_574 : vector<16xf32> to vector<1x16xf32>
    tpu.vector_store %arg17[%swap3A_576, %swap3A_577], %swap3A_580 {strides = array<i32>} : memref<16x128xf32, #tpu.memory_space<vmem>>, vector<1x16xf32>,
    %broadcast_in_dim3A_581 = arith.constant 0.000000e+00 : f32
    %broadcast_in_dim3A_582 = vector.broadcast %broadcast_in_dim3A_581 : f32 to vector<16xf32>
    %swap3A_583 = arith.constant 7 : i32
    %swap3A_584 = arith.index_cast %swap3A_583 : i32 to index
    %swap3A_585 = arith.constant 64 : index
    %swap3A_586 = tpu.vector_load %arg17[%swap3A_584, %swap3A_585] {strides = array<i32>} : memref<16x128xf32, #tpu.memory_space<vmem>>, vector<1x16xf32>,
    %swap3A_587 = vector.shape_cast %swap3A_586 : vector<1x16xf32> to vector<16xf32>
    %swap3A_588 = vector.shape_cast %broadcast_in_dim3A_582 : vector<16xf32> to vector<1x16xf32>
    tpu.vector_store %arg17[%swap3A_584, %swap3A_585], %swap3A_588 {strides = array<i32>} : memref<16x128xf32, #tpu.memory_space<vmem>>, vector<1x16xf32>,
    %broadcast_in_dim3A_589 = arith.constant 0.000000e+00 : f32
    %broadcast_in_dim3A_590 = vector.broadcast %broadcast_in_dim3A_589 : f32 to vector<16xf32>
    %swap3A_591 = arith.constant 7 : i32
    %swap3A_592 = arith.index_cast %swap3A_591 : i32 to index
    %swap3A_593 = arith.constant 80 : index
    %swap3A_594 = tpu.vector_load %arg17[%swap3A_592, %swap3A_593] {strides = array<i32>} : memref<16x128xf32, #tpu.memory_space<vmem>>, vector<1x16xf32>,
    %swap3A_595 = vector.shape_cast %swap3A_594 : vector<1x16xf32> to vector<16xf32>
    %swap3A_596 = vector.shape_cast %broadcast_in_dim3A_590 : vector<16xf32> to vector<1x16xf32>
    tpu.vector_store %arg17[%swap3A_592, %swap3A_593], %swap3A_596 {strides = array<i32>} : memref<16x128xf32, #tpu.memory_space<vmem>>, vector<1x16xf32>,
    %broadcast_in_dim3A_597 = arith.constant 0.000000e+00 : f32
    %broadcast_in_dim3A_598 = vector.broadcast %broadcast_in_dim3A_597 : f32 to vector<16xf32>
    %swap3A_599 = arith.constant 7 : i32
    %swap3A_600 = arith.index_cast %swap3A_599 : i32 to index
    %swap3A_601 = arith.constant 96 : index
    %swap3A_602 = tpu.vector_load %arg17[%swap3A_600, %swap3A_601] {strides = array<i32>} : memref<16x128xf32, #tpu.memory_space<vmem>>, vector<1x16xf32>,
    %swap3A_603 = vector.shape_cast %swap3A_602 : vector<1x16xf32> to vector<16xf32>
    %swap3A_604 = vector.shape_cast %broadcast_in_dim3A_598 : vector<16xf32> to vector<1x16xf32>
    tpu.vector_store %arg17[%swap3A_600, %swap3A_601], %swap3A_604 {strides = array<i32>} : memref<16x128xf32, #tpu.memory_space<vmem>>, vector<1x16xf32>,
    %broadcast_in_dim3A_605 = arith.constant 0.000000e+00 : f32
    %broadcast_in_dim3A_606 = vector.broadcast %broadcast_in_dim3A_605 : f32 to vector<16xf32>
    %swap3A_607 = arith.constant 7 : i32
    %swap3A_608 = arith.index_cast %swap3A_607 : i32 to index
    %swap3A_609 = arith.constant 112 : index
    %swap3A_610 = tpu.vector_load %arg17[%swap3A_608, %swap3A_609] {strides = array<i32>} : memref<16x128xf32, #tpu.memory_space<vmem>>, vector<1x16xf32>,
    %swap3A_611 = vector.shape_cast %swap3A_610 : vector<1x16xf32> to vector<16xf32>
    %swap3A_612 = vector.shape_cast %broadcast_in_dim3A_606 : vector<16xf32> to vector<1x16xf32>
    tpu.vector_store %arg17[%swap3A_608, %swap3A_609], %swap3A_612 {strides = array<i32>} : memref<16x128xf32, #tpu.memory_space<vmem>>, vector<1x16xf32>,
    %broadcast_in_dim3A_613 = arith.constant 0.000000e+00 : f32
    %broadcast_in_dim3A_614 = vector.broadcast %broadcast_in_dim3A_613 : f32 to vector<16xf32>
    %swap3A_615 = arith.constant 8 : i32
    %swap3A_616 = arith.index_cast %swap3A_615 : i32 to index
    %swap3A_617 = arith.constant 0 : index
    %swap3A_618 = tpu.vector_load %arg17[%swap3A_616, %swap3A_617] {strides = array<i32>} : memref<16x128xf32, #tpu.memory_space<vmem>>, vector<1x16xf32>,
    %swap3A_619 = vector.shape_cast %swap3A_618 : vector<1x16xf32> to vector<16xf32>
    %swap3A_620 = vector.shape_cast %broadcast_in_dim3A_614 : vector<16xf32> to vector<1x16xf32>
    tpu.vector_store %arg17[%swap3A_616, %swap3A_617], %swap3A_620 {strides = array<i32>} : memref<16x128xf32, #tpu.memory_space<vmem>>, vector<1x16xf32>,
    %broadcast_in_dim3A_621 = arith.constant 0.000000e+00 : f32
    %broadcast_in_dim3A_622 = vector.broadcast %broadcast_in_dim3A_621 : f32 to vector<16xf32>
    %swap3A_623 = arith.constant 8 : i32
    %swap3A_624 = arith.index_cast %swap3A_623 : i32 to index
    %swap3A_625 = arith.constant 16 : index
    %swap3A_626 = tpu.vector_load %arg17[%swap3A_624, %swap3A_625] {strides = array<i32>} : memref<16x128xf32, #tpu.memory_space<vmem>>, vector<1x16xf32>,
    %swap3A_627 = vector.shape_cast %swap3A_626 : vector<1x16xf32> to vector<16xf32>
    %swap3A_628 = vector.shape_cast %broadcast_in_dim3A_622 : vector<16xf32> to vector<1x16xf32>
    tpu.vector_store %arg17[%swap3A_624, %swap3A_625], %swap3A_628 {strides = array<i32>} : memref<16x128xf32, #tpu.memory_space<vmem>>, vector<1x16xf32>,
    %broadcast_in_dim3A_629 = arith.constant 0.000000e+00 : f32
    %broadcast_in_dim3A_630 = vector.broadcast %broadcast_in_dim3A_629 : f32 to vector<16xf32>
    %swap3A_631 = arith.constant 8 : i32
    %swap3A_632 = arith.index_cast %swap3A_631 : i32 to index
    %swap3A_633 = arith.constant 32 : index
    %swap3A_634 = tpu.vector_load %arg17[%swap3A_632, %swap3A_633] {strides = array<i32>} : memref<16x128xf32, #tpu.memory_space<vmem>>, vector<1x16xf32>,
    %swap3A_635 = vector.shape_cast %swap3A_634 : vector<1x16xf32> to vector<16xf32>
    %swap3A_636 = vector.shape_cast %broadcast_in_dim3A_630 : vector<16xf32> to vector<1x16xf32>
    tpu.vector_store %arg17[%swap3A_632, %swap3A_633], %swap3A_636 {strides = array<i32>} : memref<16x128xf32, #tpu.memory_space<vmem>>, vector<1x16xf32>,
    %broadcast_in_dim3A_637 = arith.constant 0.000000e+00 : f32
    %broadcast_in_dim3A_638 = vector.broadcast %broadcast_in_dim3A_637 : f32 to vector<16xf32>
    %swap3A_639 = arith.constant 8 : i32
    %swap3A_640 = arith.index_cast %swap3A_639 : i32 to index
    %swap3A_641 = arith.constant 48 : index
    %swap3A_642 = tpu.vector_load %arg17[%swap3A_640, %swap3A_641] {strides = array<i32>} : memref<16x128xf32, #tpu.memory_space<vmem>>, vector<1x16xf32>,
    %swap3A_643 = vector.shape_cast %swap3A_642 : vector<1x16xf32> to vector<16xf32>
    %swap3A_644 = vector.shape_cast %broadcast_in_dim3A_638 : vector<16xf32> to vector<1x16xf32>
    tpu.vector_store %arg17[%swap3A_640, %swap3A_641], %swap3A_644 {strides = array<i32>} : memref<16x128xf32, #tpu.memory_space<vmem>>, vector<1x16xf32>,
    %broadcast_in_dim3A_645 = arith.constant 0.000000e+00 : f32
    %broadcast_in_dim3A_646 = vector.broadcast %broadcast_in_dim3A_645 : f32 to vector<16xf32>
    %swap3A_647 = arith.constant 8 : i32
    %swap3A_648 = arith.index_cast %swap3A_647 : i32 to index
    %swap3A_649 = arith.constant 64 : index
    %swap3A_650 = tpu.vector_load %arg17[%swap3A_648, %swap3A_649] {strides = array<i32>} : memref<16x128xf32, #tpu.memory_space<vmem>>, vector<1x16xf32>,
    %swap3A_651 = vector.shape_cast %swap3A_650 : vector<1x16xf32> to vector<16xf32>
    %swap3A_652 = vector.shape_cast %broadcast_in_dim3A_646 : vector<16xf32> to vector<1x16xf32>
    tpu.vector_store %arg17[%swap3A_648, %swap3A_649], %swap3A_652 {strides = array<i32>} : memref<16x128xf32, #tpu.memory_space<vmem>>, vector<1x16xf32>,
    %broadcast_in_dim3A_653 = arith.constant 0.000000e+00 : f32
    %broadcast_in_dim3A_654 = vector.broadcast %broadcast_in_dim3A_653 : f32 to vector<16xf32>
    %swap3A_655 = arith.constant 8 : i32
    %swap3A_656 = arith.index_cast %swap3A_655 : i32 to index
    %swap3A_657 = arith.constant 80 : index
    %swap3A_658 = tpu.vector_load %arg17[%swap3A_656, %swap3A_657] {strides = array<i32>} : memref<16x128xf32, #tpu.memory_space<vmem>>, vector<1x16xf32>,
    %swap3A_659 = vector.shape_cast %swap3A_658 : vector<1x16xf32> to vector<16xf32>
    %swap3A_660 = vector.shape_cast %broadcast_in_dim3A_654 : vector<16xf32> to vector<1x16xf32>
    tpu.vector_store %arg17[%swap3A_656, %swap3A_657], %swap3A_660 {strides = array<i32>} : memref<16x128xf32, #tpu.memory_space<vmem>>, vector<1x16xf32>,
    %broadcast_in_dim3A_661 = arith.constant 0.000000e+00 : f32
    %broadcast_in_dim3A_662 = vector.broadcast %broadcast_in_dim3A_661 : f32 to vector<16xf32>
    %swap3A_663 = arith.constant 8 : i32
    %swap3A_664 = arith.index_cast %swap3A_663 : i32 to index
    %swap3A_665 = arith.constant 96 : index
    %swap3A_666 = tpu.vector_load %arg17[%swap3A_664, %swap3A_665] {strides = array<i32>} : memref<16x128xf32, #tpu.memory_space<vmem>>, vector<1x16xf32>,
    %swap3A_667 = vector.shape_cast %swap3A_666 : vector<1x16xf32> to vector<16xf32>
    %swap3A_668 = vector.shape_cast %broadcast_in_dim3A_662 : vector<16xf32> to vector<1x16xf32>
    tpu.vector_store %arg17[%swap3A_664, %swap3A_665], %swap3A_668 {strides = array<i32>} : memref<16x128xf32, #tpu.memory_space<vmem>>, vector<1x16xf32>,
    %broadcast_in_dim3A_669 = arith.constant 0.000000e+00 : f32
    %broadcast_in_dim3A_670 = vector.broadcast %broadcast_in_dim3A_669 : f32 to vector<16xf32>
    %swap3A_671 = arith.constant 8 : i32
    %swap3A_672 = arith.index_cast %swap3A_671 : i32 to index
    %swap3A_673 = arith.constant 112 : index
    %swap3A_674 = tpu.vector_load %arg17[%swap3A_672, %swap3A_673] {strides = array<i32>} : memref<16x128xf32, #tpu.memory_space<vmem>>, vector<1x16xf32>,
    %swap3A_675 = vector.shape_cast %swap3A_674 : vector<1x16xf32> to vector<16xf32>
    %swap3A_676 = vector.shape_cast %broadcast_in_dim3A_670 : vector<16xf32> to vector<1x16xf32>
    tpu.vector_store %arg17[%swap3A_672, %swap3A_673], %swap3A_676 {strides = array<i32>} : memref<16x128xf32, #tpu.memory_space<vmem>>, vector<1x16xf32>,
    %broadcast_in_dim3A_677 = arith.constant 0.000000e+00 : f32
    %broadcast_in_dim3A_678 = vector.broadcast %broadcast_in_dim3A_677 : f32 to vector<16xf32>
    %swap3A_679 = arith.constant 9 : i32
    %swap3A_680 = arith.index_cast %swap3A_679 : i32 to index
    %swap3A_681 = arith.constant 0 : index
    %swap3A_682 = tpu.vector_load %arg17[%swap3A_680, %swap3A_681] {strides = array<i32>} : memref<16x128xf32, #tpu.memory_space<vmem>>, vector<1x16xf32>,
    %swap3A_683 = vector.shape_cast %swap3A_682 : vector<1x16xf32> to vector<16xf32>
    %swap3A_684 = vector.shape_cast %broadcast_in_dim3A_678 : vector<16xf32> to vector<1x16xf32>
    tpu.vector_store %arg17[%swap3A_680, %swap3A_681], %swap3A_684 {strides = array<i32>} : memref<16x128xf32, #tpu.memory_space<vmem>>, vector<1x16xf32>,
    %broadcast_in_dim3A_685 = arith.constant 0.000000e+00 : f32
    %broadcast_in_dim3A_686 = vector.broadcast %broadcast_in_dim3A_685 : f32 to vector<16xf32>
    %swap3A_687 = arith.constant 9 : i32
    %swap3A_688 = arith.index_cast %swap3A_687 : i32 to index
    %swap3A_689 = arith.constant 16 : index
    %swap3A_690 = tpu.vector_load %arg17[%swap3A_688, %swap3A_689] {strides = array<i32>} : memref<16x128xf32, #tpu.memory_space<vmem>>, vector<1x16xf32>,
    %swap3A_691 = vector.shape_cast %swap3A_690 : vector<1x16xf32> to vector<16xf32>
    %swap3A_692 = vector.shape_cast %broadcast_in_dim3A_686 : vector<16xf32> to vector<1x16xf32>
    tpu.vector_store %arg17[%swap3A_688, %swap3A_689], %swap3A_692 {strides = array<i32>} : memref<16x128xf32, #tpu.memory_space<vmem>>, vector<1x16xf32>,
    %broadcast_in_dim3A_693 = arith.constant 0.000000e+00 : f32
    %broadcast_in_dim3A_694 = vector.broadcast %broadcast_in_dim3A_693 : f32 to vector<16xf32>
    %swap3A_695 = arith.constant 9 : i32
    %swap3A_696 = arith.index_cast %swap3A_695 : i32 to index
    %swap3A_697 = arith.constant 32 : index
    %swap3A_698 = tpu.vector_load %arg17[%swap3A_696, %swap3A_697] {strides = array<i32>} : memref<16x128xf32, #tpu.memory_space<vmem>>, vector<1x16xf32>,
    %swap3A_699 = vector.shape_cast %swap3A_698 : vector<1x16xf32> to vector<16xf32>
    %swap3A_700 = vector.shape_cast %broadcast_in_dim3A_694 : vector<16xf32> to vector<1x16xf32>
    tpu.vector_store %arg17[%swap3A_696, %swap3A_697], %swap3A_700 {strides = array<i32>} : memref<16x128xf32, #tpu.memory_space<vmem>>, vector<1x16xf32>,
    %broadcast_in_dim3A_701 = arith.constant 0.000000e+00 : f32
    %broadcast_in_dim3A_702 = vector.broadcast %broadcast_in_dim3A_701 : f32 to vector<16xf32>
    %swap3A_703 = arith.constant 9 : i32
    %swap3A_704 = arith.index_cast %swap3A_703 : i32 to index
    %swap3A_705 = arith.constant 48 : index
    %swap3A_706 = tpu.vector_load %arg17[%swap3A_704, %swap3A_705] {strides = array<i32>} : memref<16x128xf32, #tpu.memory_space<vmem>>, vector<1x16xf32>,
    %swap3A_707 = vector.shape_cast %swap3A_706 : vector<1x16xf32> to vector<16xf32>
    %swap3A_708 = vector.shape_cast %broadcast_in_dim3A_702 : vector<16xf32> to vector<1x16xf32>
    tpu.vector_store %arg17[%swap3A_704, %swap3A_705], %swap3A_708 {strides = array<i32>} : memref<16x128xf32, #tpu.memory_space<vmem>>, vector<1x16xf32>,
    %broadcast_in_dim3A_709 = arith.constant 0.000000e+00 : f32
    %broadcast_in_dim3A_710 = vector.broadcast %broadcast_in_dim3A_709 : f32 to vector<16xf32>
    %swap3A_711 = arith.constant 9 : i32
    %swap3A_712 = arith.index_cast %swap3A_711 : i32 to index
    %swap3A_713 = arith.constant 64 : index
    %swap3A_714 = tpu.vector_load %arg17[%swap3A_712, %swap3A_713] {strides = array<i32>} : memref<16x128xf32, #tpu.memory_space<vmem>>, vector<1x16xf32>,
    %swap3A_715 = vector.shape_cast %swap3A_714 : vector<1x16xf32> to vector<16xf32>
    %swap3A_716 = vector.shape_cast %broadcast_in_dim3A_710 : vector<16xf32> to vector<1x16xf32>
    tpu.vector_store %arg17[%swap3A_712, %swap3A_713], %swap3A_716 {strides = array<i32>} : memref<16x128xf32, #tpu.memory_space<vmem>>, vector<1x16xf32>,
    %broadcast_in_dim3A_717 = arith.constant 0.000000e+00 : f32
    %broadcast_in_dim3A_718 = vector.broadcast %broadcast_in_dim3A_717 : f32 to vector<16xf32>
    %swap3A_719 = arith.constant 9 : i32
    %swap3A_720 = arith.index_cast %swap3A_719 : i32 to index
    %swap3A_721 = arith.constant 80 : index
    %swap3A_722 = tpu.vector_load %arg17[%swap3A_720, %swap3A_721] {strides = array<i32>} : memref<16x128xf32, #tpu.memory_space<vmem>>, vector<1x16xf32>,
    %swap3A_723 = vector.shape_cast %swap3A_722 : vector<1x16xf32> to vector<16xf32>
    %swap3A_724 = vector.shape_cast %broadcast_in_dim3A_718 : vector<16xf32> to vector<1x16xf32>
    tpu.vector_store %arg17[%swap3A_720, %swap3A_721], %swap3A_724 {strides = array<i32>} : memref<16x128xf32, #tpu.memory_space<vmem>>, vector<1x16xf32>,
    %broadcast_in_dim3A_725 = arith.constant 0.000000e+00 : f32
    %broadcast_in_dim3A_726 = vector.broadcast %broadcast_in_dim3A_725 : f32 to vector<16xf32>
    %swap3A_727 = arith.constant 9 : i32
    %swap3A_728 = arith.index_cast %swap3A_727 : i32 to index
    %swap3A_729 = arith.constant 96 : index
    %swap3A_730 = tpu.vector_load %arg17[%swap3A_728, %swap3A_729] {strides = array<i32>} : memref<16x128xf32, #tpu.memory_space<vmem>>, vector<1x16xf32>,
    %swap3A_731 = vector.shape_cast %swap3A_730 : vector<1x16xf32> to vector<16xf32>
    %swap3A_732 = vector.shape_cast %broadcast_in_dim3A_726 : vector<16xf32> to vector<1x16xf32>
    tpu.vector_store %arg17[%swap3A_728, %swap3A_729], %swap3A_732 {strides = array<i32>} : memref<16x128xf32, #tpu.memory_space<vmem>>, vector<1x16xf32>,
    %broadcast_in_dim3A_733 = arith.constant 0.000000e+00 : f32
    %broadcast_in_dim3A_734 = vector.broadcast %broadcast_in_dim3A_733 : f32 to vector<16xf32>
    %swap3A_735 = arith.constant 9 : i32
    %swap3A_736 = arith.index_cast %swap3A_735 : i32 to index
    %swap3A_737 = arith.constant 112 : index
    %swap3A_738 = tpu.vector_load %arg17[%swap3A_736, %swap3A_737] {strides = array<i32>} : memref<16x128xf32, #tpu.memory_space<vmem>>, vector<1x16xf32>,
    %swap3A_739 = vector.shape_cast %swap3A_738 : vector<1x16xf32> to vector<16xf32>
    %swap3A_740 = vector.shape_cast %broadcast_in_dim3A_734 : vector<16xf32> to vector<1x16xf32>
    tpu.vector_store %arg17[%swap3A_736, %swap3A_737], %swap3A_740 {strides = array<i32>} : memref<16x128xf32, #tpu.memory_space<vmem>>, vector<1x16xf32>,
    %broadcast_in_dim3A_741 = arith.constant 0.000000e+00 : f32
    %broadcast_in_dim3A_742 = vector.broadcast %broadcast_in_dim3A_741 : f32 to vector<16xf32>
    %swap3A_743 = arith.constant 10 : i32
    %swap3A_744 = arith.index_cast %swap3A_743 : i32 to index
    %swap3A_745 = arith.constant 0 : index
    %swap3A_746 = tpu.vector_load %arg17[%swap3A_744, %swap3A_745] {strides = array<i32>} : memref<16x128xf32, #tpu.memory_space<vmem>>, vector<1x16xf32>,
    %swap3A_747 = vector.shape_cast %swap3A_746 : vector<1x16xf32> to vector<16xf32>
    %swap3A_748 = vector.shape_cast %broadcast_in_dim3A_742 : vector<16xf32> to vector<1x16xf32>
    tpu.vector_store %arg17[%swap3A_744, %swap3A_745], %swap3A_748 {strides = array<i32>} : memref<16x128xf32, #tpu.memory_space<vmem>>, vector<1x16xf32>,
    %broadcast_in_dim3A_749 = arith.constant 0.000000e+00 : f32
    %broadcast_in_dim3A_750 = vector.broadcast %broadcast_in_dim3A_749 : f32 to vector<16xf32>
    %swap3A_751 = arith.constant 10 : i32
    %swap3A_752 = arith.index_cast %swap3A_751 : i32 to index
    %swap3A_753 = arith.constant 16 : index
    %swap3A_754 = tpu.vector_load %arg17[%swap3A_752, %swap3A_753] {strides = array<i32>} : memref<16x128xf32, #tpu.memory_space<vmem>>, vector<1x16xf32>,
    %swap3A_755 = vector.shape_cast %swap3A_754 : vector<1x16xf32> to vector<16xf32>
    %swap3A_756 = vector.shape_cast %broadcast_in_dim3A_750 : vector<16xf32> to vector<1x16xf32>
    tpu.vector_store %arg17[%swap3A_752, %swap3A_753], %swap3A_756 {strides = array<i32>} : memref<16x128xf32, #tpu.memory_space<vmem>>, vector<1x16xf32>,
    %broadcast_in_dim3A_757 = arith.constant 0.000000e+00 : f32
    %broadcast_in_dim3A_758 = vector.broadcast %broadcast_in_dim3A_757 : f32 to vector<16xf32>
    %swap3A_759 = arith.constant 10 : i32
    %swap3A_760 = arith.index_cast %swap3A_759 : i32 to index
    %swap3A_761 = arith.constant 32 : index
    %swap3A_762 = tpu.vector_load %arg17[%swap3A_760, %swap3A_761] {strides = array<i32>} : memref<16x128xf32, #tpu.memory_space<vmem>>, vector<1x16xf32>,
    %swap3A_763 = vector.shape_cast %swap3A_762 : vector<1x16xf32> to vector<16xf32>
    %swap3A_764 = vector.shape_cast %broadcast_in_dim3A_758 : vector<16xf32> to vector<1x16xf32>
    tpu.vector_store %arg17[%swap3A_760, %swap3A_761], %swap3A_764 {strides = array<i32>} : memref<16x128xf32, #tpu.memory_space<vmem>>, vector<1x16xf32>,
    %broadcast_in_dim3A_765 = arith.constant 0.000000e+00 : f32
    %broadcast_in_dim3A_766 = vector.broadcast %broadcast_in_dim3A_765 : f32 to vector<16xf32>
    %swap3A_767 = arith.constant 10 : i32
    %swap3A_768 = arith.index_cast %swap3A_767 : i32 to index
    %swap3A_769 = arith.constant 48 : index
    %swap3A_770 = tpu.vector_load %arg17[%swap3A_768, %swap3A_769] {strides = array<i32>} : memref<16x128xf32, #tpu.memory_space<vmem>>, vector<1x16xf32>,
    %swap3A_771 = vector.shape_cast %swap3A_770 : vector<1x16xf32> to vector<16xf32>
    %swap3A_772 = vector.shape_cast %broadcast_in_dim3A_766 : vector<16xf32> to vector<1x16xf32>
    tpu.vector_store %arg17[%swap3A_768, %swap3A_769], %swap3A_772 {strides = array<i32>} : memref<16x128xf32, #tpu.memory_space<vmem>>, vector<1x16xf32>,
    %broadcast_in_dim3A_773 = arith.constant 0.000000e+00 : f32
    %broadcast_in_dim3A_774 = vector.broadcast %broadcast_in_dim3A_773 : f32 to vector<16xf32>
    %swap3A_775 = arith.constant 10 : i32
    %swap3A_776 = arith.index_cast %swap3A_775 : i32 to index
    %swap3A_777 = arith.constant 64 : index
    %swap3A_778 = tpu.vector_load %arg17[%swap3A_776, %swap3A_777] {strides = array<i32>} : memref<16x128xf32, #tpu.memory_space<vmem>>, vector<1x16xf32>,
    %swap3A_779 = vector.shape_cast %swap3A_778 : vector<1x16xf32> to vector<16xf32>
    %swap3A_780 = vector.shape_cast %broadcast_in_dim3A_774 : vector<16xf32> to vector<1x16xf32>
    tpu.vector_store %arg17[%swap3A_776, %swap3A_777], %swap3A_780 {strides = array<i32>} : memref<16x128xf32, #tpu.memory_space<vmem>>, vector<1x16xf32>,
    %broadcast_in_dim3A_781 = arith.constant 0.000000e+00 : f32
    %broadcast_in_dim3A_782 = vector.broadcast %broadcast_in_dim3A_781 : f32 to vector<16xf32>
    %swap3A_783 = arith.constant 10 : i32
    %swap3A_784 = arith.index_cast %swap3A_783 : i32 to index
    %swap3A_785 = arith.constant 80 : index
    %swap3A_786 = tpu.vector_load %arg17[%swap3A_784, %swap3A_785] {strides = array<i32>} : memref<16x128xf32, #tpu.memory_space<vmem>>, vector<1x16xf32>,
    %swap3A_787 = vector.shape_cast %swap3A_786 : vector<1x16xf32> to vector<16xf32>
    %swap3A_788 = vector.shape_cast %broadcast_in_dim3A_782 : vector<16xf32> to vector<1x16xf32>
    tpu.vector_store %arg17[%swap3A_784, %swap3A_785], %swap3A_788 {strides = array<i32>} : memref<16x128xf32, #tpu.memory_space<vmem>>, vector<1x16xf32>,
    %broadcast_in_dim3A_789 = arith.constant 0.000000e+00 : f32
    %broadcast_in_dim3A_790 = vector.broadcast %broadcast_in_dim3A_789 : f32 to vector<16xf32>
    %swap3A_791 = arith.constant 10 : i32
    %swap3A_792 = arith.index_cast %swap3A_791 : i32 to index
    %swap3A_793 = arith.constant 96 : index
    %swap3A_794 = tpu.vector_load %arg17[%swap3A_792, %swap3A_793] {strides = array<i32>} : memref<16x128xf32, #tpu.memory_space<vmem>>, vector<1x16xf32>,
    %swap3A_795 = vector.shape_cast %swap3A_794 : vector<1x16xf32> to vector<16xf32>
    %swap3A_796 = vector.shape_cast %broadcast_in_dim3A_790 : vector<16xf32> to vector<1x16xf32>
    tpu.vector_store %arg17[%swap3A_792, %swap3A_793], %swap3A_796 {strides = array<i32>} : memref<16x128xf32, #tpu.memory_space<vmem>>, vector<1x16xf32>,
    %broadcast_in_dim3A_797 = arith.constant 0.000000e+00 : f32
    %broadcast_in_dim3A_798 = vector.broadcast %broadcast_in_dim3A_797 : f32 to vector<16xf32>
    %swap3A_799 = arith.constant 10 : i32
    %swap3A_800 = arith.index_cast %swap3A_799 : i32 to index
    %swap3A_801 = arith.constant 112 : index
    %swap3A_802 = tpu.vector_load %arg17[%swap3A_800, %swap3A_801] {strides = array<i32>} : memref<16x128xf32, #tpu.memory_space<vmem>>, vector<1x16xf32>,
    %swap3A_803 = vector.shape_cast %swap3A_802 : vector<1x16xf32> to vector<16xf32>
    %swap3A_804 = vector.shape_cast %broadcast_in_dim3A_798 : vector<16xf32> to vector<1x16xf32>
    tpu.vector_store %arg17[%swap3A_800, %swap3A_801], %swap3A_804 {strides = array<i32>} : memref<16x128xf32, #tpu.memory_space<vmem>>, vector<1x16xf32>,
    %broadcast_in_dim3A_805 = arith.constant 0.000000e+00 : f32
    %broadcast_in_dim3A_806 = vector.broadcast %broadcast_in_dim3A_805 : f32 to vector<16xf32>
    %swap3A_807 = arith.constant 11 : i32
    %swap3A_808 = arith.index_cast %swap3A_807 : i32 to index
    %swap3A_809 = arith.constant 0 : index
    %swap3A_810 = tpu.vector_load %arg17[%swap3A_808, %swap3A_809] {strides = array<i32>} : memref<16x128xf32, #tpu.memory_space<vmem>>, vector<1x16xf32>,
    %swap3A_811 = vector.shape_cast %swap3A_810 : vector<1x16xf32> to vector<16xf32>
    %swap3A_812 = vector.shape_cast %broadcast_in_dim3A_806 : vector<16xf32> to vector<1x16xf32>
    tpu.vector_store %arg17[%swap3A_808, %swap3A_809], %swap3A_812 {strides = array<i32>} : memref<16x128xf32, #tpu.memory_space<vmem>>, vector<1x16xf32>,
    %broadcast_in_dim3A_813 = arith.constant 0.000000e+00 : f32
    %broadcast_in_dim3A_814 = vector.broadcast %broadcast_in_dim3A_813 : f32 to vector<16xf32>
    %swap3A_815 = arith.constant 11 : i32
    %swap3A_816 = arith.index_cast %swap3A_815 : i32 to index
    %swap3A_817 = arith.constant 16 : index
    %swap3A_818 = tpu.vector_load %arg17[%swap3A_816, %swap3A_817] {strides = array<i32>} : memref<16x128xf32, #tpu.memory_space<vmem>>, vector<1x16xf32>,
    %swap3A_819 = vector.shape_cast %swap3A_818 : vector<1x16xf32> to vector<16xf32>
    %swap3A_820 = vector.shape_cast %broadcast_in_dim3A_814 : vector<16xf32> to vector<1x16xf32>
    tpu.vector_store %arg17[%swap3A_816, %swap3A_817], %swap3A_820 {strides = array<i32>} : memref<16x128xf32, #tpu.memory_space<vmem>>, vector<1x16xf32>,
    %broadcast_in_dim3A_821 = arith.constant 0.000000e+00 : f32
    %broadcast_in_dim3A_822 = vector.broadcast %broadcast_in_dim3A_821 : f32 to vector<16xf32>
    %swap3A_823 = arith.constant 11 : i32
    %swap3A_824 = arith.index_cast %swap3A_823 : i32 to index
    %swap3A_825 = arith.constant 32 : index
    %swap3A_826 = tpu.vector_load %arg17[%swap3A_824, %swap3A_825] {strides = array<i32>} : memref<16x128xf32, #tpu.memory_space<vmem>>, vector<1x16xf32>,
    %swap3A_827 = vector.shape_cast %swap3A_826 : vector<1x16xf32> to vector<16xf32>
    %swap3A_828 = vector.shape_cast %broadcast_in_dim3A_822 : vector<16xf32> to vector<1x16xf32>
    tpu.vector_store %arg17[%swap3A_824, %swap3A_825], %swap3A_828 {strides = array<i32>} : memref<16x128xf32, #tpu.memory_space<vmem>>, vector<1x16xf32>,
    %broadcast_in_dim3A_829 = arith.constant 0.000000e+00 : f32
    %broadcast_in_dim3A_830 = vector.broadcast %broadcast_in_dim3A_829 : f32 to vector<16xf32>
    %swap3A_831 = arith.constant 11 : i32
    %swap3A_832 = arith.index_cast %swap3A_831 : i32 to index
    %swap3A_833 = arith.constant 48 : index
    %swap3A_834 = tpu.vector_load %arg17[%swap3A_832, %swap3A_833] {strides = array<i32>} : memref<16x128xf32, #tpu.memory_space<vmem>>, vector<1x16xf32>,
    %swap3A_835 = vector.shape_cast %swap3A_834 : vector<1x16xf32> to vector<16xf32>
    %swap3A_836 = vector.shape_cast %broadcast_in_dim3A_830 : vector<16xf32> to vector<1x16xf32>
    tpu.vector_store %arg17[%swap3A_832, %swap3A_833], %swap3A_836 {strides = array<i32>} : memref<16x128xf32, #tpu.memory_space<vmem>>, vector<1x16xf32>,
    %broadcast_in_dim3A_837 = arith.constant 0.000000e+00 : f32
    %broadcast_in_dim3A_838 = vector.broadcast %broadcast_in_dim3A_837 : f32 to vector<16xf32>
    %swap3A_839 = arith.constant 11 : i32
    %swap3A_840 = arith.index_cast %swap3A_839 : i32 to index
    %swap3A_841 = arith.constant 64 : index
    %swap3A_842 = tpu.vector_load %arg17[%swap3A_840, %swap3A_841] {strides = array<i32>} : memref<16x128xf32, #tpu.memory_space<vmem>>, vector<1x16xf32>,
    %swap3A_843 = vector.shape_cast %swap3A_842 : vector<1x16xf32> to vector<16xf32>
    %swap3A_844 = vector.shape_cast %broadcast_in_dim3A_838 : vector<16xf32> to vector<1x16xf32>
    tpu.vector_store %arg17[%swap3A_840, %swap3A_841], %swap3A_844 {strides = array<i32>} : memref<16x128xf32, #tpu.memory_space<vmem>>, vector<1x16xf32>,
    %broadcast_in_dim3A_845 = arith.constant 0.000000e+00 : f32
    %broadcast_in_dim3A_846 = vector.broadcast %broadcast_in_dim3A_845 : f32 to vector<16xf32>
    %swap3A_847 = arith.constant 11 : i32
    %swap3A_848 = arith.index_cast %swap3A_847 : i32 to index
    %swap3A_849 = arith.constant 80 : index
    %swap3A_850 = tpu.vector_load %arg17[%swap3A_848, %swap3A_849] {strides = array<i32>} : memref<16x128xf32, #tpu.memory_space<vmem>>, vector<1x16xf32>,
    %swap3A_851 = vector.shape_cast %swap3A_850 : vector<1x16xf32> to vector<16xf32>
    %swap3A_852 = vector.shape_cast %broadcast_in_dim3A_846 : vector<16xf32> to vector<1x16xf32>
    tpu.vector_store %arg17[%swap3A_848, %swap3A_849], %swap3A_852 {strides = array<i32>} : memref<16x128xf32, #tpu.memory_space<vmem>>, vector<1x16xf32>,
    %broadcast_in_dim3A_853 = arith.constant 0.000000e+00 : f32
    %broadcast_in_dim3A_854 = vector.broadcast %broadcast_in_dim3A_853 : f32 to vector<16xf32>
    %swap3A_855 = arith.constant 11 : i32
    %swap3A_856 = arith.index_cast %swap3A_855 : i32 to index
    %swap3A_857 = arith.constant 96 : index
    %swap3A_858 = tpu.vector_load %arg17[%swap3A_856, %swap3A_857] {strides = array<i32>} : memref<16x128xf32, #tpu.memory_space<vmem>>, vector<1x16xf32>,
    %swap3A_859 = vector.shape_cast %swap3A_858 : vector<1x16xf32> to vector<16xf32>
    %swap3A_860 = vector.shape_cast %broadcast_in_dim3A_854 : vector<16xf32> to vector<1x16xf32>
    tpu.vector_store %arg17[%swap3A_856, %swap3A_857], %swap3A_860 {strides = array<i32>} : memref<16x128xf32, #tpu.memory_space<vmem>>, vector<1x16xf32>,
    %broadcast_in_dim3A_861 = arith.constant 0.000000e+00 : f32
    %broadcast_in_dim3A_862 = vector.broadcast %broadcast_in_dim3A_861 : f32 to vector<16xf32>
    %swap3A_863 = arith.constant 11 : i32
    %swap3A_864 = arith.index_cast %swap3A_863 : i32 to index
    %swap3A_865 = arith.constant 112 : index
    %swap3A_866 = tpu.vector_load %arg17[%swap3A_864, %swap3A_865] {strides = array<i32>} : memref<16x128xf32, #tpu.memory_space<vmem>>, vector<1x16xf32>,
    %swap3A_867 = vector.shape_cast %swap3A_866 : vector<1x16xf32> to vector<16xf32>
    %swap3A_868 = vector.shape_cast %broadcast_in_dim3A_862 : vector<16xf32> to vector<1x16xf32>
    tpu.vector_store %arg17[%swap3A_864, %swap3A_865], %swap3A_868 {strides = array<i32>} : memref<16x128xf32, #tpu.memory_space<vmem>>, vector<1x16xf32>,
    %broadcast_in_dim3A_869 = arith.constant 0.000000e+00 : f32
    %broadcast_in_dim3A_870 = vector.broadcast %broadcast_in_dim3A_869 : f32 to vector<16xf32>
    %swap3A_871 = arith.constant 12 : i32
    %swap3A_872 = arith.index_cast %swap3A_871 : i32 to index
    %swap3A_873 = arith.constant 0 : index
    %swap3A_874 = tpu.vector_load %arg17[%swap3A_872, %swap3A_873] {strides = array<i32>} : memref<16x128xf32, #tpu.memory_space<vmem>>, vector<1x16xf32>,
    %swap3A_875 = vector.shape_cast %swap3A_874 : vector<1x16xf32> to vector<16xf32>
    %swap3A_876 = vector.shape_cast %broadcast_in_dim3A_870 : vector<16xf32> to vector<1x16xf32>
    tpu.vector_store %arg17[%swap3A_872, %swap3A_873], %swap3A_876 {strides = array<i32>} : memref<16x128xf32, #tpu.memory_space<vmem>>, vector<1x16xf32>,
    %broadcast_in_dim3A_877 = arith.constant 0.000000e+00 : f32
    %broadcast_in_dim3A_878 = vector.broadcast %broadcast_in_dim3A_877 : f32 to vector<16xf32>
    %swap3A_879 = arith.constant 12 : i32
    %swap3A_880 = arith.index_cast %swap3A_879 : i32 to index
    %swap3A_881 = arith.constant 16 : index
    %swap3A_882 = tpu.vector_load %arg17[%swap3A_880, %swap3A_881] {strides = array<i32>} : memref<16x128xf32, #tpu.memory_space<vmem>>, vector<1x16xf32>,
    %swap3A_883 = vector.shape_cast %swap3A_882 : vector<1x16xf32> to vector<16xf32>
    %swap3A_884 = vector.shape_cast %broadcast_in_dim3A_878 : vector<16xf32> to vector<1x16xf32>
    tpu.vector_store %arg17[%swap3A_880, %swap3A_881], %swap3A_884 {strides = array<i32>} : memref<16x128xf32, #tpu.memory_space<vmem>>, vector<1x16xf32>,
    %broadcast_in_dim3A_885 = arith.constant 0.000000e+00 : f32
    %broadcast_in_dim3A_886 = vector.broadcast %broadcast_in_dim3A_885 : f32 to vector<16xf32>
    %swap3A_887 = arith.constant 12 : i32
    %swap3A_888 = arith.index_cast %swap3A_887 : i32 to index
    %swap3A_889 = arith.constant 32 : index
    %swap3A_890 = tpu.vector_load %arg17[%swap3A_888, %swap3A_889] {strides = array<i32>} : memref<16x128xf32, #tpu.memory_space<vmem>>, vector<1x16xf32>,
    %swap3A_891 = vector.shape_cast %swap3A_890 : vector<1x16xf32> to vector<16xf32>
    %swap3A_892 = vector.shape_cast %broadcast_in_dim3A_886 : vector<16xf32> to vector<1x16xf32>
    tpu.vector_store %arg17[%swap3A_888, %swap3A_889], %swap3A_892 {strides = array<i32>} : memref<16x128xf32, #tpu.memory_space<vmem>>, vector<1x16xf32>,
    %broadcast_in_dim3A_893 = arith.constant 0.000000e+00 : f32
    %broadcast_in_dim3A_894 = vector.broadcast %broadcast_in_dim3A_893 : f32 to vector<16xf32>
    %swap3A_895 = arith.constant 12 : i32
    %swap3A_896 = arith.index_cast %swap3A_895 : i32 to index
    %swap3A_897 = arith.constant 48 : index
    %swap3A_898 = tpu.vector_load %arg17[%swap3A_896, %swap3A_897] {strides = array<i32>} : memref<16x128xf32, #tpu.memory_space<vmem>>, vector<1x16xf32>,
    %swap3A_899 = vector.shape_cast %swap3A_898 : vector<1x16xf32> to vector<16xf32>
    %swap3A_900 = vector.shape_cast %broadcast_in_dim3A_894 : vector<16xf32> to vector<1x16xf32>
    tpu.vector_store %arg17[%swap3A_896, %swap3A_897], %swap3A_900 {strides = array<i32>} : memref<16x128xf32, #tpu.memory_space<vmem>>, vector<1x16xf32>,
    %broadcast_in_dim3A_901 = arith.constant 0.000000e+00 : f32
    %broadcast_in_dim3A_902 = vector.broadcast %broadcast_in_dim3A_901 : f32 to vector<16xf32>
    %swap3A_903 = arith.constant 12 : i32
    %swap3A_904 = arith.index_cast %swap3A_903 : i32 to index
    %swap3A_905 = arith.constant 64 : index
    %swap3A_906 = tpu.vector_load %arg17[%swap3A_904, %swap3A_905] {strides = array<i32>} : memref<16x128xf32, #tpu.memory_space<vmem>>, vector<1x16xf32>,
    %swap3A_907 = vector.shape_cast %swap3A_906 : vector<1x16xf32> to vector<16xf32>
    %swap3A_908 = vector.shape_cast %broadcast_in_dim3A_902 : vector<16xf32> to vector<1x16xf32>
    tpu.vector_store %arg17[%swap3A_904, %swap3A_905], %swap3A_908 {strides = array<i32>} : memref<16x128xf32, #tpu.memory_space<vmem>>, vector<1x16xf32>,
    %broadcast_in_dim3A_909 = arith.constant 0.000000e+00 : f32
    %broadcast_in_dim3A_910 = vector.broadcast %broadcast_in_dim3A_909 : f32 to vector<16xf32>
    %swap3A_911 = arith.constant 12 : i32
    %swap3A_912 = arith.index_cast %swap3A_911 : i32 to index
    %swap3A_913 = arith.constant 80 : index
    %swap3A_914 = tpu.vector_load %arg17[%swap3A_912, %swap3A_913] {strides = array<i32>} : memref<16x128xf32, #tpu.memory_space<vmem>>, vector<1x16xf32>,
    %swap3A_915 = vector.shape_cast %swap3A_914 : vector<1x16xf32> to vector<16xf32>
    %swap3A_916 = vector.shape_cast %broadcast_in_dim3A_910 : vector<16xf32> to vector<1x16xf32>
    tpu.vector_store %arg17[%swap3A_912, %swap3A_913], %swap3A_916 {strides = array<i32>} : memref<16x128xf32, #tpu.memory_space<vmem>>, vector<1x16xf32>,
    %broadcast_in_dim3A_917 = arith.constant 0.000000e+00 : f32
    %broadcast_in_dim3A_918 = vector.broadcast %broadcast_in_dim3A_917 : f32 to vector<16xf32>
    %swap3A_919 = arith.constant 12 : i32
    %swap3A_920 = arith.index_cast %swap3A_919 : i32 to index
    %swap3A_921 = arith.constant 96 : index
    %swap3A_922 = tpu.vector_load %arg17[%swap3A_920, %swap3A_921] {strides = array<i32>} : memref<16x128xf32, #tpu.memory_space<vmem>>, vector<1x16xf32>,
    %swap3A_923 = vector.shape_cast %swap3A_922 : vector<1x16xf32> to vector<16xf32>
    %swap3A_924 = vector.shape_cast %broadcast_in_dim3A_918 : vector<16xf32> to vector<1x16xf32>
    tpu.vector_store %arg17[%swap3A_920, %swap3A_921], %swap3A_924 {strides = array<i32>} : memref<16x128xf32, #tpu.memory_space<vmem>>, vector<1x16xf32>,
    %broadcast_in_dim3A_925 = arith.constant 0.000000e+00 : f32
    %broadcast_in_dim3A_926 = vector.broadcast %broadcast_in_dim3A_925 : f32 to vector<16xf32>
    %swap3A_927 = arith.constant 12 : i32
    %swap3A_928 = arith.index_cast %swap3A_927 : i32 to index
    %swap3A_929 = arith.constant 112 : index
    %swap3A_930 = tpu.vector_load %arg17[%swap3A_928, %swap3A_929] {strides = array<i32>} : memref<16x128xf32, #tpu.memory_space<vmem>>, vector<1x16xf32>,
    %swap3A_931 = vector.shape_cast %swap3A_930 : vector<1x16xf32> to vector<16xf32>
    %swap3A_932 = vector.shape_cast %broadcast_in_dim3A_926 : vector<16xf32> to vector<1x16xf32>
    tpu.vector_store %arg17[%swap3A_928, %swap3A_929], %swap3A_932 {strides = array<i32>} : memref<16x128xf32, #tpu.memory_space<vmem>>, vector<1x16xf32>,
    %broadcast_in_dim3A_933 = arith.constant 0.000000e+00 : f32
    %broadcast_in_dim3A_934 = vector.broadcast %broadcast_in_dim3A_933 : f32 to vector<16xf32>
    %swap3A_935 = arith.constant 13 : i32
    %swap3A_936 = arith.index_cast %swap3A_935 : i32 to index
    %swap3A_937 = arith.constant 0 : index
    %swap3A_938 = tpu.vector_load %arg17[%swap3A_936, %swap3A_937] {strides = array<i32>} : memref<16x128xf32, #tpu.memory_space<vmem>>, vector<1x16xf32>,
    %swap3A_939 = vector.shape_cast %swap3A_938 : vector<1x16xf32> to vector<16xf32>
    %swap3A_940 = vector.shape_cast %broadcast_in_dim3A_934 : vector<16xf32> to vector<1x16xf32>
    tpu.vector_store %arg17[%swap3A_936, %swap3A_937], %swap3A_940 {strides = array<i32>} : memref<16x128xf32, #tpu.memory_space<vmem>>, vector<1x16xf32>,
    %broadcast_in_dim3A_941 = arith.constant 0.000000e+00 : f32
    %broadcast_in_dim3A_942 = vector.broadcast %broadcast_in_dim3A_941 : f32 to vector<16xf32>
    %swap3A_943 = arith.constant 13 : i32
    %swap3A_944 = arith.index_cast %swap3A_943 : i32 to index
    %swap3A_945 = arith.constant 16 : index
    %swap3A_946 = tpu.vector_load %arg17[%swap3A_944, %swap3A_945] {strides = array<i32>} : memref<16x128xf32, #tpu.memory_space<vmem>>, vector<1x16xf32>,
    %swap3A_947 = vector.shape_cast %swap3A_946 : vector<1x16xf32> to vector<16xf32>
    %swap3A_948 = vector.shape_cast %broadcast_in_dim3A_942 : vector<16xf32> to vector<1x16xf32>
    tpu.vector_store %arg17[%swap3A_944, %swap3A_945], %swap3A_948 {strides = array<i32>} : memref<16x128xf32, #tpu.memory_space<vmem>>, vector<1x16xf32>,
    %broadcast_in_dim3A_949 = arith.constant 0.000000e+00 : f32
    %broadcast_in_dim3A_950 = vector.broadcast %broadcast_in_dim3A_949 : f32 to vector<16xf32>
    %swap3A_951 = arith.constant 13 : i32
    %swap3A_952 = arith.index_cast %swap3A_951 : i32 to index
    %swap3A_953 = arith.constant 32 : index
    %swap3A_954 = tpu.vector_load %arg17[%swap3A_952, %swap3A_953] {strides = array<i32>} : memref<16x128xf32, #tpu.memory_space<vmem>>, vector<1x16xf32>,
    %swap3A_955 = vector.shape_cast %swap3A_954 : vector<1x16xf32> to vector<16xf32>
    %swap3A_956 = vector.shape_cast %broadcast_in_dim3A_950 : vector<16xf32> to vector<1x16xf32>
    tpu.vector_store %arg17[%swap3A_952, %swap3A_953], %swap3A_956 {strides = array<i32>} : memref<16x128xf32, #tpu.memory_space<vmem>>, vector<1x16xf32>,
    %broadcast_in_dim3A_957 = arith.constant 0.000000e+00 : f32
    %broadcast_in_dim3A_958 = vector.broadcast %broadcast_in_dim3A_957 : f32 to vector<16xf32>
    %swap3A_959 = arith.constant 13 : i32
    %swap3A_960 = arith.index_cast %swap3A_959 : i32 to index
    %swap3A_961 = arith.constant 48 : index
    %swap3A_962 = tpu.vector_load %arg17[%swap3A_960, %swap3A_961] {strides = array<i32>} : memref<16x128xf32, #tpu.memory_space<vmem>>, vector<1x16xf32>,
    %swap3A_963 = vector.shape_cast %swap3A_962 : vector<1x16xf32> to vector<16xf32>
    %swap3A_964 = vector.shape_cast %broadcast_in_dim3A_958 : vector<16xf32> to vector<1x16xf32>
    tpu.vector_store %arg17[%swap3A_960, %swap3A_961], %swap3A_964 {strides = array<i32>} : memref<16x128xf32, #tpu.memory_space<vmem>>, vector<1x16xf32>,
    %broadcast_in_dim3A_965 = arith.constant 0.000000e+00 : f32
    %broadcast_in_dim3A_966 = vector.broadcast %broadcast_in_dim3A_965 : f32 to vector<16xf32>
    %swap3A_967 = arith.constant 13 : i32
    %swap3A_968 = arith.index_cast %swap3A_967 : i32 to index
    %swap3A_969 = arith.constant 64 : index
    %swap3A_970 = tpu.vector_load %arg17[%swap3A_968, %swap3A_969] {strides = array<i32>} : memref<16x128xf32, #tpu.memory_space<vmem>>, vector<1x16xf32>,
    %swap3A_971 = vector.shape_cast %swap3A_970 : vector<1x16xf32> to vector<16xf32>
    %swap3A_972 = vector.shape_cast %broadcast_in_dim3A_966 : vector<16xf32> to vector<1x16xf32>
    tpu.vector_store %arg17[%swap3A_968, %swap3A_969], %swap3A_972 {strides = array<i32>} : memref<16x128xf32, #tpu.memory_space<vmem>>, vector<1x16xf32>,
    %broadcast_in_dim3A_973 = arith.constant 0.000000e+00 : f32
    %broadcast_in_dim3A_974 = vector.broadcast %broadcast_in_dim3A_973 : f32 to vector<16xf32>
    %swap3A_975 = arith.constant 13 : i32
    %swap3A_976 = arith.index_cast %swap3A_975 : i32 to index
    %swap3A_977 = arith.constant 80 : index
    %swap3A_978 = tpu.vector_load %arg17[%swap3A_976, %swap3A_977] {strides = array<i32>} : memref<16x128xf32, #tpu.memory_space<vmem>>, vector<1x16xf32>,
    %swap3A_979 = vector.shape_cast %swap3A_978 : vector<1x16xf32> to vector<16xf32>
    %swap3A_980 = vector.shape_cast %broadcast_in_dim3A_974 : vector<16xf32> to vector<1x16xf32>
    tpu.vector_store %arg17[%swap3A_976, %swap3A_977], %swap3A_980 {strides = array<i32>} : memref<16x128xf32, #tpu.memory_space<vmem>>, vector<1x16xf32>,
    %broadcast_in_dim3A_981 = arith.constant 0.000000e+00 : f32
    %broadcast_in_dim3A_982 = vector.broadcast %broadcast_in_dim3A_981 : f32 to vector<16xf32>
    %swap3A_983 = arith.constant 13 : i32
    %swap3A_984 = arith.index_cast %swap3A_983 : i32 to index
    %swap3A_985 = arith.constant 96 : index
    %swap3A_986 = tpu.vector_load %arg17[%swap3A_984, %swap3A_985] {strides = array<i32>} : memref<16x128xf32, #tpu.memory_space<vmem>>, vector<1x16xf32>,
    %swap3A_987 = vector.shape_cast %swap3A_986 : vector<1x16xf32> to vector<16xf32>
    %swap3A_988 = vector.shape_cast %broadcast_in_dim3A_982 : vector<16xf32> to vector<1x16xf32>
    tpu.vector_store %arg17[%swap3A_984, %swap3A_985], %swap3A_988 {strides = array<i32>} : memref<16x128xf32, #tpu.memory_space<vmem>>, vector<1x16xf32>,
    %broadcast_in_dim3A_989 = arith.constant 0.000000e+00 : f32
    %broadcast_in_dim3A_990 = vector.broadcast %broadcast_in_dim3A_989 : f32 to vector<16xf32>
    %swap3A_991 = arith.constant 13 : i32
    %swap3A_992 = arith.index_cast %swap3A_991 : i32 to index
    %swap3A_993 = arith.constant 112 : index
    %swap3A_994 = tpu.vector_load %arg17[%swap3A_992, %swap3A_993] {strides = array<i32>} : memref<16x128xf32, #tpu.memory_space<vmem>>, vector<1x16xf32>,
    %swap3A_995 = vector.shape_cast %swap3A_994 : vector<1x16xf32> to vector<16xf32>
    %swap3A_996 = vector.shape_cast %broadcast_in_dim3A_990 : vector<16xf32> to vector<1x16xf32>
    tpu.vector_store %arg17[%swap3A_992, %swap3A_993], %swap3A_996 {strides = array<i32>} : memref<16x128xf32, #tpu.memory_space<vmem>>, vector<1x16xf32>,
    %broadcast_in_dim3A_997 = arith.constant 0.000000e+00 : f32
    %broadcast_in_dim3A_998 = vector.broadcast %broadcast_in_dim3A_997 : f32 to vector<16xf32>
    %swap3A_999 = arith.constant 14 : i32
    %swap3A_1000 = arith.index_cast %swap3A_999 : i32 to index
    %swap3A_1001 = arith.constant 0 : index
    %swap3A_1002 = tpu.vector_load %arg17[%swap3A_1000, %swap3A_1001] {strides = array<i32>} : memref<16x128xf32, #tpu.memory_space<vmem>>, vector<1x16xf32>,
    %swap3A_1003 = vector.shape_cast %swap3A_1002 : vector<1x16xf32> to vector<16xf32>
    %swap3A_1004 = vector.shape_cast %broadcast_in_dim3A_998 : vector<16xf32> to vector<1x16xf32>
    tpu.vector_store %arg17[%swap3A_1000, %swap3A_1001], %swap3A_1004 {strides = array<i32>} : memref<16x128xf32, #tpu.memory_space<vmem>>, vector<1x16xf32>,
    %broadcast_in_dim3A_1005 = arith.constant 0.000000e+00 : f32
    %broadcast_in_dim3A_1006 = vector.broadcast %broadcast_in_dim3A_1005 : f32 to vector<16xf32>
    %swap3A_1007 = arith.constant 14 : i32
    %swap3A_1008 = arith.index_cast %swap3A_1007 : i32 to index
    %swap3A_1009 = arith.constant 16 : index
    %swap3A_1010 = tpu.vector_load %arg17[%swap3A_1008, %swap3A_1009] {strides = array<i32>} : memref<16x128xf32, #tpu.memory_space<vmem>>, vector<1x16xf32>,
    %swap3A_1011 = vector.shape_cast %swap3A_1010 : vector<1x16xf32> to vector<16xf32>
    %swap3A_1012 = vector.shape_cast %broadcast_in_dim3A_1006 : vector<16xf32> to vector<1x16xf32>
    tpu.vector_store %arg17[%swap3A_1008, %swap3A_1009], %swap3A_1012 {strides = array<i32>} : memref<16x128xf32, #tpu.memory_space<vmem>>, vector<1x16xf32>,
    %broadcast_in_dim3A_1013 = arith.constant 0.000000e+00 : f32
    %broadcast_in_dim3A_1014 = vector.broadcast %broadcast_in_dim3A_1013 : f32 to vector<16xf32>
    %swap3A_1015 = arith.constant 14 : i32
    %swap3A_1016 = arith.index_cast %swap3A_1015 : i32 to index
    %swap3A_1017 = arith.constant 32 : index
    %swap3A_1018 = tpu.vector_load %arg17[%swap3A_1016, %swap3A_1017] {strides = array<i32>} : memref<16x128xf32, #tpu.memory_space<vmem>>, vector<1x16xf32>,
    %swap3A_1019 = vector.shape_cast %swap3A_1018 : vector<1x16xf32> to vector<16xf32>
    %swap3A_1020 = vector.shape_cast %broadcast_in_dim3A_1014 : vector<16xf32> to vector<1x16xf32>
    tpu.vector_store %arg17[%swap3A_1016, %swap3A_1017], %swap3A_1020 {strides = array<i32>} : memref<16x128xf32, #tpu.memory_space<vmem>>, vector<1x16xf32>,
    %broadcast_in_dim3A_1021 = arith.constant 0.000000e+00 : f32
    %broadcast_in_dim3A_1022 = vector.broadcast %broadcast_in_dim3A_1021 : f32 to vector<16xf32>
    %swap3A_1023 = arith.constant 14 : i32
    %swap3A_1024 = arith.index_cast %swap3A_1023 : i32 to index
    %swap3A_1025 = arith.constant 48 : index
    %swap3A_1026 = tpu.vector_load %arg17[%swap3A_1024, %swap3A_1025] {strides = array<i32>} : memref<16x128xf32, #tpu.memory_space<vmem>>, vector<1x16xf32>,
    %swap3A_1027 = vector.shape_cast %swap3A_1026 : vector<1x16xf32> to vector<16xf32>
    %swap3A_1028 = vector.shape_cast %broadcast_in_dim3A_1022 : vector<16xf32> to vector<1x16xf32>
    tpu.vector_store %arg17[%swap3A_1024, %swap3A_1025], %swap3A_1028 {strides = array<i32>} : memref<16x128xf32, #tpu.memory_space<vmem>>, vector<1x16xf32>,
    %broadcast_in_dim3A_1029 = arith.constant 0.000000e+00 : f32
    %broadcast_in_dim3A_1030 = vector.broadcast %broadcast_in_dim3A_1029 : f32 to vector<16xf32>
    %swap3A_1031 = arith.constant 14 : i32
    %swap3A_1032 = arith.index_cast %swap3A_1031 : i32 to index
    %swap3A_1033 = arith.constant 64 : index
    %swap3A_1034 = tpu.vector_load %arg17[%swap3A_1032, %swap3A_1033] {strides = array<i32>} : memref<16x128xf32, #tpu.memory_space<vmem>>, vector<1x16xf32>,
    %swap3A_1035 = vector.shape_cast %swap3A_1034 : vector<1x16xf32> to vector<16xf32>
    %swap3A_1036 = vector.shape_cast %broadcast_in_dim3A_1030 : vector<16xf32> to vector<1x16xf32>
    tpu.vector_store %arg17[%swap3A_1032, %swap3A_1033], %swap3A_1036 {strides = array<i32>} : memref<16x128xf32, #tpu.memory_space<vmem>>, vector<1x16xf32>,
    %broadcast_in_dim3A_1037 = arith.constant 0.000000e+00 : f32
    %broadcast_in_dim3A_1038 = vector.broadcast %broadcast_in_dim3A_1037 : f32 to vector<16xf32>
    %swap3A_1039 = arith.constant 14 : i32
    %swap3A_1040 = arith.index_cast %swap3A_1039 : i32 to index
    %swap3A_1041 = arith.constant 80 : index
    %swap3A_1042 = tpu.vector_load %arg17[%swap3A_1040, %swap3A_1041] {strides = array<i32>} : memref<16x128xf32, #tpu.memory_space<vmem>>, vector<1x16xf32>,
    %swap3A_1043 = vector.shape_cast %swap3A_1042 : vector<1x16xf32> to vector<16xf32>
    %swap3A_1044 = vector.shape_cast %broadcast_in_dim3A_1038 : vector<16xf32> to vector<1x16xf32>
    tpu.vector_store %arg17[%swap3A_1040, %swap3A_1041], %swap3A_1044 {strides = array<i32>} : memref<16x128xf32, #tpu.memory_space<vmem>>, vector<1x16xf32>,
    %broadcast_in_dim3A_1045 = arith.constant 0.000000e+00 : f32
    %broadcast_in_dim3A_1046 = vector.broadcast %broadcast_in_dim3A_1045 : f32 to vector<16xf32>
    %swap3A_1047 = arith.constant 14 : i32
    %swap3A_1048 = arith.index_cast %swap3A_1047 : i32 to index
    %swap3A_1049 = arith.constant 96 : index
    %swap3A_1050 = tpu.vector_load %arg17[%swap3A_1048, %swap3A_1049] {strides = array<i32>} : memref<16x128xf32, #tpu.memory_space<vmem>>, vector<1x16xf32>,
    %swap3A_1051 = vector.shape_cast %swap3A_1050 : vector<1x16xf32> to vector<16xf32>
    %swap3A_1052 = vector.shape_cast %broadcast_in_dim3A_1046 : vector<16xf32> to vector<1x16xf32>
    tpu.vector_store %arg17[%swap3A_1048, %swap3A_1049], %swap3A_1052 {strides = array<i32>} : memref<16x128xf32, #tpu.memory_space<vmem>>, vector<1x16xf32>,
    %broadcast_in_dim3A_1053 = arith.constant 0.000000e+00 : f32
    %broadcast_in_dim3A_1054 = vector.broadcast %broadcast_in_dim3A_1053 : f32 to vector<16xf32>
    %swap3A_1055 = arith.constant 14 : i32
    %swap3A_1056 = arith.index_cast %swap3A_1055 : i32 to index
    %swap3A_1057 = arith.constant 112 : index
    %swap3A_1058 = tpu.vector_load %arg17[%swap3A_1056, %swap3A_1057] {strides = array<i32>} : memref<16x128xf32, #tpu.memory_space<vmem>>, vector<1x16xf32>,
    %swap3A_1059 = vector.shape_cast %swap3A_1058 : vector<1x16xf32> to vector<16xf32>
    %swap3A_1060 = vector.shape_cast %broadcast_in_dim3A_1054 : vector<16xf32> to vector<1x16xf32>
    tpu.vector_store %arg17[%swap3A_1056, %swap3A_1057], %swap3A_1060 {strides = array<i32>} : memref<16x128xf32, #tpu.memory_space<vmem>>, vector<1x16xf32>,
    %broadcast_in_dim3A_1061 = arith.constant 0.000000e+00 : f32
    %broadcast_in_dim3A_1062 = vector.broadcast %broadcast_in_dim3A_1061 : f32 to vector<16xf32>
    %swap3A_1063 = arith.constant 15 : i32
    %swap3A_1064 = arith.index_cast %swap3A_1063 : i32 to index
    %swap3A_1065 = arith.constant 0 : index
    %swap3A_1066 = tpu.vector_load %arg17[%swap3A_1064, %swap3A_1065] {strides = array<i32>} : memref<16x128xf32, #tpu.memory_space<vmem>>, vector<1x16xf32>,
    %swap3A_1067 = vector.shape_cast %swap3A_1066 : vector<1x16xf32> to vector<16xf32>
    %swap3A_1068 = vector.shape_cast %broadcast_in_dim3A_1062 : vector<16xf32> to vector<1x16xf32>
    tpu.vector_store %arg17[%swap3A_1064, %swap3A_1065], %swap3A_1068 {strides = array<i32>} : memref<16x128xf32, #tpu.memory_space<vmem>>, vector<1x16xf32>,
    %broadcast_in_dim3A_1069 = arith.constant 0.000000e+00 : f32
    %broadcast_in_dim3A_1070 = vector.broadcast %broadcast_in_dim3A_1069 : f32 to vector<16xf32>
    %swap3A_1071 = arith.constant 15 : i32
    %swap3A_1072 = arith.index_cast %swap3A_1071 : i32 to index
    %swap3A_1073 = arith.constant 16 : index
    %swap3A_1074 = tpu.vector_load %arg17[%swap3A_1072, %swap3A_1073] {strides = array<i32>} : memref<16x128xf32, #tpu.memory_space<vmem>>, vector<1x16xf32>,
    %swap3A_1075 = vector.shape_cast %swap3A_1074 : vector<1x16xf32> to vector<16xf32>
    %swap3A_1076 = vector.shape_cast %broadcast_in_dim3A_1070 : vector<16xf32> to vector<1x16xf32>
    tpu.vector_store %arg17[%swap3A_1072, %swap3A_1073], %swap3A_1076 {strides = array<i32>} : memref<16x128xf32, #tpu.memory_space<vmem>>, vector<1x16xf32>,
    %broadcast_in_dim3A_1077 = arith.constant 0.000000e+00 : f32
    %broadcast_in_dim3A_1078 = vector.broadcast %broadcast_in_dim3A_1077 : f32 to vector<16xf32>
    %swap3A_1079 = arith.constant 15 : i32
    %swap3A_1080 = arith.index_cast %swap3A_1079 : i32 to index
    %swap3A_1081 = arith.constant 32 : index
    %swap3A_1082 = tpu.vector_load %arg17[%swap3A_1080, %swap3A_1081] {strides = array<i32>} : memref<16x128xf32, #tpu.memory_space<vmem>>, vector<1x16xf32>,
    %swap3A_1083 = vector.shape_cast %swap3A_1082 : vector<1x16xf32> to vector<16xf32>
    %swap3A_1084 = vector.shape_cast %broadcast_in_dim3A_1078 : vector<16xf32> to vector<1x16xf32>
    tpu.vector_store %arg17[%swap3A_1080, %swap3A_1081], %swap3A_1084 {strides = array<i32>} : memref<16x128xf32, #tpu.memory_space<vmem>>, vector<1x16xf32>,
    %broadcast_in_dim3A_1085 = arith.constant 0.000000e+00 : f32
    %broadcast_in_dim3A_1086 = vector.broadcast %broadcast_in_dim3A_1085 : f32 to vector<16xf32>
    %swap3A_1087 = arith.constant 15 : i32
    %swap3A_1088 = arith.index_cast %swap3A_1087 : i32 to index
    %swap3A_1089 = arith.constant 48 : index
    %swap3A_1090 = tpu.vector_load %arg17[%swap3A_1088, %swap3A_1089] {strides = array<i32>} : memref<16x128xf32, #tpu.memory_space<vmem>>, vector<1x16xf32>,
    %swap3A_1091 = vector.shape_cast %swap3A_1090 : vector<1x16xf32> to vector<16xf32>
    %swap3A_1092 = vector.shape_cast %broadcast_in_dim3A_1086 : vector<16xf32> to vector<1x16xf32>
    tpu.vector_store %arg17[%swap3A_1088, %swap3A_1089], %swap3A_1092 {strides = array<i32>} : memref<16x128xf32, #tpu.memory_space<vmem>>, vector<1x16xf32>,
    %broadcast_in_dim3A_1093 = arith.constant 0.000000e+00 : f32
    %broadcast_in_dim3A_1094 = vector.broadcast %broadcast_in_dim3A_1093 : f32 to vector<16xf32>
    %swap3A_1095 = arith.constant 15 : i32
    %swap3A_1096 = arith.index_cast %swap3A_1095 : i32 to index
    %swap3A_1097 = arith.constant 64 : index
    %swap3A_1098 = tpu.vector_load %arg17[%swap3A_1096, %swap3A_1097] {strides = array<i32>} : memref<16x128xf32, #tpu.memory_space<vmem>>, vector<1x16xf32>,
    %swap3A_1099 = vector.shape_cast %swap3A_1098 : vector<1x16xf32> to vector<16xf32>
    %swap3A_1100 = vector.shape_cast %broadcast_in_dim3A_1094 : vector<16xf32> to vector<1x16xf32>
    tpu.vector_store %arg17[%swap3A_1096, %swap3A_1097], %swap3A_1100 {strides = array<i32>} : memref<16x128xf32, #tpu.memory_space<vmem>>, vector<1x16xf32>,
    %broadcast_in_dim3A_1101 = arith.constant 0.000000e+00 : f32
    %broadcast_in_dim3A_1102 = vector.broadcast %broadcast_in_dim3A_1101 : f32 to vector<16xf32>
    %swap3A_1103 = arith.constant 15 : i32
    %swap3A_1104 = arith.index_cast %swap3A_1103 : i32 to index
    %swap3A_1105 = arith.constant 80 : index
    %swap3A_1106 = tpu.vector_load %arg17[%swap3A_1104, %swap3A_1105] {strides = array<i32>} : memref<16x128xf32, #tpu.memory_space<vmem>>, vector<1x16xf32>,
    %swap3A_1107 = vector.shape_cast %swap3A_1106 : vector<1x16xf32> to vector<16xf32>
    %swap3A_1108 = vector.shape_cast %broadcast_in_dim3A_1102 : vector<16xf32> to vector<1x16xf32>
    tpu.vector_store %arg17[%swap3A_1104, %swap3A_1105], %swap3A_1108 {strides = array<i32>} : memref<16x128xf32, #tpu.memory_space<vmem>>, vector<1x16xf32>,
    %broadcast_in_dim3A_1109 = arith.constant 0.000000e+00 : f32
    %broadcast_in_dim3A_1110 = vector.broadcast %broadcast_in_dim3A_1109 : f32 to vector<16xf32>
    %swap3A_1111 = arith.constant 15 : i32
    %swap3A_1112 = arith.index_cast %swap3A_1111 : i32 to index
    %swap3A_1113 = arith.constant 96 : index
    %swap3A_1114 = tpu.vector_load %arg17[%swap3A_1112, %swap3A_1113] {strides = array<i32>} : memref<16x128xf32, #tpu.memory_space<vmem>>, vector<1x16xf32>,
    %swap3A_1115 = vector.shape_cast %swap3A_1114 : vector<1x16xf32> to vector<16xf32>
    %swap3A_1116 = vector.shape_cast %broadcast_in_dim3A_1110 : vector<16xf32> to vector<1x16xf32>
    tpu.vector_store %arg17[%swap3A_1112, %swap3A_1113], %swap3A_1116 {strides = array<i32>} : memref<16x128xf32, #tpu.memory_space<vmem>>, vector<1x16xf32>,
    %broadcast_in_dim3A_1117 = arith.constant 0.000000e+00 : f32
    %broadcast_in_dim3A_1118 = vector.broadcast %broadcast_in_dim3A_1117 : f32 to vector<16xf32>
    %swap3A_1119 = arith.constant 15 : i32
    %swap3A_1120 = arith.index_cast %swap3A_1119 : i32 to index
    %swap3A_1121 = arith.constant 112 : index
    %swap3A_1122 = tpu.vector_load %arg17[%swap3A_1120, %swap3A_1121] {strides = array<i32>} : memref<16x128xf32, #tpu.memory_space<vmem>>, vector<1x16xf32>,
    %swap3A_1123 = vector.shape_cast %swap3A_1122 : vector<1x16xf32> to vector<16xf32>
    %swap3A_1124 = vector.shape_cast %broadcast_in_dim3A_1118 : vector<16xf32> to vector<1x16xf32>
    tpu.vector_store %arg17[%swap3A_1120, %swap3A_1121], %swap3A_1124 {strides = array<i32>} : memref<16x128xf32, #tpu.memory_space<vmem>>, vector<1x16xf32>,
    %mul3A_1125 = arith.constant 144 : i32
    %mul3A_1126 = arith.muli %arg1, %mul3A_1125 : i32
    "tpu.region"() ({
      %run_scoped3A_2595 = tpu.sem_alloc : memref<!tpu.dma_semaphore, #tpu.memory_space<semaphore_mem>>
      %dma_start3A_2596 = tpu.memref_slice %arg18[%mul3A_1126] : memref<2304xf32, #tpu.memory_space<vmem_shared>> -> memref<144xf32, #tpu.memory_space<vmem_shared>>
      %dma_start3A_2597 = tpu.memref_slice %arg18[%mul3A_1126] : memref<2304xf32, #tpu.memory_space<vmem_shared>> -> memref<144xf32, #tpu.memory_space<vmem_shared>>
      tpu.enqueue_dma source(%arg13 : memref<144xf32, #tpu.memory_space<vmem>>) target(%dma_start3A_2597 : memref<144xf32, #tpu.memory_space<vmem_shared>>) target_semaphore(%run_scoped3A_2595 : memref<!tpu.dma_semaphore, #tpu.memory_space<semaphore_mem>>)
      %dma_wait3A_2598 = tpu.memref_slice %arg18[%mul3A_1126] : memref<2304xf32, #tpu.memory_space<vmem_shared>> -> memref<144xf32, #tpu.memory_space<vmem_shared>>
      %dma_wait3A_2599 = tpu.memref_slice %arg18[%mul3A_1126] : memref<2304xf32, #tpu.memory_space<vmem_shared>> -> memref<144xf32, #tpu.memory_space<vmem_shared>>
      tpu.wait_dma2 semaphore(%run_scoped3A_2595 : memref<!tpu.dma_semaphore, #tpu.memory_space<semaphore_mem>>) src(%arg13 : memref<144xf32, #tpu.memory_space<vmem>>) dst(%dma_wait3A_2599 : memref<144xf32, #tpu.memory_space<vmem_shared>>)
      tpu.yield
    }) : () -> ()
    %mul3A_1127 = arith.constant 144 : i32
    %mul3A_1128 = arith.muli %arg1, %mul3A_1127 : i32
    "tpu.region"() ({
      %run_scoped3A_2595 = tpu.sem_alloc : memref<!tpu.dma_semaphore, #tpu.memory_space<semaphore_mem>>
      %dma_start3A_2596 = tpu.memref_slice %arg19[%mul3A_1128] : memref<2304xf32, #tpu.memory_space<vmem_shared>> -> memref<144xf32, #tpu.memory_space<vmem_shared>>
      %dma_start3A_2597 = tpu.memref_slice %arg19[%mul3A_1128] : memref<2304xf32, #tpu.memory_space<vmem_shared>> -> memref<144xf32, #tpu.memory_space<vmem_shared>>
      tpu.enqueue_dma source(%arg13 : memref<144xf32, #tpu.memory_space<vmem>>) target(%dma_start3A_2597 : memref<144xf32, #tpu.memory_space<vmem_shared>>) target_semaphore(%run_scoped3A_2595 : memref<!tpu.dma_semaphore, #tpu.memory_space<semaphore_mem>>)
      %dma_wait3A_2598 = tpu.memref_slice %arg19[%mul3A_1128] : memref<2304xf32, #tpu.memory_space<vmem_shared>> -> memref<144xf32, #tpu.memory_space<vmem_shared>>
      %dma_wait3A_2599 = tpu.memref_slice %arg19[%mul3A_1128] : memref<2304xf32, #tpu.memory_space<vmem_shared>> -> memref<144xf32, #tpu.memory_space<vmem_shared>>
      tpu.wait_dma2 semaphore(%run_scoped3A_2595 : memref<!tpu.dma_semaphore, #tpu.memory_space<semaphore_mem>>) src(%arg13 : memref<144xf32, #tpu.memory_space<vmem>>) dst(%dma_wait3A_2599 : memref<144xf32, #tpu.memory_space<vmem_shared>>)
      tpu.yield
    }) : () -> ()
    %mul3A_1129 = arith.constant 16 : i32
    %mul3A_1130 = arith.muli %arg1, %mul3A_1129 : i32
    %run_scoped3A = arith.constant 0 : i32
    "tpu.region"() ({
      %run_scoped3A_2595 = tpu.sem_alloc : memref<!tpu.dma_semaphore, #tpu.memory_space<semaphore_mem>>
      %dma_start3A_2596 = arith.constant 0 : i32
      %dma_start3A_2597 = arith.constant 0 : i32
      %dma_start3A_2598 = tpu.memref_slice %arg7[%dma_start3A_2596, %dma_start3A_2597] : memref<17x128xi32, #tpu.memory_space<vmem>> -> memref<16x128xi32, #tpu.memory_space<vmem>>
      %dma_start3A_2599 = arith.constant 0 : i32
      %dma_start3A_2600 = tpu.memref_slice %arg3[%run_scoped3A, %mul3A_1130, %dma_start3A_2599] : memref<2x256x128xi32, #tpu.memory_space<hbm>> -> memref<1x16x128xi32, #tpu.memory_space<hbm>>
      %dma_start3A_2601 = tpu.memref_squeeze %dma_start3A_2600 : memref<1x16x128xi32, #tpu.memory_space<hbm>> -> memref<16x128xi32, #tpu.memory_space<hbm>>
      %dma_start3A_2602 = arith.constant 0 : i32
      %dma_start3A_2603 = arith.constant 0 : i32
      %dma_start3A_2604 = tpu.memref_slice %arg7[%dma_start3A_2602, %dma_start3A_2603] : memref<17x128xi32, #tpu.memory_space<vmem>> -> memref<16x128xi32, #tpu.memory_space<vmem>>
      %dma_start3A_2605 = arith.constant 0 : i32
      %dma_start3A_2606 = tpu.memref_slice %arg3[%run_scoped3A, %mul3A_1130, %dma_start3A_2605] : memref<2x256x128xi32, #tpu.memory_space<hbm>> -> memref<1x16x128xi32, #tpu.memory_space<hbm>>
      %dma_start3A_2607 = tpu.memref_squeeze %dma_start3A_2606 : memref<1x16x128xi32, #tpu.memory_space<hbm>> -> memref<16x128xi32, #tpu.memory_space<hbm>>
      tpu.enqueue_dma source(%dma_start3A_2607 : memref<16x128xi32, #tpu.memory_space<hbm>>) target(%dma_start3A_2604 : memref<16x128xi32, #tpu.memory_space<vmem>>) target_semaphore(%run_scoped3A_2595 : memref<!tpu.dma_semaphore, #tpu.memory_space<semaphore_mem>>)
      %dma_wait3A_2608 = arith.constant 0 : i32
      %dma_wait3A_2609 = arith.constant 0 : i32
      %dma_wait3A_2610 = tpu.memref_slice %arg7[%dma_wait3A_2608, %dma_wait3A_2609] : memref<17x128xi32, #tpu.memory_space<vmem>> -> memref<16x128xi32, #tpu.memory_space<vmem>>
      %dma_wait3A_2611 = arith.constant 0 : i32
      %dma_wait3A_2612 = tpu.memref_slice %arg3[%run_scoped3A, %mul3A_1130, %dma_wait3A_2611] : memref<2x256x128xi32, #tpu.memory_space<hbm>> -> memref<1x16x128xi32, #tpu.memory_space<hbm>>
      %dma_wait3A_2613 = tpu.memref_squeeze %dma_wait3A_2612 : memref<1x16x128xi32, #tpu.memory_space<hbm>> -> memref<16x128xi32, #tpu.memory_space<hbm>>
      %dma_wait3A_2614 = arith.constant 0 : i32
      %dma_wait3A_2615 = arith.constant 0 : i32
      %dma_wait3A_2616 = tpu.memref_slice %arg7[%dma_wait3A_2614, %dma_wait3A_2615] : memref<17x128xi32, #tpu.memory_space<vmem>> -> memref<16x128xi32, #tpu.memory_space<vmem>>
      %dma_wait3A_2617 = arith.constant 0 : i32
      %dma_wait3A_2618 = tpu.memref_slice %arg3[%run_scoped3A, %mul3A_1130, %dma_wait3A_2617] : memref<2x256x128xi32, #tpu.memory_space<hbm>> -> memref<1x16x128xi32, #tpu.memory_space<hbm>>
      %dma_wait3A_2619 = tpu.memref_squeeze %dma_wait3A_2618 : memref<1x16x128xi32, #tpu.memory_space<hbm>> -> memref<16x128xi32, #tpu.memory_space<hbm>>
      tpu.wait_dma2 semaphore(%run_scoped3A_2595 : memref<!tpu.dma_semaphore, #tpu.memory_space<semaphore_mem>>) src(%dma_wait3A_2619 : memref<16x128xi32, #tpu.memory_space<hbm>>) dst(%dma_wait3A_2616 : memref<16x128xi32, #tpu.memory_space<vmem>>)
      tpu.yield
    }) : () -> ()
    %mul3A_1131 = arith.constant 128 : i32
    %mul3A_1132 = arith.muli %arg1, %mul3A_1131 : i32
    %add3A_1133 = arith.constant 0 : i32
    %add3A_1134 = arith.addi %mul3A_1132, %add3A_1133 : i32
    %add3A_1135 = vector.broadcast %add3A_1134 : i32 to vector<16xi32>
    %add3A_1136 = arith.addi %add3A_1135, %iota3A : vector<16xi32>
    %swap3A_1137 = arith.constant 16 : i32
    %swap3A_1138 = arith.index_cast %swap3A_1137 : i32 to index
    %swap3A_1139 = arith.constant 0 : index
    %swap3A_1140 = tpu.vector_load %arg7[%swap3A_1138, %swap3A_1139] {strides = array<i32>} : memref<17x128xi32, #tpu.memory_space<vmem>>, vector<1x16xi32>,
    %swap3A_1141 = vector.shape_cast %swap3A_1140 : vector<1x16xi32> to vector<16xi32>
    %swap3A_1142 = vector.shape_cast %add3A_1136 : vector<16xi32> to vector<1x16xi32>
    tpu.vector_store %arg7[%swap3A_1138, %swap3A_1139], %swap3A_1142 {strides = array<i32>} : memref<17x128xi32, #tpu.memory_space<vmem>>, vector<1x16xi32>,
    %mul3A_1143 = arith.constant 128 : i32
    %mul3A_1144 = arith.muli %arg1, %mul3A_1143 : i32
    %add3A_1145 = arith.constant 16 : i32
    %add3A_1146 = arith.addi %mul3A_1144, %add3A_1145 : i32
    %add3A_1147 = vector.broadcast %add3A_1146 : i32 to vector<16xi32>
    %add3A_1148 = arith.addi %add3A_1147, %iota3A : vector<16xi32>
    %swap3A_1149 = arith.constant 16 : i32
    %swap3A_1150 = arith.index_cast %swap3A_1149 : i32 to index
    %swap3A_1151 = arith.constant 16 : index
    %swap3A_1152 = tpu.vector_load %arg7[%swap3A_1150, %swap3A_1151] {strides = array<i32>} : memref<17x128xi32, #tpu.memory_space<vmem>>, vector<1x16xi32>,
    %swap3A_1153 = vector.shape_cast %swap3A_1152 : vector<1x16xi32> to vector<16xi32>
    %swap3A_1154 = vector.shape_cast %add3A_1148 : vector<16xi32> to vector<1x16xi32>
    tpu.vector_store %arg7[%swap3A_1150, %swap3A_1151], %swap3A_1154 {strides = array<i32>} : memref<17x128xi32, #tpu.memory_space<vmem>>, vector<1x16xi32>,
    %mul3A_1155 = arith.constant 128 : i32
    %mul3A_1156 = arith.muli %arg1, %mul3A_1155 : i32
    %add3A_1157 = arith.constant 32 : i32
    %add3A_1158 = arith.addi %mul3A_1156, %add3A_1157 : i32
    %add3A_1159 = vector.broadcast %add3A_1158 : i32 to vector<16xi32>
    %add3A_1160 = arith.addi %add3A_1159, %iota3A : vector<16xi32>
    %swap3A_1161 = arith.constant 16 : i32
    %swap3A_1162 = arith.index_cast %swap3A_1161 : i32 to index
    %swap3A_1163 = arith.constant 32 : index
    %swap3A_1164 = tpu.vector_load %arg7[%swap3A_1162, %swap3A_1163] {strides = array<i32>} : memref<17x128xi32, #tpu.memory_space<vmem>>, vector<1x16xi32>,
    %swap3A_1165 = vector.shape_cast %swap3A_1164 : vector<1x16xi32> to vector<16xi32>
    %swap3A_1166 = vector.shape_cast %add3A_1160 : vector<16xi32> to vector<1x16xi32>
    tpu.vector_store %arg7[%swap3A_1162, %swap3A_1163], %swap3A_1166 {strides = array<i32>} : memref<17x128xi32, #tpu.memory_space<vmem>>, vector<1x16xi32>,
    %mul3A_1167 = arith.constant 128 : i32
    %mul3A_1168 = arith.muli %arg1, %mul3A_1167 : i32
    %add3A_1169 = arith.constant 48 : i32
    %add3A_1170 = arith.addi %mul3A_1168, %add3A_1169 : i32
    %add3A_1171 = vector.broadcast %add3A_1170 : i32 to vector<16xi32>
    %add3A_1172 = arith.addi %add3A_1171, %iota3A : vector<16xi32>
    %swap3A_1173 = arith.constant 16 : i32
    %swap3A_1174 = arith.index_cast %swap3A_1173 : i32 to index
    %swap3A_1175 = arith.constant 48 : index
    %swap3A_1176 = tpu.vector_load %arg7[%swap3A_1174, %swap3A_1175] {strides = array<i32>} : memref<17x128xi32, #tpu.memory_space<vmem>>, vector<1x16xi32>,
    %swap3A_1177 = vector.shape_cast %swap3A_1176 : vector<1x16xi32> to vector<16xi32>
    %swap3A_1178 = vector.shape_cast %add3A_1172 : vector<16xi32> to vector<1x16xi32>
    tpu.vector_store %arg7[%swap3A_1174, %swap3A_1175], %swap3A_1178 {strides = array<i32>} : memref<17x128xi32, #tpu.memory_space<vmem>>, vector<1x16xi32>,
    %mul3A_1179 = arith.constant 128 : i32
    %mul3A_1180 = arith.muli %arg1, %mul3A_1179 : i32
    %add3A_1181 = arith.constant 64 : i32
    %add3A_1182 = arith.addi %mul3A_1180, %add3A_1181 : i32
    %add3A_1183 = vector.broadcast %add3A_1182 : i32 to vector<16xi32>
    %add3A_1184 = arith.addi %add3A_1183, %iota3A : vector<16xi32>
    %swap3A_1185 = arith.constant 16 : i32
    %swap3A_1186 = arith.index_cast %swap3A_1185 : i32 to index
    %swap3A_1187 = arith.constant 64 : index
    %swap3A_1188 = tpu.vector_load %arg7[%swap3A_1186, %swap3A_1187] {strides = array<i32>} : memref<17x128xi32, #tpu.memory_space<vmem>>, vector<1x16xi32>,
    %swap3A_1189 = vector.shape_cast %swap3A_1188 : vector<1x16xi32> to vector<16xi32>
    %swap3A_1190 = vector.shape_cast %add3A_1184 : vector<16xi32> to vector<1x16xi32>
    tpu.vector_store %arg7[%swap3A_1186, %swap3A_1187], %swap3A_1190 {strides = array<i32>} : memref<17x128xi32, #tpu.memory_space<vmem>>, vector<1x16xi32>,
    %mul3A_1191 = arith.constant 128 : i32
    %mul3A_1192 = arith.muli %arg1, %mul3A_1191 : i32
    %add3A_1193 = arith.constant 80 : i32
    %add3A_1194 = arith.addi %mul3A_1192, %add3A_1193 : i32
    %add3A_1195 = vector.broadcast %add3A_1194 : i32 to vector<16xi32>
    %add3A_1196 = arith.addi %add3A_1195, %iota3A : vector<16xi32>
    %swap3A_1197 = arith.constant 16 : i32
    %swap3A_1198 = arith.index_cast %swap3A_1197 : i32 to index
    %swap3A_1199 = arith.constant 80 : index
    %swap3A_1200 = tpu.vector_load %arg7[%swap3A_1198, %swap3A_1199] {strides = array<i32>} : memref<17x128xi32, #tpu.memory_space<vmem>>, vector<1x16xi32>,
    %swap3A_1201 = vector.shape_cast %swap3A_1200 : vector<1x16xi32> to vector<16xi32>
    %swap3A_1202 = vector.shape_cast %add3A_1196 : vector<16xi32> to vector<1x16xi32>
    tpu.vector_store %arg7[%swap3A_1198, %swap3A_1199], %swap3A_1202 {strides = array<i32>} : memref<17x128xi32, #tpu.memory_space<vmem>>, vector<1x16xi32>,
    %mul3A_1203 = arith.constant 128 : i32
    %mul3A_1204 = arith.muli %arg1, %mul3A_1203 : i32
    %add3A_1205 = arith.constant 96 : i32
    %add3A_1206 = arith.addi %mul3A_1204, %add3A_1205 : i32
    %add3A_1207 = vector.broadcast %add3A_1206 : i32 to vector<16xi32>
    %add3A_1208 = arith.addi %add3A_1207, %iota3A : vector<16xi32>
    %swap3A_1209 = arith.constant 16 : i32
    %swap3A_1210 = arith.index_cast %swap3A_1209 : i32 to index
    %swap3A_1211 = arith.constant 96 : index
    %swap3A_1212 = tpu.vector_load %arg7[%swap3A_1210, %swap3A_1211] {strides = array<i32>} : memref<17x128xi32, #tpu.memory_space<vmem>>, vector<1x16xi32>,
    %swap3A_1213 = vector.shape_cast %swap3A_1212 : vector<1x16xi32> to vector<16xi32>
    %swap3A_1214 = vector.shape_cast %add3A_1208 : vector<16xi32> to vector<1x16xi32>
    tpu.vector_store %arg7[%swap3A_1210, %swap3A_1211], %swap3A_1214 {strides = array<i32>} : memref<17x128xi32, #tpu.memory_space<vmem>>, vector<1x16xi32>,
    %mul3A_1215 = arith.constant 128 : i32
    %mul3A_1216 = arith.muli %arg1, %mul3A_1215 : i32
    %add3A_1217 = arith.constant 112 : i32
    %add3A_1218 = arith.addi %mul3A_1216, %add3A_1217 : i32
    %add3A_1219 = vector.broadcast %add3A_1218 : i32 to vector<16xi32>
    %add3A_1220 = arith.addi %add3A_1219, %iota3A : vector<16xi32>
    %swap3A_1221 = arith.constant 16 : i32
    %swap3A_1222 = arith.index_cast %swap3A_1221 : i32 to index
    %swap3A_1223 = arith.constant 112 : index
    %swap3A_1224 = tpu.vector_load %arg7[%swap3A_1222, %swap3A_1223] {strides = array<i32>} : memref<17x128xi32, #tpu.memory_space<vmem>>, vector<1x16xi32>,
    %swap3A_1225 = vector.shape_cast %swap3A_1224 : vector<1x16xi32> to vector<16xi32>
    %swap3A_1226 = vector.shape_cast %add3A_1220 : vector<16xi32> to vector<1x16xi32>
    tpu.vector_store %arg7[%swap3A_1222, %swap3A_1223], %swap3A_1226 {strides = array<i32>} : memref<17x128xi32, #tpu.memory_space<vmem>>, vector<1x16xi32>,
    %mul3A_1227 = arith.constant 8 : i32
    %mul3A_1228 = arith.muli %add3A, %mul3A_1227 : i32
    %run_scoped3A_1229 = arith.constant 1 : i32
    "tpu.region"() ({
      %run_scoped3A_2595 = tpu.sem_alloc : memref<!tpu.dma_semaphore, #tpu.memory_space<semaphore_mem>>
      %dma_start3A_2596 = arith.constant 0 : i32
      %dma_start3A_2597 = arith.constant 0 : i32
      %dma_start3A_2598 = tpu.memref_slice %arg8[%dma_start3A_2596, %dma_start3A_2597] : memref<9x128xi32, #tpu.memory_space<vmem>> -> memref<8x128xi32, #tpu.memory_space<vmem>>
      %dma_start3A_2599 = arith.constant 0 : i32
      %dma_start3A_2600 = tpu.memref_slice %arg3[%run_scoped3A_1229, %mul3A_1228, %dma_start3A_2599] : memref<2x256x128xi32, #tpu.memory_space<hbm>> -> memref<1x8x128xi32, #tpu.memory_space<hbm>>
      %dma_start3A_2601 = tpu.memref_squeeze %dma_start3A_2600 : memref<1x8x128xi32, #tpu.memory_space<hbm>> -> memref<8x128xi32, #tpu.memory_space<hbm>>
      %dma_start3A_2602 = arith.constant 0 : i32
      %dma_start3A_2603 = arith.constant 0 : i32
      %dma_start3A_2604 = tpu.memref_slice %arg8[%dma_start3A_2602, %dma_start3A_2603] : memref<9x128xi32, #tpu.memory_space<vmem>> -> memref<8x128xi32, #tpu.memory_space<vmem>>
      %dma_start3A_2605 = arith.constant 0 : i32
      %dma_start3A_2606 = tpu.memref_slice %arg3[%run_scoped3A_1229, %mul3A_1228, %dma_start3A_2605] : memref<2x256x128xi32, #tpu.memory_space<hbm>> -> memref<1x8x128xi32, #tpu.memory_space<hbm>>
      %dma_start3A_2607 = tpu.memref_squeeze %dma_start3A_2606 : memref<1x8x128xi32, #tpu.memory_space<hbm>> -> memref<8x128xi32, #tpu.memory_space<hbm>>
      tpu.enqueue_dma source(%dma_start3A_2607 : memref<8x128xi32, #tpu.memory_space<hbm>>) target(%dma_start3A_2604 : memref<8x128xi32, #tpu.memory_space<vmem>>) target_semaphore(%run_scoped3A_2595 : memref<!tpu.dma_semaphore, #tpu.memory_space<semaphore_mem>>)
      %dma_wait3A_2608 = arith.constant 0 : i32
      %dma_wait3A_2609 = arith.constant 0 : i32
      %dma_wait3A_2610 = tpu.memref_slice %arg8[%dma_wait3A_2608, %dma_wait3A_2609] : memref<9x128xi32, #tpu.memory_space<vmem>> -> memref<8x128xi32, #tpu.memory_space<vmem>>
      %dma_wait3A_2611 = arith.constant 0 : i32
      %dma_wait3A_2612 = tpu.memref_slice %arg3[%run_scoped3A_1229, %mul3A_1228, %dma_wait3A_2611] : memref<2x256x128xi32, #tpu.memory_space<hbm>> -> memref<1x8x128xi32, #tpu.memory_space<hbm>>
      %dma_wait3A_2613 = tpu.memref_squeeze %dma_wait3A_2612 : memref<1x8x128xi32, #tpu.memory_space<hbm>> -> memref<8x128xi32, #tpu.memory_space<hbm>>
      %dma_wait3A_2614 = arith.constant 0 : i32
      %dma_wait3A_2615 = arith.constant 0 : i32
      %dma_wait3A_2616 = tpu.memref_slice %arg8[%dma_wait3A_2614, %dma_wait3A_2615] : memref<9x128xi32, #tpu.memory_space<vmem>> -> memref<8x128xi32, #tpu.memory_space<vmem>>
      %dma_wait3A_2617 = arith.constant 0 : i32
      %dma_wait3A_2618 = tpu.memref_slice %arg3[%run_scoped3A_1229, %mul3A_1228, %dma_wait3A_2617] : memref<2x256x128xi32, #tpu.memory_space<hbm>> -> memref<1x8x128xi32, #tpu.memory_space<hbm>>
      %dma_wait3A_2619 = tpu.memref_squeeze %dma_wait3A_2618 : memref<1x8x128xi32, #tpu.memory_space<hbm>> -> memref<8x128xi32, #tpu.memory_space<hbm>>
      tpu.wait_dma2 semaphore(%run_scoped3A_2595 : memref<!tpu.dma_semaphore, #tpu.memory_space<semaphore_mem>>) src(%dma_wait3A_2619 : memref<8x128xi32, #tpu.memory_space<hbm>>) dst(%dma_wait3A_2616 : memref<8x128xi32, #tpu.memory_space<vmem>>)
      tpu.yield
    }) : () -> ()
    %mul3A_1230 = arith.constant 8 : i32
    %mul3A_1231 = arith.muli %add3A, %mul3A_1230 : i32
    %run_scoped3A_1232 = arith.constant 0 : i32
    "tpu.region"() ({
      %run_scoped3A_2595 = tpu.sem_alloc : memref<!tpu.dma_semaphore, #tpu.memory_space<semaphore_mem>>
      %dma_start3A_2596 = arith.constant 0 : i32
      %dma_start3A_2597 = arith.constant 0 : i32
      %dma_start3A_2598 = tpu.memref_slice %arg9[%dma_start3A_2596, %dma_start3A_2597] : memref<9x128xi32, #tpu.memory_space<vmem>> -> memref<8x128xi32, #tpu.memory_space<vmem>>
      %dma_start3A_2599 = arith.constant 0 : i32
      %dma_start3A_2600 = tpu.memref_slice %arg3[%run_scoped3A_1232, %mul3A_1231, %dma_start3A_2599] : memref<2x256x128xi32, #tpu.memory_space<hbm>> -> memref<1x8x128xi32, #tpu.memory_space<hbm>>
      %dma_start3A_2601 = tpu.memref_squeeze %dma_start3A_2600 : memref<1x8x128xi32, #tpu.memory_space<hbm>> -> memref<8x128xi32, #tpu.memory_space<hbm>>
      %dma_start3A_2602 = arith.constant 0 : i32
      %dma_start3A_2603 = arith.constant 0 : i32
      %dma_start3A_2604 = tpu.memref_slice %arg9[%dma_start3A_2602, %dma_start3A_2603] : memref<9x128xi32, #tpu.memory_space<vmem>> -> memref<8x128xi32, #tpu.memory_space<vmem>>
      %dma_start3A_2605 = arith.constant 0 : i32
      %dma_start3A_2606 = tpu.memref_slice %arg3[%run_scoped3A_1232, %mul3A_1231, %dma_start3A_2605] : memref<2x256x128xi32, #tpu.memory_space<hbm>> -> memref<1x8x128xi32, #tpu.memory_space<hbm>>
      %dma_start3A_2607 = tpu.memref_squeeze %dma_start3A_2606 : memref<1x8x128xi32, #tpu.memory_space<hbm>> -> memref<8x128xi32, #tpu.memory_space<hbm>>
      tpu.enqueue_dma source(%dma_start3A_2607 : memref<8x128xi32, #tpu.memory_space<hbm>>) target(%dma_start3A_2604 : memref<8x128xi32, #tpu.memory_space<vmem>>) target_semaphore(%run_scoped3A_2595 : memref<!tpu.dma_semaphore, #tpu.memory_space<semaphore_mem>>)
      %dma_wait3A_2608 = arith.constant 0 : i32
      %dma_wait3A_2609 = arith.constant 0 : i32
      %dma_wait3A_2610 = tpu.memref_slice %arg9[%dma_wait3A_2608, %dma_wait3A_2609] : memref<9x128xi32, #tpu.memory_space<vmem>> -> memref<8x128xi32, #tpu.memory_space<vmem>>
      %dma_wait3A_2611 = arith.constant 0 : i32
      %dma_wait3A_2612 = tpu.memref_slice %arg3[%run_scoped3A_1232, %mul3A_1231, %dma_wait3A_2611] : memref<2x256x128xi32, #tpu.memory_space<hbm>> -> memref<1x8x128xi32, #tpu.memory_space<hbm>>
      %dma_wait3A_2613 = tpu.memref_squeeze %dma_wait3A_2612 : memref<1x8x128xi32, #tpu.memory_space<hbm>> -> memref<8x128xi32, #tpu.memory_space<hbm>>
      %dma_wait3A_2614 = arith.constant 0 : i32
      %dma_wait3A_2615 = arith.constant 0 : i32
      %dma_wait3A_2616 = tpu.memref_slice %arg9[%dma_wait3A_2614, %dma_wait3A_2615] : memref<9x128xi32, #tpu.memory_space<vmem>> -> memref<8x128xi32, #tpu.memory_space<vmem>>
      %dma_wait3A_2617 = arith.constant 0 : i32
      %dma_wait3A_2618 = tpu.memref_slice %arg3[%run_scoped3A_1232, %mul3A_1231, %dma_wait3A_2617] : memref<2x256x128xi32, #tpu.memory_space<hbm>> -> memref<1x8x128xi32, #tpu.memory_space<hbm>>
      %dma_wait3A_2619 = tpu.memref_squeeze %dma_wait3A_2618 : memref<1x8x128xi32, #tpu.memory_space<hbm>> -> memref<8x128xi32, #tpu.memory_space<hbm>>
      tpu.wait_dma2 semaphore(%run_scoped3A_2595 : memref<!tpu.dma_semaphore, #tpu.memory_space<semaphore_mem>>) src(%dma_wait3A_2619 : memref<8x128xi32, #tpu.memory_space<hbm>>) dst(%dma_wait3A_2616 : memref<8x128xi32, #tpu.memory_space<vmem>>)
      tpu.yield
    }) : () -> ()
    %iota3A_1233 = tpu.iota {dimensions = array<i32: 0>} : vector<16xi32>
    %mul3A_1234 = arith.constant 64 : i32
    %mul3A_1235 = arith.muli %add3A, %mul3A_1234 : i32
    %add3A_1236 = arith.constant 0 : i32
    %add3A_1237 = arith.addi %mul3A_1235, %add3A_1236 : i32
    %add3A_1238 = vector.broadcast %add3A_1237 : i32 to vector<16xi32>
    %add3A_1239 = arith.addi %add3A_1238, %iota3A_1233 : vector<16xi32>
    %swap3A_1240 = arith.constant 8 : i32
    %swap3A_1241 = arith.index_cast %swap3A_1240 : i32 to index
    %swap3A_1242 = arith.constant 0 : index
    %swap3A_1243 = tpu.vector_load %arg8[%swap3A_1241, %swap3A_1242] {strides = array<i32>} : memref<9x128xi32, #tpu.memory_space<vmem>>, vector<1x16xi32>,
    %swap3A_1244 = vector.shape_cast %swap3A_1243 : vector<1x16xi32> to vector<16xi32>
    %swap3A_1245 = vector.shape_cast %add3A_1239 : vector<16xi32> to vector<1x16xi32>
    tpu.vector_store %arg8[%swap3A_1241, %swap3A_1242], %swap3A_1245 {strides = array<i32>} : memref<9x128xi32, #tpu.memory_space<vmem>>, vector<1x16xi32>,
    %add3A_1246 = arith.constant 16 : i32
    %add3A_1247 = arith.addi %mul3A_1235, %add3A_1246 : i32
    %add3A_1248 = vector.broadcast %add3A_1247 : i32 to vector<16xi32>
    %add3A_1249 = arith.addi %add3A_1248, %iota3A_1233 : vector<16xi32>
    %swap3A_1250 = arith.constant 8 : i32
    %swap3A_1251 = arith.index_cast %swap3A_1250 : i32 to index
    %swap3A_1252 = arith.constant 16 : index
    %swap3A_1253 = tpu.vector_load %arg8[%swap3A_1251, %swap3A_1252] {strides = array<i32>} : memref<9x128xi32, #tpu.memory_space<vmem>>, vector<1x16xi32>,
    %swap3A_1254 = vector.shape_cast %swap3A_1253 : vector<1x16xi32> to vector<16xi32>
    %swap3A_1255 = vector.shape_cast %add3A_1249 : vector<16xi32> to vector<1x16xi32>
    tpu.vector_store %arg8[%swap3A_1251, %swap3A_1252], %swap3A_1255 {strides = array<i32>} : memref<9x128xi32, #tpu.memory_space<vmem>>, vector<1x16xi32>,
    %add3A_1256 = arith.constant 32 : i32
    %add3A_1257 = arith.addi %mul3A_1235, %add3A_1256 : i32
    %add3A_1258 = vector.broadcast %add3A_1257 : i32 to vector<16xi32>
    %add3A_1259 = arith.addi %add3A_1258, %iota3A_1233 : vector<16xi32>
    %swap3A_1260 = arith.constant 8 : i32
    %swap3A_1261 = arith.index_cast %swap3A_1260 : i32 to index
    %swap3A_1262 = arith.constant 32 : index
    %swap3A_1263 = tpu.vector_load %arg8[%swap3A_1261, %swap3A_1262] {strides = array<i32>} : memref<9x128xi32, #tpu.memory_space<vmem>>, vector<1x16xi32>,
    %swap3A_1264 = vector.shape_cast %swap3A_1263 : vector<1x16xi32> to vector<16xi32>
    %swap3A_1265 = vector.shape_cast %add3A_1259 : vector<16xi32> to vector<1x16xi32>
    tpu.vector_store %arg8[%swap3A_1261, %swap3A_1262], %swap3A_1265 {strides = array<i32>} : memref<9x128xi32, #tpu.memory_space<vmem>>, vector<1x16xi32>,
    %add3A_1266 = arith.constant 48 : i32
    %add3A_1267 = arith.addi %mul3A_1235, %add3A_1266 : i32
    %add3A_1268 = vector.broadcast %add3A_1267 : i32 to vector<16xi32>
    %add3A_1269 = arith.addi %add3A_1268, %iota3A_1233 : vector<16xi32>
    %swap3A_1270 = arith.constant 8 : i32
    %swap3A_1271 = arith.index_cast %swap3A_1270 : i32 to index
    %swap3A_1272 = arith.constant 48 : index
    %swap3A_1273 = tpu.vector_load %arg8[%swap3A_1271, %swap3A_1272] {strides = array<i32>} : memref<9x128xi32, #tpu.memory_space<vmem>>, vector<1x16xi32>,
    %swap3A_1274 = vector.shape_cast %swap3A_1273 : vector<1x16xi32> to vector<16xi32>
    %swap3A_1275 = vector.shape_cast %add3A_1269 : vector<16xi32> to vector<1x16xi32>
    tpu.vector_store %arg8[%swap3A_1271, %swap3A_1272], %swap3A_1275 {strides = array<i32>} : memref<9x128xi32, #tpu.memory_space<vmem>>, vector<1x16xi32>,
    %broadcast_in_dim3A_1276 = arith.constant 0 : i32
    %broadcast_in_dim3A_1277 = vector.broadcast %broadcast_in_dim3A_1276 : i32 to vector<16xi32>
    %swap3A_1278 = arith.constant 8 : i32
    %swap3A_1279 = arith.index_cast %swap3A_1278 : i32 to index
    %swap3A_1280 = arith.constant 64 : index
    %swap3A_1281 = tpu.vector_load %arg8[%swap3A_1279, %swap3A_1280] {strides = array<i32>} : memref<9x128xi32, #tpu.memory_space<vmem>>, vector<1x16xi32>,
    %swap3A_1282 = vector.shape_cast %swap3A_1281 : vector<1x16xi32> to vector<16xi32>
    %swap3A_1283 = vector.shape_cast %broadcast_in_dim3A_1277 : vector<16xi32> to vector<1x16xi32>
    tpu.vector_store %arg8[%swap3A_1279, %swap3A_1280], %swap3A_1283 {strides = array<i32>} : memref<9x128xi32, #tpu.memory_space<vmem>>, vector<1x16xi32>,
    %broadcast_in_dim3A_1284 = arith.constant 0 : i32
    %broadcast_in_dim3A_1285 = vector.broadcast %broadcast_in_dim3A_1284 : i32 to vector<16xi32>
    %swap3A_1286 = arith.constant 8 : i32
    %swap3A_1287 = arith.index_cast %swap3A_1286 : i32 to index
    %swap3A_1288 = arith.constant 80 : index
    %swap3A_1289 = tpu.vector_load %arg8[%swap3A_1287, %swap3A_1288] {strides = array<i32>} : memref<9x128xi32, #tpu.memory_space<vmem>>, vector<1x16xi32>,
    %swap3A_1290 = vector.shape_cast %swap3A_1289 : vector<1x16xi32> to vector<16xi32>
    %swap3A_1291 = vector.shape_cast %broadcast_in_dim3A_1285 : vector<16xi32> to vector<1x16xi32>
    tpu.vector_store %arg8[%swap3A_1287, %swap3A_1288], %swap3A_1291 {strides = array<i32>} : memref<9x128xi32, #tpu.memory_space<vmem>>, vector<1x16xi32>,
    %broadcast_in_dim3A_1292 = arith.constant 0 : i32
    %broadcast_in_dim3A_1293 = vector.broadcast %broadcast_in_dim3A_1292 : i32 to vector<16xi32>
    %swap3A_1294 = arith.constant 8 : i32
    %swap3A_1295 = arith.index_cast %swap3A_1294 : i32 to index
    %swap3A_1296 = arith.constant 96 : index
    %swap3A_1297 = tpu.vector_load %arg8[%swap3A_1295, %swap3A_1296] {strides = array<i32>} : memref<9x128xi32, #tpu.memory_space<vmem>>, vector<1x16xi32>,
    %swap3A_1298 = vector.shape_cast %swap3A_1297 : vector<1x16xi32> to vector<16xi32>
    %swap3A_1299 = vector.shape_cast %broadcast_in_dim3A_1293 : vector<16xi32> to vector<1x16xi32>
    tpu.vector_store %arg8[%swap3A_1295, %swap3A_1296], %swap3A_1299 {strides = array<i32>} : memref<9x128xi32, #tpu.memory_space<vmem>>, vector<1x16xi32>,
    %broadcast_in_dim3A_1300 = arith.constant 0 : i32
    %broadcast_in_dim3A_1301 = vector.broadcast %broadcast_in_dim3A_1300 : i32 to vector<16xi32>
    %swap3A_1302 = arith.constant 8 : i32
    %swap3A_1303 = arith.index_cast %swap3A_1302 : i32 to index
    %swap3A_1304 = arith.constant 112 : index
    %swap3A_1305 = tpu.vector_load %arg8[%swap3A_1303, %swap3A_1304] {strides = array<i32>} : memref<9x128xi32, #tpu.memory_space<vmem>>, vector<1x16xi32>,
    %swap3A_1306 = vector.shape_cast %swap3A_1305 : vector<1x16xi32> to vector<16xi32>
    %swap3A_1307 = vector.shape_cast %broadcast_in_dim3A_1301 : vector<16xi32> to vector<1x16xi32>
    tpu.vector_store %arg8[%swap3A_1303, %swap3A_1304], %swap3A_1307 {strides = array<i32>} : memref<9x128xi32, #tpu.memory_space<vmem>>, vector<1x16xi32>,
    %iota3A_1308 = tpu.iota {dimensions = array<i32: 0>} : vector<16xi32>
    %mul3A_1309 = arith.constant 64 : i32
    %mul3A_1310 = arith.muli %add3A, %mul3A_1309 : i32
    %add3A_1311 = arith.constant 0 : i32
    %add3A_1312 = arith.addi %mul3A_1310, %add3A_1311 : i32
    %add3A_1313 = vector.broadcast %add3A_1312 : i32 to vector<16xi32>
    %add3A_1314 = arith.addi %add3A_1313, %iota3A_1308 : vector<16xi32>
    %swap3A_1315 = arith.constant 8 : i32
    %swap3A_1316 = arith.index_cast %swap3A_1315 : i32 to index
    %swap3A_1317 = arith.constant 0 : index
    %swap3A_1318 = tpu.vector_load %arg9[%swap3A_1316, %swap3A_1317] {strides = array<i32>} : memref<9x128xi32, #tpu.memory_space<vmem>>, vector<1x16xi32>,
    %swap3A_1319 = vector.shape_cast %swap3A_1318 : vector<1x16xi32> to vector<16xi32>
    %swap3A_1320 = vector.shape_cast %add3A_1314 : vector<16xi32> to vector<1x16xi32>
    tpu.vector_store %arg9[%swap3A_1316, %swap3A_1317], %swap3A_1320 {strides = array<i32>} : memref<9x128xi32, #tpu.memory_space<vmem>>, vector<1x16xi32>,
    %add3A_1321 = arith.constant 16 : i32
    %add3A_1322 = arith.addi %mul3A_1310, %add3A_1321 : i32
    %add3A_1323 = vector.broadcast %add3A_1322 : i32 to vector<16xi32>
    %add3A_1324 = arith.addi %add3A_1323, %iota3A_1308 : vector<16xi32>
    %swap3A_1325 = arith.constant 8 : i32
    %swap3A_1326 = arith.index_cast %swap3A_1325 : i32 to index
    %swap3A_1327 = arith.constant 16 : index
    %swap3A_1328 = tpu.vector_load %arg9[%swap3A_1326, %swap3A_1327] {strides = array<i32>} : memref<9x128xi32, #tpu.memory_space<vmem>>, vector<1x16xi32>,
    %swap3A_1329 = vector.shape_cast %swap3A_1328 : vector<1x16xi32> to vector<16xi32>
    %swap3A_1330 = vector.shape_cast %add3A_1324 : vector<16xi32> to vector<1x16xi32>
    tpu.vector_store %arg9[%swap3A_1326, %swap3A_1327], %swap3A_1330 {strides = array<i32>} : memref<9x128xi32, #tpu.memory_space<vmem>>, vector<1x16xi32>,
    %add3A_1331 = arith.constant 32 : i32
    %add3A_1332 = arith.addi %mul3A_1310, %add3A_1331 : i32
    %add3A_1333 = vector.broadcast %add3A_1332 : i32 to vector<16xi32>
    %add3A_1334 = arith.addi %add3A_1333, %iota3A_1308 : vector<16xi32>
    %swap3A_1335 = arith.constant 8 : i32
    %swap3A_1336 = arith.index_cast %swap3A_1335 : i32 to index
    %swap3A_1337 = arith.constant 32 : index
    %swap3A_1338 = tpu.vector_load %arg9[%swap3A_1336, %swap3A_1337] {strides = array<i32>} : memref<9x128xi32, #tpu.memory_space<vmem>>, vector<1x16xi32>,
    %swap3A_1339 = vector.shape_cast %swap3A_1338 : vector<1x16xi32> to vector<16xi32>
    %swap3A_1340 = vector.shape_cast %add3A_1334 : vector<16xi32> to vector<1x16xi32>
    tpu.vector_store %arg9[%swap3A_1336, %swap3A_1337], %swap3A_1340 {strides = array<i32>} : memref<9x128xi32, #tpu.memory_space<vmem>>, vector<1x16xi32>,
    %add3A_1341 = arith.constant 48 : i32
    %add3A_1342 = arith.addi %mul3A_1310, %add3A_1341 : i32
    %add3A_1343 = vector.broadcast %add3A_1342 : i32 to vector<16xi32>
    %add3A_1344 = arith.addi %add3A_1343, %iota3A_1308 : vector<16xi32>
    %swap3A_1345 = arith.constant 8 : i32
    %swap3A_1346 = arith.index_cast %swap3A_1345 : i32 to index
    %swap3A_1347 = arith.constant 48 : index
    %swap3A_1348 = tpu.vector_load %arg9[%swap3A_1346, %swap3A_1347] {strides = array<i32>} : memref<9x128xi32, #tpu.memory_space<vmem>>, vector<1x16xi32>,
    %swap3A_1349 = vector.shape_cast %swap3A_1348 : vector<1x16xi32> to vector<16xi32>
    %swap3A_1350 = vector.shape_cast %add3A_1344 : vector<16xi32> to vector<1x16xi32>
    tpu.vector_store %arg9[%swap3A_1346, %swap3A_1347], %swap3A_1350 {strides = array<i32>} : memref<9x128xi32, #tpu.memory_space<vmem>>, vector<1x16xi32>,
    %broadcast_in_dim3A_1351 = arith.constant 2048 : i32
    %broadcast_in_dim3A_1352 = vector.broadcast %broadcast_in_dim3A_1351 : i32 to vector<16xi32>
    %swap3A_1353 = arith.constant 8 : i32
    %swap3A_1354 = arith.index_cast %swap3A_1353 : i32 to index
    %swap3A_1355 = arith.constant 64 : index
    %swap3A_1356 = tpu.vector_load %arg9[%swap3A_1354, %swap3A_1355] {strides = array<i32>} : memref<9x128xi32, #tpu.memory_space<vmem>>, vector<1x16xi32>,
    %swap3A_1357 = vector.shape_cast %swap3A_1356 : vector<1x16xi32> to vector<16xi32>
    %swap3A_1358 = vector.shape_cast %broadcast_in_dim3A_1352 : vector<16xi32> to vector<1x16xi32>
    tpu.vector_store %arg9[%swap3A_1354, %swap3A_1355], %swap3A_1358 {strides = array<i32>} : memref<9x128xi32, #tpu.memory_space<vmem>>, vector<1x16xi32>,
    %broadcast_in_dim3A_1359 = arith.constant 2048 : i32
    %broadcast_in_dim3A_1360 = vector.broadcast %broadcast_in_dim3A_1359 : i32 to vector<16xi32>
    %swap3A_1361 = arith.constant 8 : i32
    %swap3A_1362 = arith.index_cast %swap3A_1361 : i32 to index
    %swap3A_1363 = arith.constant 80 : index
    %swap3A_1364 = tpu.vector_load %arg9[%swap3A_1362, %swap3A_1363] {strides = array<i32>} : memref<9x128xi32, #tpu.memory_space<vmem>>, vector<1x16xi32>,
    %swap3A_1365 = vector.shape_cast %swap3A_1364 : vector<1x16xi32> to vector<16xi32>
    %swap3A_1366 = vector.shape_cast %broadcast_in_dim3A_1360 : vector<16xi32> to vector<1x16xi32>
    tpu.vector_store %arg9[%swap3A_1362, %swap3A_1363], %swap3A_1366 {strides = array<i32>} : memref<9x128xi32, #tpu.memory_space<vmem>>, vector<1x16xi32>,
    %broadcast_in_dim3A_1367 = arith.constant 2048 : i32
    %broadcast_in_dim3A_1368 = vector.broadcast %broadcast_in_dim3A_1367 : i32 to vector<16xi32>
    %swap3A_1369 = arith.constant 8 : i32
    %swap3A_1370 = arith.index_cast %swap3A_1369 : i32 to index
    %swap3A_1371 = arith.constant 96 : index
    %swap3A_1372 = tpu.vector_load %arg9[%swap3A_1370, %swap3A_1371] {strides = array<i32>} : memref<9x128xi32, #tpu.memory_space<vmem>>, vector<1x16xi32>,
    %swap3A_1373 = vector.shape_cast %swap3A_1372 : vector<1x16xi32> to vector<16xi32>
    %swap3A_1374 = vector.shape_cast %broadcast_in_dim3A_1368 : vector<16xi32> to vector<1x16xi32>
    tpu.vector_store %arg9[%swap3A_1370, %swap3A_1371], %swap3A_1374 {strides = array<i32>} : memref<9x128xi32, #tpu.memory_space<vmem>>, vector<1x16xi32>,
    %broadcast_in_dim3A_1375 = arith.constant 2048 : i32
    %broadcast_in_dim3A_1376 = vector.broadcast %broadcast_in_dim3A_1375 : i32 to vector<16xi32>
    %swap3A_1377 = arith.constant 8 : i32
    %swap3A_1378 = arith.index_cast %swap3A_1377 : i32 to index
    %swap3A_1379 = arith.constant 112 : index
    %swap3A_1380 = tpu.vector_load %arg9[%swap3A_1378, %swap3A_1379] {strides = array<i32>} : memref<9x128xi32, #tpu.memory_space<vmem>>, vector<1x16xi32>,
    %swap3A_1381 = vector.shape_cast %swap3A_1380 : vector<1x16xi32> to vector<16xi32>
    %swap3A_1382 = vector.shape_cast %broadcast_in_dim3A_1376 : vector<16xi32> to vector<1x16xi32>
    tpu.vector_store %arg9[%swap3A_1378, %swap3A_1379], %swap3A_1382 {strides = array<i32>} : memref<9x128xi32, #tpu.memory_space<vmem>>, vector<1x16xi32>,
    %barrier3A = arith.constant 0 : index
    tpu.barrier barrier_id(%barrier3A)
    %dma_start3A = arith.constant 0 : i32
    %dma_start3A_1383 = arith.constant 0 : i32
    %dma_start3A_1384 = tpu.memref_slice %arg7[%dma_start3A, %dma_start3A_1383] : memref<17x128xi32, #tpu.memory_space<vmem>> -> memref<1x128xi32, #tpu.memory_space<vmem>>
    %dma_start3A_1385 = tpu.memref_squeeze %dma_start3A_1384 : memref<1x128xi32, #tpu.memory_space<vmem>> -> memref<128xi32, #tpu.memory_space<vmem>>
    %dma_start3A_1386 = arith.constant 0 : i32
    %dma_start3A_1387 = tpu.memref_slice %arg18[%dma_start3A_1386] : memref<2304xf32, #tpu.memory_space<vmem_shared>> -> memref<2304xf32, #tpu.memory_space<vmem_shared>>
    tpu.enqueue_indirect_dma source(%arg12 : memref<128xf32, #tpu.memory_space<vmem>>) target(%dma_start3A_1387 : memref<2304xf32, #tpu.memory_space<vmem_shared>>) offsets(%dma_start3A_1385 : memref<128xi32, #tpu.memory_space<vmem>>) semaphore(%arg25 : memref<!tpu.dma_semaphore, #tpu.memory_space<semaphore_mem>>) {add = true}
    %dma_start3A_1388 = arith.constant 1 : i32
    %dma_start3A_1389 = arith.constant 0 : i32
    %dma_start3A_1390 = tpu.memref_slice %arg7[%dma_start3A_1388, %dma_start3A_1389] : memref<17x128xi32, #tpu.memory_space<vmem>> -> memref<1x128xi32, #tpu.memory_space<vmem>>
    %dma_start3A_1391 = tpu.memref_squeeze %dma_start3A_1390 : memref<1x128xi32, #tpu.memory_space<vmem>> -> memref<128xi32, #tpu.memory_space<vmem>>
    %dma_start3A_1392 = arith.constant 0 : i32
    %dma_start3A_1393 = tpu.memref_slice %arg18[%dma_start3A_1392] : memref<2304xf32, #tpu.memory_space<vmem_shared>> -> memref<2304xf32, #tpu.memory_space<vmem_shared>>
    tpu.enqueue_indirect_dma source(%arg12 : memref<128xf32, #tpu.memory_space<vmem>>) target(%dma_start3A_1393 : memref<2304xf32, #tpu.memory_space<vmem_shared>>) offsets(%dma_start3A_1391 : memref<128xi32, #tpu.memory_space<vmem>>) semaphore(%arg25 : memref<!tpu.dma_semaphore, #tpu.memory_space<semaphore_mem>>) {add = true}
    %dma_start3A_1394 = arith.constant 2 : i32
    %dma_start3A_1395 = arith.constant 0 : i32
    %dma_start3A_1396 = tpu.memref_slice %arg7[%dma_start3A_1394, %dma_start3A_1395] : memref<17x128xi32, #tpu.memory_space<vmem>> -> memref<1x128xi32, #tpu.memory_space<vmem>>
    %dma_start3A_1397 = tpu.memref_squeeze %dma_start3A_1396 : memref<1x128xi32, #tpu.memory_space<vmem>> -> memref<128xi32, #tpu.memory_space<vmem>>
    %dma_start3A_1398 = arith.constant 0 : i32
    %dma_start3A_1399 = tpu.memref_slice %arg18[%dma_start3A_1398] : memref<2304xf32, #tpu.memory_space<vmem_shared>> -> memref<2304xf32, #tpu.memory_space<vmem_shared>>
    tpu.enqueue_indirect_dma source(%arg12 : memref<128xf32, #tpu.memory_space<vmem>>) target(%dma_start3A_1399 : memref<2304xf32, #tpu.memory_space<vmem_shared>>) offsets(%dma_start3A_1397 : memref<128xi32, #tpu.memory_space<vmem>>) semaphore(%arg25 : memref<!tpu.dma_semaphore, #tpu.memory_space<semaphore_mem>>) {add = true}
    %dma_start3A_1400 = arith.constant 3 : i32
    %dma_start3A_1401 = arith.constant 0 : i32
    %dma_start3A_1402 = tpu.memref_slice %arg7[%dma_start3A_1400, %dma_start3A_1401] : memref<17x128xi32, #tpu.memory_space<vmem>> -> memref<1x128xi32, #tpu.memory_space<vmem>>
    %dma_start3A_1403 = tpu.memref_squeeze %dma_start3A_1402 : memref<1x128xi32, #tpu.memory_space<vmem>> -> memref<128xi32, #tpu.memory_space<vmem>>
    %dma_start3A_1404 = arith.constant 0 : i32
    %dma_start3A_1405 = tpu.memref_slice %arg18[%dma_start3A_1404] : memref<2304xf32, #tpu.memory_space<vmem_shared>> -> memref<2304xf32, #tpu.memory_space<vmem_shared>>
    tpu.enqueue_indirect_dma source(%arg12 : memref<128xf32, #tpu.memory_space<vmem>>) target(%dma_start3A_1405 : memref<2304xf32, #tpu.memory_space<vmem_shared>>) offsets(%dma_start3A_1403 : memref<128xi32, #tpu.memory_space<vmem>>) semaphore(%arg25 : memref<!tpu.dma_semaphore, #tpu.memory_space<semaphore_mem>>) {add = true}
    %dma_start3A_1406 = arith.constant 4 : i32
    %dma_start3A_1407 = arith.constant 0 : i32
    %dma_start3A_1408 = tpu.memref_slice %arg7[%dma_start3A_1406, %dma_start3A_1407] : memref<17x128xi32, #tpu.memory_space<vmem>> -> memref<1x128xi32, #tpu.memory_space<vmem>>
    %dma_start3A_1409 = tpu.memref_squeeze %dma_start3A_1408 : memref<1x128xi32, #tpu.memory_space<vmem>> -> memref<128xi32, #tpu.memory_space<vmem>>
    %dma_start3A_1410 = arith.constant 0 : i32
    %dma_start3A_1411 = tpu.memref_slice %arg18[%dma_start3A_1410] : memref<2304xf32, #tpu.memory_space<vmem_shared>> -> memref<2304xf32, #tpu.memory_space<vmem_shared>>
    tpu.enqueue_indirect_dma source(%arg12 : memref<128xf32, #tpu.memory_space<vmem>>) target(%dma_start3A_1411 : memref<2304xf32, #tpu.memory_space<vmem_shared>>) offsets(%dma_start3A_1409 : memref<128xi32, #tpu.memory_space<vmem>>) semaphore(%arg25 : memref<!tpu.dma_semaphore, #tpu.memory_space<semaphore_mem>>) {add = true}
    %dma_start3A_1412 = arith.constant 5 : i32
    %dma_start3A_1413 = arith.constant 0 : i32
    %dma_start3A_1414 = tpu.memref_slice %arg7[%dma_start3A_1412, %dma_start3A_1413] : memref<17x128xi32, #tpu.memory_space<vmem>> -> memref<1x128xi32, #tpu.memory_space<vmem>>
    %dma_start3A_1415 = tpu.memref_squeeze %dma_start3A_1414 : memref<1x128xi32, #tpu.memory_space<vmem>> -> memref<128xi32, #tpu.memory_space<vmem>>
    %dma_start3A_1416 = arith.constant 0 : i32
    %dma_start3A_1417 = tpu.memref_slice %arg18[%dma_start3A_1416] : memref<2304xf32, #tpu.memory_space<vmem_shared>> -> memref<2304xf32, #tpu.memory_space<vmem_shared>>
    tpu.enqueue_indirect_dma source(%arg12 : memref<128xf32, #tpu.memory_space<vmem>>) target(%dma_start3A_1417 : memref<2304xf32, #tpu.memory_space<vmem_shared>>) offsets(%dma_start3A_1415 : memref<128xi32, #tpu.memory_space<vmem>>) semaphore(%arg25 : memref<!tpu.dma_semaphore, #tpu.memory_space<semaphore_mem>>) {add = true}
    %dma_start3A_1418 = arith.constant 6 : i32
    %dma_start3A_1419 = arith.constant 0 : i32
    %dma_start3A_1420 = tpu.memref_slice %arg7[%dma_start3A_1418, %dma_start3A_1419] : memref<17x128xi32, #tpu.memory_space<vmem>> -> memref<1x128xi32, #tpu.memory_space<vmem>>
    %dma_start3A_1421 = tpu.memref_squeeze %dma_start3A_1420 : memref<1x128xi32, #tpu.memory_space<vmem>> -> memref<128xi32, #tpu.memory_space<vmem>>
    %dma_start3A_1422 = arith.constant 0 : i32
    %dma_start3A_1423 = tpu.memref_slice %arg18[%dma_start3A_1422] : memref<2304xf32, #tpu.memory_space<vmem_shared>> -> memref<2304xf32, #tpu.memory_space<vmem_shared>>
    tpu.enqueue_indirect_dma source(%arg12 : memref<128xf32, #tpu.memory_space<vmem>>) target(%dma_start3A_1423 : memref<2304xf32, #tpu.memory_space<vmem_shared>>) offsets(%dma_start3A_1421 : memref<128xi32, #tpu.memory_space<vmem>>) semaphore(%arg25 : memref<!tpu.dma_semaphore, #tpu.memory_space<semaphore_mem>>) {add = true}
    %dma_start3A_1424 = arith.constant 7 : i32
    %dma_start3A_1425 = arith.constant 0 : i32
    %dma_start3A_1426 = tpu.memref_slice %arg7[%dma_start3A_1424, %dma_start3A_1425] : memref<17x128xi32, #tpu.memory_space<vmem>> -> memref<1x128xi32, #tpu.memory_space<vmem>>
    %dma_start3A_1427 = tpu.memref_squeeze %dma_start3A_1426 : memref<1x128xi32, #tpu.memory_space<vmem>> -> memref<128xi32, #tpu.memory_space<vmem>>
    %dma_start3A_1428 = arith.constant 0 : i32
    %dma_start3A_1429 = tpu.memref_slice %arg18[%dma_start3A_1428] : memref<2304xf32, #tpu.memory_space<vmem_shared>> -> memref<2304xf32, #tpu.memory_space<vmem_shared>>
    tpu.enqueue_indirect_dma source(%arg12 : memref<128xf32, #tpu.memory_space<vmem>>) target(%dma_start3A_1429 : memref<2304xf32, #tpu.memory_space<vmem_shared>>) offsets(%dma_start3A_1427 : memref<128xi32, #tpu.memory_space<vmem>>) semaphore(%arg25 : memref<!tpu.dma_semaphore, #tpu.memory_space<semaphore_mem>>) {add = true}
    %dma_start3A_1430 = arith.constant 8 : i32
    %dma_start3A_1431 = arith.constant 0 : i32
    %dma_start3A_1432 = tpu.memref_slice %arg7[%dma_start3A_1430, %dma_start3A_1431] : memref<17x128xi32, #tpu.memory_space<vmem>> -> memref<1x128xi32, #tpu.memory_space<vmem>>
    %dma_start3A_1433 = tpu.memref_squeeze %dma_start3A_1432 : memref<1x128xi32, #tpu.memory_space<vmem>> -> memref<128xi32, #tpu.memory_space<vmem>>
    %dma_start3A_1434 = arith.constant 0 : i32
    %dma_start3A_1435 = tpu.memref_slice %arg18[%dma_start3A_1434] : memref<2304xf32, #tpu.memory_space<vmem_shared>> -> memref<2304xf32, #tpu.memory_space<vmem_shared>>
    tpu.enqueue_indirect_dma source(%arg12 : memref<128xf32, #tpu.memory_space<vmem>>) target(%dma_start3A_1435 : memref<2304xf32, #tpu.memory_space<vmem_shared>>) offsets(%dma_start3A_1433 : memref<128xi32, #tpu.memory_space<vmem>>) semaphore(%arg25 : memref<!tpu.dma_semaphore, #tpu.memory_space<semaphore_mem>>) {add = true}
    %dma_start3A_1436 = arith.constant 9 : i32
    %dma_start3A_1437 = arith.constant 0 : i32
    %dma_start3A_1438 = tpu.memref_slice %arg7[%dma_start3A_1436, %dma_start3A_1437] : memref<17x128xi32, #tpu.memory_space<vmem>> -> memref<1x128xi32, #tpu.memory_space<vmem>>
    %dma_start3A_1439 = tpu.memref_squeeze %dma_start3A_1438 : memref<1x128xi32, #tpu.memory_space<vmem>> -> memref<128xi32, #tpu.memory_space<vmem>>
    %dma_start3A_1440 = arith.constant 0 : i32
    %dma_start3A_1441 = tpu.memref_slice %arg18[%dma_start3A_1440] : memref<2304xf32, #tpu.memory_space<vmem_shared>> -> memref<2304xf32, #tpu.memory_space<vmem_shared>>
    tpu.enqueue_indirect_dma source(%arg12 : memref<128xf32, #tpu.memory_space<vmem>>) target(%dma_start3A_1441 : memref<2304xf32, #tpu.memory_space<vmem_shared>>) offsets(%dma_start3A_1439 : memref<128xi32, #tpu.memory_space<vmem>>) semaphore(%arg25 : memref<!tpu.dma_semaphore, #tpu.memory_space<semaphore_mem>>) {add = true}
    %dma_start3A_1442 = arith.constant 10 : i32
    %dma_start3A_1443 = arith.constant 0 : i32
    %dma_start3A_1444 = tpu.memref_slice %arg7[%dma_start3A_1442, %dma_start3A_1443] : memref<17x128xi32, #tpu.memory_space<vmem>> -> memref<1x128xi32, #tpu.memory_space<vmem>>
    %dma_start3A_1445 = tpu.memref_squeeze %dma_start3A_1444 : memref<1x128xi32, #tpu.memory_space<vmem>> -> memref<128xi32, #tpu.memory_space<vmem>>
    %dma_start3A_1446 = arith.constant 0 : i32
    %dma_start3A_1447 = tpu.memref_slice %arg18[%dma_start3A_1446] : memref<2304xf32, #tpu.memory_space<vmem_shared>> -> memref<2304xf32, #tpu.memory_space<vmem_shared>>
    tpu.enqueue_indirect_dma source(%arg12 : memref<128xf32, #tpu.memory_space<vmem>>) target(%dma_start3A_1447 : memref<2304xf32, #tpu.memory_space<vmem_shared>>) offsets(%dma_start3A_1445 : memref<128xi32, #tpu.memory_space<vmem>>) semaphore(%arg25 : memref<!tpu.dma_semaphore, #tpu.memory_space<semaphore_mem>>) {add = true}
    %dma_start3A_1448 = arith.constant 11 : i32
    %dma_start3A_1449 = arith.constant 0 : i32
    %dma_start3A_1450 = tpu.memref_slice %arg7[%dma_start3A_1448, %dma_start3A_1449] : memref<17x128xi32, #tpu.memory_space<vmem>> -> memref<1x128xi32, #tpu.memory_space<vmem>>
    %dma_start3A_1451 = tpu.memref_squeeze %dma_start3A_1450 : memref<1x128xi32, #tpu.memory_space<vmem>> -> memref<128xi32, #tpu.memory_space<vmem>>
    %dma_start3A_1452 = arith.constant 0 : i32
    %dma_start3A_1453 = tpu.memref_slice %arg18[%dma_start3A_1452] : memref<2304xf32, #tpu.memory_space<vmem_shared>> -> memref<2304xf32, #tpu.memory_space<vmem_shared>>
    tpu.enqueue_indirect_dma source(%arg12 : memref<128xf32, #tpu.memory_space<vmem>>) target(%dma_start3A_1453 : memref<2304xf32, #tpu.memory_space<vmem_shared>>) offsets(%dma_start3A_1451 : memref<128xi32, #tpu.memory_space<vmem>>) semaphore(%arg25 : memref<!tpu.dma_semaphore, #tpu.memory_space<semaphore_mem>>) {add = true}
    %dma_start3A_1454 = arith.constant 12 : i32
    %dma_start3A_1455 = arith.constant 0 : i32
    %dma_start3A_1456 = tpu.memref_slice %arg7[%dma_start3A_1454, %dma_start3A_1455] : memref<17x128xi32, #tpu.memory_space<vmem>> -> memref<1x128xi32, #tpu.memory_space<vmem>>
    %dma_start3A_1457 = tpu.memref_squeeze %dma_start3A_1456 : memref<1x128xi32, #tpu.memory_space<vmem>> -> memref<128xi32, #tpu.memory_space<vmem>>
    %dma_start3A_1458 = arith.constant 0 : i32
    %dma_start3A_1459 = tpu.memref_slice %arg18[%dma_start3A_1458] : memref<2304xf32, #tpu.memory_space<vmem_shared>> -> memref<2304xf32, #tpu.memory_space<vmem_shared>>
    tpu.enqueue_indirect_dma source(%arg12 : memref<128xf32, #tpu.memory_space<vmem>>) target(%dma_start3A_1459 : memref<2304xf32, #tpu.memory_space<vmem_shared>>) offsets(%dma_start3A_1457 : memref<128xi32, #tpu.memory_space<vmem>>) semaphore(%arg25 : memref<!tpu.dma_semaphore, #tpu.memory_space<semaphore_mem>>) {add = true}
    %dma_start3A_1460 = arith.constant 13 : i32
    %dma_start3A_1461 = arith.constant 0 : i32
    %dma_start3A_1462 = tpu.memref_slice %arg7[%dma_start3A_1460, %dma_start3A_1461] : memref<17x128xi32, #tpu.memory_space<vmem>> -> memref<1x128xi32, #tpu.memory_space<vmem>>
    %dma_start3A_1463 = tpu.memref_squeeze %dma_start3A_1462 : memref<1x128xi32, #tpu.memory_space<vmem>> -> memref<128xi32, #tpu.memory_space<vmem>>
    %dma_start3A_1464 = arith.constant 0 : i32
    %dma_start3A_1465 = tpu.memref_slice %arg18[%dma_start3A_1464] : memref<2304xf32, #tpu.memory_space<vmem_shared>> -> memref<2304xf32, #tpu.memory_space<vmem_shared>>
    tpu.enqueue_indirect_dma source(%arg12 : memref<128xf32, #tpu.memory_space<vmem>>) target(%dma_start3A_1465 : memref<2304xf32, #tpu.memory_space<vmem_shared>>) offsets(%dma_start3A_1463 : memref<128xi32, #tpu.memory_space<vmem>>) semaphore(%arg25 : memref<!tpu.dma_semaphore, #tpu.memory_space<semaphore_mem>>) {add = true}
    %dma_start3A_1466 = arith.constant 14 : i32
    %dma_start3A_1467 = arith.constant 0 : i32
    %dma_start3A_1468 = tpu.memref_slice %arg7[%dma_start3A_1466, %dma_start3A_1467] : memref<17x128xi32, #tpu.memory_space<vmem>> -> memref<1x128xi32, #tpu.memory_space<vmem>>
    %dma_start3A_1469 = tpu.memref_squeeze %dma_start3A_1468 : memref<1x128xi32, #tpu.memory_space<vmem>> -> memref<128xi32, #tpu.memory_space<vmem>>
    %dma_start3A_1470 = arith.constant 0 : i32
    %dma_start3A_1471 = tpu.memref_slice %arg18[%dma_start3A_1470] : memref<2304xf32, #tpu.memory_space<vmem_shared>> -> memref<2304xf32, #tpu.memory_space<vmem_shared>>
    tpu.enqueue_indirect_dma source(%arg12 : memref<128xf32, #tpu.memory_space<vmem>>) target(%dma_start3A_1471 : memref<2304xf32, #tpu.memory_space<vmem_shared>>) offsets(%dma_start3A_1469 : memref<128xi32, #tpu.memory_space<vmem>>) semaphore(%arg25 : memref<!tpu.dma_semaphore, #tpu.memory_space<semaphore_mem>>) {add = true}
    %dma_start3A_1472 = arith.constant 15 : i32
    %dma_start3A_1473 = arith.constant 0 : i32
    %dma_start3A_1474 = tpu.memref_slice %arg7[%dma_start3A_1472, %dma_start3A_1473] : memref<17x128xi32, #tpu.memory_space<vmem>> -> memref<1x128xi32, #tpu.memory_space<vmem>>
    %dma_start3A_1475 = tpu.memref_squeeze %dma_start3A_1474 : memref<1x128xi32, #tpu.memory_space<vmem>> -> memref<128xi32, #tpu.memory_space<vmem>>
    %dma_start3A_1476 = arith.constant 0 : i32
    %dma_start3A_1477 = tpu.memref_slice %arg18[%dma_start3A_1476] : memref<2304xf32, #tpu.memory_space<vmem_shared>> -> memref<2304xf32, #tpu.memory_space<vmem_shared>>
    tpu.enqueue_indirect_dma source(%arg12 : memref<128xf32, #tpu.memory_space<vmem>>) target(%dma_start3A_1477 : memref<2304xf32, #tpu.memory_space<vmem_shared>>) offsets(%dma_start3A_1475 : memref<128xi32, #tpu.memory_space<vmem>>) semaphore(%arg25 : memref<!tpu.dma_semaphore, #tpu.memory_space<semaphore_mem>>) {add = true}
    %dma_start3A_1478 = arith.constant 16 : i32
    %dma_start3A_1479 = arith.constant 0 : i32
    %dma_start3A_1480 = tpu.memref_slice %arg7[%dma_start3A_1478, %dma_start3A_1479] : memref<17x128xi32, #tpu.memory_space<vmem>> -> memref<1x128xi32, #tpu.memory_space<vmem>>
    %dma_start3A_1481 = tpu.memref_squeeze %dma_start3A_1480 : memref<1x128xi32, #tpu.memory_space<vmem>> -> memref<128xi32, #tpu.memory_space<vmem>>
    %dma_start3A_1482 = arith.constant 0 : i32
    %dma_start3A_1483 = tpu.memref_slice %arg18[%dma_start3A_1482] : memref<2304xf32, #tpu.memory_space<vmem_shared>> -> memref<2304xf32, #tpu.memory_space<vmem_shared>>
    tpu.enqueue_indirect_dma source(%arg12 : memref<128xf32, #tpu.memory_space<vmem>>) target(%dma_start3A_1483 : memref<2304xf32, #tpu.memory_space<vmem_shared>>) offsets(%dma_start3A_1481 : memref<128xi32, #tpu.memory_space<vmem>>) semaphore(%arg25 : memref<!tpu.dma_semaphore, #tpu.memory_space<semaphore_mem>>) {add = true}
    %mul3A_1484 = arith.constant 128 : i32
    %mul3A_1485 = arith.muli %arg1, %mul3A_1484 : i32
    "tpu.region"() ({
      %run_scoped3A_2595 = tpu.sem_alloc : memref<!tpu.dma_semaphore, #tpu.memory_space<semaphore_mem>>
      %dma_start3A_2596 = arith.constant 0 : i32
      %dma_start3A_2597 = tpu.memref_slice %arg2[%mul3A_1485, %dma_start3A_2596] : memref<2048x128xf32, #tpu.memory_space<hbm>> -> memref<128x128xf32, #tpu.memory_space<hbm>>
      %dma_start3A_2598 = arith.constant 0 : i32
      %dma_start3A_2599 = tpu.memref_slice %arg2[%mul3A_1485, %dma_start3A_2598] : memref<2048x128xf32, #tpu.memory_space<hbm>> -> memref<128x128xf32, #tpu.memory_space<hbm>>
      tpu.enqueue_dma source(%dma_start3A_2599 : memref<128x128xf32, #tpu.memory_space<hbm>>) target(%arg10 : memref<128x128xf32, #tpu.memory_space<vmem>>) target_semaphore(%run_scoped3A_2595 : memref<!tpu.dma_semaphore, #tpu.memory_space<semaphore_mem>>)
      %dma_wait3A_2600 = arith.constant 0 : i32
      %dma_wait3A_2601 = tpu.memref_slice %arg2[%mul3A_1485, %dma_wait3A_2600] : memref<2048x128xf32, #tpu.memory_space<hbm>> -> memref<128x128xf32, #tpu.memory_space<hbm>>
      %dma_wait3A_2602 = arith.constant 0 : i32
      %dma_wait3A_2603 = tpu.memref_slice %arg2[%mul3A_1485, %dma_wait3A_2602] : memref<2048x128xf32, #tpu.memory_space<hbm>> -> memref<128x128xf32, #tpu.memory_space<hbm>>
      tpu.wait_dma2 semaphore(%run_scoped3A_2595 : memref<!tpu.dma_semaphore, #tpu.memory_space<semaphore_mem>>) src(%dma_wait3A_2603 : memref<128x128xf32, #tpu.memory_space<hbm>>) dst(%arg10 : memref<128x128xf32, #tpu.memory_space<vmem>>)
      tpu.yield
    }) : () -> ()
    %mul3A_1486 = arith.constant 160 : i32
    %mul3A_1487 = arith.muli %arg1, %mul3A_1486 : i32
    %add3A_1488 = arith.constant 0 : i32
    %add3A_1489 = arith.addi %mul3A_1487, %add3A_1488 : i32
    "tpu.region"() ({
      %run_scoped3A_2595 = tpu.sem_alloc : memref<!tpu.dma_semaphore, #tpu.memory_space<semaphore_mem>>
      %dma_start3A_2596 = arith.constant 0 : i32
      %dma_start3A_2597 = tpu.memref_slice %arg22[%add3A_1489, %dma_start3A_2596] : memref<2560x128xf32, #tpu.memory_space<vmem_shared>> -> memref<16x128xf32, #tpu.memory_space<vmem_shared>>
      %dma_start3A_2598 = arith.constant 0 : i32
      %dma_start3A_2599 = tpu.memref_slice %arg22[%add3A_1489, %dma_start3A_2598] : memref<2560x128xf32, #tpu.memory_space<vmem_shared>> -> memref<16x128xf32, #tpu.memory_space<vmem_shared>>
      tpu.enqueue_dma source(%arg17 : memref<16x128xf32, #tpu.memory_space<vmem>>) target(%dma_start3A_2599 : memref<16x128xf32, #tpu.memory_space<vmem_shared>>) target_semaphore(%run_scoped3A_2595 : memref<!tpu.dma_semaphore, #tpu.memory_space<semaphore_mem>>)
      %dma_wait3A_2600 = arith.constant 0 : i32
      %dma_wait3A_2601 = tpu.memref_slice %arg22[%add3A_1489, %dma_wait3A_2600] : memref<2560x128xf32, #tpu.memory_space<vmem_shared>> -> memref<16x128xf32, #tpu.memory_space<vmem_shared>>
      %dma_wait3A_2602 = arith.constant 0 : i32
      %dma_wait3A_2603 = tpu.memref_slice %arg22[%add3A_1489, %dma_wait3A_2602] : memref<2560x128xf32, #tpu.memory_space<vmem_shared>> -> memref<16x128xf32, #tpu.memory_space<vmem_shared>>
      tpu.wait_dma2 semaphore(%run_scoped3A_2595 : memref<!tpu.dma_semaphore, #tpu.memory_space<semaphore_mem>>) src(%arg17 : memref<16x128xf32, #tpu.memory_space<vmem>>) dst(%dma_wait3A_2603 : memref<16x128xf32, #tpu.memory_space<vmem_shared>>)
      tpu.yield
    }) : () -> ()
    %mul3A_1490 = arith.constant 160 : i32
    %mul3A_1491 = arith.muli %arg1, %mul3A_1490 : i32
    %add3A_1492 = arith.constant 16 : i32
    %add3A_1493 = arith.addi %mul3A_1491, %add3A_1492 : i32
    "tpu.region"() ({
      %run_scoped3A_2595 = tpu.sem_alloc : memref<!tpu.dma_semaphore, #tpu.memory_space<semaphore_mem>>
      %dma_start3A_2596 = arith.constant 0 : i32
      %dma_start3A_2597 = tpu.memref_slice %arg22[%add3A_1493, %dma_start3A_2596] : memref<2560x128xf32, #tpu.memory_space<vmem_shared>> -> memref<16x128xf32, #tpu.memory_space<vmem_shared>>
      %dma_start3A_2598 = arith.constant 0 : i32
      %dma_start3A_2599 = tpu.memref_slice %arg22[%add3A_1493, %dma_start3A_2598] : memref<2560x128xf32, #tpu.memory_space<vmem_shared>> -> memref<16x128xf32, #tpu.memory_space<vmem_shared>>
      tpu.enqueue_dma source(%arg17 : memref<16x128xf32, #tpu.memory_space<vmem>>) target(%dma_start3A_2599 : memref<16x128xf32, #tpu.memory_space<vmem_shared>>) target_semaphore(%run_scoped3A_2595 : memref<!tpu.dma_semaphore, #tpu.memory_space<semaphore_mem>>)
      %dma_wait3A_2600 = arith.constant 0 : i32
      %dma_wait3A_2601 = tpu.memref_slice %arg22[%add3A_1493, %dma_wait3A_2600] : memref<2560x128xf32, #tpu.memory_space<vmem_shared>> -> memref<16x128xf32, #tpu.memory_space<vmem_shared>>
      %dma_wait3A_2602 = arith.constant 0 : i32
      %dma_wait3A_2603 = tpu.memref_slice %arg22[%add3A_1493, %dma_wait3A_2602] : memref<2560x128xf32, #tpu.memory_space<vmem_shared>> -> memref<16x128xf32, #tpu.memory_space<vmem_shared>>
      tpu.wait_dma2 semaphore(%run_scoped3A_2595 : memref<!tpu.dma_semaphore, #tpu.memory_space<semaphore_mem>>) src(%arg17 : memref<16x128xf32, #tpu.memory_space<vmem>>) dst(%dma_wait3A_2603 : memref<16x128xf32, #tpu.memory_space<vmem_shared>>)
      tpu.yield
    }) : () -> ()
    %mul3A_1494 = arith.constant 160 : i32
    %mul3A_1495 = arith.muli %arg1, %mul3A_1494 : i32
    %add3A_1496 = arith.constant 32 : i32
    %add3A_1497 = arith.addi %mul3A_1495, %add3A_1496 : i32
    "tpu.region"() ({
      %run_scoped3A_2595 = tpu.sem_alloc : memref<!tpu.dma_semaphore, #tpu.memory_space<semaphore_mem>>
      %dma_start3A_2596 = arith.constant 0 : i32
      %dma_start3A_2597 = tpu.memref_slice %arg22[%add3A_1497, %dma_start3A_2596] : memref<2560x128xf32, #tpu.memory_space<vmem_shared>> -> memref<16x128xf32, #tpu.memory_space<vmem_shared>>
      %dma_start3A_2598 = arith.constant 0 : i32
      %dma_start3A_2599 = tpu.memref_slice %arg22[%add3A_1497, %dma_start3A_2598] : memref<2560x128xf32, #tpu.memory_space<vmem_shared>> -> memref<16x128xf32, #tpu.memory_space<vmem_shared>>
      tpu.enqueue_dma source(%arg17 : memref<16x128xf32, #tpu.memory_space<vmem>>) target(%dma_start3A_2599 : memref<16x128xf32, #tpu.memory_space<vmem_shared>>) target_semaphore(%run_scoped3A_2595 : memref<!tpu.dma_semaphore, #tpu.memory_space<semaphore_mem>>)
      %dma_wait3A_2600 = arith.constant 0 : i32
      %dma_wait3A_2601 = tpu.memref_slice %arg22[%add3A_1497, %dma_wait3A_2600] : memref<2560x128xf32, #tpu.memory_space<vmem_shared>> -> memref<16x128xf32, #tpu.memory_space<vmem_shared>>
      %dma_wait3A_2602 = arith.constant 0 : i32
      %dma_wait3A_2603 = tpu.memref_slice %arg22[%add3A_1497, %dma_wait3A_2602] : memref<2560x128xf32, #tpu.memory_space<vmem_shared>> -> memref<16x128xf32, #tpu.memory_space<vmem_shared>>
      tpu.wait_dma2 semaphore(%run_scoped3A_2595 : memref<!tpu.dma_semaphore, #tpu.memory_space<semaphore_mem>>) src(%arg17 : memref<16x128xf32, #tpu.memory_space<vmem>>) dst(%dma_wait3A_2603 : memref<16x128xf32, #tpu.memory_space<vmem_shared>>)
      tpu.yield
    }) : () -> ()
    %mul3A_1498 = arith.constant 160 : i32
    %mul3A_1499 = arith.muli %arg1, %mul3A_1498 : i32
    %add3A_1500 = arith.constant 48 : i32
    %add3A_1501 = arith.addi %mul3A_1499, %add3A_1500 : i32
    "tpu.region"() ({
      %run_scoped3A_2595 = tpu.sem_alloc : memref<!tpu.dma_semaphore, #tpu.memory_space<semaphore_mem>>
      %dma_start3A_2596 = arith.constant 0 : i32
      %dma_start3A_2597 = tpu.memref_slice %arg22[%add3A_1501, %dma_start3A_2596] : memref<2560x128xf32, #tpu.memory_space<vmem_shared>> -> memref<16x128xf32, #tpu.memory_space<vmem_shared>>
      %dma_start3A_2598 = arith.constant 0 : i32
      %dma_start3A_2599 = tpu.memref_slice %arg22[%add3A_1501, %dma_start3A_2598] : memref<2560x128xf32, #tpu.memory_space<vmem_shared>> -> memref<16x128xf32, #tpu.memory_space<vmem_shared>>
      tpu.enqueue_dma source(%arg17 : memref<16x128xf32, #tpu.memory_space<vmem>>) target(%dma_start3A_2599 : memref<16x128xf32, #tpu.memory_space<vmem_shared>>) target_semaphore(%run_scoped3A_2595 : memref<!tpu.dma_semaphore, #tpu.memory_space<semaphore_mem>>)
      %dma_wait3A_2600 = arith.constant 0 : i32
      %dma_wait3A_2601 = tpu.memref_slice %arg22[%add3A_1501, %dma_wait3A_2600] : memref<2560x128xf32, #tpu.memory_space<vmem_shared>> -> memref<16x128xf32, #tpu.memory_space<vmem_shared>>
      %dma_wait3A_2602 = arith.constant 0 : i32
      %dma_wait3A_2603 = tpu.memref_slice %arg22[%add3A_1501, %dma_wait3A_2602] : memref<2560x128xf32, #tpu.memory_space<vmem_shared>> -> memref<16x128xf32, #tpu.memory_space<vmem_shared>>
      tpu.wait_dma2 semaphore(%run_scoped3A_2595 : memref<!tpu.dma_semaphore, #tpu.memory_space<semaphore_mem>>) src(%arg17 : memref<16x128xf32, #tpu.memory_space<vmem>>) dst(%dma_wait3A_2603 : memref<16x128xf32, #tpu.memory_space<vmem_shared>>)
      tpu.yield
    }) : () -> ()
    %mul3A_1502 = arith.constant 160 : i32
    %mul3A_1503 = arith.muli %arg1, %mul3A_1502 : i32
    %add3A_1504 = arith.constant 64 : i32
    %add3A_1505 = arith.addi %mul3A_1503, %add3A_1504 : i32
    "tpu.region"() ({
      %run_scoped3A_2595 = tpu.sem_alloc : memref<!tpu.dma_semaphore, #tpu.memory_space<semaphore_mem>>
      %dma_start3A_2596 = arith.constant 0 : i32
      %dma_start3A_2597 = tpu.memref_slice %arg22[%add3A_1505, %dma_start3A_2596] : memref<2560x128xf32, #tpu.memory_space<vmem_shared>> -> memref<16x128xf32, #tpu.memory_space<vmem_shared>>
      %dma_start3A_2598 = arith.constant 0 : i32
      %dma_start3A_2599 = tpu.memref_slice %arg22[%add3A_1505, %dma_start3A_2598] : memref<2560x128xf32, #tpu.memory_space<vmem_shared>> -> memref<16x128xf32, #tpu.memory_space<vmem_shared>>
      tpu.enqueue_dma source(%arg17 : memref<16x128xf32, #tpu.memory_space<vmem>>) target(%dma_start3A_2599 : memref<16x128xf32, #tpu.memory_space<vmem_shared>>) target_semaphore(%run_scoped3A_2595 : memref<!tpu.dma_semaphore, #tpu.memory_space<semaphore_mem>>)
      %dma_wait3A_2600 = arith.constant 0 : i32
      %dma_wait3A_2601 = tpu.memref_slice %arg22[%add3A_1505, %dma_wait3A_2600] : memref<2560x128xf32, #tpu.memory_space<vmem_shared>> -> memref<16x128xf32, #tpu.memory_space<vmem_shared>>
      %dma_wait3A_2602 = arith.constant 0 : i32
      %dma_wait3A_2603 = tpu.memref_slice %arg22[%add3A_1505, %dma_wait3A_2602] : memref<2560x128xf32, #tpu.memory_space<vmem_shared>> -> memref<16x128xf32, #tpu.memory_space<vmem_shared>>
      tpu.wait_dma2 semaphore(%run_scoped3A_2595 : memref<!tpu.dma_semaphore, #tpu.memory_space<semaphore_mem>>) src(%arg17 : memref<16x128xf32, #tpu.memory_space<vmem>>) dst(%dma_wait3A_2603 : memref<16x128xf32, #tpu.memory_space<vmem_shared>>)
      tpu.yield
    }) : () -> ()
    %mul3A_1506 = arith.constant 160 : i32
    %mul3A_1507 = arith.muli %arg1, %mul3A_1506 : i32
    %add3A_1508 = arith.constant 80 : i32
    %add3A_1509 = arith.addi %mul3A_1507, %add3A_1508 : i32
    "tpu.region"() ({
      %run_scoped3A_2595 = tpu.sem_alloc : memref<!tpu.dma_semaphore, #tpu.memory_space<semaphore_mem>>
      %dma_start3A_2596 = arith.constant 0 : i32
      %dma_start3A_2597 = tpu.memref_slice %arg22[%add3A_1509, %dma_start3A_2596] : memref<2560x128xf32, #tpu.memory_space<vmem_shared>> -> memref<16x128xf32, #tpu.memory_space<vmem_shared>>
      %dma_start3A_2598 = arith.constant 0 : i32
      %dma_start3A_2599 = tpu.memref_slice %arg22[%add3A_1509, %dma_start3A_2598] : memref<2560x128xf32, #tpu.memory_space<vmem_shared>> -> memref<16x128xf32, #tpu.memory_space<vmem_shared>>
      tpu.enqueue_dma source(%arg17 : memref<16x128xf32, #tpu.memory_space<vmem>>) target(%dma_start3A_2599 : memref<16x128xf32, #tpu.memory_space<vmem_shared>>) target_semaphore(%run_scoped3A_2595 : memref<!tpu.dma_semaphore, #tpu.memory_space<semaphore_mem>>)
      %dma_wait3A_2600 = arith.constant 0 : i32
      %dma_wait3A_2601 = tpu.memref_slice %arg22[%add3A_1509, %dma_wait3A_2600] : memref<2560x128xf32, #tpu.memory_space<vmem_shared>> -> memref<16x128xf32, #tpu.memory_space<vmem_shared>>
      %dma_wait3A_2602 = arith.constant 0 : i32
      %dma_wait3A_2603 = tpu.memref_slice %arg22[%add3A_1509, %dma_wait3A_2602] : memref<2560x128xf32, #tpu.memory_space<vmem_shared>> -> memref<16x128xf32, #tpu.memory_space<vmem_shared>>
      tpu.wait_dma2 semaphore(%run_scoped3A_2595 : memref<!tpu.dma_semaphore, #tpu.memory_space<semaphore_mem>>) src(%arg17 : memref<16x128xf32, #tpu.memory_space<vmem>>) dst(%dma_wait3A_2603 : memref<16x128xf32, #tpu.memory_space<vmem_shared>>)
      tpu.yield
    }) : () -> ()
    %mul3A_1510 = arith.constant 160 : i32
    %mul3A_1511 = arith.muli %arg1, %mul3A_1510 : i32
    %add3A_1512 = arith.constant 96 : i32
    %add3A_1513 = arith.addi %mul3A_1511, %add3A_1512 : i32
    "tpu.region"() ({
      %run_scoped3A_2595 = tpu.sem_alloc : memref<!tpu.dma_semaphore, #tpu.memory_space<semaphore_mem>>
      %dma_start3A_2596 = arith.constant 0 : i32
      %dma_start3A_2597 = tpu.memref_slice %arg22[%add3A_1513, %dma_start3A_2596] : memref<2560x128xf32, #tpu.memory_space<vmem_shared>> -> memref<16x128xf32, #tpu.memory_space<vmem_shared>>
      %dma_start3A_2598 = arith.constant 0 : i32
      %dma_start3A_2599 = tpu.memref_slice %arg22[%add3A_1513, %dma_start3A_2598] : memref<2560x128xf32, #tpu.memory_space<vmem_shared>> -> memref<16x128xf32, #tpu.memory_space<vmem_shared>>
      tpu.enqueue_dma source(%arg17 : memref<16x128xf32, #tpu.memory_space<vmem>>) target(%dma_start3A_2599 : memref<16x128xf32, #tpu.memory_space<vmem_shared>>) target_semaphore(%run_scoped3A_2595 : memref<!tpu.dma_semaphore, #tpu.memory_space<semaphore_mem>>)
      %dma_wait3A_2600 = arith.constant 0 : i32
      %dma_wait3A_2601 = tpu.memref_slice %arg22[%add3A_1513, %dma_wait3A_2600] : memref<2560x128xf32, #tpu.memory_space<vmem_shared>> -> memref<16x128xf32, #tpu.memory_space<vmem_shared>>
      %dma_wait3A_2602 = arith.constant 0 : i32
      %dma_wait3A_2603 = tpu.memref_slice %arg22[%add3A_1513, %dma_wait3A_2602] : memref<2560x128xf32, #tpu.memory_space<vmem_shared>> -> memref<16x128xf32, #tpu.memory_space<vmem_shared>>
      tpu.wait_dma2 semaphore(%run_scoped3A_2595 : memref<!tpu.dma_semaphore, #tpu.memory_space<semaphore_mem>>) src(%arg17 : memref<16x128xf32, #tpu.memory_space<vmem>>) dst(%dma_wait3A_2603 : memref<16x128xf32, #tpu.memory_space<vmem_shared>>)
      tpu.yield
    }) : () -> ()
    %mul3A_1514 = arith.constant 160 : i32
    %mul3A_1515 = arith.muli %arg1, %mul3A_1514 : i32
    %add3A_1516 = arith.constant 112 : i32
    %add3A_1517 = arith.addi %mul3A_1515, %add3A_1516 : i32
    "tpu.region"() ({
      %run_scoped3A_2595 = tpu.sem_alloc : memref<!tpu.dma_semaphore, #tpu.memory_space<semaphore_mem>>
      %dma_start3A_2596 = arith.constant 0 : i32
      %dma_start3A_2597 = tpu.memref_slice %arg22[%add3A_1517, %dma_start3A_2596] : memref<2560x128xf32, #tpu.memory_space<vmem_shared>> -> memref<16x128xf32, #tpu.memory_space<vmem_shared>>
      %dma_start3A_2598 = arith.constant 0 : i32
      %dma_start3A_2599 = tpu.memref_slice %arg22[%add3A_1517, %dma_start3A_2598] : memref<2560x128xf32, #tpu.memory_space<vmem_shared>> -> memref<16x128xf32, #tpu.memory_space<vmem_shared>>
      tpu.enqueue_dma source(%arg17 : memref<16x128xf32, #tpu.memory_space<vmem>>) target(%dma_start3A_2599 : memref<16x128xf32, #tpu.memory_space<vmem_shared>>) target_semaphore(%run_scoped3A_2595 : memref<!tpu.dma_semaphore, #tpu.memory_space<semaphore_mem>>)
      %dma_wait3A_2600 = arith.constant 0 : i32
      %dma_wait3A_2601 = tpu.memref_slice %arg22[%add3A_1517, %dma_wait3A_2600] : memref<2560x128xf32, #tpu.memory_space<vmem_shared>> -> memref<16x128xf32, #tpu.memory_space<vmem_shared>>
      %dma_wait3A_2602 = arith.constant 0 : i32
      %dma_wait3A_2603 = tpu.memref_slice %arg22[%add3A_1517, %dma_wait3A_2602] : memref<2560x128xf32, #tpu.memory_space<vmem_shared>> -> memref<16x128xf32, #tpu.memory_space<vmem_shared>>
      tpu.wait_dma2 semaphore(%run_scoped3A_2595 : memref<!tpu.dma_semaphore, #tpu.memory_space<semaphore_mem>>) src(%arg17 : memref<16x128xf32, #tpu.memory_space<vmem>>) dst(%dma_wait3A_2603 : memref<16x128xf32, #tpu.memory_space<vmem_shared>>)
      tpu.yield
    }) : () -> ()
    %mul3A_1518 = arith.constant 160 : i32
    %mul3A_1519 = arith.muli %arg1, %mul3A_1518 : i32
    %add3A_1520 = arith.constant 128 : i32
    %add3A_1521 = arith.addi %mul3A_1519, %add3A_1520 : i32
    "tpu.region"() ({
      %run_scoped3A_2595 = tpu.sem_alloc : memref<!tpu.dma_semaphore, #tpu.memory_space<semaphore_mem>>
      %dma_start3A_2596 = arith.constant 0 : i32
      %dma_start3A_2597 = tpu.memref_slice %arg22[%add3A_1521, %dma_start3A_2596] : memref<2560x128xf32, #tpu.memory_space<vmem_shared>> -> memref<16x128xf32, #tpu.memory_space<vmem_shared>>
      %dma_start3A_2598 = arith.constant 0 : i32
      %dma_start3A_2599 = tpu.memref_slice %arg22[%add3A_1521, %dma_start3A_2598] : memref<2560x128xf32, #tpu.memory_space<vmem_shared>> -> memref<16x128xf32, #tpu.memory_space<vmem_shared>>
      tpu.enqueue_dma source(%arg17 : memref<16x128xf32, #tpu.memory_space<vmem>>) target(%dma_start3A_2599 : memref<16x128xf32, #tpu.memory_space<vmem_shared>>) target_semaphore(%run_scoped3A_2595 : memref<!tpu.dma_semaphore, #tpu.memory_space<semaphore_mem>>)
      %dma_wait3A_2600 = arith.constant 0 : i32
      %dma_wait3A_2601 = tpu.memref_slice %arg22[%add3A_1521, %dma_wait3A_2600] : memref<2560x128xf32, #tpu.memory_space<vmem_shared>> -> memref<16x128xf32, #tpu.memory_space<vmem_shared>>
      %dma_wait3A_2602 = arith.constant 0 : i32
      %dma_wait3A_2603 = tpu.memref_slice %arg22[%add3A_1521, %dma_wait3A_2602] : memref<2560x128xf32, #tpu.memory_space<vmem_shared>> -> memref<16x128xf32, #tpu.memory_space<vmem_shared>>
      tpu.wait_dma2 semaphore(%run_scoped3A_2595 : memref<!tpu.dma_semaphore, #tpu.memory_space<semaphore_mem>>) src(%arg17 : memref<16x128xf32, #tpu.memory_space<vmem>>) dst(%dma_wait3A_2603 : memref<16x128xf32, #tpu.memory_space<vmem_shared>>)
      tpu.yield
    }) : () -> ()
    %mul3A_1522 = arith.constant 160 : i32
    %mul3A_1523 = arith.muli %arg1, %mul3A_1522 : i32
    %add3A_1524 = arith.constant 144 : i32
    %add3A_1525 = arith.addi %mul3A_1523, %add3A_1524 : i32
    "tpu.region"() ({
      %run_scoped3A_2595 = tpu.sem_alloc : memref<!tpu.dma_semaphore, #tpu.memory_space<semaphore_mem>>
      %dma_start3A_2596 = arith.constant 0 : i32
      %dma_start3A_2597 = tpu.memref_slice %arg22[%add3A_1525, %dma_start3A_2596] : memref<2560x128xf32, #tpu.memory_space<vmem_shared>> -> memref<16x128xf32, #tpu.memory_space<vmem_shared>>
      %dma_start3A_2598 = arith.constant 0 : i32
      %dma_start3A_2599 = tpu.memref_slice %arg22[%add3A_1525, %dma_start3A_2598] : memref<2560x128xf32, #tpu.memory_space<vmem_shared>> -> memref<16x128xf32, #tpu.memory_space<vmem_shared>>
      tpu.enqueue_dma source(%arg17 : memref<16x128xf32, #tpu.memory_space<vmem>>) target(%dma_start3A_2599 : memref<16x128xf32, #tpu.memory_space<vmem_shared>>) target_semaphore(%run_scoped3A_2595 : memref<!tpu.dma_semaphore, #tpu.memory_space<semaphore_mem>>)
      %dma_wait3A_2600 = arith.constant 0 : i32
      %dma_wait3A_2601 = tpu.memref_slice %arg22[%add3A_1525, %dma_wait3A_2600] : memref<2560x128xf32, #tpu.memory_space<vmem_shared>> -> memref<16x128xf32, #tpu.memory_space<vmem_shared>>
      %dma_wait3A_2602 = arith.constant 0 : i32
      %dma_wait3A_2603 = tpu.memref_slice %arg22[%add3A_1525, %dma_wait3A_2602] : memref<2560x128xf32, #tpu.memory_space<vmem_shared>> -> memref<16x128xf32, #tpu.memory_space<vmem_shared>>
      tpu.wait_dma2 semaphore(%run_scoped3A_2595 : memref<!tpu.dma_semaphore, #tpu.memory_space<semaphore_mem>>) src(%arg17 : memref<16x128xf32, #tpu.memory_space<vmem>>) dst(%dma_wait3A_2603 : memref<16x128xf32, #tpu.memory_space<vmem_shared>>)
      tpu.yield
    }) : () -> ()
    %dma_wait3A = arith.constant 0 : i32
    %dma_wait3A_1526 = arith.constant 0 : i32
    %dma_wait3A_1527 = tpu.memref_slice %arg7[%dma_wait3A, %dma_wait3A_1526] : memref<17x128xi32, #tpu.memory_space<vmem>> -> memref<1x128xi32, #tpu.memory_space<vmem>>
    %dma_wait3A_1528 = tpu.memref_squeeze %dma_wait3A_1527 : memref<1x128xi32, #tpu.memory_space<vmem>> -> memref<128xi32, #tpu.memory_space<vmem>>
    %dma_wait3A_1529 = arith.constant 0 : i32
    %dma_wait3A_1530 = tpu.memref_slice %arg18[%dma_wait3A_1529] : memref<2304xf32, #tpu.memory_space<vmem_shared>> -> memref<2304xf32, #tpu.memory_space<vmem_shared>>
    tpu.wait_indirect_dma semaphore(%arg25 : memref<!tpu.dma_semaphore, #tpu.memory_space<semaphore_mem>>) src(%arg12 : memref<128xf32, #tpu.memory_space<vmem>>) dst(%dma_wait3A_1530 : memref<2304xf32, #tpu.memory_space<vmem_shared>>)
    %dma_wait3A_1531 = arith.constant 1 : i32
    %dma_wait3A_1532 = arith.constant 0 : i32
    %dma_wait3A_1533 = tpu.memref_slice %arg7[%dma_wait3A_1531, %dma_wait3A_1532] : memref<17x128xi32, #tpu.memory_space<vmem>> -> memref<1x128xi32, #tpu.memory_space<vmem>>
    %dma_wait3A_1534 = tpu.memref_squeeze %dma_wait3A_1533 : memref<1x128xi32, #tpu.memory_space<vmem>> -> memref<128xi32, #tpu.memory_space<vmem>>
    %dma_wait3A_1535 = arith.constant 0 : i32
    %dma_wait3A_1536 = tpu.memref_slice %arg18[%dma_wait3A_1535] : memref<2304xf32, #tpu.memory_space<vmem_shared>> -> memref<2304xf32, #tpu.memory_space<vmem_shared>>
    tpu.wait_indirect_dma semaphore(%arg25 : memref<!tpu.dma_semaphore, #tpu.memory_space<semaphore_mem>>) src(%arg12 : memref<128xf32, #tpu.memory_space<vmem>>) dst(%dma_wait3A_1536 : memref<2304xf32, #tpu.memory_space<vmem_shared>>)
    %dma_wait3A_1537 = arith.constant 2 : i32
    %dma_wait3A_1538 = arith.constant 0 : i32
    %dma_wait3A_1539 = tpu.memref_slice %arg7[%dma_wait3A_1537, %dma_wait3A_1538] : memref<17x128xi32, #tpu.memory_space<vmem>> -> memref<1x128xi32, #tpu.memory_space<vmem>>
    %dma_wait3A_1540 = tpu.memref_squeeze %dma_wait3A_1539 : memref<1x128xi32, #tpu.memory_space<vmem>> -> memref<128xi32, #tpu.memory_space<vmem>>
    %dma_wait3A_1541 = arith.constant 0 : i32
    %dma_wait3A_1542 = tpu.memref_slice %arg18[%dma_wait3A_1541] : memref<2304xf32, #tpu.memory_space<vmem_shared>> -> memref<2304xf32, #tpu.memory_space<vmem_shared>>
    tpu.wait_indirect_dma semaphore(%arg25 : memref<!tpu.dma_semaphore, #tpu.memory_space<semaphore_mem>>) src(%arg12 : memref<128xf32, #tpu.memory_space<vmem>>) dst(%dma_wait3A_1542 : memref<2304xf32, #tpu.memory_space<vmem_shared>>)
    %dma_wait3A_1543 = arith.constant 3 : i32
    %dma_wait3A_1544 = arith.constant 0 : i32
    %dma_wait3A_1545 = tpu.memref_slice %arg7[%dma_wait3A_1543, %dma_wait3A_1544] : memref<17x128xi32, #tpu.memory_space<vmem>> -> memref<1x128xi32, #tpu.memory_space<vmem>>
    %dma_wait3A_1546 = tpu.memref_squeeze %dma_wait3A_1545 : memref<1x128xi32, #tpu.memory_space<vmem>> -> memref<128xi32, #tpu.memory_space<vmem>>
    %dma_wait3A_1547 = arith.constant 0 : i32
    %dma_wait3A_1548 = tpu.memref_slice %arg18[%dma_wait3A_1547] : memref<2304xf32, #tpu.memory_space<vmem_shared>> -> memref<2304xf32, #tpu.memory_space<vmem_shared>>
    tpu.wait_indirect_dma semaphore(%arg25 : memref<!tpu.dma_semaphore, #tpu.memory_space<semaphore_mem>>) src(%arg12 : memref<128xf32, #tpu.memory_space<vmem>>) dst(%dma_wait3A_1548 : memref<2304xf32, #tpu.memory_space<vmem_shared>>)
    %dma_wait3A_1549 = arith.constant 4 : i32
    %dma_wait3A_1550 = arith.constant 0 : i32
    %dma_wait3A_1551 = tpu.memref_slice %arg7[%dma_wait3A_1549, %dma_wait3A_1550] : memref<17x128xi32, #tpu.memory_space<vmem>> -> memref<1x128xi32, #tpu.memory_space<vmem>>
    %dma_wait3A_1552 = tpu.memref_squeeze %dma_wait3A_1551 : memref<1x128xi32, #tpu.memory_space<vmem>> -> memref<128xi32, #tpu.memory_space<vmem>>
    %dma_wait3A_1553 = arith.constant 0 : i32
    %dma_wait3A_1554 = tpu.memref_slice %arg18[%dma_wait3A_1553] : memref<2304xf32, #tpu.memory_space<vmem_shared>> -> memref<2304xf32, #tpu.memory_space<vmem_shared>>
    tpu.wait_indirect_dma semaphore(%arg25 : memref<!tpu.dma_semaphore, #tpu.memory_space<semaphore_mem>>) src(%arg12 : memref<128xf32, #tpu.memory_space<vmem>>) dst(%dma_wait3A_1554 : memref<2304xf32, #tpu.memory_space<vmem_shared>>)
    %dma_wait3A_1555 = arith.constant 5 : i32
    %dma_wait3A_1556 = arith.constant 0 : i32
    %dma_wait3A_1557 = tpu.memref_slice %arg7[%dma_wait3A_1555, %dma_wait3A_1556] : memref<17x128xi32, #tpu.memory_space<vmem>> -> memref<1x128xi32, #tpu.memory_space<vmem>>
    %dma_wait3A_1558 = tpu.memref_squeeze %dma_wait3A_1557 : memref<1x128xi32, #tpu.memory_space<vmem>> -> memref<128xi32, #tpu.memory_space<vmem>>
    %dma_wait3A_1559 = arith.constant 0 : i32
    %dma_wait3A_1560 = tpu.memref_slice %arg18[%dma_wait3A_1559] : memref<2304xf32, #tpu.memory_space<vmem_shared>> -> memref<2304xf32, #tpu.memory_space<vmem_shared>>
    tpu.wait_indirect_dma semaphore(%arg25 : memref<!tpu.dma_semaphore, #tpu.memory_space<semaphore_mem>>) src(%arg12 : memref<128xf32, #tpu.memory_space<vmem>>) dst(%dma_wait3A_1560 : memref<2304xf32, #tpu.memory_space<vmem_shared>>)
    %dma_wait3A_1561 = arith.constant 6 : i32
    %dma_wait3A_1562 = arith.constant 0 : i32
    %dma_wait3A_1563 = tpu.memref_slice %arg7[%dma_wait3A_1561, %dma_wait3A_1562] : memref<17x128xi32, #tpu.memory_space<vmem>> -> memref<1x128xi32, #tpu.memory_space<vmem>>
    %dma_wait3A_1564 = tpu.memref_squeeze %dma_wait3A_1563 : memref<1x128xi32, #tpu.memory_space<vmem>> -> memref<128xi32, #tpu.memory_space<vmem>>
    %dma_wait3A_1565 = arith.constant 0 : i32
    %dma_wait3A_1566 = tpu.memref_slice %arg18[%dma_wait3A_1565] : memref<2304xf32, #tpu.memory_space<vmem_shared>> -> memref<2304xf32, #tpu.memory_space<vmem_shared>>
    tpu.wait_indirect_dma semaphore(%arg25 : memref<!tpu.dma_semaphore, #tpu.memory_space<semaphore_mem>>) src(%arg12 : memref<128xf32, #tpu.memory_space<vmem>>) dst(%dma_wait3A_1566 : memref<2304xf32, #tpu.memory_space<vmem_shared>>)
    %dma_wait3A_1567 = arith.constant 7 : i32
    %dma_wait3A_1568 = arith.constant 0 : i32
    %dma_wait3A_1569 = tpu.memref_slice %arg7[%dma_wait3A_1567, %dma_wait3A_1568] : memref<17x128xi32, #tpu.memory_space<vmem>> -> memref<1x128xi32, #tpu.memory_space<vmem>>
    %dma_wait3A_1570 = tpu.memref_squeeze %dma_wait3A_1569 : memref<1x128xi32, #tpu.memory_space<vmem>> -> memref<128xi32, #tpu.memory_space<vmem>>
    %dma_wait3A_1571 = arith.constant 0 : i32
    %dma_wait3A_1572 = tpu.memref_slice %arg18[%dma_wait3A_1571] : memref<2304xf32, #tpu.memory_space<vmem_shared>> -> memref<2304xf32, #tpu.memory_space<vmem_shared>>
    tpu.wait_indirect_dma semaphore(%arg25 : memref<!tpu.dma_semaphore, #tpu.memory_space<semaphore_mem>>) src(%arg12 : memref<128xf32, #tpu.memory_space<vmem>>) dst(%dma_wait3A_1572 : memref<2304xf32, #tpu.memory_space<vmem_shared>>)
    %dma_wait3A_1573 = arith.constant 8 : i32
    %dma_wait3A_1574 = arith.constant 0 : i32
    %dma_wait3A_1575 = tpu.memref_slice %arg7[%dma_wait3A_1573, %dma_wait3A_1574] : memref<17x128xi32, #tpu.memory_space<vmem>> -> memref<1x128xi32, #tpu.memory_space<vmem>>
    %dma_wait3A_1576 = tpu.memref_squeeze %dma_wait3A_1575 : memref<1x128xi32, #tpu.memory_space<vmem>> -> memref<128xi32, #tpu.memory_space<vmem>>
    %dma_wait3A_1577 = arith.constant 0 : i32
    %dma_wait3A_1578 = tpu.memref_slice %arg18[%dma_wait3A_1577] : memref<2304xf32, #tpu.memory_space<vmem_shared>> -> memref<2304xf32, #tpu.memory_space<vmem_shared>>
    tpu.wait_indirect_dma semaphore(%arg25 : memref<!tpu.dma_semaphore, #tpu.memory_space<semaphore_mem>>) src(%arg12 : memref<128xf32, #tpu.memory_space<vmem>>) dst(%dma_wait3A_1578 : memref<2304xf32, #tpu.memory_space<vmem_shared>>)
    %dma_wait3A_1579 = arith.constant 9 : i32
    %dma_wait3A_1580 = arith.constant 0 : i32
    %dma_wait3A_1581 = tpu.memref_slice %arg7[%dma_wait3A_1579, %dma_wait3A_1580] : memref<17x128xi32, #tpu.memory_space<vmem>> -> memref<1x128xi32, #tpu.memory_space<vmem>>
    %dma_wait3A_1582 = tpu.memref_squeeze %dma_wait3A_1581 : memref<1x128xi32, #tpu.memory_space<vmem>> -> memref<128xi32, #tpu.memory_space<vmem>>
    %dma_wait3A_1583 = arith.constant 0 : i32
    %dma_wait3A_1584 = tpu.memref_slice %arg18[%dma_wait3A_1583] : memref<2304xf32, #tpu.memory_space<vmem_shared>> -> memref<2304xf32, #tpu.memory_space<vmem_shared>>
    tpu.wait_indirect_dma semaphore(%arg25 : memref<!tpu.dma_semaphore, #tpu.memory_space<semaphore_mem>>) src(%arg12 : memref<128xf32, #tpu.memory_space<vmem>>) dst(%dma_wait3A_1584 : memref<2304xf32, #tpu.memory_space<vmem_shared>>)
    %dma_wait3A_1585 = arith.constant 10 : i32
    %dma_wait3A_1586 = arith.constant 0 : i32
    %dma_wait3A_1587 = tpu.memref_slice %arg7[%dma_wait3A_1585, %dma_wait3A_1586] : memref<17x128xi32, #tpu.memory_space<vmem>> -> memref<1x128xi32, #tpu.memory_space<vmem>>
    %dma_wait3A_1588 = tpu.memref_squeeze %dma_wait3A_1587 : memref<1x128xi32, #tpu.memory_space<vmem>> -> memref<128xi32, #tpu.memory_space<vmem>>
    %dma_wait3A_1589 = arith.constant 0 : i32
    %dma_wait3A_1590 = tpu.memref_slice %arg18[%dma_wait3A_1589] : memref<2304xf32, #tpu.memory_space<vmem_shared>> -> memref<2304xf32, #tpu.memory_space<vmem_shared>>
    tpu.wait_indirect_dma semaphore(%arg25 : memref<!tpu.dma_semaphore, #tpu.memory_space<semaphore_mem>>) src(%arg12 : memref<128xf32, #tpu.memory_space<vmem>>) dst(%dma_wait3A_1590 : memref<2304xf32, #tpu.memory_space<vmem_shared>>)
    %dma_wait3A_1591 = arith.constant 11 : i32
    %dma_wait3A_1592 = arith.constant 0 : i32
    %dma_wait3A_1593 = tpu.memref_slice %arg7[%dma_wait3A_1591, %dma_wait3A_1592] : memref<17x128xi32, #tpu.memory_space<vmem>> -> memref<1x128xi32, #tpu.memory_space<vmem>>
    %dma_wait3A_1594 = tpu.memref_squeeze %dma_wait3A_1593 : memref<1x128xi32, #tpu.memory_space<vmem>> -> memref<128xi32, #tpu.memory_space<vmem>>
    %dma_wait3A_1595 = arith.constant 0 : i32
    %dma_wait3A_1596 = tpu.memref_slice %arg18[%dma_wait3A_1595] : memref<2304xf32, #tpu.memory_space<vmem_shared>> -> memref<2304xf32, #tpu.memory_space<vmem_shared>>
    tpu.wait_indirect_dma semaphore(%arg25 : memref<!tpu.dma_semaphore, #tpu.memory_space<semaphore_mem>>) src(%arg12 : memref<128xf32, #tpu.memory_space<vmem>>) dst(%dma_wait3A_1596 : memref<2304xf32, #tpu.memory_space<vmem_shared>>)
    %dma_wait3A_1597 = arith.constant 12 : i32
    %dma_wait3A_1598 = arith.constant 0 : i32
    %dma_wait3A_1599 = tpu.memref_slice %arg7[%dma_wait3A_1597, %dma_wait3A_1598] : memref<17x128xi32, #tpu.memory_space<vmem>> -> memref<1x128xi32, #tpu.memory_space<vmem>>
    %dma_wait3A_1600 = tpu.memref_squeeze %dma_wait3A_1599 : memref<1x128xi32, #tpu.memory_space<vmem>> -> memref<128xi32, #tpu.memory_space<vmem>>
    %dma_wait3A_1601 = arith.constant 0 : i32
    %dma_wait3A_1602 = tpu.memref_slice %arg18[%dma_wait3A_1601] : memref<2304xf32, #tpu.memory_space<vmem_shared>> -> memref<2304xf32, #tpu.memory_space<vmem_shared>>
    tpu.wait_indirect_dma semaphore(%arg25 : memref<!tpu.dma_semaphore, #tpu.memory_space<semaphore_mem>>) src(%arg12 : memref<128xf32, #tpu.memory_space<vmem>>) dst(%dma_wait3A_1602 : memref<2304xf32, #tpu.memory_space<vmem_shared>>)
    %dma_wait3A_1603 = arith.constant 13 : i32
    %dma_wait3A_1604 = arith.constant 0 : i32
    %dma_wait3A_1605 = tpu.memref_slice %arg7[%dma_wait3A_1603, %dma_wait3A_1604] : memref<17x128xi32, #tpu.memory_space<vmem>> -> memref<1x128xi32, #tpu.memory_space<vmem>>
    %dma_wait3A_1606 = tpu.memref_squeeze %dma_wait3A_1605 : memref<1x128xi32, #tpu.memory_space<vmem>> -> memref<128xi32, #tpu.memory_space<vmem>>
    %dma_wait3A_1607 = arith.constant 0 : i32
    %dma_wait3A_1608 = tpu.memref_slice %arg18[%dma_wait3A_1607] : memref<2304xf32, #tpu.memory_space<vmem_shared>> -> memref<2304xf32, #tpu.memory_space<vmem_shared>>
    tpu.wait_indirect_dma semaphore(%arg25 : memref<!tpu.dma_semaphore, #tpu.memory_space<semaphore_mem>>) src(%arg12 : memref<128xf32, #tpu.memory_space<vmem>>) dst(%dma_wait3A_1608 : memref<2304xf32, #tpu.memory_space<vmem_shared>>)
    %dma_wait3A_1609 = arith.constant 14 : i32
    %dma_wait3A_1610 = arith.constant 0 : i32
    %dma_wait3A_1611 = tpu.memref_slice %arg7[%dma_wait3A_1609, %dma_wait3A_1610] : memref<17x128xi32, #tpu.memory_space<vmem>> -> memref<1x128xi32, #tpu.memory_space<vmem>>
    %dma_wait3A_1612 = tpu.memref_squeeze %dma_wait3A_1611 : memref<1x128xi32, #tpu.memory_space<vmem>> -> memref<128xi32, #tpu.memory_space<vmem>>
    %dma_wait3A_1613 = arith.constant 0 : i32
    %dma_wait3A_1614 = tpu.memref_slice %arg18[%dma_wait3A_1613] : memref<2304xf32, #tpu.memory_space<vmem_shared>> -> memref<2304xf32, #tpu.memory_space<vmem_shared>>
    tpu.wait_indirect_dma semaphore(%arg25 : memref<!tpu.dma_semaphore, #tpu.memory_space<semaphore_mem>>) src(%arg12 : memref<128xf32, #tpu.memory_space<vmem>>) dst(%dma_wait3A_1614 : memref<2304xf32, #tpu.memory_space<vmem_shared>>)
    %dma_wait3A_1615 = arith.constant 15 : i32
    %dma_wait3A_1616 = arith.constant 0 : i32
    %dma_wait3A_1617 = tpu.memref_slice %arg7[%dma_wait3A_1615, %dma_wait3A_1616] : memref<17x128xi32, #tpu.memory_space<vmem>> -> memref<1x128xi32, #tpu.memory_space<vmem>>
    %dma_wait3A_1618 = tpu.memref_squeeze %dma_wait3A_1617 : memref<1x128xi32, #tpu.memory_space<vmem>> -> memref<128xi32, #tpu.memory_space<vmem>>
    %dma_wait3A_1619 = arith.constant 0 : i32
    %dma_wait3A_1620 = tpu.memref_slice %arg18[%dma_wait3A_1619] : memref<2304xf32, #tpu.memory_space<vmem_shared>> -> memref<2304xf32, #tpu.memory_space<vmem_shared>>
    tpu.wait_indirect_dma semaphore(%arg25 : memref<!tpu.dma_semaphore, #tpu.memory_space<semaphore_mem>>) src(%arg12 : memref<128xf32, #tpu.memory_space<vmem>>) dst(%dma_wait3A_1620 : memref<2304xf32, #tpu.memory_space<vmem_shared>>)
    %dma_wait3A_1621 = arith.constant 16 : i32
    %dma_wait3A_1622 = arith.constant 0 : i32
    %dma_wait3A_1623 = tpu.memref_slice %arg7[%dma_wait3A_1621, %dma_wait3A_1622] : memref<17x128xi32, #tpu.memory_space<vmem>> -> memref<1x128xi32, #tpu.memory_space<vmem>>
    %dma_wait3A_1624 = tpu.memref_squeeze %dma_wait3A_1623 : memref<1x128xi32, #tpu.memory_space<vmem>> -> memref<128xi32, #tpu.memory_space<vmem>>
    %dma_wait3A_1625 = arith.constant 0 : i32
    %dma_wait3A_1626 = tpu.memref_slice %arg18[%dma_wait3A_1625] : memref<2304xf32, #tpu.memory_space<vmem_shared>> -> memref<2304xf32, #tpu.memory_space<vmem_shared>>
    tpu.wait_indirect_dma semaphore(%arg25 : memref<!tpu.dma_semaphore, #tpu.memory_space<semaphore_mem>>) src(%arg12 : memref<128xf32, #tpu.memory_space<vmem>>) dst(%dma_wait3A_1626 : memref<2304xf32, #tpu.memory_space<vmem_shared>>)
    %barrier3A_1627 = arith.constant 0 : index
    tpu.barrier barrier_id(%barrier3A_1627)
    %mul3A_1628 = arith.constant 128 : i32
    %mul3A_1629 = arith.muli %arg1, %mul3A_1628 : i32
    "tpu.region"() ({
      %run_scoped3A_2595 = tpu.sem_alloc : memref<!tpu.dma_semaphore, #tpu.memory_space<semaphore_mem>>
      %dma_start3A_2596 = tpu.memref_slice %arg18[%mul3A_1629] : memref<2304xf32, #tpu.memory_space<vmem_shared>> -> memref<128xf32, #tpu.memory_space<vmem_shared>>
      %dma_start3A_2597 = tpu.memref_slice %arg18[%mul3A_1629] : memref<2304xf32, #tpu.memory_space<vmem_shared>> -> memref<128xf32, #tpu.memory_space<vmem_shared>>
      tpu.enqueue_dma source(%dma_start3A_2597 : memref<128xf32, #tpu.memory_space<vmem_shared>>) target(%arg14 : memref<128xf32, #tpu.memory_space<vmem>>) target_semaphore(%run_scoped3A_2595 : memref<!tpu.dma_semaphore, #tpu.memory_space<semaphore_mem>>)
      %dma_wait3A_2598 = tpu.memref_slice %arg18[%mul3A_1629] : memref<2304xf32, #tpu.memory_space<vmem_shared>> -> memref<128xf32, #tpu.memory_space<vmem_shared>>
      %dma_wait3A_2599 = tpu.memref_slice %arg18[%mul3A_1629] : memref<2304xf32, #tpu.memory_space<vmem_shared>> -> memref<128xf32, #tpu.memory_space<vmem_shared>>
      tpu.wait_dma2 semaphore(%run_scoped3A_2595 : memref<!tpu.dma_semaphore, #tpu.memory_space<semaphore_mem>>) src(%dma_wait3A_2599 : memref<128xf32, #tpu.memory_space<vmem_shared>>) dst(%arg14 : memref<128xf32, #tpu.memory_space<vmem>>)
      tpu.yield
    }) : () -> ()
    %get3A = arith.constant 0 : index
    %get3A_1630 = tpu.vector_load %arg14[%get3A] {strides = array<i32>} : memref<128xf32, #tpu.memory_space<vmem>>, vector<16xf32>,
    %get3A_1631 = vector.shape_cast %get3A_1630 : vector<16xf32> to vector<16xf32>
    %bitcast_convert_type3A = tpu.bitcast %get3A_1631 : vector<16xf32> -> vector<16xi32>
    %shift_right_arithmetic3A = arith.constant 1 : i32
    %shift_right_arithmetic3A_1632 = vector.broadcast %shift_right_arithmetic3A : i32 to vector<16xi32>
    %shift_right_arithmetic3A_1633 = arith.shrsi %bitcast_convert_type3A, %shift_right_arithmetic3A_1632 : vector<16xi32>
    %sub3A = arith.constant 1597463007 : i32
    %sub3A_1634 = vector.broadcast %sub3A : i32 to vector<16xi32>
    %sub3A_1635 = arith.subi %sub3A_1634, %shift_right_arithmetic3A_1633 : vector<16xi32>
    %bitcast_convert_type3A_1636 = tpu.bitcast %sub3A_1635 : vector<16xi32> -> vector<16xf32>
    %mul3A_1637 = arith.constant 5.000000e-01 : f32
    %mul3A_1638 = vector.broadcast %mul3A_1637 : f32 to vector<16xf32>
    %mul3A_1639 = arith.mulf %mul3A_1638, %get3A_1631 : vector<16xf32>
    %mul3A_1640 = arith.mulf %mul3A_1639, %bitcast_convert_type3A_1636 : vector<16xf32>
    %mul3A_1641 = arith.mulf %mul3A_1640, %bitcast_convert_type3A_1636 : vector<16xf32>
    %sub3A_1642 = arith.constant 1.500000e+00 : f32
    %sub3A_1643 = vector.broadcast %sub3A_1642 : f32 to vector<16xf32>
    %sub3A_1644 = arith.subf %sub3A_1643, %mul3A_1641 : vector<16xf32>
    %mul3A_1645 = arith.mulf %bitcast_convert_type3A_1636, %sub3A_1644 : vector<16xf32>
    %mul3A_1646 = arith.constant 5.000000e-01 : f32
    %mul3A_1647 = vector.broadcast %mul3A_1646 : f32 to vector<16xf32>
    %mul3A_1648 = arith.mulf %mul3A_1647, %get3A_1631 : vector<16xf32>
    %mul3A_1649 = arith.mulf %mul3A_1648, %mul3A_1645 : vector<16xf32>
    %mul3A_1650 = arith.mulf %mul3A_1649, %mul3A_1645 : vector<16xf32>
    %sub3A_1651 = arith.constant 1.500000e+00 : f32
    %sub3A_1652 = vector.broadcast %sub3A_1651 : f32 to vector<16xf32>
    %sub3A_1653 = arith.subf %sub3A_1652, %mul3A_1650 : vector<16xf32>
    %mul3A_1654 = arith.mulf %mul3A_1645, %sub3A_1653 : vector<16xf32>
    %mul3A_1655 = arith.constant 5.000000e-01 : f32
    %mul3A_1656 = vector.broadcast %mul3A_1655 : f32 to vector<16xf32>
    %mul3A_1657 = arith.mulf %mul3A_1656, %get3A_1631 : vector<16xf32>
    %mul3A_1658 = arith.mulf %mul3A_1657, %mul3A_1654 : vector<16xf32>
    %mul3A_1659 = arith.mulf %mul3A_1658, %mul3A_1654 : vector<16xf32>
    %sub3A_1660 = arith.constant 1.500000e+00 : f32
    %sub3A_1661 = vector.broadcast %sub3A_1660 : f32 to vector<16xf32>
    %sub3A_1662 = arith.subf %sub3A_1661, %mul3A_1659 : vector<16xf32>
    %mul3A_1663 = arith.mulf %mul3A_1654, %sub3A_1662 : vector<16xf32>
    %swap3A_1664 = arith.constant 0 : index
    %swap3A_1665 = tpu.vector_load %arg15[%swap3A_1664] {strides = array<i32>} : memref<128xf32, #tpu.memory_space<vmem>>, vector<16xf32>,
    %swap3A_1666 = vector.shape_cast %swap3A_1665 : vector<16xf32> to vector<16xf32>
    %swap3A_1667 = vector.shape_cast %mul3A_1663 : vector<16xf32> to vector<16xf32>
    tpu.vector_store %arg15[%swap3A_1664], %swap3A_1667 {strides = array<i32>} : memref<128xf32, #tpu.memory_space<vmem>>, vector<16xf32>,
    %get3A_1668 = arith.constant 16 : index
    %get3A_1669 = tpu.vector_load %arg14[%get3A_1668] {strides = array<i32>} : memref<128xf32, #tpu.memory_space<vmem>>, vector<16xf32>,
    %get3A_1670 = vector.shape_cast %get3A_1669 : vector<16xf32> to vector<16xf32>
    %bitcast_convert_type3A_1671 = tpu.bitcast %get3A_1670 : vector<16xf32> -> vector<16xi32>
    %shift_right_arithmetic3A_1672 = arith.constant 1 : i32
    %shift_right_arithmetic3A_1673 = vector.broadcast %shift_right_arithmetic3A_1672 : i32 to vector<16xi32>
    %shift_right_arithmetic3A_1674 = arith.shrsi %bitcast_convert_type3A_1671, %shift_right_arithmetic3A_1673 : vector<16xi32>
    %sub3A_1675 = arith.constant 1597463007 : i32
    %sub3A_1676 = vector.broadcast %sub3A_1675 : i32 to vector<16xi32>
    %sub3A_1677 = arith.subi %sub3A_1676, %shift_right_arithmetic3A_1674 : vector<16xi32>
    %bitcast_convert_type3A_1678 = tpu.bitcast %sub3A_1677 : vector<16xi32> -> vector<16xf32>
    %mul3A_1679 = arith.constant 5.000000e-01 : f32
    %mul3A_1680 = vector.broadcast %mul3A_1679 : f32 to vector<16xf32>
    %mul3A_1681 = arith.mulf %mul3A_1680, %get3A_1670 : vector<16xf32>
    %mul3A_1682 = arith.mulf %mul3A_1681, %bitcast_convert_type3A_1678 : vector<16xf32>
    %mul3A_1683 = arith.mulf %mul3A_1682, %bitcast_convert_type3A_1678 : vector<16xf32>
    %sub3A_1684 = arith.constant 1.500000e+00 : f32
    %sub3A_1685 = vector.broadcast %sub3A_1684 : f32 to vector<16xf32>
    %sub3A_1686 = arith.subf %sub3A_1685, %mul3A_1683 : vector<16xf32>
    %mul3A_1687 = arith.mulf %bitcast_convert_type3A_1678, %sub3A_1686 : vector<16xf32>
    %mul3A_1688 = arith.constant 5.000000e-01 : f32
    %mul3A_1689 = vector.broadcast %mul3A_1688 : f32 to vector<16xf32>
    %mul3A_1690 = arith.mulf %mul3A_1689, %get3A_1670 : vector<16xf32>
    %mul3A_1691 = arith.mulf %mul3A_1690, %mul3A_1687 : vector<16xf32>
    %mul3A_1692 = arith.mulf %mul3A_1691, %mul3A_1687 : vector<16xf32>
    %sub3A_1693 = arith.constant 1.500000e+00 : f32
    %sub3A_1694 = vector.broadcast %sub3A_1693 : f32 to vector<16xf32>
    %sub3A_1695 = arith.subf %sub3A_1694, %mul3A_1692 : vector<16xf32>
    %mul3A_1696 = arith.mulf %mul3A_1687, %sub3A_1695 : vector<16xf32>
    %mul3A_1697 = arith.constant 5.000000e-01 : f32
    %mul3A_1698 = vector.broadcast %mul3A_1697 : f32 to vector<16xf32>
    %mul3A_1699 = arith.mulf %mul3A_1698, %get3A_1670 : vector<16xf32>
    %mul3A_1700 = arith.mulf %mul3A_1699, %mul3A_1696 : vector<16xf32>
    %mul3A_1701 = arith.mulf %mul3A_1700, %mul3A_1696 : vector<16xf32>
    %sub3A_1702 = arith.constant 1.500000e+00 : f32
    %sub3A_1703 = vector.broadcast %sub3A_1702 : f32 to vector<16xf32>
    %sub3A_1704 = arith.subf %sub3A_1703, %mul3A_1701 : vector<16xf32>
    %mul3A_1705 = arith.mulf %mul3A_1696, %sub3A_1704 : vector<16xf32>
    %swap3A_1706 = arith.constant 16 : index
    %swap3A_1707 = tpu.vector_load %arg15[%swap3A_1706] {strides = array<i32>} : memref<128xf32, #tpu.memory_space<vmem>>, vector<16xf32>,
    %swap3A_1708 = vector.shape_cast %swap3A_1707 : vector<16xf32> to vector<16xf32>
    %swap3A_1709 = vector.shape_cast %mul3A_1705 : vector<16xf32> to vector<16xf32>
    tpu.vector_store %arg15[%swap3A_1706], %swap3A_1709 {strides = array<i32>} : memref<128xf32, #tpu.memory_space<vmem>>, vector<16xf32>,
    %get3A_1710 = arith.constant 32 : index
    %get3A_1711 = tpu.vector_load %arg14[%get3A_1710] {strides = array<i32>} : memref<128xf32, #tpu.memory_space<vmem>>, vector<16xf32>,
    %get3A_1712 = vector.shape_cast %get3A_1711 : vector<16xf32> to vector<16xf32>
    %bitcast_convert_type3A_1713 = tpu.bitcast %get3A_1712 : vector<16xf32> -> vector<16xi32>
    %shift_right_arithmetic3A_1714 = arith.constant 1 : i32
    %shift_right_arithmetic3A_1715 = vector.broadcast %shift_right_arithmetic3A_1714 : i32 to vector<16xi32>
    %shift_right_arithmetic3A_1716 = arith.shrsi %bitcast_convert_type3A_1713, %shift_right_arithmetic3A_1715 : vector<16xi32>
    %sub3A_1717 = arith.constant 1597463007 : i32
    %sub3A_1718 = vector.broadcast %sub3A_1717 : i32 to vector<16xi32>
    %sub3A_1719 = arith.subi %sub3A_1718, %shift_right_arithmetic3A_1716 : vector<16xi32>
    %bitcast_convert_type3A_1720 = tpu.bitcast %sub3A_1719 : vector<16xi32> -> vector<16xf32>
    %mul3A_1721 = arith.constant 5.000000e-01 : f32
    %mul3A_1722 = vector.broadcast %mul3A_1721 : f32 to vector<16xf32>
    %mul3A_1723 = arith.mulf %mul3A_1722, %get3A_1712 : vector<16xf32>
    %mul3A_1724 = arith.mulf %mul3A_1723, %bitcast_convert_type3A_1720 : vector<16xf32>
    %mul3A_1725 = arith.mulf %mul3A_1724, %bitcast_convert_type3A_1720 : vector<16xf32>
    %sub3A_1726 = arith.constant 1.500000e+00 : f32
    %sub3A_1727 = vector.broadcast %sub3A_1726 : f32 to vector<16xf32>
    %sub3A_1728 = arith.subf %sub3A_1727, %mul3A_1725 : vector<16xf32>
    %mul3A_1729 = arith.mulf %bitcast_convert_type3A_1720, %sub3A_1728 : vector<16xf32>
    %mul3A_1730 = arith.constant 5.000000e-01 : f32
    %mul3A_1731 = vector.broadcast %mul3A_1730 : f32 to vector<16xf32>
    %mul3A_1732 = arith.mulf %mul3A_1731, %get3A_1712 : vector<16xf32>
    %mul3A_1733 = arith.mulf %mul3A_1732, %mul3A_1729 : vector<16xf32>
    %mul3A_1734 = arith.mulf %mul3A_1733, %mul3A_1729 : vector<16xf32>
    %sub3A_1735 = arith.constant 1.500000e+00 : f32
    %sub3A_1736 = vector.broadcast %sub3A_1735 : f32 to vector<16xf32>
    %sub3A_1737 = arith.subf %sub3A_1736, %mul3A_1734 : vector<16xf32>
    %mul3A_1738 = arith.mulf %mul3A_1729, %sub3A_1737 : vector<16xf32>
    %mul3A_1739 = arith.constant 5.000000e-01 : f32
    %mul3A_1740 = vector.broadcast %mul3A_1739 : f32 to vector<16xf32>
    %mul3A_1741 = arith.mulf %mul3A_1740, %get3A_1712 : vector<16xf32>
    %mul3A_1742 = arith.mulf %mul3A_1741, %mul3A_1738 : vector<16xf32>
    %mul3A_1743 = arith.mulf %mul3A_1742, %mul3A_1738 : vector<16xf32>
    %sub3A_1744 = arith.constant 1.500000e+00 : f32
    %sub3A_1745 = vector.broadcast %sub3A_1744 : f32 to vector<16xf32>
    %sub3A_1746 = arith.subf %sub3A_1745, %mul3A_1743 : vector<16xf32>
    %mul3A_1747 = arith.mulf %mul3A_1738, %sub3A_1746 : vector<16xf32>
    %swap3A_1748 = arith.constant 32 : index
    %swap3A_1749 = tpu.vector_load %arg15[%swap3A_1748] {strides = array<i32>} : memref<128xf32, #tpu.memory_space<vmem>>, vector<16xf32>,
    %swap3A_1750 = vector.shape_cast %swap3A_1749 : vector<16xf32> to vector<16xf32>
    %swap3A_1751 = vector.shape_cast %mul3A_1747 : vector<16xf32> to vector<16xf32>
    tpu.vector_store %arg15[%swap3A_1748], %swap3A_1751 {strides = array<i32>} : memref<128xf32, #tpu.memory_space<vmem>>, vector<16xf32>,
    %get3A_1752 = arith.constant 48 : index
    %get3A_1753 = tpu.vector_load %arg14[%get3A_1752] {strides = array<i32>} : memref<128xf32, #tpu.memory_space<vmem>>, vector<16xf32>,
    %get3A_1754 = vector.shape_cast %get3A_1753 : vector<16xf32> to vector<16xf32>
    %bitcast_convert_type3A_1755 = tpu.bitcast %get3A_1754 : vector<16xf32> -> vector<16xi32>
    %shift_right_arithmetic3A_1756 = arith.constant 1 : i32
    %shift_right_arithmetic3A_1757 = vector.broadcast %shift_right_arithmetic3A_1756 : i32 to vector<16xi32>
    %shift_right_arithmetic3A_1758 = arith.shrsi %bitcast_convert_type3A_1755, %shift_right_arithmetic3A_1757 : vector<16xi32>
    %sub3A_1759 = arith.constant 1597463007 : i32
    %sub3A_1760 = vector.broadcast %sub3A_1759 : i32 to vector<16xi32>
    %sub3A_1761 = arith.subi %sub3A_1760, %shift_right_arithmetic3A_1758 : vector<16xi32>
    %bitcast_convert_type3A_1762 = tpu.bitcast %sub3A_1761 : vector<16xi32> -> vector<16xf32>
    %mul3A_1763 = arith.constant 5.000000e-01 : f32
    %mul3A_1764 = vector.broadcast %mul3A_1763 : f32 to vector<16xf32>
    %mul3A_1765 = arith.mulf %mul3A_1764, %get3A_1754 : vector<16xf32>
    %mul3A_1766 = arith.mulf %mul3A_1765, %bitcast_convert_type3A_1762 : vector<16xf32>
    %mul3A_1767 = arith.mulf %mul3A_1766, %bitcast_convert_type3A_1762 : vector<16xf32>
    %sub3A_1768 = arith.constant 1.500000e+00 : f32
    %sub3A_1769 = vector.broadcast %sub3A_1768 : f32 to vector<16xf32>
    %sub3A_1770 = arith.subf %sub3A_1769, %mul3A_1767 : vector<16xf32>
    %mul3A_1771 = arith.mulf %bitcast_convert_type3A_1762, %sub3A_1770 : vector<16xf32>
    %mul3A_1772 = arith.constant 5.000000e-01 : f32
    %mul3A_1773 = vector.broadcast %mul3A_1772 : f32 to vector<16xf32>
    %mul3A_1774 = arith.mulf %mul3A_1773, %get3A_1754 : vector<16xf32>
    %mul3A_1775 = arith.mulf %mul3A_1774, %mul3A_1771 : vector<16xf32>
    %mul3A_1776 = arith.mulf %mul3A_1775, %mul3A_1771 : vector<16xf32>
    %sub3A_1777 = arith.constant 1.500000e+00 : f32
    %sub3A_1778 = vector.broadcast %sub3A_1777 : f32 to vector<16xf32>
    %sub3A_1779 = arith.subf %sub3A_1778, %mul3A_1776 : vector<16xf32>
    %mul3A_1780 = arith.mulf %mul3A_1771, %sub3A_1779 : vector<16xf32>
    %mul3A_1781 = arith.constant 5.000000e-01 : f32
    %mul3A_1782 = vector.broadcast %mul3A_1781 : f32 to vector<16xf32>
    %mul3A_1783 = arith.mulf %mul3A_1782, %get3A_1754 : vector<16xf32>
    %mul3A_1784 = arith.mulf %mul3A_1783, %mul3A_1780 : vector<16xf32>
    %mul3A_1785 = arith.mulf %mul3A_1784, %mul3A_1780 : vector<16xf32>
    %sub3A_1786 = arith.constant 1.500000e+00 : f32
    %sub3A_1787 = vector.broadcast %sub3A_1786 : f32 to vector<16xf32>
    %sub3A_1788 = arith.subf %sub3A_1787, %mul3A_1785 : vector<16xf32>
    %mul3A_1789 = arith.mulf %mul3A_1780, %sub3A_1788 : vector<16xf32>
    %swap3A_1790 = arith.constant 48 : index
    %swap3A_1791 = tpu.vector_load %arg15[%swap3A_1790] {strides = array<i32>} : memref<128xf32, #tpu.memory_space<vmem>>, vector<16xf32>,
    %swap3A_1792 = vector.shape_cast %swap3A_1791 : vector<16xf32> to vector<16xf32>
    %swap3A_1793 = vector.shape_cast %mul3A_1789 : vector<16xf32> to vector<16xf32>
    tpu.vector_store %arg15[%swap3A_1790], %swap3A_1793 {strides = array<i32>} : memref<128xf32, #tpu.memory_space<vmem>>, vector<16xf32>,
    %get3A_1794 = arith.constant 64 : index
    %get3A_1795 = tpu.vector_load %arg14[%get3A_1794] {strides = array<i32>} : memref<128xf32, #tpu.memory_space<vmem>>, vector<16xf32>,
    %get3A_1796 = vector.shape_cast %get3A_1795 : vector<16xf32> to vector<16xf32>
    %bitcast_convert_type3A_1797 = tpu.bitcast %get3A_1796 : vector<16xf32> -> vector<16xi32>
    %shift_right_arithmetic3A_1798 = arith.constant 1 : i32
    %shift_right_arithmetic3A_1799 = vector.broadcast %shift_right_arithmetic3A_1798 : i32 to vector<16xi32>
    %shift_right_arithmetic3A_1800 = arith.shrsi %bitcast_convert_type3A_1797, %shift_right_arithmetic3A_1799 : vector<16xi32>
    %sub3A_1801 = arith.constant 1597463007 : i32
    %sub3A_1802 = vector.broadcast %sub3A_1801 : i32 to vector<16xi32>
    %sub3A_1803 = arith.subi %sub3A_1802, %shift_right_arithmetic3A_1800 : vector<16xi32>
    %bitcast_convert_type3A_1804 = tpu.bitcast %sub3A_1803 : vector<16xi32> -> vector<16xf32>
    %mul3A_1805 = arith.constant 5.000000e-01 : f32
    %mul3A_1806 = vector.broadcast %mul3A_1805 : f32 to vector<16xf32>
    %mul3A_1807 = arith.mulf %mul3A_1806, %get3A_1796 : vector<16xf32>
    %mul3A_1808 = arith.mulf %mul3A_1807, %bitcast_convert_type3A_1804 : vector<16xf32>
    %mul3A_1809 = arith.mulf %mul3A_1808, %bitcast_convert_type3A_1804 : vector<16xf32>
    %sub3A_1810 = arith.constant 1.500000e+00 : f32
    %sub3A_1811 = vector.broadcast %sub3A_1810 : f32 to vector<16xf32>
    %sub3A_1812 = arith.subf %sub3A_1811, %mul3A_1809 : vector<16xf32>
    %mul3A_1813 = arith.mulf %bitcast_convert_type3A_1804, %sub3A_1812 : vector<16xf32>
    %mul3A_1814 = arith.constant 5.000000e-01 : f32
    %mul3A_1815 = vector.broadcast %mul3A_1814 : f32 to vector<16xf32>
    %mul3A_1816 = arith.mulf %mul3A_1815, %get3A_1796 : vector<16xf32>
    %mul3A_1817 = arith.mulf %mul3A_1816, %mul3A_1813 : vector<16xf32>
    %mul3A_1818 = arith.mulf %mul3A_1817, %mul3A_1813 : vector<16xf32>
    %sub3A_1819 = arith.constant 1.500000e+00 : f32
    %sub3A_1820 = vector.broadcast %sub3A_1819 : f32 to vector<16xf32>
    %sub3A_1821 = arith.subf %sub3A_1820, %mul3A_1818 : vector<16xf32>
    %mul3A_1822 = arith.mulf %mul3A_1813, %sub3A_1821 : vector<16xf32>
    %mul3A_1823 = arith.constant 5.000000e-01 : f32
    %mul3A_1824 = vector.broadcast %mul3A_1823 : f32 to vector<16xf32>
    %mul3A_1825 = arith.mulf %mul3A_1824, %get3A_1796 : vector<16xf32>
    %mul3A_1826 = arith.mulf %mul3A_1825, %mul3A_1822 : vector<16xf32>
    %mul3A_1827 = arith.mulf %mul3A_1826, %mul3A_1822 : vector<16xf32>
    %sub3A_1828 = arith.constant 1.500000e+00 : f32
    %sub3A_1829 = vector.broadcast %sub3A_1828 : f32 to vector<16xf32>
    %sub3A_1830 = arith.subf %sub3A_1829, %mul3A_1827 : vector<16xf32>
    %mul3A_1831 = arith.mulf %mul3A_1822, %sub3A_1830 : vector<16xf32>
    %swap3A_1832 = arith.constant 64 : index
    %swap3A_1833 = tpu.vector_load %arg15[%swap3A_1832] {strides = array<i32>} : memref<128xf32, #tpu.memory_space<vmem>>, vector<16xf32>,
    %swap3A_1834 = vector.shape_cast %swap3A_1833 : vector<16xf32> to vector<16xf32>
    %swap3A_1835 = vector.shape_cast %mul3A_1831 : vector<16xf32> to vector<16xf32>
    tpu.vector_store %arg15[%swap3A_1832], %swap3A_1835 {strides = array<i32>} : memref<128xf32, #tpu.memory_space<vmem>>, vector<16xf32>,
    %get3A_1836 = arith.constant 80 : index
    %get3A_1837 = tpu.vector_load %arg14[%get3A_1836] {strides = array<i32>} : memref<128xf32, #tpu.memory_space<vmem>>, vector<16xf32>,
    %get3A_1838 = vector.shape_cast %get3A_1837 : vector<16xf32> to vector<16xf32>
    %bitcast_convert_type3A_1839 = tpu.bitcast %get3A_1838 : vector<16xf32> -> vector<16xi32>
    %shift_right_arithmetic3A_1840 = arith.constant 1 : i32
    %shift_right_arithmetic3A_1841 = vector.broadcast %shift_right_arithmetic3A_1840 : i32 to vector<16xi32>
    %shift_right_arithmetic3A_1842 = arith.shrsi %bitcast_convert_type3A_1839, %shift_right_arithmetic3A_1841 : vector<16xi32>
    %sub3A_1843 = arith.constant 1597463007 : i32
    %sub3A_1844 = vector.broadcast %sub3A_1843 : i32 to vector<16xi32>
    %sub3A_1845 = arith.subi %sub3A_1844, %shift_right_arithmetic3A_1842 : vector<16xi32>
    %bitcast_convert_type3A_1846 = tpu.bitcast %sub3A_1845 : vector<16xi32> -> vector<16xf32>
    %mul3A_1847 = arith.constant 5.000000e-01 : f32
    %mul3A_1848 = vector.broadcast %mul3A_1847 : f32 to vector<16xf32>
    %mul3A_1849 = arith.mulf %mul3A_1848, %get3A_1838 : vector<16xf32>
    %mul3A_1850 = arith.mulf %mul3A_1849, %bitcast_convert_type3A_1846 : vector<16xf32>
    %mul3A_1851 = arith.mulf %mul3A_1850, %bitcast_convert_type3A_1846 : vector<16xf32>
    %sub3A_1852 = arith.constant 1.500000e+00 : f32
    %sub3A_1853 = vector.broadcast %sub3A_1852 : f32 to vector<16xf32>
    %sub3A_1854 = arith.subf %sub3A_1853, %mul3A_1851 : vector<16xf32>
    %mul3A_1855 = arith.mulf %bitcast_convert_type3A_1846, %sub3A_1854 : vector<16xf32>
    %mul3A_1856 = arith.constant 5.000000e-01 : f32
    %mul3A_1857 = vector.broadcast %mul3A_1856 : f32 to vector<16xf32>
    %mul3A_1858 = arith.mulf %mul3A_1857, %get3A_1838 : vector<16xf32>
    %mul3A_1859 = arith.mulf %mul3A_1858, %mul3A_1855 : vector<16xf32>
    %mul3A_1860 = arith.mulf %mul3A_1859, %mul3A_1855 : vector<16xf32>
    %sub3A_1861 = arith.constant 1.500000e+00 : f32
    %sub3A_1862 = vector.broadcast %sub3A_1861 : f32 to vector<16xf32>
    %sub3A_1863 = arith.subf %sub3A_1862, %mul3A_1860 : vector<16xf32>
    %mul3A_1864 = arith.mulf %mul3A_1855, %sub3A_1863 : vector<16xf32>
    %mul3A_1865 = arith.constant 5.000000e-01 : f32
    %mul3A_1866 = vector.broadcast %mul3A_1865 : f32 to vector<16xf32>
    %mul3A_1867 = arith.mulf %mul3A_1866, %get3A_1838 : vector<16xf32>
    %mul3A_1868 = arith.mulf %mul3A_1867, %mul3A_1864 : vector<16xf32>
    %mul3A_1869 = arith.mulf %mul3A_1868, %mul3A_1864 : vector<16xf32>
    %sub3A_1870 = arith.constant 1.500000e+00 : f32
    %sub3A_1871 = vector.broadcast %sub3A_1870 : f32 to vector<16xf32>
    %sub3A_1872 = arith.subf %sub3A_1871, %mul3A_1869 : vector<16xf32>
    %mul3A_1873 = arith.mulf %mul3A_1864, %sub3A_1872 : vector<16xf32>
    %swap3A_1874 = arith.constant 80 : index
    %swap3A_1875 = tpu.vector_load %arg15[%swap3A_1874] {strides = array<i32>} : memref<128xf32, #tpu.memory_space<vmem>>, vector<16xf32>,
    %swap3A_1876 = vector.shape_cast %swap3A_1875 : vector<16xf32> to vector<16xf32>
    %swap3A_1877 = vector.shape_cast %mul3A_1873 : vector<16xf32> to vector<16xf32>
    tpu.vector_store %arg15[%swap3A_1874], %swap3A_1877 {strides = array<i32>} : memref<128xf32, #tpu.memory_space<vmem>>, vector<16xf32>,
    %get3A_1878 = arith.constant 96 : index
    %get3A_1879 = tpu.vector_load %arg14[%get3A_1878] {strides = array<i32>} : memref<128xf32, #tpu.memory_space<vmem>>, vector<16xf32>,
    %get3A_1880 = vector.shape_cast %get3A_1879 : vector<16xf32> to vector<16xf32>
    %bitcast_convert_type3A_1881 = tpu.bitcast %get3A_1880 : vector<16xf32> -> vector<16xi32>
    %shift_right_arithmetic3A_1882 = arith.constant 1 : i32
    %shift_right_arithmetic3A_1883 = vector.broadcast %shift_right_arithmetic3A_1882 : i32 to vector<16xi32>
    %shift_right_arithmetic3A_1884 = arith.shrsi %bitcast_convert_type3A_1881, %shift_right_arithmetic3A_1883 : vector<16xi32>
    %sub3A_1885 = arith.constant 1597463007 : i32
    %sub3A_1886 = vector.broadcast %sub3A_1885 : i32 to vector<16xi32>
    %sub3A_1887 = arith.subi %sub3A_1886, %shift_right_arithmetic3A_1884 : vector<16xi32>
    %bitcast_convert_type3A_1888 = tpu.bitcast %sub3A_1887 : vector<16xi32> -> vector<16xf32>
    %mul3A_1889 = arith.constant 5.000000e-01 : f32
    %mul3A_1890 = vector.broadcast %mul3A_1889 : f32 to vector<16xf32>
    %mul3A_1891 = arith.mulf %mul3A_1890, %get3A_1880 : vector<16xf32>
    %mul3A_1892 = arith.mulf %mul3A_1891, %bitcast_convert_type3A_1888 : vector<16xf32>
    %mul3A_1893 = arith.mulf %mul3A_1892, %bitcast_convert_type3A_1888 : vector<16xf32>
    %sub3A_1894 = arith.constant 1.500000e+00 : f32
    %sub3A_1895 = vector.broadcast %sub3A_1894 : f32 to vector<16xf32>
    %sub3A_1896 = arith.subf %sub3A_1895, %mul3A_1893 : vector<16xf32>
    %mul3A_1897 = arith.mulf %bitcast_convert_type3A_1888, %sub3A_1896 : vector<16xf32>
    %mul3A_1898 = arith.constant 5.000000e-01 : f32
    %mul3A_1899 = vector.broadcast %mul3A_1898 : f32 to vector<16xf32>
    %mul3A_1900 = arith.mulf %mul3A_1899, %get3A_1880 : vector<16xf32>
    %mul3A_1901 = arith.mulf %mul3A_1900, %mul3A_1897 : vector<16xf32>
    %mul3A_1902 = arith.mulf %mul3A_1901, %mul3A_1897 : vector<16xf32>
    %sub3A_1903 = arith.constant 1.500000e+00 : f32
    %sub3A_1904 = vector.broadcast %sub3A_1903 : f32 to vector<16xf32>
    %sub3A_1905 = arith.subf %sub3A_1904, %mul3A_1902 : vector<16xf32>
    %mul3A_1906 = arith.mulf %mul3A_1897, %sub3A_1905 : vector<16xf32>
    %mul3A_1907 = arith.constant 5.000000e-01 : f32
    %mul3A_1908 = vector.broadcast %mul3A_1907 : f32 to vector<16xf32>
    %mul3A_1909 = arith.mulf %mul3A_1908, %get3A_1880 : vector<16xf32>
    %mul3A_1910 = arith.mulf %mul3A_1909, %mul3A_1906 : vector<16xf32>
    %mul3A_1911 = arith.mulf %mul3A_1910, %mul3A_1906 : vector<16xf32>
    %sub3A_1912 = arith.constant 1.500000e+00 : f32
    %sub3A_1913 = vector.broadcast %sub3A_1912 : f32 to vector<16xf32>
    %sub3A_1914 = arith.subf %sub3A_1913, %mul3A_1911 : vector<16xf32>
    %mul3A_1915 = arith.mulf %mul3A_1906, %sub3A_1914 : vector<16xf32>
    %swap3A_1916 = arith.constant 96 : index
    %swap3A_1917 = tpu.vector_load %arg15[%swap3A_1916] {strides = array<i32>} : memref<128xf32, #tpu.memory_space<vmem>>, vector<16xf32>,
    %swap3A_1918 = vector.shape_cast %swap3A_1917 : vector<16xf32> to vector<16xf32>
    %swap3A_1919 = vector.shape_cast %mul3A_1915 : vector<16xf32> to vector<16xf32>
    tpu.vector_store %arg15[%swap3A_1916], %swap3A_1919 {strides = array<i32>} : memref<128xf32, #tpu.memory_space<vmem>>, vector<16xf32>,
    %get3A_1920 = arith.constant 112 : index
    %get3A_1921 = tpu.vector_load %arg14[%get3A_1920] {strides = array<i32>} : memref<128xf32, #tpu.memory_space<vmem>>, vector<16xf32>,
    %get3A_1922 = vector.shape_cast %get3A_1921 : vector<16xf32> to vector<16xf32>
    %bitcast_convert_type3A_1923 = tpu.bitcast %get3A_1922 : vector<16xf32> -> vector<16xi32>
    %shift_right_arithmetic3A_1924 = arith.constant 1 : i32
    %shift_right_arithmetic3A_1925 = vector.broadcast %shift_right_arithmetic3A_1924 : i32 to vector<16xi32>
    %shift_right_arithmetic3A_1926 = arith.shrsi %bitcast_convert_type3A_1923, %shift_right_arithmetic3A_1925 : vector<16xi32>
    %sub3A_1927 = arith.constant 1597463007 : i32
    %sub3A_1928 = vector.broadcast %sub3A_1927 : i32 to vector<16xi32>
    %sub3A_1929 = arith.subi %sub3A_1928, %shift_right_arithmetic3A_1926 : vector<16xi32>
    %bitcast_convert_type3A_1930 = tpu.bitcast %sub3A_1929 : vector<16xi32> -> vector<16xf32>
    %mul3A_1931 = arith.constant 5.000000e-01 : f32
    %mul3A_1932 = vector.broadcast %mul3A_1931 : f32 to vector<16xf32>
    %mul3A_1933 = arith.mulf %mul3A_1932, %get3A_1922 : vector<16xf32>
    %mul3A_1934 = arith.mulf %mul3A_1933, %bitcast_convert_type3A_1930 : vector<16xf32>
    %mul3A_1935 = arith.mulf %mul3A_1934, %bitcast_convert_type3A_1930 : vector<16xf32>
    %sub3A_1936 = arith.constant 1.500000e+00 : f32
    %sub3A_1937 = vector.broadcast %sub3A_1936 : f32 to vector<16xf32>
    %sub3A_1938 = arith.subf %sub3A_1937, %mul3A_1935 : vector<16xf32>
    %mul3A_1939 = arith.mulf %bitcast_convert_type3A_1930, %sub3A_1938 : vector<16xf32>
    %mul3A_1940 = arith.constant 5.000000e-01 : f32
    %mul3A_1941 = vector.broadcast %mul3A_1940 : f32 to vector<16xf32>
    %mul3A_1942 = arith.mulf %mul3A_1941, %get3A_1922 : vector<16xf32>
    %mul3A_1943 = arith.mulf %mul3A_1942, %mul3A_1939 : vector<16xf32>
    %mul3A_1944 = arith.mulf %mul3A_1943, %mul3A_1939 : vector<16xf32>
    %sub3A_1945 = arith.constant 1.500000e+00 : f32
    %sub3A_1946 = vector.broadcast %sub3A_1945 : f32 to vector<16xf32>
    %sub3A_1947 = arith.subf %sub3A_1946, %mul3A_1944 : vector<16xf32>
    %mul3A_1948 = arith.mulf %mul3A_1939, %sub3A_1947 : vector<16xf32>
    %mul3A_1949 = arith.constant 5.000000e-01 : f32
    %mul3A_1950 = vector.broadcast %mul3A_1949 : f32 to vector<16xf32>
    %mul3A_1951 = arith.mulf %mul3A_1950, %get3A_1922 : vector<16xf32>
    %mul3A_1952 = arith.mulf %mul3A_1951, %mul3A_1948 : vector<16xf32>
    %mul3A_1953 = arith.mulf %mul3A_1952, %mul3A_1948 : vector<16xf32>
    %sub3A_1954 = arith.constant 1.500000e+00 : f32
    %sub3A_1955 = vector.broadcast %sub3A_1954 : f32 to vector<16xf32>
    %sub3A_1956 = arith.subf %sub3A_1955, %mul3A_1953 : vector<16xf32>
    %mul3A_1957 = arith.mulf %mul3A_1948, %sub3A_1956 : vector<16xf32>
    %swap3A_1958 = arith.constant 112 : index
    %swap3A_1959 = tpu.vector_load %arg15[%swap3A_1958] {strides = array<i32>} : memref<128xf32, #tpu.memory_space<vmem>>, vector<16xf32>,
    %swap3A_1960 = vector.shape_cast %swap3A_1959 : vector<16xf32> to vector<16xf32>
    %swap3A_1961 = vector.shape_cast %mul3A_1957 : vector<16xf32> to vector<16xf32>
    tpu.vector_store %arg15[%swap3A_1958], %swap3A_1961 {strides = array<i32>} : memref<128xf32, #tpu.memory_space<vmem>>, vector<16xf32>,
    %mul3A_1962 = arith.constant 128 : i32
    %mul3A_1963 = arith.muli %arg1, %mul3A_1962 : i32
    "tpu.region"() ({
      %run_scoped3A_2595 = tpu.sem_alloc : memref<!tpu.dma_semaphore, #tpu.memory_space<semaphore_mem>>
      %dma_start3A_2596 = tpu.memref_slice %arg20[%mul3A_1963] : memref<2048xf32, #tpu.memory_space<vmem_shared>> -> memref<128xf32, #tpu.memory_space<vmem_shared>>
      %dma_start3A_2597 = tpu.memref_slice %arg20[%mul3A_1963] : memref<2048xf32, #tpu.memory_space<vmem_shared>> -> memref<128xf32, #tpu.memory_space<vmem_shared>>
      tpu.enqueue_dma source(%arg15 : memref<128xf32, #tpu.memory_space<vmem>>) target(%dma_start3A_2597 : memref<128xf32, #tpu.memory_space<vmem_shared>>) target_semaphore(%run_scoped3A_2595 : memref<!tpu.dma_semaphore, #tpu.memory_space<semaphore_mem>>)
      %dma_wait3A_2598 = tpu.memref_slice %arg20[%mul3A_1963] : memref<2048xf32, #tpu.memory_space<vmem_shared>> -> memref<128xf32, #tpu.memory_space<vmem_shared>>
      %dma_wait3A_2599 = tpu.memref_slice %arg20[%mul3A_1963] : memref<2048xf32, #tpu.memory_space<vmem_shared>> -> memref<128xf32, #tpu.memory_space<vmem_shared>>
      tpu.wait_dma2 semaphore(%run_scoped3A_2595 : memref<!tpu.dma_semaphore, #tpu.memory_space<semaphore_mem>>) src(%arg15 : memref<128xf32, #tpu.memory_space<vmem>>) dst(%dma_wait3A_2599 : memref<128xf32, #tpu.memory_space<vmem_shared>>)
      tpu.yield
    }) : () -> ()
    %eq3A = arith.constant 0 : i32
    %eq3A_1964 = arith.cmpi eq, %arg0, %eq3A : i32
    %convert_element_type3A = arith.extui %eq3A_1964 : i1 to i32
    %cond3A = arith.constant 0 : i32
    %cond3A_1965 = arith.cmpi ne, %convert_element_type3A, %cond3A : i32
    scf.if %cond3A_1965 {
      %mul3A_2595 = arith.constant 128 : i32
      %mul3A_2596 = arith.muli %arg1, %mul3A_2595 : i32
      "tpu.region"() ({
        %run_scoped3A_2597 = tpu.sem_alloc : memref<!tpu.dma_semaphore, #tpu.memory_space<semaphore_mem>>
        %dma_start3A_2598 = tpu.memref_slice %arg6[%mul3A_2596] : memref<2048xf32, #tpu.memory_space<hbm>> -> memref<128xf32, #tpu.memory_space<hbm>>
        %dma_start3A_2599 = tpu.memref_slice %arg6[%mul3A_2596] : memref<2048xf32, #tpu.memory_space<hbm>> -> memref<128xf32, #tpu.memory_space<hbm>>
        tpu.enqueue_dma source(%arg15 : memref<128xf32, #tpu.memory_space<vmem>>) target(%dma_start3A_2599 : memref<128xf32, #tpu.memory_space<hbm>>) target_semaphore(%run_scoped3A_2597 : memref<!tpu.dma_semaphore, #tpu.memory_space<semaphore_mem>>)
        %dma_wait3A_2600 = tpu.memref_slice %arg6[%mul3A_2596] : memref<2048xf32, #tpu.memory_space<hbm>> -> memref<128xf32, #tpu.memory_space<hbm>>
        %dma_wait3A_2601 = tpu.memref_slice %arg6[%mul3A_2596] : memref<2048xf32, #tpu.memory_space<hbm>> -> memref<128xf32, #tpu.memory_space<hbm>>
        tpu.wait_dma2 semaphore(%run_scoped3A_2597 : memref<!tpu.dma_semaphore, #tpu.memory_space<semaphore_mem>>) src(%arg15 : memref<128xf32, #tpu.memory_space<vmem>>) dst(%dma_wait3A_2601 : memref<128xf32, #tpu.memory_space<hbm>>)
        tpu.yield
      }) : () -> ()
    } else {
    }
    %scan3A = arith.constant 0 : i32
    %scan3A_1966 = arith.constant 0 : i32
    %scan3A_1967 = arith.constant 128 : i32
    %scan3A_1968 = arith.addi %scan3A_1966, %scan3A_1967 : i32
    %scan3A_1969 = arith.constant 1 : i32
    scf.for %scan3A_2595 = %scan3A_1966 to %scan3A_1968 step %scan3A_1969  : i32 {
      %jit3A = arith.constant 16 : i32
      %div3A = arith.divsi %scan3A_2595, %jit3A : i32
      %sign3A = arith.constant 0 : i32
      %sign3A_2596 = arith.cmpi sgt, %scan3A_2595, %sign3A : i32
      %sign3A_2597 = arith.extui %sign3A_2596 : i1 to i32
      %sign3A_2598 = arith.constant 0 : i32
      %sign3A_2599 = arith.cmpi slt, %scan3A_2595, %sign3A_2598 : i32
      %sign3A_2600 = arith.extui %sign3A_2599 : i1 to i32
      %sign3A_2601 = arith.subi %sign3A_2597, %sign3A_2600 : i32
      %sign3A_2602 = arith.constant 0 : i32
      %sign3A_2603 = arith.cmpi sgt, %jit3A, %sign3A_2602 : i32
      %sign3A_2604 = arith.extui %sign3A_2603 : i1 to i32
      %sign3A_2605 = arith.constant 0 : i32
      %sign3A_2606 = arith.cmpi slt, %jit3A, %sign3A_2605 : i32
      %sign3A_2607 = arith.extui %sign3A_2606 : i1 to i32
      %sign3A_2608 = arith.subi %sign3A_2604, %sign3A_2607 : i32
      %ne3A = arith.cmpi ne, %sign3A_2601, %sign3A_2608 : i32
      %rem3A = arith.remsi %scan3A_2595, %jit3A : i32
      %ne3A_2609 = arith.constant 0 : i32
      %ne3A_2610 = arith.cmpi ne, %rem3A, %ne3A_2609 : i32
      %and3A = arith.andi %ne3A, %ne3A_2610 : i1
      %sub3A_2611 = arith.constant 1 : i32
      %sub3A_2612 = arith.subi %div3A, %sub3A_2611 : i32
      %select_n3A = arith.select %and3A, %sub3A_2612, %div3A : i32
      %mul3A_2613 = arith.constant 16 : i32
      %mul3A_2614 = arith.muli %select_n3A, %mul3A_2613 : i32
      %get3A_2615 = arith.index_cast %mul3A_2614 : i32 to index
      %get3A_2616 = tpu.vector_load %arg15[%get3A_2615] {strides = array<i32>} : memref<128xf32, #tpu.memory_space<vmem>>, vector<16xf32>,
      %get3A_2617 = vector.shape_cast %get3A_2616 : vector<16xf32> to vector<16xf32>
      %jit3A_2618 = arith.constant 16 : i32
      %eq3A_2619 = arith.constant 0 : i32
      %eq3A_2620 = arith.cmpi eq, %jit3A_2618, %eq3A_2619 : i32
      %jit3A_2621 = arith.constant 1 : i32
      %select_n3A_2622 = arith.select %eq3A_2620, %jit3A_2621, %jit3A_2618 : i32
      %rem3A_2623 = arith.remsi %scan3A_2595, %select_n3A_2622 : i32
      %ne3A_2624 = arith.constant 0 : i32
      %ne3A_2625 = arith.cmpi ne, %rem3A_2623, %ne3A_2624 : i32
      %lt3A = arith.constant 0 : i32
      %lt3A_2626 = arith.cmpi slt, %rem3A_2623, %lt3A : i32
      %lt3A_2627 = arith.constant 0 : i32
      %lt3A_2628 = arith.cmpi slt, %select_n3A_2622, %lt3A_2627 : i32
      %ne3A_2629 = arith.xori %lt3A_2626, %lt3A_2628 : i1
      %and3A_2630 = arith.andi %ne3A_2629, %ne3A_2625 : i1
      %add3A_2631 = arith.addi %rem3A_2623, %select_n3A_2622 : i32
      %select_n3A_2632 = arith.select %and3A_2630, %add3A_2631, %rem3A_2623 : i32
      %broadcast_in_dim3A_2633 = vector.broadcast %select_n3A_2632 : i32 to vector<16x1xi32>
      %gather3A = vector.shape_cast %broadcast_in_dim3A_2633 : vector<16x1xi32> to vector<16xi32>
      %gather3A_2634 = tpu.dynamic_gather %get3A_2617[%gather3A] in [0] : vector<16xf32>, vector<16xi32> -> vector<16xf32>
      %get3A_2635 = arith.index_cast %scan3A_2595 : i32 to index
      %get3A_2636 = arith.constant 0 : index
      %get3A_2637 = tpu.vector_load %arg10[%get3A_2635, %get3A_2636] {strides = array<i32>} : memref<128x128xf32, #tpu.memory_space<vmem>>, vector<1x16xf32>,
      %get3A_2638 = vector.shape_cast %get3A_2637 : vector<1x16xf32> to vector<16xf32>
      %mul3A_2639 = arith.mulf %get3A_2638, %gather3A_2634 : vector<16xf32>
      %swap3A_2640 = arith.index_cast %scan3A_2595 : i32 to index
      %swap3A_2641 = arith.constant 0 : index
      %swap3A_2642 = tpu.vector_load %arg10[%swap3A_2640, %swap3A_2641] {strides = array<i32>} : memref<128x128xf32, #tpu.memory_space<vmem>>, vector<1x16xf32>,
      %swap3A_2643 = vector.shape_cast %swap3A_2642 : vector<1x16xf32> to vector<16xf32>
      %swap3A_2644 = vector.shape_cast %mul3A_2639 : vector<16xf32> to vector<1x16xf32>
      tpu.vector_store %arg10[%swap3A_2640, %swap3A_2641], %swap3A_2644 {strides = array<i32>} : memref<128x128xf32, #tpu.memory_space<vmem>>, vector<1x16xf32>,
      %get3A_2645 = arith.index_cast %scan3A_2595 : i32 to index
      %get3A_2646 = arith.constant 16 : index
      %get3A_2647 = tpu.vector_load %arg10[%get3A_2645, %get3A_2646] {strides = array<i32>} : memref<128x128xf32, #tpu.memory_space<vmem>>, vector<1x16xf32>,
      %get3A_2648 = vector.shape_cast %get3A_2647 : vector<1x16xf32> to vector<16xf32>
      %mul3A_2649 = arith.mulf %get3A_2648, %gather3A_2634 : vector<16xf32>
      %swap3A_2650 = arith.index_cast %scan3A_2595 : i32 to index
      %swap3A_2651 = arith.constant 16 : index
      %swap3A_2652 = tpu.vector_load %arg10[%swap3A_2650, %swap3A_2651] {strides = array<i32>} : memref<128x128xf32, #tpu.memory_space<vmem>>, vector<1x16xf32>,
      %swap3A_2653 = vector.shape_cast %swap3A_2652 : vector<1x16xf32> to vector<16xf32>
      %swap3A_2654 = vector.shape_cast %mul3A_2649 : vector<16xf32> to vector<1x16xf32>
      tpu.vector_store %arg10[%swap3A_2650, %swap3A_2651], %swap3A_2654 {strides = array<i32>} : memref<128x128xf32, #tpu.memory_space<vmem>>, vector<1x16xf32>,
      %get3A_2655 = arith.index_cast %scan3A_2595 : i32 to index
      %get3A_2656 = arith.constant 32 : index
      %get3A_2657 = tpu.vector_load %arg10[%get3A_2655, %get3A_2656] {strides = array<i32>} : memref<128x128xf32, #tpu.memory_space<vmem>>, vector<1x16xf32>,
      %get3A_2658 = vector.shape_cast %get3A_2657 : vector<1x16xf32> to vector<16xf32>
      %mul3A_2659 = arith.mulf %get3A_2658, %gather3A_2634 : vector<16xf32>
      %swap3A_2660 = arith.index_cast %scan3A_2595 : i32 to index
      %swap3A_2661 = arith.constant 32 : index
      %swap3A_2662 = tpu.vector_load %arg10[%swap3A_2660, %swap3A_2661] {strides = array<i32>} : memref<128x128xf32, #tpu.memory_space<vmem>>, vector<1x16xf32>,
      %swap3A_2663 = vector.shape_cast %swap3A_2662 : vector<1x16xf32> to vector<16xf32>
      %swap3A_2664 = vector.shape_cast %mul3A_2659 : vector<16xf32> to vector<1x16xf32>
      tpu.vector_store %arg10[%swap3A_2660, %swap3A_2661], %swap3A_2664 {strides = array<i32>} : memref<128x128xf32, #tpu.memory_space<vmem>>, vector<1x16xf32>,
      %get3A_2665 = arith.index_cast %scan3A_2595 : i32 to index
      %get3A_2666 = arith.constant 48 : index
      %get3A_2667 = tpu.vector_load %arg10[%get3A_2665, %get3A_2666] {strides = array<i32>} : memref<128x128xf32, #tpu.memory_space<vmem>>, vector<1x16xf32>,
      %get3A_2668 = vector.shape_cast %get3A_2667 : vector<1x16xf32> to vector<16xf32>
      %mul3A_2669 = arith.mulf %get3A_2668, %gather3A_2634 : vector<16xf32>
      %swap3A_2670 = arith.index_cast %scan3A_2595 : i32 to index
      %swap3A_2671 = arith.constant 48 : index
      %swap3A_2672 = tpu.vector_load %arg10[%swap3A_2670, %swap3A_2671] {strides = array<i32>} : memref<128x128xf32, #tpu.memory_space<vmem>>, vector<1x16xf32>,
      %swap3A_2673 = vector.shape_cast %swap3A_2672 : vector<1x16xf32> to vector<16xf32>
      %swap3A_2674 = vector.shape_cast %mul3A_2669 : vector<16xf32> to vector<1x16xf32>
      tpu.vector_store %arg10[%swap3A_2670, %swap3A_2671], %swap3A_2674 {strides = array<i32>} : memref<128x128xf32, #tpu.memory_space<vmem>>, vector<1x16xf32>,
      %get3A_2675 = arith.index_cast %scan3A_2595 : i32 to index
      %get3A_2676 = arith.constant 64 : index
      %get3A_2677 = tpu.vector_load %arg10[%get3A_2675, %get3A_2676] {strides = array<i32>} : memref<128x128xf32, #tpu.memory_space<vmem>>, vector<1x16xf32>,
      %get3A_2678 = vector.shape_cast %get3A_2677 : vector<1x16xf32> to vector<16xf32>
      %mul3A_2679 = arith.mulf %get3A_2678, %gather3A_2634 : vector<16xf32>
      %swap3A_2680 = arith.index_cast %scan3A_2595 : i32 to index
      %swap3A_2681 = arith.constant 64 : index
      %swap3A_2682 = tpu.vector_load %arg10[%swap3A_2680, %swap3A_2681] {strides = array<i32>} : memref<128x128xf32, #tpu.memory_space<vmem>>, vector<1x16xf32>,
      %swap3A_2683 = vector.shape_cast %swap3A_2682 : vector<1x16xf32> to vector<16xf32>
      %swap3A_2684 = vector.shape_cast %mul3A_2679 : vector<16xf32> to vector<1x16xf32>
      tpu.vector_store %arg10[%swap3A_2680, %swap3A_2681], %swap3A_2684 {strides = array<i32>} : memref<128x128xf32, #tpu.memory_space<vmem>>, vector<1x16xf32>,
      %get3A_2685 = arith.index_cast %scan3A_2595 : i32 to index
      %get3A_2686 = arith.constant 80 : index
      %get3A_2687 = tpu.vector_load %arg10[%get3A_2685, %get3A_2686] {strides = array<i32>} : memref<128x128xf32, #tpu.memory_space<vmem>>, vector<1x16xf32>,
      %get3A_2688 = vector.shape_cast %get3A_2687 : vector<1x16xf32> to vector<16xf32>
      %mul3A_2689 = arith.mulf %get3A_2688, %gather3A_2634 : vector<16xf32>
      %swap3A_2690 = arith.index_cast %scan3A_2595 : i32 to index
      %swap3A_2691 = arith.constant 80 : index
      %swap3A_2692 = tpu.vector_load %arg10[%swap3A_2690, %swap3A_2691] {strides = array<i32>} : memref<128x128xf32, #tpu.memory_space<vmem>>, vector<1x16xf32>,
      %swap3A_2693 = vector.shape_cast %swap3A_2692 : vector<1x16xf32> to vector<16xf32>
      %swap3A_2694 = vector.shape_cast %mul3A_2689 : vector<16xf32> to vector<1x16xf32>
      tpu.vector_store %arg10[%swap3A_2690, %swap3A_2691], %swap3A_2694 {strides = array<i32>} : memref<128x128xf32, #tpu.memory_space<vmem>>, vector<1x16xf32>,
      %get3A_2695 = arith.index_cast %scan3A_2595 : i32 to index
      %get3A_2696 = arith.constant 96 : index
      %get3A_2697 = tpu.vector_load %arg10[%get3A_2695, %get3A_2696] {strides = array<i32>} : memref<128x128xf32, #tpu.memory_space<vmem>>, vector<1x16xf32>,
      %get3A_2698 = vector.shape_cast %get3A_2697 : vector<1x16xf32> to vector<16xf32>
      %mul3A_2699 = arith.mulf %get3A_2698, %gather3A_2634 : vector<16xf32>
      %swap3A_2700 = arith.index_cast %scan3A_2595 : i32 to index
      %swap3A_2701 = arith.constant 96 : index
      %swap3A_2702 = tpu.vector_load %arg10[%swap3A_2700, %swap3A_2701] {strides = array<i32>} : memref<128x128xf32, #tpu.memory_space<vmem>>, vector<1x16xf32>,
      %swap3A_2703 = vector.shape_cast %swap3A_2702 : vector<1x16xf32> to vector<16xf32>
      %swap3A_2704 = vector.shape_cast %mul3A_2699 : vector<16xf32> to vector<1x16xf32>
      tpu.vector_store %arg10[%swap3A_2700, %swap3A_2701], %swap3A_2704 {strides = array<i32>} : memref<128x128xf32, #tpu.memory_space<vmem>>, vector<1x16xf32>,
      %get3A_2705 = arith.index_cast %scan3A_2595 : i32 to index
      %get3A_2706 = arith.constant 112 : index
      %get3A_2707 = tpu.vector_load %arg10[%get3A_2705, %get3A_2706] {strides = array<i32>} : memref<128x128xf32, #tpu.memory_space<vmem>>, vector<1x16xf32>,
      %get3A_2708 = vector.shape_cast %get3A_2707 : vector<1x16xf32> to vector<16xf32>
      %mul3A_2709 = arith.mulf %get3A_2708, %gather3A_2634 : vector<16xf32>
      %swap3A_2710 = arith.index_cast %scan3A_2595 : i32 to index
      %swap3A_2711 = arith.constant 112 : index
      %swap3A_2712 = tpu.vector_load %arg10[%swap3A_2710, %swap3A_2711] {strides = array<i32>} : memref<128x128xf32, #tpu.memory_space<vmem>>, vector<1x16xf32>,
      %swap3A_2713 = vector.shape_cast %swap3A_2712 : vector<1x16xf32> to vector<16xf32>
      %swap3A_2714 = vector.shape_cast %mul3A_2709 : vector<16xf32> to vector<1x16xf32>
      tpu.vector_store %arg10[%swap3A_2710, %swap3A_2711], %swap3A_2714 {strides = array<i32>} : memref<128x128xf32, #tpu.memory_space<vmem>>, vector<1x16xf32>,
    }
    %scan3A_1970 = arith.constant 128 : i32
    %mul3A_1971 = arith.constant 128 : i32
    %mul3A_1972 = arith.muli %arg1, %mul3A_1971 : i32
    "tpu.region"() ({
      %run_scoped3A_2595 = tpu.sem_alloc : memref<!tpu.dma_semaphore, #tpu.memory_space<semaphore_mem>>
      %dma_start3A_2596 = arith.constant 0 : i32
      %dma_start3A_2597 = tpu.memref_slice %arg21[%mul3A_1972, %dma_start3A_2596] : memref<2048x128xf32, #tpu.memory_space<vmem_shared>> -> memref<128x128xf32, #tpu.memory_space<vmem_shared>>
      %dma_start3A_2598 = arith.constant 0 : i32
      %dma_start3A_2599 = tpu.memref_slice %arg21[%mul3A_1972, %dma_start3A_2598] : memref<2048x128xf32, #tpu.memory_space<vmem_shared>> -> memref<128x128xf32, #tpu.memory_space<vmem_shared>>
      tpu.enqueue_dma source(%arg10 : memref<128x128xf32, #tpu.memory_space<vmem>>) target(%dma_start3A_2599 : memref<128x128xf32, #tpu.memory_space<vmem_shared>>) target_semaphore(%run_scoped3A_2595 : memref<!tpu.dma_semaphore, #tpu.memory_space<semaphore_mem>>)
      %dma_wait3A_2600 = arith.constant 0 : i32
      %dma_wait3A_2601 = tpu.memref_slice %arg21[%mul3A_1972, %dma_wait3A_2600] : memref<2048x128xf32, #tpu.memory_space<vmem_shared>> -> memref<128x128xf32, #tpu.memory_space<vmem_shared>>
      %dma_wait3A_2602 = arith.constant 0 : i32
      %dma_wait3A_2603 = tpu.memref_slice %arg21[%mul3A_1972, %dma_wait3A_2602] : memref<2048x128xf32, #tpu.memory_space<vmem_shared>> -> memref<128x128xf32, #tpu.memory_space<vmem_shared>>
      tpu.wait_dma2 semaphore(%run_scoped3A_2595 : memref<!tpu.dma_semaphore, #tpu.memory_space<semaphore_mem>>) src(%arg10 : memref<128x128xf32, #tpu.memory_space<vmem>>) dst(%dma_wait3A_2603 : memref<128x128xf32, #tpu.memory_space<vmem_shared>>)
      tpu.yield
    }) : () -> ()
    %barrier3A_1973 = arith.constant 0 : index
    tpu.barrier barrier_id(%barrier3A_1973)
    %dma_start3A_1974 = arith.constant 0 : i32
    %dma_start3A_1975 = arith.constant 0 : i32
    %dma_start3A_1976 = arith.constant 0 : i32
    %dma_start3A_1977 = tpu.memref_slice %arg16[%dma_start3A_1975, %dma_start3A_1976] : memref<9x128xf32, #tpu.memory_space<vmem>> -> memref<1x128xf32, #tpu.memory_space<vmem>>
    %dma_start3A_1978 = tpu.memref_squeeze %dma_start3A_1977 : memref<1x128xf32, #tpu.memory_space<vmem>> -> memref<128xf32, #tpu.memory_space<vmem>>
    %dma_start3A_1979 = arith.constant 0 : i32
    %dma_start3A_1980 = tpu.memref_slice %arg8[%dma_start3A_1974, %dma_start3A_1979] : memref<9x128xi32, #tpu.memory_space<vmem>> -> memref<1x128xi32, #tpu.memory_space<vmem>>
    %dma_start3A_1981 = tpu.memref_squeeze %dma_start3A_1980 : memref<1x128xi32, #tpu.memory_space<vmem>> -> memref<128xi32, #tpu.memory_space<vmem>>
    %dma_start3A_1982 = arith.constant 0 : i32
    %dma_start3A_1983 = tpu.memref_slice %arg20[%dma_start3A_1982] : memref<2048xf32, #tpu.memory_space<vmem_shared>> -> memref<2048xf32, #tpu.memory_space<vmem_shared>>
    tpu.enqueue_indirect_dma source(%dma_start3A_1983 : memref<2048xf32, #tpu.memory_space<vmem_shared>>) target(%dma_start3A_1978 : memref<128xf32, #tpu.memory_space<vmem>>) offsets(%dma_start3A_1981 : memref<128xi32, #tpu.memory_space<vmem>>) semaphore(%arg25 : memref<!tpu.dma_semaphore, #tpu.memory_space<semaphore_mem>>)
    %dma_start3A_1984 = arith.constant 1 : i32
    %dma_start3A_1985 = arith.constant 1 : i32
    %dma_start3A_1986 = arith.constant 0 : i32
    %dma_start3A_1987 = tpu.memref_slice %arg16[%dma_start3A_1985, %dma_start3A_1986] : memref<9x128xf32, #tpu.memory_space<vmem>> -> memref<1x128xf32, #tpu.memory_space<vmem>>
    %dma_start3A_1988 = tpu.memref_squeeze %dma_start3A_1987 : memref<1x128xf32, #tpu.memory_space<vmem>> -> memref<128xf32, #tpu.memory_space<vmem>>
    %dma_start3A_1989 = arith.constant 0 : i32
    %dma_start3A_1990 = tpu.memref_slice %arg8[%dma_start3A_1984, %dma_start3A_1989] : memref<9x128xi32, #tpu.memory_space<vmem>> -> memref<1x128xi32, #tpu.memory_space<vmem>>
    %dma_start3A_1991 = tpu.memref_squeeze %dma_start3A_1990 : memref<1x128xi32, #tpu.memory_space<vmem>> -> memref<128xi32, #tpu.memory_space<vmem>>
    %dma_start3A_1992 = arith.constant 0 : i32
    %dma_start3A_1993 = tpu.memref_slice %arg20[%dma_start3A_1992] : memref<2048xf32, #tpu.memory_space<vmem_shared>> -> memref<2048xf32, #tpu.memory_space<vmem_shared>>
    tpu.enqueue_indirect_dma source(%dma_start3A_1993 : memref<2048xf32, #tpu.memory_space<vmem_shared>>) target(%dma_start3A_1988 : memref<128xf32, #tpu.memory_space<vmem>>) offsets(%dma_start3A_1991 : memref<128xi32, #tpu.memory_space<vmem>>) semaphore(%arg25 : memref<!tpu.dma_semaphore, #tpu.memory_space<semaphore_mem>>)
    %dma_start3A_1994 = arith.constant 2 : i32
    %dma_start3A_1995 = arith.constant 2 : i32
    %dma_start3A_1996 = arith.constant 0 : i32
    %dma_start3A_1997 = tpu.memref_slice %arg16[%dma_start3A_1995, %dma_start3A_1996] : memref<9x128xf32, #tpu.memory_space<vmem>> -> memref<1x128xf32, #tpu.memory_space<vmem>>
    %dma_start3A_1998 = tpu.memref_squeeze %dma_start3A_1997 : memref<1x128xf32, #tpu.memory_space<vmem>> -> memref<128xf32, #tpu.memory_space<vmem>>
    %dma_start3A_1999 = arith.constant 0 : i32
    %dma_start3A_2000 = tpu.memref_slice %arg8[%dma_start3A_1994, %dma_start3A_1999] : memref<9x128xi32, #tpu.memory_space<vmem>> -> memref<1x128xi32, #tpu.memory_space<vmem>>
    %dma_start3A_2001 = tpu.memref_squeeze %dma_start3A_2000 : memref<1x128xi32, #tpu.memory_space<vmem>> -> memref<128xi32, #tpu.memory_space<vmem>>
    %dma_start3A_2002 = arith.constant 0 : i32
    %dma_start3A_2003 = tpu.memref_slice %arg20[%dma_start3A_2002] : memref<2048xf32, #tpu.memory_space<vmem_shared>> -> memref<2048xf32, #tpu.memory_space<vmem_shared>>
    tpu.enqueue_indirect_dma source(%dma_start3A_2003 : memref<2048xf32, #tpu.memory_space<vmem_shared>>) target(%dma_start3A_1998 : memref<128xf32, #tpu.memory_space<vmem>>) offsets(%dma_start3A_2001 : memref<128xi32, #tpu.memory_space<vmem>>) semaphore(%arg25 : memref<!tpu.dma_semaphore, #tpu.memory_space<semaphore_mem>>)
    %dma_start3A_2004 = arith.constant 3 : i32
    %dma_start3A_2005 = arith.constant 3 : i32
    %dma_start3A_2006 = arith.constant 0 : i32
    %dma_start3A_2007 = tpu.memref_slice %arg16[%dma_start3A_2005, %dma_start3A_2006] : memref<9x128xf32, #tpu.memory_space<vmem>> -> memref<1x128xf32, #tpu.memory_space<vmem>>
    %dma_start3A_2008 = tpu.memref_squeeze %dma_start3A_2007 : memref<1x128xf32, #tpu.memory_space<vmem>> -> memref<128xf32, #tpu.memory_space<vmem>>
    %dma_start3A_2009 = arith.constant 0 : i32
    %dma_start3A_2010 = tpu.memref_slice %arg8[%dma_start3A_2004, %dma_start3A_2009] : memref<9x128xi32, #tpu.memory_space<vmem>> -> memref<1x128xi32, #tpu.memory_space<vmem>>
    %dma_start3A_2011 = tpu.memref_squeeze %dma_start3A_2010 : memref<1x128xi32, #tpu.memory_space<vmem>> -> memref<128xi32, #tpu.memory_space<vmem>>
    %dma_start3A_2012 = arith.constant 0 : i32
    %dma_start3A_2013 = tpu.memref_slice %arg20[%dma_start3A_2012] : memref<2048xf32, #tpu.memory_space<vmem_shared>> -> memref<2048xf32, #tpu.memory_space<vmem_shared>>
    tpu.enqueue_indirect_dma source(%dma_start3A_2013 : memref<2048xf32, #tpu.memory_space<vmem_shared>>) target(%dma_start3A_2008 : memref<128xf32, #tpu.memory_space<vmem>>) offsets(%dma_start3A_2011 : memref<128xi32, #tpu.memory_space<vmem>>) semaphore(%arg25 : memref<!tpu.dma_semaphore, #tpu.memory_space<semaphore_mem>>)
    %dma_start3A_2014 = arith.constant 4 : i32
    %dma_start3A_2015 = arith.constant 4 : i32
    %dma_start3A_2016 = arith.constant 0 : i32
    %dma_start3A_2017 = tpu.memref_slice %arg16[%dma_start3A_2015, %dma_start3A_2016] : memref<9x128xf32, #tpu.memory_space<vmem>> -> memref<1x128xf32, #tpu.memory_space<vmem>>
    %dma_start3A_2018 = tpu.memref_squeeze %dma_start3A_2017 : memref<1x128xf32, #tpu.memory_space<vmem>> -> memref<128xf32, #tpu.memory_space<vmem>>
    %dma_start3A_2019 = arith.constant 0 : i32
    %dma_start3A_2020 = tpu.memref_slice %arg8[%dma_start3A_2014, %dma_start3A_2019] : memref<9x128xi32, #tpu.memory_space<vmem>> -> memref<1x128xi32, #tpu.memory_space<vmem>>
    %dma_start3A_2021 = tpu.memref_squeeze %dma_start3A_2020 : memref<1x128xi32, #tpu.memory_space<vmem>> -> memref<128xi32, #tpu.memory_space<vmem>>
    %dma_start3A_2022 = arith.constant 0 : i32
    %dma_start3A_2023 = tpu.memref_slice %arg20[%dma_start3A_2022] : memref<2048xf32, #tpu.memory_space<vmem_shared>> -> memref<2048xf32, #tpu.memory_space<vmem_shared>>
    tpu.enqueue_indirect_dma source(%dma_start3A_2023 : memref<2048xf32, #tpu.memory_space<vmem_shared>>) target(%dma_start3A_2018 : memref<128xf32, #tpu.memory_space<vmem>>) offsets(%dma_start3A_2021 : memref<128xi32, #tpu.memory_space<vmem>>) semaphore(%arg25 : memref<!tpu.dma_semaphore, #tpu.memory_space<semaphore_mem>>)
    %dma_start3A_2024 = arith.constant 5 : i32
    %dma_start3A_2025 = arith.constant 5 : i32
    %dma_start3A_2026 = arith.constant 0 : i32
    %dma_start3A_2027 = tpu.memref_slice %arg16[%dma_start3A_2025, %dma_start3A_2026] : memref<9x128xf32, #tpu.memory_space<vmem>> -> memref<1x128xf32, #tpu.memory_space<vmem>>
    %dma_start3A_2028 = tpu.memref_squeeze %dma_start3A_2027 : memref<1x128xf32, #tpu.memory_space<vmem>> -> memref<128xf32, #tpu.memory_space<vmem>>
    %dma_start3A_2029 = arith.constant 0 : i32
    %dma_start3A_2030 = tpu.memref_slice %arg8[%dma_start3A_2024, %dma_start3A_2029] : memref<9x128xi32, #tpu.memory_space<vmem>> -> memref<1x128xi32, #tpu.memory_space<vmem>>
    %dma_start3A_2031 = tpu.memref_squeeze %dma_start3A_2030 : memref<1x128xi32, #tpu.memory_space<vmem>> -> memref<128xi32, #tpu.memory_space<vmem>>
    %dma_start3A_2032 = arith.constant 0 : i32
    %dma_start3A_2033 = tpu.memref_slice %arg20[%dma_start3A_2032] : memref<2048xf32, #tpu.memory_space<vmem_shared>> -> memref<2048xf32, #tpu.memory_space<vmem_shared>>
    tpu.enqueue_indirect_dma source(%dma_start3A_2033 : memref<2048xf32, #tpu.memory_space<vmem_shared>>) target(%dma_start3A_2028 : memref<128xf32, #tpu.memory_space<vmem>>) offsets(%dma_start3A_2031 : memref<128xi32, #tpu.memory_space<vmem>>) semaphore(%arg25 : memref<!tpu.dma_semaphore, #tpu.memory_space<semaphore_mem>>)
    %dma_start3A_2034 = arith.constant 6 : i32
    %dma_start3A_2035 = arith.constant 6 : i32
    %dma_start3A_2036 = arith.constant 0 : i32
    %dma_start3A_2037 = tpu.memref_slice %arg16[%dma_start3A_2035, %dma_start3A_2036] : memref<9x128xf32, #tpu.memory_space<vmem>> -> memref<1x128xf32, #tpu.memory_space<vmem>>
    %dma_start3A_2038 = tpu.memref_squeeze %dma_start3A_2037 : memref<1x128xf32, #tpu.memory_space<vmem>> -> memref<128xf32, #tpu.memory_space<vmem>>
    %dma_start3A_2039 = arith.constant 0 : i32
    %dma_start3A_2040 = tpu.memref_slice %arg8[%dma_start3A_2034, %dma_start3A_2039] : memref<9x128xi32, #tpu.memory_space<vmem>> -> memref<1x128xi32, #tpu.memory_space<vmem>>
    %dma_start3A_2041 = tpu.memref_squeeze %dma_start3A_2040 : memref<1x128xi32, #tpu.memory_space<vmem>> -> memref<128xi32, #tpu.memory_space<vmem>>
    %dma_start3A_2042 = arith.constant 0 : i32
    %dma_start3A_2043 = tpu.memref_slice %arg20[%dma_start3A_2042] : memref<2048xf32, #tpu.memory_space<vmem_shared>> -> memref<2048xf32, #tpu.memory_space<vmem_shared>>
    tpu.enqueue_indirect_dma source(%dma_start3A_2043 : memref<2048xf32, #tpu.memory_space<vmem_shared>>) target(%dma_start3A_2038 : memref<128xf32, #tpu.memory_space<vmem>>) offsets(%dma_start3A_2041 : memref<128xi32, #tpu.memory_space<vmem>>) semaphore(%arg25 : memref<!tpu.dma_semaphore, #tpu.memory_space<semaphore_mem>>)
    %dma_start3A_2044 = arith.constant 7 : i32
    %dma_start3A_2045 = arith.constant 7 : i32
    %dma_start3A_2046 = arith.constant 0 : i32
    %dma_start3A_2047 = tpu.memref_slice %arg16[%dma_start3A_2045, %dma_start3A_2046] : memref<9x128xf32, #tpu.memory_space<vmem>> -> memref<1x128xf32, #tpu.memory_space<vmem>>
    %dma_start3A_2048 = tpu.memref_squeeze %dma_start3A_2047 : memref<1x128xf32, #tpu.memory_space<vmem>> -> memref<128xf32, #tpu.memory_space<vmem>>
    %dma_start3A_2049 = arith.constant 0 : i32
    %dma_start3A_2050 = tpu.memref_slice %arg8[%dma_start3A_2044, %dma_start3A_2049] : memref<9x128xi32, #tpu.memory_space<vmem>> -> memref<1x128xi32, #tpu.memory_space<vmem>>
    %dma_start3A_2051 = tpu.memref_squeeze %dma_start3A_2050 : memref<1x128xi32, #tpu.memory_space<vmem>> -> memref<128xi32, #tpu.memory_space<vmem>>
    %dma_start3A_2052 = arith.constant 0 : i32
    %dma_start3A_2053 = tpu.memref_slice %arg20[%dma_start3A_2052] : memref<2048xf32, #tpu.memory_space<vmem_shared>> -> memref<2048xf32, #tpu.memory_space<vmem_shared>>
    tpu.enqueue_indirect_dma source(%dma_start3A_2053 : memref<2048xf32, #tpu.memory_space<vmem_shared>>) target(%dma_start3A_2048 : memref<128xf32, #tpu.memory_space<vmem>>) offsets(%dma_start3A_2051 : memref<128xi32, #tpu.memory_space<vmem>>) semaphore(%arg25 : memref<!tpu.dma_semaphore, #tpu.memory_space<semaphore_mem>>)
    %dma_start3A_2054 = arith.constant 8 : i32
    %dma_start3A_2055 = arith.constant 8 : i32
    %dma_start3A_2056 = arith.constant 0 : i32
    %dma_start3A_2057 = tpu.memref_slice %arg16[%dma_start3A_2055, %dma_start3A_2056] : memref<9x128xf32, #tpu.memory_space<vmem>> -> memref<1x128xf32, #tpu.memory_space<vmem>>
    %dma_start3A_2058 = tpu.memref_squeeze %dma_start3A_2057 : memref<1x128xf32, #tpu.memory_space<vmem>> -> memref<128xf32, #tpu.memory_space<vmem>>
    %dma_start3A_2059 = arith.constant 0 : i32
    %dma_start3A_2060 = tpu.memref_slice %arg8[%dma_start3A_2054, %dma_start3A_2059] : memref<9x128xi32, #tpu.memory_space<vmem>> -> memref<1x128xi32, #tpu.memory_space<vmem>>
    %dma_start3A_2061 = tpu.memref_squeeze %dma_start3A_2060 : memref<1x128xi32, #tpu.memory_space<vmem>> -> memref<128xi32, #tpu.memory_space<vmem>>
    %dma_start3A_2062 = arith.constant 0 : i32
    %dma_start3A_2063 = tpu.memref_slice %arg20[%dma_start3A_2062] : memref<2048xf32, #tpu.memory_space<vmem_shared>> -> memref<2048xf32, #tpu.memory_space<vmem_shared>>
    tpu.enqueue_indirect_dma source(%dma_start3A_2063 : memref<2048xf32, #tpu.memory_space<vmem_shared>>) target(%dma_start3A_2058 : memref<128xf32, #tpu.memory_space<vmem>>) offsets(%dma_start3A_2061 : memref<128xi32, #tpu.memory_space<vmem>>) semaphore(%arg25 : memref<!tpu.dma_semaphore, #tpu.memory_space<semaphore_mem>>)
    %dma_start3A_2064 = arith.constant 0 : i32
    %dma_start3A_2065 = arith.constant 0 : i32
    %dma_start3A_2066 = tpu.memref_slice %arg8[%dma_start3A_2064, %dma_start3A_2065] : memref<9x128xi32, #tpu.memory_space<vmem>> -> memref<1x128xi32, #tpu.memory_space<vmem>>
    %dma_start3A_2067 = tpu.memref_squeeze %dma_start3A_2066 : memref<1x128xi32, #tpu.memory_space<vmem>> -> memref<128xi32, #tpu.memory_space<vmem>>
    %dma_start3A_2068 = arith.constant 0 : i32
    %dma_start3A_2069 = arith.constant 0 : i32
    %dma_start3A_2070 = tpu.memref_slice %arg21[%dma_start3A_2068, %dma_start3A_2069] : memref<2048x128xf32, #tpu.memory_space<vmem_shared>> -> memref<2048x128xf32, #tpu.memory_space<vmem_shared>>
    tpu.enqueue_indirect_dma source(%dma_start3A_2070 : memref<2048x128xf32, #tpu.memory_space<vmem_shared>>) target(%arg10 : memref<128x128xf32, #tpu.memory_space<vmem>>) offsets(%dma_start3A_2067 : memref<128xi32, #tpu.memory_space<vmem>>) semaphore(%arg23 : memref<!tpu.dma_semaphore, #tpu.memory_space<semaphore_mem>>)
    %dma_start3A_2071 = arith.constant 1 : i32
    %dma_start3A_2072 = arith.constant 0 : i32
    %dma_start3A_2073 = tpu.memref_slice %arg8[%dma_start3A_2071, %dma_start3A_2072] : memref<9x128xi32, #tpu.memory_space<vmem>> -> memref<1x128xi32, #tpu.memory_space<vmem>>
    %dma_start3A_2074 = tpu.memref_squeeze %dma_start3A_2073 : memref<1x128xi32, #tpu.memory_space<vmem>> -> memref<128xi32, #tpu.memory_space<vmem>>
    %dma_start3A_2075 = arith.constant 0 : i32
    %dma_start3A_2076 = arith.constant 0 : i32
    %dma_start3A_2077 = tpu.memref_slice %arg21[%dma_start3A_2075, %dma_start3A_2076] : memref<2048x128xf32, #tpu.memory_space<vmem_shared>> -> memref<2048x128xf32, #tpu.memory_space<vmem_shared>>
    tpu.enqueue_indirect_dma source(%dma_start3A_2077 : memref<2048x128xf32, #tpu.memory_space<vmem_shared>>) target(%arg11 : memref<128x128xf32, #tpu.memory_space<vmem>>) offsets(%dma_start3A_2074 : memref<128xi32, #tpu.memory_space<vmem>>) semaphore(%arg24 : memref<!tpu.dma_semaphore, #tpu.memory_space<semaphore_mem>>)
    %dma_wait3A_2078 = arith.constant 0 : i32
    %dma_wait3A_2079 = arith.constant 0 : i32
    %dma_wait3A_2080 = tpu.memref_slice %arg8[%dma_wait3A_2078, %dma_wait3A_2079] : memref<9x128xi32, #tpu.memory_space<vmem>> -> memref<1x128xi32, #tpu.memory_space<vmem>>
    %dma_wait3A_2081 = tpu.memref_squeeze %dma_wait3A_2080 : memref<1x128xi32, #tpu.memory_space<vmem>> -> memref<128xi32, #tpu.memory_space<vmem>>
    %dma_wait3A_2082 = arith.constant 0 : i32
    %dma_wait3A_2083 = arith.constant 0 : i32
    %dma_wait3A_2084 = tpu.memref_slice %arg21[%dma_wait3A_2082, %dma_wait3A_2083] : memref<2048x128xf32, #tpu.memory_space<vmem_shared>> -> memref<2048x128xf32, #tpu.memory_space<vmem_shared>>
    tpu.wait_indirect_dma semaphore(%arg23 : memref<!tpu.dma_semaphore, #tpu.memory_space<semaphore_mem>>) src(%dma_wait3A_2084 : memref<2048x128xf32, #tpu.memory_space<vmem_shared>>) dst(%arg10 : memref<128x128xf32, #tpu.memory_space<vmem>>)
    %dma_start3A_2085 = arith.constant 0 : i32
    %dma_start3A_2086 = arith.constant 0 : i32
    %dma_start3A_2087 = tpu.memref_slice %arg9[%dma_start3A_2085, %dma_start3A_2086] : memref<9x128xi32, #tpu.memory_space<vmem>> -> memref<1x128xi32, #tpu.memory_space<vmem>>
    %dma_start3A_2088 = tpu.memref_squeeze %dma_start3A_2087 : memref<1x128xi32, #tpu.memory_space<vmem>> -> memref<128xi32, #tpu.memory_space<vmem>>
    %dma_start3A_2089 = arith.constant 0 : i32
    %dma_start3A_2090 = arith.constant 0 : i32
    %dma_start3A_2091 = tpu.memref_slice %arg22[%dma_start3A_2089, %dma_start3A_2090] : memref<2560x128xf32, #tpu.memory_space<vmem_shared>> -> memref<2560x128xf32, #tpu.memory_space<vmem_shared>>
    tpu.enqueue_indirect_dma source(%arg10 : memref<128x128xf32, #tpu.memory_space<vmem>>) target(%dma_start3A_2091 : memref<2560x128xf32, #tpu.memory_space<vmem_shared>>) offsets(%dma_start3A_2088 : memref<128xi32, #tpu.memory_space<vmem>>) semaphore(%arg26 : memref<!tpu.dma_semaphore, #tpu.memory_space<semaphore_mem>>) {add = true}
    %dma_start3A_2092 = arith.constant 2 : i32
    %dma_start3A_2093 = arith.constant 0 : i32
    %dma_start3A_2094 = tpu.memref_slice %arg8[%dma_start3A_2092, %dma_start3A_2093] : memref<9x128xi32, #tpu.memory_space<vmem>> -> memref<1x128xi32, #tpu.memory_space<vmem>>
    %dma_start3A_2095 = tpu.memref_squeeze %dma_start3A_2094 : memref<1x128xi32, #tpu.memory_space<vmem>> -> memref<128xi32, #tpu.memory_space<vmem>>
    %dma_start3A_2096 = arith.constant 0 : i32
    %dma_start3A_2097 = arith.constant 0 : i32
    %dma_start3A_2098 = tpu.memref_slice %arg21[%dma_start3A_2096, %dma_start3A_2097] : memref<2048x128xf32, #tpu.memory_space<vmem_shared>> -> memref<2048x128xf32, #tpu.memory_space<vmem_shared>>
    tpu.enqueue_indirect_dma source(%dma_start3A_2098 : memref<2048x128xf32, #tpu.memory_space<vmem_shared>>) target(%arg10 : memref<128x128xf32, #tpu.memory_space<vmem>>) offsets(%dma_start3A_2095 : memref<128xi32, #tpu.memory_space<vmem>>) semaphore(%arg23 : memref<!tpu.dma_semaphore, #tpu.memory_space<semaphore_mem>>)
    %dma_wait3A_2099 = arith.constant 1 : i32
    %dma_wait3A_2100 = arith.constant 0 : i32
    %dma_wait3A_2101 = tpu.memref_slice %arg8[%dma_wait3A_2099, %dma_wait3A_2100] : memref<9x128xi32, #tpu.memory_space<vmem>> -> memref<1x128xi32, #tpu.memory_space<vmem>>
    %dma_wait3A_2102 = tpu.memref_squeeze %dma_wait3A_2101 : memref<1x128xi32, #tpu.memory_space<vmem>> -> memref<128xi32, #tpu.memory_space<vmem>>
    %dma_wait3A_2103 = arith.constant 0 : i32
    %dma_wait3A_2104 = arith.constant 0 : i32
    %dma_wait3A_2105 = tpu.memref_slice %arg21[%dma_wait3A_2103, %dma_wait3A_2104] : memref<2048x128xf32, #tpu.memory_space<vmem_shared>> -> memref<2048x128xf32, #tpu.memory_space<vmem_shared>>
    tpu.wait_indirect_dma semaphore(%arg24 : memref<!tpu.dma_semaphore, #tpu.memory_space<semaphore_mem>>) src(%dma_wait3A_2105 : memref<2048x128xf32, #tpu.memory_space<vmem_shared>>) dst(%arg11 : memref<128x128xf32, #tpu.memory_space<vmem>>)
    %dma_start3A_2106 = arith.constant 1 : i32
    %dma_start3A_2107 = arith.constant 0 : i32
    %dma_start3A_2108 = tpu.memref_slice %arg9[%dma_start3A_2106, %dma_start3A_2107] : memref<9x128xi32, #tpu.memory_space<vmem>> -> memref<1x128xi32, #tpu.memory_space<vmem>>
    %dma_start3A_2109 = tpu.memref_squeeze %dma_start3A_2108 : memref<1x128xi32, #tpu.memory_space<vmem>> -> memref<128xi32, #tpu.memory_space<vmem>>
    %dma_start3A_2110 = arith.constant 0 : i32
    %dma_start3A_2111 = arith.constant 0 : i32
    %dma_start3A_2112 = tpu.memref_slice %arg22[%dma_start3A_2110, %dma_start3A_2111] : memref<2560x128xf32, #tpu.memory_space<vmem_shared>> -> memref<2560x128xf32, #tpu.memory_space<vmem_shared>>
    tpu.enqueue_indirect_dma source(%arg11 : memref<128x128xf32, #tpu.memory_space<vmem>>) target(%dma_start3A_2112 : memref<2560x128xf32, #tpu.memory_space<vmem_shared>>) offsets(%dma_start3A_2109 : memref<128xi32, #tpu.memory_space<vmem>>) semaphore(%arg27 : memref<!tpu.dma_semaphore, #tpu.memory_space<semaphore_mem>>) {add = true}
    %dma_start3A_2113 = arith.constant 3 : i32
    %dma_start3A_2114 = arith.constant 0 : i32
    %dma_start3A_2115 = tpu.memref_slice %arg8[%dma_start3A_2113, %dma_start3A_2114] : memref<9x128xi32, #tpu.memory_space<vmem>> -> memref<1x128xi32, #tpu.memory_space<vmem>>
    %dma_start3A_2116 = tpu.memref_squeeze %dma_start3A_2115 : memref<1x128xi32, #tpu.memory_space<vmem>> -> memref<128xi32, #tpu.memory_space<vmem>>
    %dma_start3A_2117 = arith.constant 0 : i32
    %dma_start3A_2118 = arith.constant 0 : i32
    %dma_start3A_2119 = tpu.memref_slice %arg21[%dma_start3A_2117, %dma_start3A_2118] : memref<2048x128xf32, #tpu.memory_space<vmem_shared>> -> memref<2048x128xf32, #tpu.memory_space<vmem_shared>>
    tpu.enqueue_indirect_dma source(%dma_start3A_2119 : memref<2048x128xf32, #tpu.memory_space<vmem_shared>>) target(%arg11 : memref<128x128xf32, #tpu.memory_space<vmem>>) offsets(%dma_start3A_2116 : memref<128xi32, #tpu.memory_space<vmem>>) semaphore(%arg24 : memref<!tpu.dma_semaphore, #tpu.memory_space<semaphore_mem>>)
    %dma_wait3A_2120 = arith.constant 2 : i32
    %dma_wait3A_2121 = arith.constant 0 : i32
    %dma_wait3A_2122 = tpu.memref_slice %arg8[%dma_wait3A_2120, %dma_wait3A_2121] : memref<9x128xi32, #tpu.memory_space<vmem>> -> memref<1x128xi32, #tpu.memory_space<vmem>>
    %dma_wait3A_2123 = tpu.memref_squeeze %dma_wait3A_2122 : memref<1x128xi32, #tpu.memory_space<vmem>> -> memref<128xi32, #tpu.memory_space<vmem>>
    %dma_wait3A_2124 = arith.constant 0 : i32
    %dma_wait3A_2125 = arith.constant 0 : i32
    %dma_wait3A_2126 = tpu.memref_slice %arg21[%dma_wait3A_2124, %dma_wait3A_2125] : memref<2048x128xf32, #tpu.memory_space<vmem_shared>> -> memref<2048x128xf32, #tpu.memory_space<vmem_shared>>
    tpu.wait_indirect_dma semaphore(%arg23 : memref<!tpu.dma_semaphore, #tpu.memory_space<semaphore_mem>>) src(%dma_wait3A_2126 : memref<2048x128xf32, #tpu.memory_space<vmem_shared>>) dst(%arg10 : memref<128x128xf32, #tpu.memory_space<vmem>>)
    %dma_wait3A_2127 = arith.constant 0 : i32
    %dma_wait3A_2128 = arith.constant 0 : i32
    %dma_wait3A_2129 = tpu.memref_slice %arg9[%dma_wait3A_2127, %dma_wait3A_2128] : memref<9x128xi32, #tpu.memory_space<vmem>> -> memref<1x128xi32, #tpu.memory_space<vmem>>
    %dma_wait3A_2130 = tpu.memref_squeeze %dma_wait3A_2129 : memref<1x128xi32, #tpu.memory_space<vmem>> -> memref<128xi32, #tpu.memory_space<vmem>>
    %dma_wait3A_2131 = arith.constant 0 : i32
    %dma_wait3A_2132 = arith.constant 0 : i32
    %dma_wait3A_2133 = tpu.memref_slice %arg22[%dma_wait3A_2131, %dma_wait3A_2132] : memref<2560x128xf32, #tpu.memory_space<vmem_shared>> -> memref<2560x128xf32, #tpu.memory_space<vmem_shared>>
    tpu.wait_indirect_dma semaphore(%arg26 : memref<!tpu.dma_semaphore, #tpu.memory_space<semaphore_mem>>) src(%arg10 : memref<128x128xf32, #tpu.memory_space<vmem>>) dst(%dma_wait3A_2133 : memref<2560x128xf32, #tpu.memory_space<vmem_shared>>)
    %dma_start3A_2134 = arith.constant 2 : i32
    %dma_start3A_2135 = arith.constant 0 : i32
    %dma_start3A_2136 = tpu.memref_slice %arg9[%dma_start3A_2134, %dma_start3A_2135] : memref<9x128xi32, #tpu.memory_space<vmem>> -> memref<1x128xi32, #tpu.memory_space<vmem>>
    %dma_start3A_2137 = tpu.memref_squeeze %dma_start3A_2136 : memref<1x128xi32, #tpu.memory_space<vmem>> -> memref<128xi32, #tpu.memory_space<vmem>>
    %dma_start3A_2138 = arith.constant 0 : i32
    %dma_start3A_2139 = arith.constant 0 : i32
    %dma_start3A_2140 = tpu.memref_slice %arg22[%dma_start3A_2138, %dma_start3A_2139] : memref<2560x128xf32, #tpu.memory_space<vmem_shared>> -> memref<2560x128xf32, #tpu.memory_space<vmem_shared>>
    tpu.enqueue_indirect_dma source(%arg10 : memref<128x128xf32, #tpu.memory_space<vmem>>) target(%dma_start3A_2140 : memref<2560x128xf32, #tpu.memory_space<vmem_shared>>) offsets(%dma_start3A_2137 : memref<128xi32, #tpu.memory_space<vmem>>) semaphore(%arg26 : memref<!tpu.dma_semaphore, #tpu.memory_space<semaphore_mem>>) {add = true}
    %dma_start3A_2141 = arith.constant 4 : i32
    %dma_start3A_2142 = arith.constant 0 : i32
    %dma_start3A_2143 = tpu.memref_slice %arg8[%dma_start3A_2141, %dma_start3A_2142] : memref<9x128xi32, #tpu.memory_space<vmem>> -> memref<1x128xi32, #tpu.memory_space<vmem>>
    %dma_start3A_2144 = tpu.memref_squeeze %dma_start3A_2143 : memref<1x128xi32, #tpu.memory_space<vmem>> -> memref<128xi32, #tpu.memory_space<vmem>>
    %dma_start3A_2145 = arith.constant 0 : i32
    %dma_start3A_2146 = arith.constant 0 : i32
    %dma_start3A_2147 = tpu.memref_slice %arg21[%dma_start3A_2145, %dma_start3A_2146] : memref<2048x128xf32, #tpu.memory_space<vmem_shared>> -> memref<2048x128xf32, #tpu.memory_space<vmem_shared>>
    tpu.enqueue_indirect_dma source(%dma_start3A_2147 : memref<2048x128xf32, #tpu.memory_space<vmem_shared>>) target(%arg10 : memref<128x128xf32, #tpu.memory_space<vmem>>) offsets(%dma_start3A_2144 : memref<128xi32, #tpu.memory_space<vmem>>) semaphore(%arg23 : memref<!tpu.dma_semaphore, #tpu.memory_space<semaphore_mem>>)
    %dma_wait3A_2148 = arith.constant 3 : i32
    %dma_wait3A_2149 = arith.constant 0 : i32
    %dma_wait3A_2150 = tpu.memref_slice %arg8[%dma_wait3A_2148, %dma_wait3A_2149] : memref<9x128xi32, #tpu.memory_space<vmem>> -> memref<1x128xi32, #tpu.memory_space<vmem>>
    %dma_wait3A_2151 = tpu.memref_squeeze %dma_wait3A_2150 : memref<1x128xi32, #tpu.memory_space<vmem>> -> memref<128xi32, #tpu.memory_space<vmem>>
    %dma_wait3A_2152 = arith.constant 0 : i32
    %dma_wait3A_2153 = arith.constant 0 : i32
    %dma_wait3A_2154 = tpu.memref_slice %arg21[%dma_wait3A_2152, %dma_wait3A_2153] : memref<2048x128xf32, #tpu.memory_space<vmem_shared>> -> memref<2048x128xf32, #tpu.memory_space<vmem_shared>>
    tpu.wait_indirect_dma semaphore(%arg24 : memref<!tpu.dma_semaphore, #tpu.memory_space<semaphore_mem>>) src(%dma_wait3A_2154 : memref<2048x128xf32, #tpu.memory_space<vmem_shared>>) dst(%arg11 : memref<128x128xf32, #tpu.memory_space<vmem>>)
    %dma_wait3A_2155 = arith.constant 1 : i32
    %dma_wait3A_2156 = arith.constant 0 : i32
    %dma_wait3A_2157 = tpu.memref_slice %arg9[%dma_wait3A_2155, %dma_wait3A_2156] : memref<9x128xi32, #tpu.memory_space<vmem>> -> memref<1x128xi32, #tpu.memory_space<vmem>>
    %dma_wait3A_2158 = tpu.memref_squeeze %dma_wait3A_2157 : memref<1x128xi32, #tpu.memory_space<vmem>> -> memref<128xi32, #tpu.memory_space<vmem>>
    %dma_wait3A_2159 = arith.constant 0 : i32
    %dma_wait3A_2160 = arith.constant 0 : i32
    %dma_wait3A_2161 = tpu.memref_slice %arg22[%dma_wait3A_2159, %dma_wait3A_2160] : memref<2560x128xf32, #tpu.memory_space<vmem_shared>> -> memref<2560x128xf32, #tpu.memory_space<vmem_shared>>
    tpu.wait_indirect_dma semaphore(%arg27 : memref<!tpu.dma_semaphore, #tpu.memory_space<semaphore_mem>>) src(%arg11 : memref<128x128xf32, #tpu.memory_space<vmem>>) dst(%dma_wait3A_2161 : memref<2560x128xf32, #tpu.memory_space<vmem_shared>>)
    %dma_start3A_2162 = arith.constant 3 : i32
    %dma_start3A_2163 = arith.constant 0 : i32
    %dma_start3A_2164 = tpu.memref_slice %arg9[%dma_start3A_2162, %dma_start3A_2163] : memref<9x128xi32, #tpu.memory_space<vmem>> -> memref<1x128xi32, #tpu.memory_space<vmem>>
    %dma_start3A_2165 = tpu.memref_squeeze %dma_start3A_2164 : memref<1x128xi32, #tpu.memory_space<vmem>> -> memref<128xi32, #tpu.memory_space<vmem>>
    %dma_start3A_2166 = arith.constant 0 : i32
    %dma_start3A_2167 = arith.constant 0 : i32
    %dma_start3A_2168 = tpu.memref_slice %arg22[%dma_start3A_2166, %dma_start3A_2167] : memref<2560x128xf32, #tpu.memory_space<vmem_shared>> -> memref<2560x128xf32, #tpu.memory_space<vmem_shared>>
    tpu.enqueue_indirect_dma source(%arg11 : memref<128x128xf32, #tpu.memory_space<vmem>>) target(%dma_start3A_2168 : memref<2560x128xf32, #tpu.memory_space<vmem_shared>>) offsets(%dma_start3A_2165 : memref<128xi32, #tpu.memory_space<vmem>>) semaphore(%arg27 : memref<!tpu.dma_semaphore, #tpu.memory_space<semaphore_mem>>) {add = true}
    %dma_start3A_2169 = arith.constant 5 : i32
    %dma_start3A_2170 = arith.constant 0 : i32
    %dma_start3A_2171 = tpu.memref_slice %arg8[%dma_start3A_2169, %dma_start3A_2170] : memref<9x128xi32, #tpu.memory_space<vmem>> -> memref<1x128xi32, #tpu.memory_space<vmem>>
    %dma_start3A_2172 = tpu.memref_squeeze %dma_start3A_2171 : memref<1x128xi32, #tpu.memory_space<vmem>> -> memref<128xi32, #tpu.memory_space<vmem>>
    %dma_start3A_2173 = arith.constant 0 : i32
    %dma_start3A_2174 = arith.constant 0 : i32
    %dma_start3A_2175 = tpu.memref_slice %arg21[%dma_start3A_2173, %dma_start3A_2174] : memref<2048x128xf32, #tpu.memory_space<vmem_shared>> -> memref<2048x128xf32, #tpu.memory_space<vmem_shared>>
    tpu.enqueue_indirect_dma source(%dma_start3A_2175 : memref<2048x128xf32, #tpu.memory_space<vmem_shared>>) target(%arg11 : memref<128x128xf32, #tpu.memory_space<vmem>>) offsets(%dma_start3A_2172 : memref<128xi32, #tpu.memory_space<vmem>>) semaphore(%arg24 : memref<!tpu.dma_semaphore, #tpu.memory_space<semaphore_mem>>)
    %dma_wait3A_2176 = arith.constant 4 : i32
    %dma_wait3A_2177 = arith.constant 0 : i32
    %dma_wait3A_2178 = tpu.memref_slice %arg8[%dma_wait3A_2176, %dma_wait3A_2177] : memref<9x128xi32, #tpu.memory_space<vmem>> -> memref<1x128xi32, #tpu.memory_space<vmem>>
    %dma_wait3A_2179 = tpu.memref_squeeze %dma_wait3A_2178 : memref<1x128xi32, #tpu.memory_space<vmem>> -> memref<128xi32, #tpu.memory_space<vmem>>
    %dma_wait3A_2180 = arith.constant 0 : i32
    %dma_wait3A_2181 = arith.constant 0 : i32
    %dma_wait3A_2182 = tpu.memref_slice %arg21[%dma_wait3A_2180, %dma_wait3A_2181] : memref<2048x128xf32, #tpu.memory_space<vmem_shared>> -> memref<2048x128xf32, #tpu.memory_space<vmem_shared>>
    tpu.wait_indirect_dma semaphore(%arg23 : memref<!tpu.dma_semaphore, #tpu.memory_space<semaphore_mem>>) src(%dma_wait3A_2182 : memref<2048x128xf32, #tpu.memory_space<vmem_shared>>) dst(%arg10 : memref<128x128xf32, #tpu.memory_space<vmem>>)
    %dma_wait3A_2183 = arith.constant 2 : i32
    %dma_wait3A_2184 = arith.constant 0 : i32
    %dma_wait3A_2185 = tpu.memref_slice %arg9[%dma_wait3A_2183, %dma_wait3A_2184] : memref<9x128xi32, #tpu.memory_space<vmem>> -> memref<1x128xi32, #tpu.memory_space<vmem>>
    %dma_wait3A_2186 = tpu.memref_squeeze %dma_wait3A_2185 : memref<1x128xi32, #tpu.memory_space<vmem>> -> memref<128xi32, #tpu.memory_space<vmem>>
    %dma_wait3A_2187 = arith.constant 0 : i32
    %dma_wait3A_2188 = arith.constant 0 : i32
    %dma_wait3A_2189 = tpu.memref_slice %arg22[%dma_wait3A_2187, %dma_wait3A_2188] : memref<2560x128xf32, #tpu.memory_space<vmem_shared>> -> memref<2560x128xf32, #tpu.memory_space<vmem_shared>>
    tpu.wait_indirect_dma semaphore(%arg26 : memref<!tpu.dma_semaphore, #tpu.memory_space<semaphore_mem>>) src(%arg10 : memref<128x128xf32, #tpu.memory_space<vmem>>) dst(%dma_wait3A_2189 : memref<2560x128xf32, #tpu.memory_space<vmem_shared>>)
    %dma_start3A_2190 = arith.constant 4 : i32
    %dma_start3A_2191 = arith.constant 0 : i32
    %dma_start3A_2192 = tpu.memref_slice %arg9[%dma_start3A_2190, %dma_start3A_2191] : memref<9x128xi32, #tpu.memory_space<vmem>> -> memref<1x128xi32, #tpu.memory_space<vmem>>
    %dma_start3A_2193 = tpu.memref_squeeze %dma_start3A_2192 : memref<1x128xi32, #tpu.memory_space<vmem>> -> memref<128xi32, #tpu.memory_space<vmem>>
    %dma_start3A_2194 = arith.constant 0 : i32
    %dma_start3A_2195 = arith.constant 0 : i32
    %dma_start3A_2196 = tpu.memref_slice %arg22[%dma_start3A_2194, %dma_start3A_2195] : memref<2560x128xf32, #tpu.memory_space<vmem_shared>> -> memref<2560x128xf32, #tpu.memory_space<vmem_shared>>
    tpu.enqueue_indirect_dma source(%arg10 : memref<128x128xf32, #tpu.memory_space<vmem>>) target(%dma_start3A_2196 : memref<2560x128xf32, #tpu.memory_space<vmem_shared>>) offsets(%dma_start3A_2193 : memref<128xi32, #tpu.memory_space<vmem>>) semaphore(%arg26 : memref<!tpu.dma_semaphore, #tpu.memory_space<semaphore_mem>>) {add = true}
    %dma_start3A_2197 = arith.constant 6 : i32
    %dma_start3A_2198 = arith.constant 0 : i32
    %dma_start3A_2199 = tpu.memref_slice %arg8[%dma_start3A_2197, %dma_start3A_2198] : memref<9x128xi32, #tpu.memory_space<vmem>> -> memref<1x128xi32, #tpu.memory_space<vmem>>
    %dma_start3A_2200 = tpu.memref_squeeze %dma_start3A_2199 : memref<1x128xi32, #tpu.memory_space<vmem>> -> memref<128xi32, #tpu.memory_space<vmem>>
    %dma_start3A_2201 = arith.constant 0 : i32
    %dma_start3A_2202 = arith.constant 0 : i32
    %dma_start3A_2203 = tpu.memref_slice %arg21[%dma_start3A_2201, %dma_start3A_2202] : memref<2048x128xf32, #tpu.memory_space<vmem_shared>> -> memref<2048x128xf32, #tpu.memory_space<vmem_shared>>
    tpu.enqueue_indirect_dma source(%dma_start3A_2203 : memref<2048x128xf32, #tpu.memory_space<vmem_shared>>) target(%arg10 : memref<128x128xf32, #tpu.memory_space<vmem>>) offsets(%dma_start3A_2200 : memref<128xi32, #tpu.memory_space<vmem>>) semaphore(%arg23 : memref<!tpu.dma_semaphore, #tpu.memory_space<semaphore_mem>>)
    %dma_wait3A_2204 = arith.constant 5 : i32
    %dma_wait3A_2205 = arith.constant 0 : i32
    %dma_wait3A_2206 = tpu.memref_slice %arg8[%dma_wait3A_2204, %dma_wait3A_2205] : memref<9x128xi32, #tpu.memory_space<vmem>> -> memref<1x128xi32, #tpu.memory_space<vmem>>
    %dma_wait3A_2207 = tpu.memref_squeeze %dma_wait3A_2206 : memref<1x128xi32, #tpu.memory_space<vmem>> -> memref<128xi32, #tpu.memory_space<vmem>>
    %dma_wait3A_2208 = arith.constant 0 : i32
    %dma_wait3A_2209 = arith.constant 0 : i32
    %dma_wait3A_2210 = tpu.memref_slice %arg21[%dma_wait3A_2208, %dma_wait3A_2209] : memref<2048x128xf32, #tpu.memory_space<vmem_shared>> -> memref<2048x128xf32, #tpu.memory_space<vmem_shared>>
    tpu.wait_indirect_dma semaphore(%arg24 : memref<!tpu.dma_semaphore, #tpu.memory_space<semaphore_mem>>) src(%dma_wait3A_2210 : memref<2048x128xf32, #tpu.memory_space<vmem_shared>>) dst(%arg11 : memref<128x128xf32, #tpu.memory_space<vmem>>)
    %dma_wait3A_2211 = arith.constant 3 : i32
    %dma_wait3A_2212 = arith.constant 0 : i32
    %dma_wait3A_2213 = tpu.memref_slice %arg9[%dma_wait3A_2211, %dma_wait3A_2212] : memref<9x128xi32, #tpu.memory_space<vmem>> -> memref<1x128xi32, #tpu.memory_space<vmem>>
    %dma_wait3A_2214 = tpu.memref_squeeze %dma_wait3A_2213 : memref<1x128xi32, #tpu.memory_space<vmem>> -> memref<128xi32, #tpu.memory_space<vmem>>
    %dma_wait3A_2215 = arith.constant 0 : i32
    %dma_wait3A_2216 = arith.constant 0 : i32
    %dma_wait3A_2217 = tpu.memref_slice %arg22[%dma_wait3A_2215, %dma_wait3A_2216] : memref<2560x128xf32, #tpu.memory_space<vmem_shared>> -> memref<2560x128xf32, #tpu.memory_space<vmem_shared>>
    tpu.wait_indirect_dma semaphore(%arg27 : memref<!tpu.dma_semaphore, #tpu.memory_space<semaphore_mem>>) src(%arg11 : memref<128x128xf32, #tpu.memory_space<vmem>>) dst(%dma_wait3A_2217 : memref<2560x128xf32, #tpu.memory_space<vmem_shared>>)
    %dma_start3A_2218 = arith.constant 5 : i32
    %dma_start3A_2219 = arith.constant 0 : i32
    %dma_start3A_2220 = tpu.memref_slice %arg9[%dma_start3A_2218, %dma_start3A_2219] : memref<9x128xi32, #tpu.memory_space<vmem>> -> memref<1x128xi32, #tpu.memory_space<vmem>>
    %dma_start3A_2221 = tpu.memref_squeeze %dma_start3A_2220 : memref<1x128xi32, #tpu.memory_space<vmem>> -> memref<128xi32, #tpu.memory_space<vmem>>
    %dma_start3A_2222 = arith.constant 0 : i32
    %dma_start3A_2223 = arith.constant 0 : i32
    %dma_start3A_2224 = tpu.memref_slice %arg22[%dma_start3A_2222, %dma_start3A_2223] : memref<2560x128xf32, #tpu.memory_space<vmem_shared>> -> memref<2560x128xf32, #tpu.memory_space<vmem_shared>>
    tpu.enqueue_indirect_dma source(%arg11 : memref<128x128xf32, #tpu.memory_space<vmem>>) target(%dma_start3A_2224 : memref<2560x128xf32, #tpu.memory_space<vmem_shared>>) offsets(%dma_start3A_2221 : memref<128xi32, #tpu.memory_space<vmem>>) semaphore(%arg27 : memref<!tpu.dma_semaphore, #tpu.memory_space<semaphore_mem>>) {add = true}
    %dma_start3A_2225 = arith.constant 7 : i32
    %dma_start3A_2226 = arith.constant 0 : i32
    %dma_start3A_2227 = tpu.memref_slice %arg8[%dma_start3A_2225, %dma_start3A_2226] : memref<9x128xi32, #tpu.memory_space<vmem>> -> memref<1x128xi32, #tpu.memory_space<vmem>>
    %dma_start3A_2228 = tpu.memref_squeeze %dma_start3A_2227 : memref<1x128xi32, #tpu.memory_space<vmem>> -> memref<128xi32, #tpu.memory_space<vmem>>
    %dma_start3A_2229 = arith.constant 0 : i32
    %dma_start3A_2230 = arith.constant 0 : i32
    %dma_start3A_2231 = tpu.memref_slice %arg21[%dma_start3A_2229, %dma_start3A_2230] : memref<2048x128xf32, #tpu.memory_space<vmem_shared>> -> memref<2048x128xf32, #tpu.memory_space<vmem_shared>>
    tpu.enqueue_indirect_dma source(%dma_start3A_2231 : memref<2048x128xf32, #tpu.memory_space<vmem_shared>>) target(%arg11 : memref<128x128xf32, #tpu.memory_space<vmem>>) offsets(%dma_start3A_2228 : memref<128xi32, #tpu.memory_space<vmem>>) semaphore(%arg24 : memref<!tpu.dma_semaphore, #tpu.memory_space<semaphore_mem>>)
    %dma_wait3A_2232 = arith.constant 6 : i32
    %dma_wait3A_2233 = arith.constant 0 : i32
    %dma_wait3A_2234 = tpu.memref_slice %arg8[%dma_wait3A_2232, %dma_wait3A_2233] : memref<9x128xi32, #tpu.memory_space<vmem>> -> memref<1x128xi32, #tpu.memory_space<vmem>>
    %dma_wait3A_2235 = tpu.memref_squeeze %dma_wait3A_2234 : memref<1x128xi32, #tpu.memory_space<vmem>> -> memref<128xi32, #tpu.memory_space<vmem>>
    %dma_wait3A_2236 = arith.constant 0 : i32
    %dma_wait3A_2237 = arith.constant 0 : i32
    %dma_wait3A_2238 = tpu.memref_slice %arg21[%dma_wait3A_2236, %dma_wait3A_2237] : memref<2048x128xf32, #tpu.memory_space<vmem_shared>> -> memref<2048x128xf32, #tpu.memory_space<vmem_shared>>
    tpu.wait_indirect_dma semaphore(%arg23 : memref<!tpu.dma_semaphore, #tpu.memory_space<semaphore_mem>>) src(%dma_wait3A_2238 : memref<2048x128xf32, #tpu.memory_space<vmem_shared>>) dst(%arg10 : memref<128x128xf32, #tpu.memory_space<vmem>>)
    %dma_wait3A_2239 = arith.constant 4 : i32
    %dma_wait3A_2240 = arith.constant 0 : i32
    %dma_wait3A_2241 = tpu.memref_slice %arg9[%dma_wait3A_2239, %dma_wait3A_2240] : memref<9x128xi32, #tpu.memory_space<vmem>> -> memref<1x128xi32, #tpu.memory_space<vmem>>
    %dma_wait3A_2242 = tpu.memref_squeeze %dma_wait3A_2241 : memref<1x128xi32, #tpu.memory_space<vmem>> -> memref<128xi32, #tpu.memory_space<vmem>>
    %dma_wait3A_2243 = arith.constant 0 : i32
    %dma_wait3A_2244 = arith.constant 0 : i32
    %dma_wait3A_2245 = tpu.memref_slice %arg22[%dma_wait3A_2243, %dma_wait3A_2244] : memref<2560x128xf32, #tpu.memory_space<vmem_shared>> -> memref<2560x128xf32, #tpu.memory_space<vmem_shared>>
    tpu.wait_indirect_dma semaphore(%arg26 : memref<!tpu.dma_semaphore, #tpu.memory_space<semaphore_mem>>) src(%arg10 : memref<128x128xf32, #tpu.memory_space<vmem>>) dst(%dma_wait3A_2245 : memref<2560x128xf32, #tpu.memory_space<vmem_shared>>)
    %dma_start3A_2246 = arith.constant 6 : i32
    %dma_start3A_2247 = arith.constant 0 : i32
    %dma_start3A_2248 = tpu.memref_slice %arg9[%dma_start3A_2246, %dma_start3A_2247] : memref<9x128xi32, #tpu.memory_space<vmem>> -> memref<1x128xi32, #tpu.memory_space<vmem>>
    %dma_start3A_2249 = tpu.memref_squeeze %dma_start3A_2248 : memref<1x128xi32, #tpu.memory_space<vmem>> -> memref<128xi32, #tpu.memory_space<vmem>>
    %dma_start3A_2250 = arith.constant 0 : i32
    %dma_start3A_2251 = arith.constant 0 : i32
    %dma_start3A_2252 = tpu.memref_slice %arg22[%dma_start3A_2250, %dma_start3A_2251] : memref<2560x128xf32, #tpu.memory_space<vmem_shared>> -> memref<2560x128xf32, #tpu.memory_space<vmem_shared>>
    tpu.enqueue_indirect_dma source(%arg10 : memref<128x128xf32, #tpu.memory_space<vmem>>) target(%dma_start3A_2252 : memref<2560x128xf32, #tpu.memory_space<vmem_shared>>) offsets(%dma_start3A_2249 : memref<128xi32, #tpu.memory_space<vmem>>) semaphore(%arg26 : memref<!tpu.dma_semaphore, #tpu.memory_space<semaphore_mem>>) {add = true}
    %dma_start3A_2253 = arith.constant 8 : i32
    %dma_start3A_2254 = arith.constant 0 : i32
    %dma_start3A_2255 = tpu.memref_slice %arg8[%dma_start3A_2253, %dma_start3A_2254] : memref<9x128xi32, #tpu.memory_space<vmem>> -> memref<1x128xi32, #tpu.memory_space<vmem>>
    %dma_start3A_2256 = tpu.memref_squeeze %dma_start3A_2255 : memref<1x128xi32, #tpu.memory_space<vmem>> -> memref<128xi32, #tpu.memory_space<vmem>>
    %dma_start3A_2257 = arith.constant 0 : i32
    %dma_start3A_2258 = arith.constant 0 : i32
    %dma_start3A_2259 = tpu.memref_slice %arg21[%dma_start3A_2257, %dma_start3A_2258] : memref<2048x128xf32, #tpu.memory_space<vmem_shared>> -> memref<2048x128xf32, #tpu.memory_space<vmem_shared>>
    tpu.enqueue_indirect_dma source(%dma_start3A_2259 : memref<2048x128xf32, #tpu.memory_space<vmem_shared>>) target(%arg10 : memref<128x128xf32, #tpu.memory_space<vmem>>) offsets(%dma_start3A_2256 : memref<128xi32, #tpu.memory_space<vmem>>) semaphore(%arg23 : memref<!tpu.dma_semaphore, #tpu.memory_space<semaphore_mem>>)
    %dma_wait3A_2260 = arith.constant 7 : i32
    %dma_wait3A_2261 = arith.constant 0 : i32
    %dma_wait3A_2262 = tpu.memref_slice %arg8[%dma_wait3A_2260, %dma_wait3A_2261] : memref<9x128xi32, #tpu.memory_space<vmem>> -> memref<1x128xi32, #tpu.memory_space<vmem>>
    %dma_wait3A_2263 = tpu.memref_squeeze %dma_wait3A_2262 : memref<1x128xi32, #tpu.memory_space<vmem>> -> memref<128xi32, #tpu.memory_space<vmem>>
    %dma_wait3A_2264 = arith.constant 0 : i32
    %dma_wait3A_2265 = arith.constant 0 : i32
    %dma_wait3A_2266 = tpu.memref_slice %arg21[%dma_wait3A_2264, %dma_wait3A_2265] : memref<2048x128xf32, #tpu.memory_space<vmem_shared>> -> memref<2048x128xf32, #tpu.memory_space<vmem_shared>>
    tpu.wait_indirect_dma semaphore(%arg24 : memref<!tpu.dma_semaphore, #tpu.memory_space<semaphore_mem>>) src(%dma_wait3A_2266 : memref<2048x128xf32, #tpu.memory_space<vmem_shared>>) dst(%arg11 : memref<128x128xf32, #tpu.memory_space<vmem>>)
    %dma_wait3A_2267 = arith.constant 5 : i32
    %dma_wait3A_2268 = arith.constant 0 : i32
    %dma_wait3A_2269 = tpu.memref_slice %arg9[%dma_wait3A_2267, %dma_wait3A_2268] : memref<9x128xi32, #tpu.memory_space<vmem>> -> memref<1x128xi32, #tpu.memory_space<vmem>>
    %dma_wait3A_2270 = tpu.memref_squeeze %dma_wait3A_2269 : memref<1x128xi32, #tpu.memory_space<vmem>> -> memref<128xi32, #tpu.memory_space<vmem>>
    %dma_wait3A_2271 = arith.constant 0 : i32
    %dma_wait3A_2272 = arith.constant 0 : i32
    %dma_wait3A_2273 = tpu.memref_slice %arg22[%dma_wait3A_2271, %dma_wait3A_2272] : memref<2560x128xf32, #tpu.memory_space<vmem_shared>> -> memref<2560x128xf32, #tpu.memory_space<vmem_shared>>
    tpu.wait_indirect_dma semaphore(%arg27 : memref<!tpu.dma_semaphore, #tpu.memory_space<semaphore_mem>>) src(%arg11 : memref<128x128xf32, #tpu.memory_space<vmem>>) dst(%dma_wait3A_2273 : memref<2560x128xf32, #tpu.memory_space<vmem_shared>>)
    %dma_start3A_2274 = arith.constant 7 : i32
    %dma_start3A_2275 = arith.constant 0 : i32
    %dma_start3A_2276 = tpu.memref_slice %arg9[%dma_start3A_2274, %dma_start3A_2275] : memref<9x128xi32, #tpu.memory_space<vmem>> -> memref<1x128xi32, #tpu.memory_space<vmem>>
    %dma_start3A_2277 = tpu.memref_squeeze %dma_start3A_2276 : memref<1x128xi32, #tpu.memory_space<vmem>> -> memref<128xi32, #tpu.memory_space<vmem>>
    %dma_start3A_2278 = arith.constant 0 : i32
    %dma_start3A_2279 = arith.constant 0 : i32
    %dma_start3A_2280 = tpu.memref_slice %arg22[%dma_start3A_2278, %dma_start3A_2279] : memref<2560x128xf32, #tpu.memory_space<vmem_shared>> -> memref<2560x128xf32, #tpu.memory_space<vmem_shared>>
    tpu.enqueue_indirect_dma source(%arg11 : memref<128x128xf32, #tpu.memory_space<vmem>>) target(%dma_start3A_2280 : memref<2560x128xf32, #tpu.memory_space<vmem_shared>>) offsets(%dma_start3A_2277 : memref<128xi32, #tpu.memory_space<vmem>>) semaphore(%arg27 : memref<!tpu.dma_semaphore, #tpu.memory_space<semaphore_mem>>) {add = true}
    %dma_wait3A_2281 = arith.constant 8 : i32
    %dma_wait3A_2282 = arith.constant 0 : i32
    %dma_wait3A_2283 = tpu.memref_slice %arg8[%dma_wait3A_2281, %dma_wait3A_2282] : memref<9x128xi32, #tpu.memory_space<vmem>> -> memref<1x128xi32, #tpu.memory_space<vmem>>
    %dma_wait3A_2284 = tpu.memref_squeeze %dma_wait3A_2283 : memref<1x128xi32, #tpu.memory_space<vmem>> -> memref<128xi32, #tpu.memory_space<vmem>>
    %dma_wait3A_2285 = arith.constant 0 : i32
    %dma_wait3A_2286 = arith.constant 0 : i32
    %dma_wait3A_2287 = tpu.memref_slice %arg21[%dma_wait3A_2285, %dma_wait3A_2286] : memref<2048x128xf32, #tpu.memory_space<vmem_shared>> -> memref<2048x128xf32, #tpu.memory_space<vmem_shared>>
    tpu.wait_indirect_dma semaphore(%arg23 : memref<!tpu.dma_semaphore, #tpu.memory_space<semaphore_mem>>) src(%dma_wait3A_2287 : memref<2048x128xf32, #tpu.memory_space<vmem_shared>>) dst(%arg10 : memref<128x128xf32, #tpu.memory_space<vmem>>)
    %dma_wait3A_2288 = arith.constant 6 : i32
    %dma_wait3A_2289 = arith.constant 0 : i32
    %dma_wait3A_2290 = tpu.memref_slice %arg9[%dma_wait3A_2288, %dma_wait3A_2289] : memref<9x128xi32, #tpu.memory_space<vmem>> -> memref<1x128xi32, #tpu.memory_space<vmem>>
    %dma_wait3A_2291 = tpu.memref_squeeze %dma_wait3A_2290 : memref<1x128xi32, #tpu.memory_space<vmem>> -> memref<128xi32, #tpu.memory_space<vmem>>
    %dma_wait3A_2292 = arith.constant 0 : i32
    %dma_wait3A_2293 = arith.constant 0 : i32
    %dma_wait3A_2294 = tpu.memref_slice %arg22[%dma_wait3A_2292, %dma_wait3A_2293] : memref<2560x128xf32, #tpu.memory_space<vmem_shared>> -> memref<2560x128xf32, #tpu.memory_space<vmem_shared>>
    tpu.wait_indirect_dma semaphore(%arg26 : memref<!tpu.dma_semaphore, #tpu.memory_space<semaphore_mem>>) src(%arg10 : memref<128x128xf32, #tpu.memory_space<vmem>>) dst(%dma_wait3A_2294 : memref<2560x128xf32, #tpu.memory_space<vmem_shared>>)
    %dma_start3A_2295 = arith.constant 8 : i32
    %dma_start3A_2296 = arith.constant 0 : i32
    %dma_start3A_2297 = tpu.memref_slice %arg9[%dma_start3A_2295, %dma_start3A_2296] : memref<9x128xi32, #tpu.memory_space<vmem>> -> memref<1x128xi32, #tpu.memory_space<vmem>>
    %dma_start3A_2298 = tpu.memref_squeeze %dma_start3A_2297 : memref<1x128xi32, #tpu.memory_space<vmem>> -> memref<128xi32, #tpu.memory_space<vmem>>
    %dma_start3A_2299 = arith.constant 0 : i32
    %dma_start3A_2300 = arith.constant 0 : i32
    %dma_start3A_2301 = tpu.memref_slice %arg22[%dma_start3A_2299, %dma_start3A_2300] : memref<2560x128xf32, #tpu.memory_space<vmem_shared>> -> memref<2560x128xf32, #tpu.memory_space<vmem_shared>>
    tpu.enqueue_indirect_dma source(%arg10 : memref<128x128xf32, #tpu.memory_space<vmem>>) target(%dma_start3A_2301 : memref<2560x128xf32, #tpu.memory_space<vmem_shared>>) offsets(%dma_start3A_2298 : memref<128xi32, #tpu.memory_space<vmem>>) semaphore(%arg26 : memref<!tpu.dma_semaphore, #tpu.memory_space<semaphore_mem>>) {add = true}
    %dma_wait3A_2302 = arith.constant 0 : i32
    %dma_wait3A_2303 = arith.constant 0 : i32
    %dma_wait3A_2304 = arith.constant 0 : i32
    %dma_wait3A_2305 = tpu.memref_slice %arg16[%dma_wait3A_2303, %dma_wait3A_2304] : memref<9x128xf32, #tpu.memory_space<vmem>> -> memref<1x128xf32, #tpu.memory_space<vmem>>
    %dma_wait3A_2306 = tpu.memref_squeeze %dma_wait3A_2305 : memref<1x128xf32, #tpu.memory_space<vmem>> -> memref<128xf32, #tpu.memory_space<vmem>>
    %dma_wait3A_2307 = arith.constant 0 : i32
    %dma_wait3A_2308 = tpu.memref_slice %arg8[%dma_wait3A_2302, %dma_wait3A_2307] : memref<9x128xi32, #tpu.memory_space<vmem>> -> memref<1x128xi32, #tpu.memory_space<vmem>>
    %dma_wait3A_2309 = tpu.memref_squeeze %dma_wait3A_2308 : memref<1x128xi32, #tpu.memory_space<vmem>> -> memref<128xi32, #tpu.memory_space<vmem>>
    %dma_wait3A_2310 = arith.constant 0 : i32
    %dma_wait3A_2311 = tpu.memref_slice %arg20[%dma_wait3A_2310] : memref<2048xf32, #tpu.memory_space<vmem_shared>> -> memref<2048xf32, #tpu.memory_space<vmem_shared>>
    tpu.wait_indirect_dma semaphore(%arg25 : memref<!tpu.dma_semaphore, #tpu.memory_space<semaphore_mem>>) src(%dma_wait3A_2311 : memref<2048xf32, #tpu.memory_space<vmem_shared>>) dst(%dma_wait3A_2306 : memref<128xf32, #tpu.memory_space<vmem>>)
    %dma_wait3A_2312 = arith.constant 1 : i32
    %dma_wait3A_2313 = arith.constant 1 : i32
    %dma_wait3A_2314 = arith.constant 0 : i32
    %dma_wait3A_2315 = tpu.memref_slice %arg16[%dma_wait3A_2313, %dma_wait3A_2314] : memref<9x128xf32, #tpu.memory_space<vmem>> -> memref<1x128xf32, #tpu.memory_space<vmem>>
    %dma_wait3A_2316 = tpu.memref_squeeze %dma_wait3A_2315 : memref<1x128xf32, #tpu.memory_space<vmem>> -> memref<128xf32, #tpu.memory_space<vmem>>
    %dma_wait3A_2317 = arith.constant 0 : i32
    %dma_wait3A_2318 = tpu.memref_slice %arg8[%dma_wait3A_2312, %dma_wait3A_2317] : memref<9x128xi32, #tpu.memory_space<vmem>> -> memref<1x128xi32, #tpu.memory_space<vmem>>
    %dma_wait3A_2319 = tpu.memref_squeeze %dma_wait3A_2318 : memref<1x128xi32, #tpu.memory_space<vmem>> -> memref<128xi32, #tpu.memory_space<vmem>>
    %dma_wait3A_2320 = arith.constant 0 : i32
    %dma_wait3A_2321 = tpu.memref_slice %arg20[%dma_wait3A_2320] : memref<2048xf32, #tpu.memory_space<vmem_shared>> -> memref<2048xf32, #tpu.memory_space<vmem_shared>>
    tpu.wait_indirect_dma semaphore(%arg25 : memref<!tpu.dma_semaphore, #tpu.memory_space<semaphore_mem>>) src(%dma_wait3A_2321 : memref<2048xf32, #tpu.memory_space<vmem_shared>>) dst(%dma_wait3A_2316 : memref<128xf32, #tpu.memory_space<vmem>>)
    %dma_wait3A_2322 = arith.constant 2 : i32
    %dma_wait3A_2323 = arith.constant 2 : i32
    %dma_wait3A_2324 = arith.constant 0 : i32
    %dma_wait3A_2325 = tpu.memref_slice %arg16[%dma_wait3A_2323, %dma_wait3A_2324] : memref<9x128xf32, #tpu.memory_space<vmem>> -> memref<1x128xf32, #tpu.memory_space<vmem>>
    %dma_wait3A_2326 = tpu.memref_squeeze %dma_wait3A_2325 : memref<1x128xf32, #tpu.memory_space<vmem>> -> memref<128xf32, #tpu.memory_space<vmem>>
    %dma_wait3A_2327 = arith.constant 0 : i32
    %dma_wait3A_2328 = tpu.memref_slice %arg8[%dma_wait3A_2322, %dma_wait3A_2327] : memref<9x128xi32, #tpu.memory_space<vmem>> -> memref<1x128xi32, #tpu.memory_space<vmem>>
    %dma_wait3A_2329 = tpu.memref_squeeze %dma_wait3A_2328 : memref<1x128xi32, #tpu.memory_space<vmem>> -> memref<128xi32, #tpu.memory_space<vmem>>
    %dma_wait3A_2330 = arith.constant 0 : i32
    %dma_wait3A_2331 = tpu.memref_slice %arg20[%dma_wait3A_2330] : memref<2048xf32, #tpu.memory_space<vmem_shared>> -> memref<2048xf32, #tpu.memory_space<vmem_shared>>
    tpu.wait_indirect_dma semaphore(%arg25 : memref<!tpu.dma_semaphore, #tpu.memory_space<semaphore_mem>>) src(%dma_wait3A_2331 : memref<2048xf32, #tpu.memory_space<vmem_shared>>) dst(%dma_wait3A_2326 : memref<128xf32, #tpu.memory_space<vmem>>)
    %dma_wait3A_2332 = arith.constant 3 : i32
    %dma_wait3A_2333 = arith.constant 3 : i32
    %dma_wait3A_2334 = arith.constant 0 : i32
    %dma_wait3A_2335 = tpu.memref_slice %arg16[%dma_wait3A_2333, %dma_wait3A_2334] : memref<9x128xf32, #tpu.memory_space<vmem>> -> memref<1x128xf32, #tpu.memory_space<vmem>>
    %dma_wait3A_2336 = tpu.memref_squeeze %dma_wait3A_2335 : memref<1x128xf32, #tpu.memory_space<vmem>> -> memref<128xf32, #tpu.memory_space<vmem>>
    %dma_wait3A_2337 = arith.constant 0 : i32
    %dma_wait3A_2338 = tpu.memref_slice %arg8[%dma_wait3A_2332, %dma_wait3A_2337] : memref<9x128xi32, #tpu.memory_space<vmem>> -> memref<1x128xi32, #tpu.memory_space<vmem>>
    %dma_wait3A_2339 = tpu.memref_squeeze %dma_wait3A_2338 : memref<1x128xi32, #tpu.memory_space<vmem>> -> memref<128xi32, #tpu.memory_space<vmem>>
    %dma_wait3A_2340 = arith.constant 0 : i32
    %dma_wait3A_2341 = tpu.memref_slice %arg20[%dma_wait3A_2340] : memref<2048xf32, #tpu.memory_space<vmem_shared>> -> memref<2048xf32, #tpu.memory_space<vmem_shared>>
    tpu.wait_indirect_dma semaphore(%arg25 : memref<!tpu.dma_semaphore, #tpu.memory_space<semaphore_mem>>) src(%dma_wait3A_2341 : memref<2048xf32, #tpu.memory_space<vmem_shared>>) dst(%dma_wait3A_2336 : memref<128xf32, #tpu.memory_space<vmem>>)
    %dma_wait3A_2342 = arith.constant 4 : i32
    %dma_wait3A_2343 = arith.constant 4 : i32
    %dma_wait3A_2344 = arith.constant 0 : i32
    %dma_wait3A_2345 = tpu.memref_slice %arg16[%dma_wait3A_2343, %dma_wait3A_2344] : memref<9x128xf32, #tpu.memory_space<vmem>> -> memref<1x128xf32, #tpu.memory_space<vmem>>
    %dma_wait3A_2346 = tpu.memref_squeeze %dma_wait3A_2345 : memref<1x128xf32, #tpu.memory_space<vmem>> -> memref<128xf32, #tpu.memory_space<vmem>>
    %dma_wait3A_2347 = arith.constant 0 : i32
    %dma_wait3A_2348 = tpu.memref_slice %arg8[%dma_wait3A_2342, %dma_wait3A_2347] : memref<9x128xi32, #tpu.memory_space<vmem>> -> memref<1x128xi32, #tpu.memory_space<vmem>>
    %dma_wait3A_2349 = tpu.memref_squeeze %dma_wait3A_2348 : memref<1x128xi32, #tpu.memory_space<vmem>> -> memref<128xi32, #tpu.memory_space<vmem>>
    %dma_wait3A_2350 = arith.constant 0 : i32
    %dma_wait3A_2351 = tpu.memref_slice %arg20[%dma_wait3A_2350] : memref<2048xf32, #tpu.memory_space<vmem_shared>> -> memref<2048xf32, #tpu.memory_space<vmem_shared>>
    tpu.wait_indirect_dma semaphore(%arg25 : memref<!tpu.dma_semaphore, #tpu.memory_space<semaphore_mem>>) src(%dma_wait3A_2351 : memref<2048xf32, #tpu.memory_space<vmem_shared>>) dst(%dma_wait3A_2346 : memref<128xf32, #tpu.memory_space<vmem>>)
    %dma_wait3A_2352 = arith.constant 5 : i32
    %dma_wait3A_2353 = arith.constant 5 : i32
    %dma_wait3A_2354 = arith.constant 0 : i32
    %dma_wait3A_2355 = tpu.memref_slice %arg16[%dma_wait3A_2353, %dma_wait3A_2354] : memref<9x128xf32, #tpu.memory_space<vmem>> -> memref<1x128xf32, #tpu.memory_space<vmem>>
    %dma_wait3A_2356 = tpu.memref_squeeze %dma_wait3A_2355 : memref<1x128xf32, #tpu.memory_space<vmem>> -> memref<128xf32, #tpu.memory_space<vmem>>
    %dma_wait3A_2357 = arith.constant 0 : i32
    %dma_wait3A_2358 = tpu.memref_slice %arg8[%dma_wait3A_2352, %dma_wait3A_2357] : memref<9x128xi32, #tpu.memory_space<vmem>> -> memref<1x128xi32, #tpu.memory_space<vmem>>
    %dma_wait3A_2359 = tpu.memref_squeeze %dma_wait3A_2358 : memref<1x128xi32, #tpu.memory_space<vmem>> -> memref<128xi32, #tpu.memory_space<vmem>>
    %dma_wait3A_2360 = arith.constant 0 : i32
    %dma_wait3A_2361 = tpu.memref_slice %arg20[%dma_wait3A_2360] : memref<2048xf32, #tpu.memory_space<vmem_shared>> -> memref<2048xf32, #tpu.memory_space<vmem_shared>>
    tpu.wait_indirect_dma semaphore(%arg25 : memref<!tpu.dma_semaphore, #tpu.memory_space<semaphore_mem>>) src(%dma_wait3A_2361 : memref<2048xf32, #tpu.memory_space<vmem_shared>>) dst(%dma_wait3A_2356 : memref<128xf32, #tpu.memory_space<vmem>>)
    %dma_wait3A_2362 = arith.constant 6 : i32
    %dma_wait3A_2363 = arith.constant 6 : i32
    %dma_wait3A_2364 = arith.constant 0 : i32
    %dma_wait3A_2365 = tpu.memref_slice %arg16[%dma_wait3A_2363, %dma_wait3A_2364] : memref<9x128xf32, #tpu.memory_space<vmem>> -> memref<1x128xf32, #tpu.memory_space<vmem>>
    %dma_wait3A_2366 = tpu.memref_squeeze %dma_wait3A_2365 : memref<1x128xf32, #tpu.memory_space<vmem>> -> memref<128xf32, #tpu.memory_space<vmem>>
    %dma_wait3A_2367 = arith.constant 0 : i32
    %dma_wait3A_2368 = tpu.memref_slice %arg8[%dma_wait3A_2362, %dma_wait3A_2367] : memref<9x128xi32, #tpu.memory_space<vmem>> -> memref<1x128xi32, #tpu.memory_space<vmem>>
    %dma_wait3A_2369 = tpu.memref_squeeze %dma_wait3A_2368 : memref<1x128xi32, #tpu.memory_space<vmem>> -> memref<128xi32, #tpu.memory_space<vmem>>
    %dma_wait3A_2370 = arith.constant 0 : i32
    %dma_wait3A_2371 = tpu.memref_slice %arg20[%dma_wait3A_2370] : memref<2048xf32, #tpu.memory_space<vmem_shared>> -> memref<2048xf32, #tpu.memory_space<vmem_shared>>
    tpu.wait_indirect_dma semaphore(%arg25 : memref<!tpu.dma_semaphore, #tpu.memory_space<semaphore_mem>>) src(%dma_wait3A_2371 : memref<2048xf32, #tpu.memory_space<vmem_shared>>) dst(%dma_wait3A_2366 : memref<128xf32, #tpu.memory_space<vmem>>)
    %dma_wait3A_2372 = arith.constant 7 : i32
    %dma_wait3A_2373 = arith.constant 7 : i32
    %dma_wait3A_2374 = arith.constant 0 : i32
    %dma_wait3A_2375 = tpu.memref_slice %arg16[%dma_wait3A_2373, %dma_wait3A_2374] : memref<9x128xf32, #tpu.memory_space<vmem>> -> memref<1x128xf32, #tpu.memory_space<vmem>>
    %dma_wait3A_2376 = tpu.memref_squeeze %dma_wait3A_2375 : memref<1x128xf32, #tpu.memory_space<vmem>> -> memref<128xf32, #tpu.memory_space<vmem>>
    %dma_wait3A_2377 = arith.constant 0 : i32
    %dma_wait3A_2378 = tpu.memref_slice %arg8[%dma_wait3A_2372, %dma_wait3A_2377] : memref<9x128xi32, #tpu.memory_space<vmem>> -> memref<1x128xi32, #tpu.memory_space<vmem>>
    %dma_wait3A_2379 = tpu.memref_squeeze %dma_wait3A_2378 : memref<1x128xi32, #tpu.memory_space<vmem>> -> memref<128xi32, #tpu.memory_space<vmem>>
    %dma_wait3A_2380 = arith.constant 0 : i32
    %dma_wait3A_2381 = tpu.memref_slice %arg20[%dma_wait3A_2380] : memref<2048xf32, #tpu.memory_space<vmem_shared>> -> memref<2048xf32, #tpu.memory_space<vmem_shared>>
    tpu.wait_indirect_dma semaphore(%arg25 : memref<!tpu.dma_semaphore, #tpu.memory_space<semaphore_mem>>) src(%dma_wait3A_2381 : memref<2048xf32, #tpu.memory_space<vmem_shared>>) dst(%dma_wait3A_2376 : memref<128xf32, #tpu.memory_space<vmem>>)
    %dma_wait3A_2382 = arith.constant 8 : i32
    %dma_wait3A_2383 = arith.constant 8 : i32
    %dma_wait3A_2384 = arith.constant 0 : i32
    %dma_wait3A_2385 = tpu.memref_slice %arg16[%dma_wait3A_2383, %dma_wait3A_2384] : memref<9x128xf32, #tpu.memory_space<vmem>> -> memref<1x128xf32, #tpu.memory_space<vmem>>
    %dma_wait3A_2386 = tpu.memref_squeeze %dma_wait3A_2385 : memref<1x128xf32, #tpu.memory_space<vmem>> -> memref<128xf32, #tpu.memory_space<vmem>>
    %dma_wait3A_2387 = arith.constant 0 : i32
    %dma_wait3A_2388 = tpu.memref_slice %arg8[%dma_wait3A_2382, %dma_wait3A_2387] : memref<9x128xi32, #tpu.memory_space<vmem>> -> memref<1x128xi32, #tpu.memory_space<vmem>>
    %dma_wait3A_2389 = tpu.memref_squeeze %dma_wait3A_2388 : memref<1x128xi32, #tpu.memory_space<vmem>> -> memref<128xi32, #tpu.memory_space<vmem>>
    %dma_wait3A_2390 = arith.constant 0 : i32
    %dma_wait3A_2391 = tpu.memref_slice %arg20[%dma_wait3A_2390] : memref<2048xf32, #tpu.memory_space<vmem_shared>> -> memref<2048xf32, #tpu.memory_space<vmem_shared>>
    tpu.wait_indirect_dma semaphore(%arg25 : memref<!tpu.dma_semaphore, #tpu.memory_space<semaphore_mem>>) src(%dma_wait3A_2391 : memref<2048xf32, #tpu.memory_space<vmem_shared>>) dst(%dma_wait3A_2386 : memref<128xf32, #tpu.memory_space<vmem>>)
    %dma_start3A_2392 = arith.constant 0 : i32
    %dma_start3A_2393 = arith.constant 0 : i32
    %dma_start3A_2394 = arith.constant 0 : i32
    %dma_start3A_2395 = tpu.memref_slice %arg16[%dma_start3A_2392, %dma_start3A_2394] : memref<9x128xf32, #tpu.memory_space<vmem>> -> memref<1x128xf32, #tpu.memory_space<vmem>>
    %dma_start3A_2396 = tpu.memref_squeeze %dma_start3A_2395 : memref<1x128xf32, #tpu.memory_space<vmem>> -> memref<128xf32, #tpu.memory_space<vmem>>
    %dma_start3A_2397 = arith.constant 0 : i32
    %dma_start3A_2398 = tpu.memref_slice %arg9[%dma_start3A_2393, %dma_start3A_2397] : memref<9x128xi32, #tpu.memory_space<vmem>> -> memref<1x128xi32, #tpu.memory_space<vmem>>
    %dma_start3A_2399 = tpu.memref_squeeze %dma_start3A_2398 : memref<1x128xi32, #tpu.memory_space<vmem>> -> memref<128xi32, #tpu.memory_space<vmem>>
    %dma_start3A_2400 = arith.constant 0 : i32
    %dma_start3A_2401 = tpu.memref_slice %arg19[%dma_start3A_2400] : memref<2304xf32, #tpu.memory_space<vmem_shared>> -> memref<2304xf32, #tpu.memory_space<vmem_shared>>
    tpu.enqueue_indirect_dma source(%dma_start3A_2396 : memref<128xf32, #tpu.memory_space<vmem>>) target(%dma_start3A_2401 : memref<2304xf32, #tpu.memory_space<vmem_shared>>) offsets(%dma_start3A_2399 : memref<128xi32, #tpu.memory_space<vmem>>) semaphore(%arg25 : memref<!tpu.dma_semaphore, #tpu.memory_space<semaphore_mem>>) {add = true}
    %dma_start3A_2402 = arith.constant 1 : i32
    %dma_start3A_2403 = arith.constant 1 : i32
    %dma_start3A_2404 = arith.constant 0 : i32
    %dma_start3A_2405 = tpu.memref_slice %arg16[%dma_start3A_2402, %dma_start3A_2404] : memref<9x128xf32, #tpu.memory_space<vmem>> -> memref<1x128xf32, #tpu.memory_space<vmem>>
    %dma_start3A_2406 = tpu.memref_squeeze %dma_start3A_2405 : memref<1x128xf32, #tpu.memory_space<vmem>> -> memref<128xf32, #tpu.memory_space<vmem>>
    %dma_start3A_2407 = arith.constant 0 : i32
    %dma_start3A_2408 = tpu.memref_slice %arg9[%dma_start3A_2403, %dma_start3A_2407] : memref<9x128xi32, #tpu.memory_space<vmem>> -> memref<1x128xi32, #tpu.memory_space<vmem>>
    %dma_start3A_2409 = tpu.memref_squeeze %dma_start3A_2408 : memref<1x128xi32, #tpu.memory_space<vmem>> -> memref<128xi32, #tpu.memory_space<vmem>>
    %dma_start3A_2410 = arith.constant 0 : i32
    %dma_start3A_2411 = tpu.memref_slice %arg19[%dma_start3A_2410] : memref<2304xf32, #tpu.memory_space<vmem_shared>> -> memref<2304xf32, #tpu.memory_space<vmem_shared>>
    tpu.enqueue_indirect_dma source(%dma_start3A_2406 : memref<128xf32, #tpu.memory_space<vmem>>) target(%dma_start3A_2411 : memref<2304xf32, #tpu.memory_space<vmem_shared>>) offsets(%dma_start3A_2409 : memref<128xi32, #tpu.memory_space<vmem>>) semaphore(%arg25 : memref<!tpu.dma_semaphore, #tpu.memory_space<semaphore_mem>>) {add = true}
    %dma_start3A_2412 = arith.constant 2 : i32
    %dma_start3A_2413 = arith.constant 2 : i32
    %dma_start3A_2414 = arith.constant 0 : i32
    %dma_start3A_2415 = tpu.memref_slice %arg16[%dma_start3A_2412, %dma_start3A_2414] : memref<9x128xf32, #tpu.memory_space<vmem>> -> memref<1x128xf32, #tpu.memory_space<vmem>>
    %dma_start3A_2416 = tpu.memref_squeeze %dma_start3A_2415 : memref<1x128xf32, #tpu.memory_space<vmem>> -> memref<128xf32, #tpu.memory_space<vmem>>
    %dma_start3A_2417 = arith.constant 0 : i32
    %dma_start3A_2418 = tpu.memref_slice %arg9[%dma_start3A_2413, %dma_start3A_2417] : memref<9x128xi32, #tpu.memory_space<vmem>> -> memref<1x128xi32, #tpu.memory_space<vmem>>
    %dma_start3A_2419 = tpu.memref_squeeze %dma_start3A_2418 : memref<1x128xi32, #tpu.memory_space<vmem>> -> memref<128xi32, #tpu.memory_space<vmem>>
    %dma_start3A_2420 = arith.constant 0 : i32
    %dma_start3A_2421 = tpu.memref_slice %arg19[%dma_start3A_2420] : memref<2304xf32, #tpu.memory_space<vmem_shared>> -> memref<2304xf32, #tpu.memory_space<vmem_shared>>
    tpu.enqueue_indirect_dma source(%dma_start3A_2416 : memref<128xf32, #tpu.memory_space<vmem>>) target(%dma_start3A_2421 : memref<2304xf32, #tpu.memory_space<vmem_shared>>) offsets(%dma_start3A_2419 : memref<128xi32, #tpu.memory_space<vmem>>) semaphore(%arg25 : memref<!tpu.dma_semaphore, #tpu.memory_space<semaphore_mem>>) {add = true}
    %dma_start3A_2422 = arith.constant 3 : i32
    %dma_start3A_2423 = arith.constant 3 : i32
    %dma_start3A_2424 = arith.constant 0 : i32
    %dma_start3A_2425 = tpu.memref_slice %arg16[%dma_start3A_2422, %dma_start3A_2424] : memref<9x128xf32, #tpu.memory_space<vmem>> -> memref<1x128xf32, #tpu.memory_space<vmem>>
    %dma_start3A_2426 = tpu.memref_squeeze %dma_start3A_2425 : memref<1x128xf32, #tpu.memory_space<vmem>> -> memref<128xf32, #tpu.memory_space<vmem>>
    %dma_start3A_2427 = arith.constant 0 : i32
    %dma_start3A_2428 = tpu.memref_slice %arg9[%dma_start3A_2423, %dma_start3A_2427] : memref<9x128xi32, #tpu.memory_space<vmem>> -> memref<1x128xi32, #tpu.memory_space<vmem>>
    %dma_start3A_2429 = tpu.memref_squeeze %dma_start3A_2428 : memref<1x128xi32, #tpu.memory_space<vmem>> -> memref<128xi32, #tpu.memory_space<vmem>>
    %dma_start3A_2430 = arith.constant 0 : i32
    %dma_start3A_2431 = tpu.memref_slice %arg19[%dma_start3A_2430] : memref<2304xf32, #tpu.memory_space<vmem_shared>> -> memref<2304xf32, #tpu.memory_space<vmem_shared>>
    tpu.enqueue_indirect_dma source(%dma_start3A_2426 : memref<128xf32, #tpu.memory_space<vmem>>) target(%dma_start3A_2431 : memref<2304xf32, #tpu.memory_space<vmem_shared>>) offsets(%dma_start3A_2429 : memref<128xi32, #tpu.memory_space<vmem>>) semaphore(%arg25 : memref<!tpu.dma_semaphore, #tpu.memory_space<semaphore_mem>>) {add = true}
    %dma_start3A_2432 = arith.constant 4 : i32
    %dma_start3A_2433 = arith.constant 4 : i32
    %dma_start3A_2434 = arith.constant 0 : i32
    %dma_start3A_2435 = tpu.memref_slice %arg16[%dma_start3A_2432, %dma_start3A_2434] : memref<9x128xf32, #tpu.memory_space<vmem>> -> memref<1x128xf32, #tpu.memory_space<vmem>>
    %dma_start3A_2436 = tpu.memref_squeeze %dma_start3A_2435 : memref<1x128xf32, #tpu.memory_space<vmem>> -> memref<128xf32, #tpu.memory_space<vmem>>
    %dma_start3A_2437 = arith.constant 0 : i32
    %dma_start3A_2438 = tpu.memref_slice %arg9[%dma_start3A_2433, %dma_start3A_2437] : memref<9x128xi32, #tpu.memory_space<vmem>> -> memref<1x128xi32, #tpu.memory_space<vmem>>
    %dma_start3A_2439 = tpu.memref_squeeze %dma_start3A_2438 : memref<1x128xi32, #tpu.memory_space<vmem>> -> memref<128xi32, #tpu.memory_space<vmem>>
    %dma_start3A_2440 = arith.constant 0 : i32
    %dma_start3A_2441 = tpu.memref_slice %arg19[%dma_start3A_2440] : memref<2304xf32, #tpu.memory_space<vmem_shared>> -> memref<2304xf32, #tpu.memory_space<vmem_shared>>
    tpu.enqueue_indirect_dma source(%dma_start3A_2436 : memref<128xf32, #tpu.memory_space<vmem>>) target(%dma_start3A_2441 : memref<2304xf32, #tpu.memory_space<vmem_shared>>) offsets(%dma_start3A_2439 : memref<128xi32, #tpu.memory_space<vmem>>) semaphore(%arg25 : memref<!tpu.dma_semaphore, #tpu.memory_space<semaphore_mem>>) {add = true}
    %dma_start3A_2442 = arith.constant 5 : i32
    %dma_start3A_2443 = arith.constant 5 : i32
    %dma_start3A_2444 = arith.constant 0 : i32
    %dma_start3A_2445 = tpu.memref_slice %arg16[%dma_start3A_2442, %dma_start3A_2444] : memref<9x128xf32, #tpu.memory_space<vmem>> -> memref<1x128xf32, #tpu.memory_space<vmem>>
    %dma_start3A_2446 = tpu.memref_squeeze %dma_start3A_2445 : memref<1x128xf32, #tpu.memory_space<vmem>> -> memref<128xf32, #tpu.memory_space<vmem>>
    %dma_start3A_2447 = arith.constant 0 : i32
    %dma_start3A_2448 = tpu.memref_slice %arg9[%dma_start3A_2443, %dma_start3A_2447] : memref<9x128xi32, #tpu.memory_space<vmem>> -> memref<1x128xi32, #tpu.memory_space<vmem>>
    %dma_start3A_2449 = tpu.memref_squeeze %dma_start3A_2448 : memref<1x128xi32, #tpu.memory_space<vmem>> -> memref<128xi32, #tpu.memory_space<vmem>>
    %dma_start3A_2450 = arith.constant 0 : i32
    %dma_start3A_2451 = tpu.memref_slice %arg19[%dma_start3A_2450] : memref<2304xf32, #tpu.memory_space<vmem_shared>> -> memref<2304xf32, #tpu.memory_space<vmem_shared>>
    tpu.enqueue_indirect_dma source(%dma_start3A_2446 : memref<128xf32, #tpu.memory_space<vmem>>) target(%dma_start3A_2451 : memref<2304xf32, #tpu.memory_space<vmem_shared>>) offsets(%dma_start3A_2449 : memref<128xi32, #tpu.memory_space<vmem>>) semaphore(%arg25 : memref<!tpu.dma_semaphore, #tpu.memory_space<semaphore_mem>>) {add = true}
    %dma_start3A_2452 = arith.constant 6 : i32
    %dma_start3A_2453 = arith.constant 6 : i32
    %dma_start3A_2454 = arith.constant 0 : i32
    %dma_start3A_2455 = tpu.memref_slice %arg16[%dma_start3A_2452, %dma_start3A_2454] : memref<9x128xf32, #tpu.memory_space<vmem>> -> memref<1x128xf32, #tpu.memory_space<vmem>>
    %dma_start3A_2456 = tpu.memref_squeeze %dma_start3A_2455 : memref<1x128xf32, #tpu.memory_space<vmem>> -> memref<128xf32, #tpu.memory_space<vmem>>
    %dma_start3A_2457 = arith.constant 0 : i32
    %dma_start3A_2458 = tpu.memref_slice %arg9[%dma_start3A_2453, %dma_start3A_2457] : memref<9x128xi32, #tpu.memory_space<vmem>> -> memref<1x128xi32, #tpu.memory_space<vmem>>
    %dma_start3A_2459 = tpu.memref_squeeze %dma_start3A_2458 : memref<1x128xi32, #tpu.memory_space<vmem>> -> memref<128xi32, #tpu.memory_space<vmem>>
    %dma_start3A_2460 = arith.constant 0 : i32
    %dma_start3A_2461 = tpu.memref_slice %arg19[%dma_start3A_2460] : memref<2304xf32, #tpu.memory_space<vmem_shared>> -> memref<2304xf32, #tpu.memory_space<vmem_shared>>
    tpu.enqueue_indirect_dma source(%dma_start3A_2456 : memref<128xf32, #tpu.memory_space<vmem>>) target(%dma_start3A_2461 : memref<2304xf32, #tpu.memory_space<vmem_shared>>) offsets(%dma_start3A_2459 : memref<128xi32, #tpu.memory_space<vmem>>) semaphore(%arg25 : memref<!tpu.dma_semaphore, #tpu.memory_space<semaphore_mem>>) {add = true}
    %dma_start3A_2462 = arith.constant 7 : i32
    %dma_start3A_2463 = arith.constant 7 : i32
    %dma_start3A_2464 = arith.constant 0 : i32
    %dma_start3A_2465 = tpu.memref_slice %arg16[%dma_start3A_2462, %dma_start3A_2464] : memref<9x128xf32, #tpu.memory_space<vmem>> -> memref<1x128xf32, #tpu.memory_space<vmem>>
    %dma_start3A_2466 = tpu.memref_squeeze %dma_start3A_2465 : memref<1x128xf32, #tpu.memory_space<vmem>> -> memref<128xf32, #tpu.memory_space<vmem>>
    %dma_start3A_2467 = arith.constant 0 : i32
    %dma_start3A_2468 = tpu.memref_slice %arg9[%dma_start3A_2463, %dma_start3A_2467] : memref<9x128xi32, #tpu.memory_space<vmem>> -> memref<1x128xi32, #tpu.memory_space<vmem>>
    %dma_start3A_2469 = tpu.memref_squeeze %dma_start3A_2468 : memref<1x128xi32, #tpu.memory_space<vmem>> -> memref<128xi32, #tpu.memory_space<vmem>>
    %dma_start3A_2470 = arith.constant 0 : i32
    %dma_start3A_2471 = tpu.memref_slice %arg19[%dma_start3A_2470] : memref<2304xf32, #tpu.memory_space<vmem_shared>> -> memref<2304xf32, #tpu.memory_space<vmem_shared>>
    tpu.enqueue_indirect_dma source(%dma_start3A_2466 : memref<128xf32, #tpu.memory_space<vmem>>) target(%dma_start3A_2471 : memref<2304xf32, #tpu.memory_space<vmem_shared>>) offsets(%dma_start3A_2469 : memref<128xi32, #tpu.memory_space<vmem>>) semaphore(%arg25 : memref<!tpu.dma_semaphore, #tpu.memory_space<semaphore_mem>>) {add = true}
    %dma_start3A_2472 = arith.constant 8 : i32
    %dma_start3A_2473 = arith.constant 8 : i32
    %dma_start3A_2474 = arith.constant 0 : i32
    %dma_start3A_2475 = tpu.memref_slice %arg16[%dma_start3A_2472, %dma_start3A_2474] : memref<9x128xf32, #tpu.memory_space<vmem>> -> memref<1x128xf32, #tpu.memory_space<vmem>>
    %dma_start3A_2476 = tpu.memref_squeeze %dma_start3A_2475 : memref<1x128xf32, #tpu.memory_space<vmem>> -> memref<128xf32, #tpu.memory_space<vmem>>
    %dma_start3A_2477 = arith.constant 0 : i32
    %dma_start3A_2478 = tpu.memref_slice %arg9[%dma_start3A_2473, %dma_start3A_2477] : memref<9x128xi32, #tpu.memory_space<vmem>> -> memref<1x128xi32, #tpu.memory_space<vmem>>
    %dma_start3A_2479 = tpu.memref_squeeze %dma_start3A_2478 : memref<1x128xi32, #tpu.memory_space<vmem>> -> memref<128xi32, #tpu.memory_space<vmem>>
    %dma_start3A_2480 = arith.constant 0 : i32
    %dma_start3A_2481 = tpu.memref_slice %arg19[%dma_start3A_2480] : memref<2304xf32, #tpu.memory_space<vmem_shared>> -> memref<2304xf32, #tpu.memory_space<vmem_shared>>
    tpu.enqueue_indirect_dma source(%dma_start3A_2476 : memref<128xf32, #tpu.memory_space<vmem>>) target(%dma_start3A_2481 : memref<2304xf32, #tpu.memory_space<vmem_shared>>) offsets(%dma_start3A_2479 : memref<128xi32, #tpu.memory_space<vmem>>) semaphore(%arg25 : memref<!tpu.dma_semaphore, #tpu.memory_space<semaphore_mem>>) {add = true}
    %dma_wait3A_2482 = arith.constant 7 : i32
    %dma_wait3A_2483 = arith.constant 0 : i32
    %dma_wait3A_2484 = tpu.memref_slice %arg9[%dma_wait3A_2482, %dma_wait3A_2483] : memref<9x128xi32, #tpu.memory_space<vmem>> -> memref<1x128xi32, #tpu.memory_space<vmem>>
    %dma_wait3A_2485 = tpu.memref_squeeze %dma_wait3A_2484 : memref<1x128xi32, #tpu.memory_space<vmem>> -> memref<128xi32, #tpu.memory_space<vmem>>
    %dma_wait3A_2486 = arith.constant 0 : i32
    %dma_wait3A_2487 = arith.constant 0 : i32
    %dma_wait3A_2488 = tpu.memref_slice %arg22[%dma_wait3A_2486, %dma_wait3A_2487] : memref<2560x128xf32, #tpu.memory_space<vmem_shared>> -> memref<2560x128xf32, #tpu.memory_space<vmem_shared>>
    tpu.wait_indirect_dma semaphore(%arg27 : memref<!tpu.dma_semaphore, #tpu.memory_space<semaphore_mem>>) src(%arg11 : memref<128x128xf32, #tpu.memory_space<vmem>>) dst(%dma_wait3A_2488 : memref<2560x128xf32, #tpu.memory_space<vmem_shared>>)
    %dma_wait3A_2489 = arith.constant 8 : i32
    %dma_wait3A_2490 = arith.constant 0 : i32
    %dma_wait3A_2491 = tpu.memref_slice %arg9[%dma_wait3A_2489, %dma_wait3A_2490] : memref<9x128xi32, #tpu.memory_space<vmem>> -> memref<1x128xi32, #tpu.memory_space<vmem>>
    %dma_wait3A_2492 = tpu.memref_squeeze %dma_wait3A_2491 : memref<1x128xi32, #tpu.memory_space<vmem>> -> memref<128xi32, #tpu.memory_space<vmem>>
    %dma_wait3A_2493 = arith.constant 0 : i32
    %dma_wait3A_2494 = arith.constant 0 : i32
    %dma_wait3A_2495 = tpu.memref_slice %arg22[%dma_wait3A_2493, %dma_wait3A_2494] : memref<2560x128xf32, #tpu.memory_space<vmem_shared>> -> memref<2560x128xf32, #tpu.memory_space<vmem_shared>>
    tpu.wait_indirect_dma semaphore(%arg26 : memref<!tpu.dma_semaphore, #tpu.memory_space<semaphore_mem>>) src(%arg10 : memref<128x128xf32, #tpu.memory_space<vmem>>) dst(%dma_wait3A_2495 : memref<2560x128xf32, #tpu.memory_space<vmem_shared>>)
    %dma_wait3A_2496 = arith.constant 0 : i32
    %dma_wait3A_2497 = arith.constant 0 : i32
    %dma_wait3A_2498 = arith.constant 0 : i32
    %dma_wait3A_2499 = tpu.memref_slice %arg16[%dma_wait3A_2496, %dma_wait3A_2498] : memref<9x128xf32, #tpu.memory_space<vmem>> -> memref<1x128xf32, #tpu.memory_space<vmem>>
    %dma_wait3A_2500 = tpu.memref_squeeze %dma_wait3A_2499 : memref<1x128xf32, #tpu.memory_space<vmem>> -> memref<128xf32, #tpu.memory_space<vmem>>
    %dma_wait3A_2501 = arith.constant 0 : i32
    %dma_wait3A_2502 = tpu.memref_slice %arg9[%dma_wait3A_2497, %dma_wait3A_2501] : memref<9x128xi32, #tpu.memory_space<vmem>> -> memref<1x128xi32, #tpu.memory_space<vmem>>
    %dma_wait3A_2503 = tpu.memref_squeeze %dma_wait3A_2502 : memref<1x128xi32, #tpu.memory_space<vmem>> -> memref<128xi32, #tpu.memory_space<vmem>>
    %dma_wait3A_2504 = arith.constant 0 : i32
    %dma_wait3A_2505 = tpu.memref_slice %arg19[%dma_wait3A_2504] : memref<2304xf32, #tpu.memory_space<vmem_shared>> -> memref<2304xf32, #tpu.memory_space<vmem_shared>>
    tpu.wait_indirect_dma semaphore(%arg25 : memref<!tpu.dma_semaphore, #tpu.memory_space<semaphore_mem>>) src(%dma_wait3A_2500 : memref<128xf32, #tpu.memory_space<vmem>>) dst(%dma_wait3A_2505 : memref<2304xf32, #tpu.memory_space<vmem_shared>>)
    %dma_wait3A_2506 = arith.constant 1 : i32
    %dma_wait3A_2507 = arith.constant 1 : i32
    %dma_wait3A_2508 = arith.constant 0 : i32
    %dma_wait3A_2509 = tpu.memref_slice %arg16[%dma_wait3A_2506, %dma_wait3A_2508] : memref<9x128xf32, #tpu.memory_space<vmem>> -> memref<1x128xf32, #tpu.memory_space<vmem>>
    %dma_wait3A_2510 = tpu.memref_squeeze %dma_wait3A_2509 : memref<1x128xf32, #tpu.memory_space<vmem>> -> memref<128xf32, #tpu.memory_space<vmem>>
    %dma_wait3A_2511 = arith.constant 0 : i32
    %dma_wait3A_2512 = tpu.memref_slice %arg9[%dma_wait3A_2507, %dma_wait3A_2511] : memref<9x128xi32, #tpu.memory_space<vmem>> -> memref<1x128xi32, #tpu.memory_space<vmem>>
    %dma_wait3A_2513 = tpu.memref_squeeze %dma_wait3A_2512 : memref<1x128xi32, #tpu.memory_space<vmem>> -> memref<128xi32, #tpu.memory_space<vmem>>
    %dma_wait3A_2514 = arith.constant 0 : i32
    %dma_wait3A_2515 = tpu.memref_slice %arg19[%dma_wait3A_2514] : memref<2304xf32, #tpu.memory_space<vmem_shared>> -> memref<2304xf32, #tpu.memory_space<vmem_shared>>
    tpu.wait_indirect_dma semaphore(%arg25 : memref<!tpu.dma_semaphore, #tpu.memory_space<semaphore_mem>>) src(%dma_wait3A_2510 : memref<128xf32, #tpu.memory_space<vmem>>) dst(%dma_wait3A_2515 : memref<2304xf32, #tpu.memory_space<vmem_shared>>)
    %dma_wait3A_2516 = arith.constant 2 : i32
    %dma_wait3A_2517 = arith.constant 2 : i32
    %dma_wait3A_2518 = arith.constant 0 : i32
    %dma_wait3A_2519 = tpu.memref_slice %arg16[%dma_wait3A_2516, %dma_wait3A_2518] : memref<9x128xf32, #tpu.memory_space<vmem>> -> memref<1x128xf32, #tpu.memory_space<vmem>>
    %dma_wait3A_2520 = tpu.memref_squeeze %dma_wait3A_2519 : memref<1x128xf32, #tpu.memory_space<vmem>> -> memref<128xf32, #tpu.memory_space<vmem>>
    %dma_wait3A_2521 = arith.constant 0 : i32
    %dma_wait3A_2522 = tpu.memref_slice %arg9[%dma_wait3A_2517, %dma_wait3A_2521] : memref<9x128xi32, #tpu.memory_space<vmem>> -> memref<1x128xi32, #tpu.memory_space<vmem>>
    %dma_wait3A_2523 = tpu.memref_squeeze %dma_wait3A_2522 : memref<1x128xi32, #tpu.memory_space<vmem>> -> memref<128xi32, #tpu.memory_space<vmem>>
    %dma_wait3A_2524 = arith.constant 0 : i32
    %dma_wait3A_2525 = tpu.memref_slice %arg19[%dma_wait3A_2524] : memref<2304xf32, #tpu.memory_space<vmem_shared>> -> memref<2304xf32, #tpu.memory_space<vmem_shared>>
    tpu.wait_indirect_dma semaphore(%arg25 : memref<!tpu.dma_semaphore, #tpu.memory_space<semaphore_mem>>) src(%dma_wait3A_2520 : memref<128xf32, #tpu.memory_space<vmem>>) dst(%dma_wait3A_2525 : memref<2304xf32, #tpu.memory_space<vmem_shared>>)
    %dma_wait3A_2526 = arith.constant 3 : i32
    %dma_wait3A_2527 = arith.constant 3 : i32
    %dma_wait3A_2528 = arith.constant 0 : i32
    %dma_wait3A_2529 = tpu.memref_slice %arg16[%dma_wait3A_2526, %dma_wait3A_2528] : memref<9x128xf32, #tpu.memory_space<vmem>> -> memref<1x128xf32, #tpu.memory_space<vmem>>
    %dma_wait3A_2530 = tpu.memref_squeeze %dma_wait3A_2529 : memref<1x128xf32, #tpu.memory_space<vmem>> -> memref<128xf32, #tpu.memory_space<vmem>>
    %dma_wait3A_2531 = arith.constant 0 : i32
    %dma_wait3A_2532 = tpu.memref_slice %arg9[%dma_wait3A_2527, %dma_wait3A_2531] : memref<9x128xi32, #tpu.memory_space<vmem>> -> memref<1x128xi32, #tpu.memory_space<vmem>>
    %dma_wait3A_2533 = tpu.memref_squeeze %dma_wait3A_2532 : memref<1x128xi32, #tpu.memory_space<vmem>> -> memref<128xi32, #tpu.memory_space<vmem>>
    %dma_wait3A_2534 = arith.constant 0 : i32
    %dma_wait3A_2535 = tpu.memref_slice %arg19[%dma_wait3A_2534] : memref<2304xf32, #tpu.memory_space<vmem_shared>> -> memref<2304xf32, #tpu.memory_space<vmem_shared>>
    tpu.wait_indirect_dma semaphore(%arg25 : memref<!tpu.dma_semaphore, #tpu.memory_space<semaphore_mem>>) src(%dma_wait3A_2530 : memref<128xf32, #tpu.memory_space<vmem>>) dst(%dma_wait3A_2535 : memref<2304xf32, #tpu.memory_space<vmem_shared>>)
    %dma_wait3A_2536 = arith.constant 4 : i32
    %dma_wait3A_2537 = arith.constant 4 : i32
    %dma_wait3A_2538 = arith.constant 0 : i32
    %dma_wait3A_2539 = tpu.memref_slice %arg16[%dma_wait3A_2536, %dma_wait3A_2538] : memref<9x128xf32, #tpu.memory_space<vmem>> -> memref<1x128xf32, #tpu.memory_space<vmem>>
    %dma_wait3A_2540 = tpu.memref_squeeze %dma_wait3A_2539 : memref<1x128xf32, #tpu.memory_space<vmem>> -> memref<128xf32, #tpu.memory_space<vmem>>
    %dma_wait3A_2541 = arith.constant 0 : i32
    %dma_wait3A_2542 = tpu.memref_slice %arg9[%dma_wait3A_2537, %dma_wait3A_2541] : memref<9x128xi32, #tpu.memory_space<vmem>> -> memref<1x128xi32, #tpu.memory_space<vmem>>
    %dma_wait3A_2543 = tpu.memref_squeeze %dma_wait3A_2542 : memref<1x128xi32, #tpu.memory_space<vmem>> -> memref<128xi32, #tpu.memory_space<vmem>>
    %dma_wait3A_2544 = arith.constant 0 : i32
    %dma_wait3A_2545 = tpu.memref_slice %arg19[%dma_wait3A_2544] : memref<2304xf32, #tpu.memory_space<vmem_shared>> -> memref<2304xf32, #tpu.memory_space<vmem_shared>>
    tpu.wait_indirect_dma semaphore(%arg25 : memref<!tpu.dma_semaphore, #tpu.memory_space<semaphore_mem>>) src(%dma_wait3A_2540 : memref<128xf32, #tpu.memory_space<vmem>>) dst(%dma_wait3A_2545 : memref<2304xf32, #tpu.memory_space<vmem_shared>>)
    %dma_wait3A_2546 = arith.constant 5 : i32
    %dma_wait3A_2547 = arith.constant 5 : i32
    %dma_wait3A_2548 = arith.constant 0 : i32
    %dma_wait3A_2549 = tpu.memref_slice %arg16[%dma_wait3A_2546, %dma_wait3A_2548] : memref<9x128xf32, #tpu.memory_space<vmem>> -> memref<1x128xf32, #tpu.memory_space<vmem>>
    %dma_wait3A_2550 = tpu.memref_squeeze %dma_wait3A_2549 : memref<1x128xf32, #tpu.memory_space<vmem>> -> memref<128xf32, #tpu.memory_space<vmem>>
    %dma_wait3A_2551 = arith.constant 0 : i32
    %dma_wait3A_2552 = tpu.memref_slice %arg9[%dma_wait3A_2547, %dma_wait3A_2551] : memref<9x128xi32, #tpu.memory_space<vmem>> -> memref<1x128xi32, #tpu.memory_space<vmem>>
    %dma_wait3A_2553 = tpu.memref_squeeze %dma_wait3A_2552 : memref<1x128xi32, #tpu.memory_space<vmem>> -> memref<128xi32, #tpu.memory_space<vmem>>
    %dma_wait3A_2554 = arith.constant 0 : i32
    %dma_wait3A_2555 = tpu.memref_slice %arg19[%dma_wait3A_2554] : memref<2304xf32, #tpu.memory_space<vmem_shared>> -> memref<2304xf32, #tpu.memory_space<vmem_shared>>
    tpu.wait_indirect_dma semaphore(%arg25 : memref<!tpu.dma_semaphore, #tpu.memory_space<semaphore_mem>>) src(%dma_wait3A_2550 : memref<128xf32, #tpu.memory_space<vmem>>) dst(%dma_wait3A_2555 : memref<2304xf32, #tpu.memory_space<vmem_shared>>)
    %dma_wait3A_2556 = arith.constant 6 : i32
    %dma_wait3A_2557 = arith.constant 6 : i32
    %dma_wait3A_2558 = arith.constant 0 : i32
    %dma_wait3A_2559 = tpu.memref_slice %arg16[%dma_wait3A_2556, %dma_wait3A_2558] : memref<9x128xf32, #tpu.memory_space<vmem>> -> memref<1x128xf32, #tpu.memory_space<vmem>>
    %dma_wait3A_2560 = tpu.memref_squeeze %dma_wait3A_2559 : memref<1x128xf32, #tpu.memory_space<vmem>> -> memref<128xf32, #tpu.memory_space<vmem>>
    %dma_wait3A_2561 = arith.constant 0 : i32
    %dma_wait3A_2562 = tpu.memref_slice %arg9[%dma_wait3A_2557, %dma_wait3A_2561] : memref<9x128xi32, #tpu.memory_space<vmem>> -> memref<1x128xi32, #tpu.memory_space<vmem>>
    %dma_wait3A_2563 = tpu.memref_squeeze %dma_wait3A_2562 : memref<1x128xi32, #tpu.memory_space<vmem>> -> memref<128xi32, #tpu.memory_space<vmem>>
    %dma_wait3A_2564 = arith.constant 0 : i32
    %dma_wait3A_2565 = tpu.memref_slice %arg19[%dma_wait3A_2564] : memref<2304xf32, #tpu.memory_space<vmem_shared>> -> memref<2304xf32, #tpu.memory_space<vmem_shared>>
    tpu.wait_indirect_dma semaphore(%arg25 : memref<!tpu.dma_semaphore, #tpu.memory_space<semaphore_mem>>) src(%dma_wait3A_2560 : memref<128xf32, #tpu.memory_space<vmem>>) dst(%dma_wait3A_2565 : memref<2304xf32, #tpu.memory_space<vmem_shared>>)
    %dma_wait3A_2566 = arith.constant 7 : i32
    %dma_wait3A_2567 = arith.constant 7 : i32
    %dma_wait3A_2568 = arith.constant 0 : i32
    %dma_wait3A_2569 = tpu.memref_slice %arg16[%dma_wait3A_2566, %dma_wait3A_2568] : memref<9x128xf32, #tpu.memory_space<vmem>> -> memref<1x128xf32, #tpu.memory_space<vmem>>
    %dma_wait3A_2570 = tpu.memref_squeeze %dma_wait3A_2569 : memref<1x128xf32, #tpu.memory_space<vmem>> -> memref<128xf32, #tpu.memory_space<vmem>>
    %dma_wait3A_2571 = arith.constant 0 : i32
    %dma_wait3A_2572 = tpu.memref_slice %arg9[%dma_wait3A_2567, %dma_wait3A_2571] : memref<9x128xi32, #tpu.memory_space<vmem>> -> memref<1x128xi32, #tpu.memory_space<vmem>>
    %dma_wait3A_2573 = tpu.memref_squeeze %dma_wait3A_2572 : memref<1x128xi32, #tpu.memory_space<vmem>> -> memref<128xi32, #tpu.memory_space<vmem>>
    %dma_wait3A_2574 = arith.constant 0 : i32
    %dma_wait3A_2575 = tpu.memref_slice %arg19[%dma_wait3A_2574] : memref<2304xf32, #tpu.memory_space<vmem_shared>> -> memref<2304xf32, #tpu.memory_space<vmem_shared>>
    tpu.wait_indirect_dma semaphore(%arg25 : memref<!tpu.dma_semaphore, #tpu.memory_space<semaphore_mem>>) src(%dma_wait3A_2570 : memref<128xf32, #tpu.memory_space<vmem>>) dst(%dma_wait3A_2575 : memref<2304xf32, #tpu.memory_space<vmem_shared>>)
    %dma_wait3A_2576 = arith.constant 8 : i32
    %dma_wait3A_2577 = arith.constant 8 : i32
    %dma_wait3A_2578 = arith.constant 0 : i32
    %dma_wait3A_2579 = tpu.memref_slice %arg16[%dma_wait3A_2576, %dma_wait3A_2578] : memref<9x128xf32, #tpu.memory_space<vmem>> -> memref<1x128xf32, #tpu.memory_space<vmem>>
    %dma_wait3A_2580 = tpu.memref_squeeze %dma_wait3A_2579 : memref<1x128xf32, #tpu.memory_space<vmem>> -> memref<128xf32, #tpu.memory_space<vmem>>
    %dma_wait3A_2581 = arith.constant 0 : i32
    %dma_wait3A_2582 = tpu.memref_slice %arg9[%dma_wait3A_2577, %dma_wait3A_2581] : memref<9x128xi32, #tpu.memory_space<vmem>> -> memref<1x128xi32, #tpu.memory_space<vmem>>
    %dma_wait3A_2583 = tpu.memref_squeeze %dma_wait3A_2582 : memref<1x128xi32, #tpu.memory_space<vmem>> -> memref<128xi32, #tpu.memory_space<vmem>>
    %dma_wait3A_2584 = arith.constant 0 : i32
    %dma_wait3A_2585 = tpu.memref_slice %arg19[%dma_wait3A_2584] : memref<2304xf32, #tpu.memory_space<vmem_shared>> -> memref<2304xf32, #tpu.memory_space<vmem_shared>>
    tpu.wait_indirect_dma semaphore(%arg25 : memref<!tpu.dma_semaphore, #tpu.memory_space<semaphore_mem>>) src(%dma_wait3A_2580 : memref<128xf32, #tpu.memory_space<vmem>>) dst(%dma_wait3A_2585 : memref<2304xf32, #tpu.memory_space<vmem_shared>>)
    %barrier3A_2586 = arith.constant 0 : index
    tpu.barrier barrier_id(%barrier3A_2586)
    %mul3A_2587 = arith.constant 128 : i32
    %mul3A_2588 = arith.muli %arg1, %mul3A_2587 : i32
    "tpu.region"() ({
      %run_scoped3A_2595 = tpu.sem_alloc : memref<!tpu.dma_semaphore, #tpu.memory_space<semaphore_mem>>
      %dma_start3A_2596 = arith.constant 0 : i32
      %dma_start3A_2597 = tpu.memref_slice %arg22[%mul3A_2588, %dma_start3A_2596] : memref<2560x128xf32, #tpu.memory_space<vmem_shared>> -> memref<128x128xf32, #tpu.memory_space<vmem_shared>>
      %dma_start3A_2598 = arith.constant 0 : i32
      %dma_start3A_2599 = tpu.memref_slice %arg22[%mul3A_2588, %dma_start3A_2598] : memref<2560x128xf32, #tpu.memory_space<vmem_shared>> -> memref<128x128xf32, #tpu.memory_space<vmem_shared>>
      tpu.enqueue_dma source(%dma_start3A_2599 : memref<128x128xf32, #tpu.memory_space<vmem_shared>>) target(%arg10 : memref<128x128xf32, #tpu.memory_space<vmem>>) target_semaphore(%run_scoped3A_2595 : memref<!tpu.dma_semaphore, #tpu.memory_space<semaphore_mem>>)
      %dma_wait3A_2600 = arith.constant 0 : i32
      %dma_wait3A_2601 = tpu.memref_slice %arg22[%mul3A_2588, %dma_wait3A_2600] : memref<2560x128xf32, #tpu.memory_space<vmem_shared>> -> memref<128x128xf32, #tpu.memory_space<vmem_shared>>
      %dma_wait3A_2602 = arith.constant 0 : i32
      %dma_wait3A_2603 = tpu.memref_slice %arg22[%mul3A_2588, %dma_wait3A_2602] : memref<2560x128xf32, #tpu.memory_space<vmem_shared>> -> memref<128x128xf32, #tpu.memory_space<vmem_shared>>
      tpu.wait_dma2 semaphore(%run_scoped3A_2595 : memref<!tpu.dma_semaphore, #tpu.memory_space<semaphore_mem>>) src(%dma_wait3A_2603 : memref<128x128xf32, #tpu.memory_space<vmem_shared>>) dst(%arg10 : memref<128x128xf32, #tpu.memory_space<vmem>>)
      tpu.yield
    }) : () -> ()
    %mul3A_2589 = arith.constant 128 : i32
    %mul3A_2590 = arith.muli %arg1, %mul3A_2589 : i32
    "tpu.region"() ({
      %run_scoped3A_2595 = tpu.sem_alloc : memref<!tpu.dma_semaphore, #tpu.memory_space<semaphore_mem>>
      %dma_start3A_2596 = arith.constant 0 : i32
      %dma_start3A_2597 = tpu.memref_slice %arg4[%arg0, %mul3A_2590, %dma_start3A_2596] : memref<2x2048x128xf32, #tpu.memory_space<hbm>> -> memref<1x128x128xf32, #tpu.memory_space<hbm>>
      %dma_start3A_2598 = tpu.memref_squeeze %dma_start3A_2597 : memref<1x128x128xf32, #tpu.memory_space<hbm>> -> memref<128x128xf32, #tpu.memory_space<hbm>>
      %dma_start3A_2599 = arith.constant 0 : i32
      %dma_start3A_2600 = tpu.memref_slice %arg4[%arg0, %mul3A_2590, %dma_start3A_2599] : memref<2x2048x128xf32, #tpu.memory_space<hbm>> -> memref<1x128x128xf32, #tpu.memory_space<hbm>>
      %dma_start3A_2601 = tpu.memref_squeeze %dma_start3A_2600 : memref<1x128x128xf32, #tpu.memory_space<hbm>> -> memref<128x128xf32, #tpu.memory_space<hbm>>
      tpu.enqueue_dma source(%arg10 : memref<128x128xf32, #tpu.memory_space<vmem>>) target(%dma_start3A_2601 : memref<128x128xf32, #tpu.memory_space<hbm>>) target_semaphore(%run_scoped3A_2595 : memref<!tpu.dma_semaphore, #tpu.memory_space<semaphore_mem>>)
      %dma_wait3A_2602 = arith.constant 0 : i32
      %dma_wait3A_2603 = tpu.memref_slice %arg4[%arg0, %mul3A_2590, %dma_wait3A_2602] : memref<2x2048x128xf32, #tpu.memory_space<hbm>> -> memref<1x128x128xf32, #tpu.memory_space<hbm>>
      %dma_wait3A_2604 = tpu.memref_squeeze %dma_wait3A_2603 : memref<1x128x128xf32, #tpu.memory_space<hbm>> -> memref<128x128xf32, #tpu.memory_space<hbm>>
      %dma_wait3A_2605 = arith.constant 0 : i32
      %dma_wait3A_2606 = tpu.memref_slice %arg4[%arg0, %mul3A_2590, %dma_wait3A_2605] : memref<2x2048x128xf32, #tpu.memory_space<hbm>> -> memref<1x128x128xf32, #tpu.memory_space<hbm>>
      %dma_wait3A_2607 = tpu.memref_squeeze %dma_wait3A_2606 : memref<1x128x128xf32, #tpu.memory_space<hbm>> -> memref<128x128xf32, #tpu.memory_space<hbm>>
      tpu.wait_dma2 semaphore(%run_scoped3A_2595 : memref<!tpu.dma_semaphore, #tpu.memory_space<semaphore_mem>>) src(%arg10 : memref<128x128xf32, #tpu.memory_space<vmem>>) dst(%dma_wait3A_2607 : memref<128x128xf32, #tpu.memory_space<hbm>>)
      tpu.yield
    }) : () -> ()
    %mul3A_2591 = arith.constant 128 : i32
    %mul3A_2592 = arith.muli %arg1, %mul3A_2591 : i32
    "tpu.region"() ({
      %run_scoped3A_2595 = tpu.sem_alloc : memref<!tpu.dma_semaphore, #tpu.memory_space<semaphore_mem>>
      %dma_start3A_2596 = tpu.memref_slice %arg19[%mul3A_2592] : memref<2304xf32, #tpu.memory_space<vmem_shared>> -> memref<128xf32, #tpu.memory_space<vmem_shared>>
      %dma_start3A_2597 = tpu.memref_slice %arg19[%mul3A_2592] : memref<2304xf32, #tpu.memory_space<vmem_shared>> -> memref<128xf32, #tpu.memory_space<vmem_shared>>
      tpu.enqueue_dma source(%dma_start3A_2597 : memref<128xf32, #tpu.memory_space<vmem_shared>>) target(%arg14 : memref<128xf32, #tpu.memory_space<vmem>>) target_semaphore(%run_scoped3A_2595 : memref<!tpu.dma_semaphore, #tpu.memory_space<semaphore_mem>>)
      %dma_wait3A_2598 = tpu.memref_slice %arg19[%mul3A_2592] : memref<2304xf32, #tpu.memory_space<vmem_shared>> -> memref<128xf32, #tpu.memory_space<vmem_shared>>
      %dma_wait3A_2599 = tpu.memref_slice %arg19[%mul3A_2592] : memref<2304xf32, #tpu.memory_space<vmem_shared>> -> memref<128xf32, #tpu.memory_space<vmem_shared>>
      tpu.wait_dma2 semaphore(%run_scoped3A_2595 : memref<!tpu.dma_semaphore, #tpu.memory_space<semaphore_mem>>) src(%dma_wait3A_2599 : memref<128xf32, #tpu.memory_space<vmem_shared>>) dst(%arg14 : memref<128xf32, #tpu.memory_space<vmem>>)
      tpu.yield
    }) : () -> ()
    %mul3A_2593 = arith.constant 128 : i32
    %mul3A_2594 = arith.muli %arg1, %mul3A_2593 : i32
    "tpu.region"() ({
      %run_scoped3A_2595 = tpu.sem_alloc : memref<!tpu.dma_semaphore, #tpu.memory_space<semaphore_mem>>
      %dma_start3A_2596 = tpu.memref_slice %arg5[%arg0, %mul3A_2594] : memref<2x2048xf32, #tpu.memory_space<hbm>> -> memref<1x128xf32, #tpu.memory_space<hbm>>
      %dma_start3A_2597 = tpu.memref_squeeze %dma_start3A_2596 : memref<1x128xf32, #tpu.memory_space<hbm>> -> memref<128xf32, #tpu.memory_space<hbm>>
      %dma_start3A_2598 = tpu.memref_slice %arg5[%arg0, %mul3A_2594] : memref<2x2048xf32, #tpu.memory_space<hbm>> -> memref<1x128xf32, #tpu.memory_space<hbm>>
      %dma_start3A_2599 = tpu.memref_squeeze %dma_start3A_2598 : memref<1x128xf32, #tpu.memory_space<hbm>> -> memref<128xf32, #tpu.memory_space<hbm>>
      tpu.enqueue_dma source(%arg14 : memref<128xf32, #tpu.memory_space<vmem>>) target(%dma_start3A_2599 : memref<128xf32, #tpu.memory_space<hbm>>) target_semaphore(%run_scoped3A_2595 : memref<!tpu.dma_semaphore, #tpu.memory_space<semaphore_mem>>)
      %dma_wait3A_2600 = tpu.memref_slice %arg5[%arg0, %mul3A_2594] : memref<2x2048xf32, #tpu.memory_space<hbm>> -> memref<1x128xf32, #tpu.memory_space<hbm>>
      %dma_wait3A_2601 = tpu.memref_squeeze %dma_wait3A_2600 : memref<1x128xf32, #tpu.memory_space<hbm>> -> memref<128xf32, #tpu.memory_space<hbm>>
      %dma_wait3A_2602 = tpu.memref_slice %arg5[%arg0, %mul3A_2594] : memref<2x2048xf32, #tpu.memory_space<hbm>> -> memref<1x128xf32, #tpu.memory_space<hbm>>
      %dma_wait3A_2603 = tpu.memref_squeeze %dma_wait3A_2602 : memref<1x128xf32, #tpu.memory_space<hbm>> -> memref<128xf32, #tpu.memory_space<hbm>>
      tpu.wait_dma2 semaphore(%run_scoped3A_2595 : memref<!tpu.dma_semaphore, #tpu.memory_space<semaphore_mem>>) src(%arg14 : memref<128xf32, #tpu.memory_space<vmem>>) dst(%dma_wait3A_2603 : memref<128xf32, #tpu.memory_space<hbm>>)
      tpu.yield
    }) : () -> ()
    return
  }
}

module attributes {stable_mosaic.version = 14 : i64} {
  func.func @_finish_body(%arg0: memref<2x2048x128xf32, #tpu.memory_space<vmem>>, %arg1: memref<2x2048x1xf32, #tpu.memory_space<vmem>>, %arg2: memref<2048x1xf32, #tpu.memory_space<vmem>>, %arg3: memref<128x128xf32, #tpu.memory_space<vmem>>, %arg4: memref<1x128xf32, #tpu.memory_space<vmem>>, %arg5: memref<2048x128xf32, #tpu.memory_space<vmem>>) attributes {dimension_semantics = [], scalar_prefetch = 0 : i64, scratch_operands = 0 : i64, tpu.core_type = #tpu.core_type<tc>} {
    %get3A = arith.constant 0 : index
    %get3A_0 = arith.constant 0 : index
    %get3A_1 = arith.constant 0 : index
    %get3A_2 = vector.load %arg0[%get3A, %get3A_0, %get3A_1] : memref<2x2048x128xf32, #tpu.memory_space<vmem>>, vector<1x2048x128xf32>
    %get3A_3 = vector.shape_cast %get3A_2 : vector<1x2048x128xf32> to vector<2048x128xf32>
    %get3A_4 = arith.constant 1 : index
    %get3A_5 = arith.constant 0 : index
    %get3A_6 = arith.constant 0 : index
    %get3A_7 = vector.load %arg0[%get3A_4, %get3A_5, %get3A_6] : memref<2x2048x128xf32, #tpu.memory_space<vmem>>, vector<1x2048x128xf32>
    %get3A_8 = vector.shape_cast %get3A_7 : vector<1x2048x128xf32> to vector<2048x128xf32>
    %add3A = arith.addf %get3A_3, %get3A_8 : vector<2048x128xf32>
    %get3A_9 = arith.constant 0 : index
    %get3A_10 = arith.constant 0 : index
    %get3A_11 = arith.constant 0 : index
    %get3A_12 = vector.load %arg1[%get3A_9, %get3A_10, %get3A_11] : memref<2x2048x1xf32, #tpu.memory_space<vmem>>, vector<1x2048x1xf32>
    %get3A_13 = vector.shape_cast %get3A_12 : vector<1x2048x1xf32> to vector<2048x1xf32>
    %get3A_14 = arith.constant 1 : index
    %get3A_15 = arith.constant 0 : index
    %get3A_16 = arith.constant 0 : index
    %get3A_17 = vector.load %arg1[%get3A_14, %get3A_15, %get3A_16] : memref<2x2048x1xf32, #tpu.memory_space<vmem>>, vector<1x2048x1xf32>
    %get3A_18 = vector.shape_cast %get3A_17 : vector<1x2048x1xf32> to vector<2048x1xf32>
    %add3A_19 = arith.addf %get3A_13, %get3A_18 : vector<2048x1xf32>
    %get3A_20 = arith.constant 0 : index
    %get3A_21 = arith.constant 0 : index
    %get3A_22 = vector.load %arg2[%get3A_20, %get3A_21] : memref<2048x1xf32, #tpu.memory_space<vmem>>, vector<2048x1xf32>
    %get3A_23 = arith.constant 0 : index
    %get3A_24 = arith.constant 0 : index
    %get3A_25 = vector.load %arg3[%get3A_23, %get3A_24] : memref<128x128xf32, #tpu.memory_space<vmem>>, vector<128x128xf32>
    %dot_general3A = arith.constant dense<0.000000e+00> : vector<2048x128xf32>
    %dot_general3A_26 = tpu.matmul %add3A, %get3A_25, %dot_general3A {dimension_numbers = #tpu.dot_dimension_numbers<[1], [1], [0], [0], [0, 0, 1, 0], [], []>, transpose_lhs_hint = false} : vector<2048x128xf32>, vector<128x128xf32>, vector<2048x128xf32> -> vector<2048x128xf32>
    %mul3A = vector.broadcast %get3A_22 : vector<2048x1xf32> to vector<2048x128xf32>
    %mul3A_27 = arith.mulf %mul3A, %dot_general3A_26 : vector<2048x128xf32>
    %mul3A_28 = arith.mulf %get3A_22, %add3A_19 : vector<2048x1xf32>
    %get3A_29 = arith.constant 0 : index
    %get3A_30 = arith.constant 0 : index
    %get3A_31 = vector.load %arg4[%get3A_29, %get3A_30] : memref<1x128xf32, #tpu.memory_space<vmem>>, vector<1x128xf32>
    %mul3A_32 = vector.broadcast %mul3A_28 : vector<2048x1xf32> to vector<2048x128xf32>
    %mul3A_33 = vector.broadcast %get3A_31 : vector<1x128xf32> to vector<2048x128xf32>
    %mul3A_34 = arith.mulf %mul3A_32, %mul3A_33 : vector<2048x128xf32>
    %add3A_35 = arith.addf %mul3A_27, %mul3A_34 : vector<2048x128xf32>
    %swap3A = arith.constant 0 : index
    %swap3A_36 = arith.constant 0 : index
    %swap3A_37 = vector.load %arg5[%swap3A, %swap3A_36] : memref<2048x128xf32, #tpu.memory_space<vmem>>, vector<2048x128xf32>
    tpu.vector_store %arg5[%swap3A, %swap3A_36], %add3A_35 {strides = array<i32>} : memref<2048x128xf32, #tpu.memory_space<vmem>>, vector<2048x128xf32>,
    return
  }
}

</mosaic_0001>

<sc_bundles>
// kernel: kernel.4.cloned.1.call-start
scs
__scs_entry_jumppad:
0x0: {  	(pc) =	sbr.rel $0x88, $3  }
0x1: {  	(tag) =	ssettag $0x0;
	lr =	simm.s32 $0x1  }
0x2: {  	[smem:$0x3F9D] =	sst lr;
	_ =	strace $0xD0000000  }
0x3: {  	_ = 	snop  }
0x4: {  	_ = 	snop  }
0x5: {  	_ = 	snop  }
0x6: {  	_ = 	snop  }
0x7: {  	_ = 	snop  }
__scs_overlays_trampoline_lowered:
0x8: {  	[smem:$0x3FAC] =	sst s0  }
0x9: {  	[smem:$0x3FAD] =	sst s1  }
0xa: {  	[smem:$0x3FAE] =	sst s2  }
0xb: {  	[smem:$0x3FAF] =	sst s3  }
0xc: {  	[smem:$0x3FB0] =	sst s4  }
0xd: {  	[smem:$0x3FB1] =	sst s5  }
0xe: {  	[smem:$0x3FB2] =	sst s6  }
0xf: {  	[smem:$0x3FB3] =	sst s7  }
0x10: {  	[smem:$0x3FB4] =	sst s8  }
0x11: {  	[smem:$0x3FB5] =	sst s9;
	s0 =	simm.s32 @!p0 $0x0  }
0x12: {  	s1 =	sld [smem:$0x3F9B];
	s0 =	simm.s32 @p0 $0x1  }
0x13: {  	[smem:$0x3FB6] =	sst s0;
	s0 =	simm.s32 @!p1 $0x0  }
0x14: {  	s2 =	sld [smem:$0x3F9A];
	s0 =	simm.s32 @p1 $0x1  }
0x15: {  	[smem:$0x3FB7] =	sst s0;
	s0 =	simm.s32 @!p2 $0x0  }
0x16: {  	s3 =	sld [smem:$0x3FDB];
	s0 =	simm.s32 @p2 $0x1  }
0x17: {  	s4 =	simm.s32 $0x1BF5;
	[smem:$0x3FB9] =	sst s0  }
0x18: {  	s0 =	sld [smem:$0x3F9C];
	_ =	swait.ge [sflag:s4], $0x0  }
0x19: {  	s7 =	sld [smem:$0x3F9D]  }
0x1a: {  	s8 =	sadd.s32 $0xFFFFE003, lr  }
0x1b: {  	s9 =	sadd.s32 $0xFFFFFEF7, lr;
	s5 =	simm.s32 $0xFFFFFFFF;
	p2 =	slt.u32 s8, $0xFFFFF086  }
0x1c: {  	p1 =	slt.u32 s9, $0xF7A;
	s5 =	simm.s32 @!p2 $0x0  }
0x1d: {  	s5 =	simm.s32 @p1 $0x1;
	p0 =	seq.s32 s7, s2  }
0x1e: {  	s7 =	smul.u32 @!p0 $0xF7A, s2;
	p2 =	seq.s32 @!p0 s5, $0x0  }
0x1f: {  	s9 =	smul.u32 $0xF7A, s1;
	s8 =	simm.s32 @!p0 $0x1BF5;
	p2 =	por !p2, p0  }
0x20: {  	[sflag:s8] =	ssyncset.s32 @!p0 $0xFFFFF086;
	s6 =	sadd.s32 @!p0 s3, s7;
	s7 =	simm.s32 @!p0 $0x108  }
0x21: {  	s3 =	sadd.s32 s3, s9;
	s6 =	sadd.s32 @!p0 $0x88, s6;
	s7 =	simm.s32 @p2 $0x1082  }
0x22: {  	[simem:s7], [sflag:s8] =	dma.local @!p0 [hbm:s6], $0xF7A  }
0x23: {  	s9 =	sor.u32 $0xD0000000, s2;
	s6 =	simm.s32 $0x108;
	_ =	swait.ge @!p0 [sflag:s8], $0x0  }
0x24: {  	s3 =	sadd.s32 $0x88, s3;
	s6 =	simm.s32 @!p1 $0x1082;
	[sflag:s4] =	ssyncset.s32 $0xFFFFF086  }
0x25: {  	[simem:s6], [sflag:s4] =	dma.local [hbm:s3], $0xF7A  }
0x26: {  	[smem:$0x3F9D] =	sst s1;
	(tag) =	ssettag s2;
	_ =	strace s9  }
0x27: {  	s1 =	sld [smem:$0x3FAD]  }
0x28: {  	s2 =	sld [smem:$0x3FAE]  }
0x29: {  	s4 =	sld [smem:$0x3FB0]  }
0x2a: {  	p0 =	seq.s32 s5, $0x0;
	s5 =	sld [smem:$0x3FB1]  }
0x2b: {  	s6 =	sld [smem:$0x3FB2]  }
0x2c: {  	s7 =	sld [smem:$0x3FB3]  }
0x2d: {  	s3 =	simm.s32 $0x108;
	s8 =	sld [smem:$0x3FB4]  }
0x2e: {  	s3 =	simm.s32 @!p0 $0x1082;
	s9 =	sld [smem:$0x3FB5]  }
0x2f: {  	lr =	sadd.s32 s0, s3;
	s0 =	sld [smem:$0x3FAC]  }
0x30: {  	s3 =	sld [smem:$0x3FAF]  }
0x31: {  	[smem:$0x3FB8] =	sst s10  }
0x32: {  	s10 =	sld [smem:$0x3FB6];
	_ =	sdelay $0x3  }
0x33: {  	p0 =	seq.s32 s10, $0x1;
	s10 =	sld [smem:$0x3FB8];
	_ =	sdelay $0x3  }
0x34: {  	[smem:$0x3FB8] =	sst s10  }
0x35: {  	s10 =	sld [smem:$0x3FB7];
	_ =	sdelay $0x3  }
0x36: {  	p1 =	seq.s32 s10, $0x1;
	s10 =	sld [smem:$0x3FB8];
	_ =	sdelay $0x3  }
0x37: {  	[smem:$0x3FB8] =	sst s10  }
0x38: {  	s10 =	sld [smem:$0x3FB9]  }
0x39: {  	_ = 	snop;
	(pc) =	sbr.ind lr, $3  }
0x3a: {  	_ = 	snop  }
0x3b: {  	_ = 	snop  }
0x3c: {  	p2 =	seq.s32 s10, $0x1;
	s10 =	sld [smem:$0x3FB8]  }
0x3d: {  	_ =	shalt  }
0x3e: {  	_ =	shalt  }
0x3f: {  	_ =	shalt  }
0x40: {  	_ =	shalt  }
0x41: {  	_ =	shalt  }
0x42: {  	_ =	shalt  }
0x43: {  	_ =	shalt  }
0x44: {  	_ =	shalt  }
0x45: {  	_ =	shalt  }
0x46: {  	_ =	shalt  }
0x47: {  	_ =	shalt  }
0x48: {  	_ =	shalt  }
0x49: {  	_ =	shalt  }
0x4a: {  	_ =	shalt  }
0x4b: {  	_ =	shalt  }
0x4c: {  	_ =	shalt  }
0x4d: {  	_ =	shalt  }
0x4e: {  	_ =	shalt  }
0x4f: {  	_ =	shalt  }
0x50: {  	_ =	shalt  }
0x51: {  	_ =	shalt  }
0x52: {  	_ =	shalt  }
0x53: {  	_ =	shalt  }
0x54: {  	_ =	shalt  }
0x55: {  	_ =	shalt  }
0x56: {  	_ =	shalt  }
0x57: {  	_ =	shalt  }
0x58: {  	_ =	shalt  }
0x59: {  	_ =	shalt  }
0x5a: {  	_ =	shalt  }
0x5b: {  	_ =	shalt  }
0x5c: {  	_ =	shalt  }
0x5d: {  	_ =	shalt  }
0x5e: {  	_ =	shalt  }
0x5f: {  	_ =	shalt  }
0x60: {  	_ =	shalt  }
0x61: {  	_ =	shalt  }
0x62: {  	_ =	shalt  }
0x63: {  	_ =	shalt  }
0x64: {  	_ =	shalt  }
0x65: {  	_ =	shalt  }
0x66: {  	_ =	shalt  }
0x67: {  	_ =	shalt  }
0x68: {  	_ =	shalt  }
0x69: {  	_ =	shalt  }
0x6a: {  	_ =	shalt  }
0x6b: {  	_ =	shalt  }
0x6c: {  	_ =	shalt  }
0x6d: {  	_ =	shalt  }
0x6e: {  	_ =	shalt  }
0x6f: {  	_ =	shalt  }
0x70: {  	_ =	shalt  }
0x71: {  	_ =	shalt  }
0x72: {  	_ =	shalt  }
0x73: {  	_ =	shalt  }
0x74: {  	_ =	shalt  }
0x75: {  	_ =	shalt  }
0x76: {  	_ =	shalt  }
0x77: {  	_ =	shalt  }
0x78: {  	_ =	shalt  }
0x79: {  	_ =	shalt  }
0x7a: {  	_ =	shalt  }
0x7b: {  	_ =	shalt  }
0x7c: {  	_ =	shalt  }
0x7d: {  	_ =	shalt  }
0x7e: {  	_ =	shalt  }
0x7f: {  	_ =	shalt  }
0x80: {  	_ =	shalt  }
0x81: {  	_ =	shalt  }
0x82: {  	_ =	shalt  }
0x83: {  	_ =	shalt  }
0x84: {  	_ =	shalt  }
0x85: {  	_ =	shalt  }
0x86: {  	_ =	shalt  }
0x87: {  	_ =	shalt  }
.Lfunc_end0:
.L_simem_size_0:
called_computation_lowered:
.L_overlay_start_0:
0x88: {  	s2 =	sld [smem:$0x3FD9]  }
0x89: {  	s3 =	sld [smem:$0x3FFE];
	_ =	sdelay $0x1  }
0x8a: {  	s1 =	srdreg.scid  }
0x8b: {  	s0 =	sand.u32 $0x1, s1  }
0x8c: {  	s17 =	sshll.u32 s0, $0xA;
	s2 =	sadd.s32 s3, s2  }
0x8d: {  	s2 =	sadd.s32 s2, s17  }
0x8e: {  	[smem:$0x3FC4] =	sst s2  }
0x8f: {  	_ = 	snop  }
0x90: {  	s2 =	sld [smem:$0x3FC9]  }
0x91: {  	s18 =	sld [smem:$0x3FD0];
	(tm) =	ssettm $0x1  }
0x92: {  	s4 =	sld [smem:$0x3FFB];
	_ =	sdelay $0x3  }
0x93: {  	_ =	strace s4  }
0x94: {  	s4 =	sld [smem:$0x3FFC];
	_ =	sdelay $0x3  }
0x95: {  	_ =	strace s4  }
0x96: {  	s4 =	sld [smem:$0x3FFD];
	_ =	sdelay $0x3  }
0x97: {  	_ =	strace s4  }
0x98: {  	_ =	strace $0x8FFFFFFF  }
0x99: {  	s19 =	sld [smem:$0x3FDB];
	_ =	sdelay $0x1  }
0x9a: {  	s5 =	simm.s32 $_scs_section_size  }
0x9b: {  	s6 =	simm.s32 $_size__tile_overlayer_lowered;
	s7 =	simm.s32 $_tile_overlayer_lowered  }
0x9c: {  	s22 =	simm.s32 $0x1BFF;
	s21 =	sshll.u32 s7, $0x1;
	s4 =	sadd.s32 s5, s19  }
0x9d: {  	s8 =	simm.s32 $0x0;
	s20 =	sshll.u32 s6, $0x1;
	s6 =	sadd.s32 s21, s4  }
0x9e: {  	[timem:s8], [sflag:s22] =	dma.local [hbm:s6], s20  }
0x9f: {  	_ =	swait.ge [sflag:s22], s20  }
0xa0: {  	s5 =	ssub.s32 $0x0, s20;
	[sflag:s22] =	ssyncset.done $0x0  }
0xa1: {  	[sflag:s22] =	ssyncadd.s32 s5;
	_ =	sdelay $0x1  }
0xa2: {  	s23 =	simm.s32 $0x1B8B  }
0xa3: {  	_ =	swait.ge [sflag:s23], $0x1  }
0xa4: {  	[sflag:s23] =	ssyncset.done $0x0  }
0xa5: {  	s25 =	simm.s32 $0x1B8E;
	s24 =	sld [smem:$0x3FFE];
	[sflag:s23] =	ssyncadd.s32 $0xFFFFFFFF  }
0xa6: {  	s26 =	simm.s32 $execute0_lowered;
	[smem:$0x3FD2] =	sst s25  }
0xa7: {  	s6 =	sshll.u32 s26, $0x1;
	_ =	strace $0x80000046;
	[dreg:$0x1] =	wrdreg $0xFFFFFFFF  }
0xa8: {  	s28 =	simm.s32 $_size_execute0_lowered;
	s4 =	sadd.s32 s4, s6;
	[dreg:$0x0] =	wrdreg $0x0  }
0xa9: {  	s6 =	sshll.u32 s28, $0x1;
	[dreg:$0x2] =	wrdreg s4  }
0xaa: {  	[dreg:$0x3] =	wrdreg s6  }
0xab: {  	[dreg:$0x4] =	wrdreg $0xC0  }
0xac: {  	_ =	task [dreg:s8], $0x5FFFF  }
0xad: {  	[dreg:$0x1] =	wrdreg $0xFFFFFFFF  }
0xae: {  	[dreg:$0x0] =	wrdreg $0x60  }
0xaf: {  	[dreg:$0x2] =	wrdreg s2  }
0xb0: {  	[dreg:$0x3] =	wrdreg s18  }
0xb1: {  	[dreg:$0x4] =	wrdreg s24  }
0xb2: {  	[dreg:$0x5] =	wrdreg $0xB0200  }
0xb3: {  	[dreg:$0x6] =	wrdreg $0xF0200  }
0xb4: {  	[dreg:$0x7] =	wrdreg $0xAE800  }
0xb5: {  	[dreg:$0x8] =	wrdreg $0xAF100  }
0xb6: {  	[dreg:$0x9] =	wrdreg $0xAFA00  }
0xb7: {  	[dreg:$0xa] =	wrdreg $0x9  }
0xb8: {  	_ =	task.clear_ibuf [dreg:s8], $0xBFFFF;
	_ =	strace $0x90000046  }
0xb9: {  	s29 =	simm.s32 $0x9;
	_ =	strace $0x80000048  }
0xba: {  	_ =	swait.ge [sflag:s29], $0x1  }
0xbb: {  	[sflag:s29] =	ssyncadd.s32 $0xFFFFFFFF  }
0xbc: {  	_ =	strace $0x90000048  }
0xbd: {  	_ =	sfence  }
0xbe: {  	s30 =	sld [smem:$0x0];
	_ =	sdelay $0x2  }
0xbf: {  	s31 =	sshll.u32 s1, $0xD;
	s1 =	sshrl.u32 s1, $0x2  }
0xc0: {  	s3 =	sand.u32 $0x4000, s31;
	s1 =	sadd.s32 s1, s30  }
0xc1: {  	s0 =	sor.u32 s3, s0;
	s1 =	sshll.u32 s1, $0x11  }
0xc2: {  	s0 =	sor.u32 s1, s0  }
0xc3: {  	s0 =	sadd.s32 $0x8F2B, s0  }
0xc4: {  	[sflag:s0] =	ssyncadd.remote.s32 $0x1  }
0xc5: {  	_ =	sfence.sel $0xFFFF  }
0xc6: {  	[dreg:$0x0] =	wrdreg $0xFFFFFFFF;
	(pc) =	sbr.abs _section_cstart, $3  }
0xc7: {  	[dreg:$0x1] =	wrdreg $0xFFFFFFFF  }
0xc8: {  	_ =	task.clear_ibuf [dreg:s8], $0x2FFFF;
	_ =	strace $0x9FFFFFFF  }
0xc9: {  	(tm) =	ssettm $0x7FFFFFFF  }
tec
execute0_lowered:
.L_overlay_start_1:
0x0: {  	(tag) =	ssettag $0x1  }
0x1: {  	s0 =	rddreg [dreg:$0x0]  }
0x2: {  	s9 =	rddreg [dreg:$0x1]  }
0x3: {  	s4 =	rddreg [dreg:$0x2]  }
0x4: {  	s1 =	rddreg [dreg:$0x3]  }
0x5: {  	s2 =	rddreg [dreg:$0x4]  }
0x6: {  	s3 =	rddreg [dreg:$0x5]  }
0x7: {  	s5 =	rddreg [dreg:$0x6]  }
0x8: {  	s6 =	rddreg [dreg:$0x7]  }
0x9: {  	s7 =	srdreg.scid;
	s20 =	stileid.u32  }
0xa: {  	s31 =	simm.s32 $0xA000;
	s10 =	sand.u32 $0x1, s7;
	s7 =	simm.s32 $0x0  }
0xb: {  	s12 =	sshll.u32 s20, $0xE;
	s13 =	sshll.u32 s20, $0x8;
	s23 =	sshll.u32 s20, $0x4  }
0xc: {  	s18 =	smul.u32 $0x90, s20;
	s30 =	sshll.u32 s20, $0xB;
	s8 =	sshll.u32 s10, $0x12  }
0xd: {  	s11 =	sshll.u32 s10, $0x7;
	[smem:$0x7FF] =	sst s7;
	s24 =	ssub.s32 $0x2, s10  }
0xe: {  	s17 =	sshll.u32 s10, $0x4;
	s19 =	sadd.s32 s23, s4;
	s28 =	sadd.s32 s9, s13  }
0xf: {  	s0 =	sadd.s32 s0, s30;
	p0 =	sne.s32 s10, $0x0;
	s23 =	sadd.s32 s12, s1  }
0x10: {  	s8 =	sor.u32 s12, s8;
	s11 =	sor.u32 s11, s13;
	_ =	strace $0x80000047  }
0x11: {  	s16 =	sshrl.u32 s24, $0x1;
	s17 =	sor.u32 s20, s17;
	[dreg:$0xb] =	wrdreg s28  }
0x12: {  	s25 =	sadd.s32 s18, s3;
	s26 =	sadd.s32 s18, s5;
	[dreg:$0xd] =	wrdreg s0  }
0x13: {  	[dreg:$0xf] =	wrdreg s23;
	s13 =	simm.s32 $0x9D80;
	s8 =	sshrl.u32 s8, $0x3  }
0x14: {  	s22 =	sshrl.u32 s11, $0x3;
	s16 =	ssub.s32 s24, s16;
	[dreg:$0x9] =	wrdreg s25  }
0x15: {  	[dreg:$0xa] =	wrdreg s26;
	s11 =	sshll.u32 s20, $0x7;
	s29 =	sshll.u32 s17, $0x7  }
0x16: {  	s0 =	sshll.u32 s17, $0x6;
	s24 =	sadd.s32 s12, s2;
	s14 =	sadd.s32 s8, s4  }
0x17: {  	s15 =	sadd.s32 s22, s4;
	s4 =	sor.u32 $0x10, s11;
	s8 =	sor.u32 $0x20, s11  }
0x18: {  	s26 =	sadd.s32 s9, s29;
	[dreg:$0x10] =	wrdreg s24;
	s29 =	smax.u32 s16, $0x1  }
0x19: {  	s22 =	smul.u32 $0x14000, s20;
	s21 =	sor.u32 $0x30, s11;
	[dreg:$0x13] =	wrdreg s29  }
0x1a: {  	s20 =	sor.u32 $0x40, s11;
	s25 =	sadd.s32 $0x1200, s14;
	[dreg:$0xc] =	wrdreg s26  }
0x1b: {  	s23 =	sor.u32 $0x50, s11;
	s28 =	sadd.s32 $0x1000, s15;
	[dreg:$0x11] =	wrdreg s25  }
0x1c: {  	s24 =	sor.u32 $0x60, s11;
	s30 =	sadd.s32 $0x1000, s26;
	[dreg:$0x12] =	wrdreg s28  }
0x1d: {  	s17 =	sshrl.u32 s22, $0x2;
	s22 =	sadd.s32 $0xE00, s19;
	[dreg:$0x14] =	wrdreg s30  }
0x1e: {  	s9 =	simm.s32 $0x6;
	s19 =	sadd.s32 s11, s3;
	[dreg:$0xe] =	wrdreg s22  }
0x1f: {  	s26 =	sor.u32 $0x10, s0;
	s28 =	sadd.s32 s11, s5;
	[dreg:$0x1e] =	wrdreg s19  }
0x20: {  	v11 =	vlaneseq.u32;
	s29 =	sor.u32 $0x20, s0;
	s18 =	sadd.s32 s17, s2;
	[smem:$0x7FD] =	sst s28  }
0x21: {  	v1 =	vor.u32 s4, v11;
	s4 =	simm.s32 $0xA080;
	s22 =	sadd.s32 s11, s6;
	[smem:$0x7FC] =	sst s18  }
0x22: {  	v3 =	vor.u32 s21, v11;
	s21 =	simm.s32 $0xA280;
	s1 =	sadd.s32 $0x800, s18;
	[dreg:$0x1f] =	wrdreg s22  }
0x23: {  	v5 =	vor.u32 s23, v11;
	s23 =	simm.s32 $0x1580;
	s2 =	sadd.s32 $0x1000, s18;
	[dreg:$0x15] =	wrdreg s1  }
0x24: {  	s25 =	sor.u32 $0x70, s11;
	s10 =	sadd.s32 $0x1800, s18;
	[dreg:$0x16] =	wrdreg s2  }
0x25: {  	s30 =	sor.u32 $0x30, s0;
	s12 =	sadd.s32 $0x2000, s18;
	[dreg:$0x17] =	wrdreg s10  }
0x26: {  	v8 =	vor.u32 s0, v11;
	s0 =	simm.s32 $0x0;
	s14 =	sadd.s32 $0x2800, s18;
	[dreg:$0x18] =	wrdreg s12  }
0x27: {  	s5 =	simm.s32 $0xA200;
	s15 =	sadd.s32 $0x3000, s18;
	[dreg:$0x19] =	wrdreg s14  }
0x28: {  	v9 =	vor.u32 s26, v11;
	s26 =	simm.s32 $0x2;
	s16 =	sadd.s32 $0x3800, s18;
	[dreg:$0x1a] =	wrdreg s15  }
0x29: {  	v0 =	vor.u32 s11, v11;
	s11 =	simm.s32 $0x4;
	s17 =	sadd.s32 $0x4000, s18;
	[dreg:$0x1b] =	wrdreg s16  }
0x2a: {  	v12 =	vimm.f32 $1.000000000e+00;
	s18 =	sadd.s32 $0x4800, s18;
	s22 =	simm.s32 $0x1;
	[dreg:$0x1c] =	wrdreg s17  }
0x2b: {  	v13 =	vimm.f32 $0.0e+00;
	v14 =	vimm.s32 $0x0;
	v15 =	vimm.s32 $0x800;
	[dreg:$0x1d] =	wrdreg s18;
	s10 =	simm.s32 $0xC00;
	s12 =	simm.s32 $0x1400  }
0x2c: {  	v2 =	vor.u32 s8, v11;
	v4 =	vor.u32 s20, v11;
	v6 =	vor.u32 s24, v11;
	s14 =	simm.s32 $0x80;
	s15 =	simm.s32 $0x9C00;
	s2 =	simm.s32 $0x1C00  }
0x2d: {  	v10 =	vor.u32 s29, v11;
	v7 =	vor.u32 s25, v11;
	v11 =	vor.u32 s30, v11;
	s18 =	simm.s32 $0x3;
	s17 =	simm.s32 $0x5C00;
	s16 =	simm.s32 $0x5  }
.LBB2_1:
0x2e: {  	[tilespmem:$0x9C00] =	vst v12  }
0x2f: {  	[tilespmem:$0x9C10] =	vst v12  }
0x30: {  	[tilespmem:$0x9C20] =	vst v12  }
0x31: {  	[tilespmem:$0x9C30] =	vst v12  }
0x32: {  	[tilespmem:$0x9C40] =	vst v12  }
0x33: {  	[tilespmem:$0x9C50] =	vst v12  }
0x34: {  	[tilespmem:$0x9C60] =	vst v12  }
0x35: {  	[tilespmem:$0x9C70] =	vst v12  }
0x36: {  	[tilespmem:$0x9C80] =	vst v13  }
0x37: {  	[tilespmem:$0x9C90] =	vst v13  }
0x38: {  	[tilespmem:$0x9CA0] =	vst v13  }
0x39: {  	[tilespmem:$0x9CB0] =	vst v13  }
0x3a: {  	[tilespmem:$0x9CC0] =	vst v13  }
0x3b: {  	[tilespmem:$0x9CD0] =	vst v13  }
0x3c: {  	[tilespmem:$0x9CE0] =	vst v13  }
0x3d: {  	[tilespmem:$0x9CF0] =	vst v13  }
0x3e: {  	[tilespmem:$0x9D00] =	vst v13  }
0x3f: {  	[tilespmem:$0xA680] =	vst v13  }
0x40: {  	[tilespmem:$0xA690] =	vst v13  }
0x41: {  	[tilespmem:$0xA6A0] =	vst v13  }
0x42: {  	[tilespmem:$0xA6B0] =	vst v13  }
0x43: {  	[tilespmem:$0xA6C0] =	vst v13  }
0x44: {  	[tilespmem:$0xA6D0] =	vst v13  }
0x45: {  	[tilespmem:$0xA6E0] =	vst v13  }
0x46: {  	[tilespmem:$0xA6F0] =	vst v13  }
0x47: {  	[tilespmem:$0xA700] =	vst v13  }
0x48: {  	[tilespmem:$0xA710] =	vst v13  }
0x49: {  	[tilespmem:$0xA720] =	vst v13  }
0x4a: {  	[tilespmem:$0xA730] =	vst v13  }
0x4b: {  	[tilespmem:$0xA740] =	vst v13  }
0x4c: {  	[tilespmem:$0xA750] =	vst v13  }
0x4d: {  	[tilespmem:$0xA760] =	vst v13  }
0x4e: {  	[tilespmem:$0xA770] =	vst v13  }
0x4f: {  	[tilespmem:$0xA780] =	vst v13  }
0x50: {  	[tilespmem:$0xA790] =	vst v13  }
0x51: {  	[tilespmem:$0xA7A0] =	vst v13  }
0x52: {  	[tilespmem:$0xA7B0] =	vst v13  }
0x53: {  	[tilespmem:$0xA7C0] =	vst v13  }
0x54: {  	[tilespmem:$0xA7D0] =	vst v13  }
0x55: {  	[tilespmem:$0xA7E0] =	vst v13  }
0x56: {  	[tilespmem:$0xA7F0] =	vst v13  }
0x57: {  	[tilespmem:$0xA800] =	vst v13  }
0x58: {  	[tilespmem:$0xA810] =	vst v13  }
0x59: {  	[tilespmem:$0xA820] =	vst v13  }
0x5a: {  	[tilespmem:$0xA830] =	vst v13  }
0x5b: {  	[tilespmem:$0xA840] =	vst v13  }
0x5c: {  	[tilespmem:$0xA850] =	vst v13  }
0x5d: {  	[tilespmem:$0xA860] =	vst v13  }
0x5e: {  	[tilespmem:$0xA870] =	vst v13  }
0x5f: {  	[tilespmem:$0xA880] =	vst v13  }
0x60: {  	[tilespmem:$0xA890] =	vst v13  }
0x61: {  	[tilespmem:$0xA8A0] =	vst v13  }
0x62: {  	[tilespmem:$0xA8B0] =	vst v13  }
0x63: {  	[tilespmem:$0xA8C0] =	vst v13  }
0x64: {  	[tilespmem:$0xA8D0] =	vst v13  }
0x65: {  	[tilespmem:$0xA8E0] =	vst v13  }
0x66: {  	[tilespmem:$0xA8F0] =	vst v13  }
0x67: {  	[tilespmem:$0xA900] =	vst v13  }
0x68: {  	[tilespmem:$0xA910] =	vst v13  }
0x69: {  	[tilespmem:$0xA920] =	vst v13  }
0x6a: {  	[tilespmem:$0xA930] =	vst v13  }
0x6b: {  	[tilespmem:$0xA940] =	vst v13  }
0x6c: {  	[tilespmem:$0xA950] =	vst v13  }
0x6d: {  	[tilespmem:$0xA960] =	vst v13  }
0x6e: {  	[tilespmem:$0xA970] =	vst v13  }
0x6f: {  	[tilespmem:$0xA980] =	vst v13  }
0x70: {  	[tilespmem:$0xA990] =	vst v13  }
0x71: {  	[tilespmem:$0xA9A0] =	vst v13  }
0x72: {  	[tilespmem:$0xA9B0] =	vst v13  }
0x73: {  	[tilespmem:$0xA9C0] =	vst v13  }
0x74: {  	[tilespmem:$0xA9D0] =	vst v13  }
0x75: {  	[tilespmem:$0xA9E0] =	vst v13  }
0x76: {  	[tilespmem:$0xA9F0] =	vst v13  }
0x77: {  	[tilespmem:$0xAA00] =	vst v13  }
0x78: {  	[tilespmem:$0xAA10] =	vst v13  }
0x79: {  	[tilespmem:$0xAA20] =	vst v13  }
0x7a: {  	[tilespmem:$0xAA30] =	vst v13  }
0x7b: {  	[tilespmem:$0xAA40] =	vst v13  }
0x7c: {  	[tilespmem:$0xAA50] =	vst v13  }
0x7d: {  	[tilespmem:$0xAA60] =	vst v13  }
0x7e: {  	[tilespmem:$0xAA70] =	vst v13  }
0x7f: {  	[tilespmem:$0xAA80] =	vst v13  }
0x80: {  	[tilespmem:$0xAA90] =	vst v13  }
0x81: {  	[tilespmem:$0xAAA0] =	vst v13  }
0x82: {  	[tilespmem:$0xAAB0] =	vst v13  }
0x83: {  	[tilespmem:$0xAAC0] =	vst v13  }
0x84: {  	[tilespmem:$0xAAD0] =	vst v13  }
0x85: {  	[tilespmem:$0xAAE0] =	vst v13  }
0x86: {  	[tilespmem:$0xAAF0] =	vst v13  }
0x87: {  	[tilespmem:$0xAB00] =	vst v13  }
0x88: {  	[tilespmem:$0xAB10] =	vst v13  }
0x89: {  	[tilespmem:$0xAB20] =	vst v13  }
0x8a: {  	[tilespmem:$0xAB30] =	vst v13  }
0x8b: {  	[tilespmem:$0xAB40] =	vst v13  }
0x8c: {  	[tilespmem:$0xAB50] =	vst v13  }
0x8d: {  	[tilespmem:$0xAB60] =	vst v13  }
0x8e: {  	[tilespmem:$0xAB70] =	vst v13  }
0x8f: {  	[tilespmem:$0xAB80] =	vst v13  }
0x90: {  	[tilespmem:$0xAB90] =	vst v13  }
0x91: {  	[tilespmem:$0xABA0] =	vst v13  }
0x92: {  	[tilespmem:$0xABB0] =	vst v13  }
0x93: {  	[tilespmem:$0xABC0] =	vst v13  }
0x94: {  	[tilespmem:$0xABD0] =	vst v13  }
0x95: {  	[tilespmem:$0xABE0] =	vst v13  }
0x96: {  	[tilespmem:$0xABF0] =	vst v13  }
0x97: {  	[tilespmem:$0xAC00] =	vst v13  }
0x98: {  	[tilespmem:$0xAC10] =	vst v13  }
0x99: {  	[tilespmem:$0xAC20] =	vst v13  }
0x9a: {  	[tilespmem:$0xAC30] =	vst v13  }
0x9b: {  	[tilespmem:$0xAC40] =	vst v13  }
0x9c: {  	[tilespmem:$0xAC50] =	vst v13  }
0x9d: {  	[tilespmem:$0xAC60] =	vst v13  }
0x9e: {  	[tilespmem:$0xAC70] =	vst v13  }
0x9f: {  	[tilespmem:$0xAC80] =	vst v13  }
0xa0: {  	[tilespmem:$0xAC90] =	vst v13  }
0xa1: {  	[tilespmem:$0xACA0] =	vst v13  }
0xa2: {  	[tilespmem:$0xACB0] =	vst v13  }
0xa3: {  	[tilespmem:$0xACC0] =	vst v13  }
0xa4: {  	[tilespmem:$0xACD0] =	vst v13  }
0xa5: {  	[tilespmem:$0xACE0] =	vst v13  }
0xa6: {  	[tilespmem:$0xACF0] =	vst v13  }
0xa7: {  	[tilespmem:$0xAD00] =	vst v13  }
0xa8: {  	[tilespmem:$0xAD10] =	vst v13  }
0xa9: {  	[tilespmem:$0xAD20] =	vst v13  }
0xaa: {  	[tilespmem:$0xAD30] =	vst v13  }
0xab: {  	[tilespmem:$0xAD40] =	vst v13  }
0xac: {  	[tilespmem:$0xAD50] =	vst v13  }
0xad: {  	[tilespmem:$0xAD60] =	vst v13  }
0xae: {  	[tilespmem:$0xAD70] =	vst v13  }
0xaf: {  	[tilespmem:$0xAD80] =	vst v13  }
0xb0: {  	[tilespmem:$0xAD90] =	vst v13  }
0xb1: {  	[tilespmem:$0xADA0] =	vst v13  }
0xb2: {  	[tilespmem:$0xADB0] =	vst v13  }
0xb3: {  	[tilespmem:$0xADC0] =	vst v13  }
0xb4: {  	[tilespmem:$0xADD0] =	vst v13  }
0xb5: {  	[tilespmem:$0xADE0] =	vst v13  }
0xb6: {  	[tilespmem:$0xADF0] =	vst v13  }
0xb7: {  	[tilespmem:$0xAE00] =	vst v13  }
0xb8: {  	[tilespmem:$0xAE10] =	vst v13  }
0xb9: {  	[tilespmem:$0xAE20] =	vst v13  }
0xba: {  	[tilespmem:$0xAE30] =	vst v13  }
0xbb: {  	[tilespmem:$0xAE40] =	vst v13  }
0xbc: {  	[tilespmem:$0xAE50] =	vst v13  }
0xbd: {  	[smem:$0x7FB] =	sst s0;
	[tilespmem:$0xAE60] =	vst v13  }
0xbe: {  	[tilespmem:$0xAE70] =	vst v13;
	s8 =	rddreg [dreg:$0x9];
	s24 =	simm.s32 $0x9C80  }
0xbf: {  	[spmem:s8] =	stream.linear.scatter [tilespmem:s24], [sflag:$0x6], $0x90, $0x38;
	[tilespmem:$0x14020] =	vst v63  }
0xc0: {  	_ =	swait.ge [sflag:s9], $0x90  }
0xc1: {  	[sflag:s9] =	ssyncset.done $0x0  }
0xc2: {  	s20 =	rddreg [dreg:$0xa];
	[sflag:s9] =	ssyncadd.s32 $0xFFFFFF70  }
0xc3: {  	[spmem:s20] =	stream.linear.scatter [tilespmem:s24], [sflag:$0x6], $0x90, $0x38;
	[tilespmem:$0x14020] =	vst v63  }
0xc4: {  	_ =	swait.ge [sflag:s9], $0x90  }
0xc5: {  	[sflag:s9] =	ssyncset.done $0x0  }
0xc6: {  	s24 =	rddreg [dreg:$0xb];
	[sflag:s9] =	ssyncadd.s32 $0xFFFFFF70  }
0xc7: {  	[tilespmem:s7], [sflag:$0x6] =	stream.linear.gather [hbm4b:s24+s7], $0x800, $0x38;
	[tilespmem:$0x14020] =	vst v63  }
0xc8: {  	_ =	swait.ge [sflag:s9], $0x800  }
0xc9: {  	[sflag:s9] =	ssyncset.done $0x0  }
0xca: {  	[sflag:s9] =	ssyncadd.s32 $0xFFFFF800  }
0xcb: {  	[tilespmem:$0x800] =	vst v0  }
0xcc: {  	[tilespmem:$0x810] =	vst v1  }
0xcd: {  	[tilespmem:$0x820] =	vst v2  }
0xce: {  	[tilespmem:$0x830] =	vst v3  }
0xcf: {  	[tilespmem:$0x840] =	vst v4  }
0xd0: {  	[tilespmem:$0x850] =	vst v5  }
0xd1: {  	[tilespmem:$0x860] =	vst v6  }
0xd2: {  	s25 =	rddreg [dreg:$0x14];
	[tilespmem:$0x870] =	vst v7  }
0xd3: {  	[tilespmem:s10], [sflag:$0x6] =	stream.linear.gather [hbm4b:s25+s7], $0x400, $0x38;
	[tilespmem:$0x14020] =	vst v63  }
0xd4: {  	_ =	swait.ge [sflag:s9], $0x400  }
0xd5: {  	[sflag:s9] =	ssyncset.done $0x0  }
0xd6: {  	s29 =	rddreg [dreg:$0xc];
	[sflag:s9] =	ssyncadd.s32 $0xFFFFFC00  }
0xd7: {  	[tilespmem:s12], [sflag:$0x6] =	stream.linear.gather [hbm4b:s29+s7], $0x400, $0x38;
	[tilespmem:$0x14020] =	vst v63  }
0xd8: {  	_ =	swait.ge [sflag:s9], $0x400  }
0xd9: {  	[sflag:s9] =	ssyncset.done $0x0  }
0xda: {  	[sflag:s9] =	ssyncadd.s32 $0xFFFFFC00  }
0xdb: {  	[tilespmem:$0x1000] =	vst v8  }
0xdc: {  	[tilespmem:$0x1010] =	vst v9  }
0xdd: {  	[tilespmem:$0x1020] =	vst v10  }
0xde: {  	[tilespmem:$0x1030] =	vst v11  }
0xdf: {  	[tilespmem:$0x1040] =	vst v14  }
0xe0: {  	[tilespmem:$0x1050] =	vst v14  }
0xe1: {  	[tilespmem:$0x1060] =	vst v14  }
0xe2: {  	[tilespmem:$0x1070] =	vst v14  }
0xe3: {  	[tilespmem:$0x1800] =	vst v8  }
0xe4: {  	[tilespmem:$0x1810] =	vst v9  }
0xe5: {  	[tilespmem:$0x1820] =	vst v10  }
0xe6: {  	[tilespmem:$0x1830] =	vst v11  }
0xe7: {  	[tilespmem:$0x1840] =	vst v15  }
0xe8: {  	[tilespmem:$0x1850] =	vst v15  }
0xe9: {  	[tilespmem:$0x1860] =	vst v15  }
0xea: {  	[tilespmem:$0x1870] =	vst v15  }
0xeb: {  	[bflag:$0x0] =	sbarrier.arrive $0xFFFF  }
0xec: {  	[spmem:s3] =	stream.indirect.scatter.add.f32 [tilespmem:s15], [sflag:$0x3], $0x1, s7, s14, $0xb8;
	[tilespmem:$0x14020] =	vst v63  }
0xed: {  	_ = 	snop  }
0xee: {  	[spmem:s3] =	stream.indirect.scatter.add.f32 [tilespmem:s15], [sflag:$0x3], $0x1, s14, s14, $0xb8;
	[tilespmem:$0x14020] =	vst v63  }
0xef: {  	s30 =	simm.s32 $0x100  }
0xf0: {  	[spmem:s3] =	stream.indirect.scatter.add.f32 [tilespmem:s15], [sflag:$0x3], $0x1, s30, s14, $0xb8;
	[tilespmem:$0x14020] =	vst v63  }
0xf1: {  	s0 =	simm.s32 $0x180  }
0xf2: {  	[spmem:s3] =	stream.indirect.scatter.add.f32 [tilespmem:s15], [sflag:$0x3], $0x1, s0, s14, $0xb8;
	[tilespmem:$0x14020] =	vst v63  }
0xf3: {  	s1 =	simm.s32 $0x200  }
0xf4: {  	[spmem:s3] =	stream.indirect.scatter.add.f32 [tilespmem:s15], [sflag:$0x3], $0x1, s1, s14, $0xb8;
	[tilespmem:$0x14020] =	vst v63  }
0xf5: {  	s6 =	simm.s32 $0x280  }
0xf6: {  	[spmem:s3] =	stream.indirect.scatter.add.f32 [tilespmem:s15], [sflag:$0x3], $0x1, s6, s14, $0xb8;
	[tilespmem:$0x14020] =	vst v63  }
0xf7: {  	s12 =	simm.s32 $0x300  }
0xf8: {  	[spmem:s3] =	stream.indirect.scatter.add.f32 [tilespmem:s15], [sflag:$0x3], $0x1, s12, s14, $0xb8;
	[tilespmem:$0x14020] =	vst v63  }
0xf9: {  	s19 =	simm.s32 $0x380  }
0xfa: {  	[spmem:s3] =	stream.indirect.scatter.add.f32 [tilespmem:s15], [sflag:$0x3], $0x1, s19, s14, $0xb8;
	[tilespmem:$0x14020] =	vst v63  }
0xfb: {  	s20 =	simm.s32 $0x400  }
0xfc: {  	[spmem:s3] =	stream.indirect.scatter.add.f32 [tilespmem:s15], [sflag:$0x3], $0x1, s20, s14, $0xb8;
	[tilespmem:$0x14020] =	vst v63  }
0xfd: {  	s24 =	simm.s32 $0x480  }
0xfe: {  	[spmem:s3] =	stream.indirect.scatter.add.f32 [tilespmem:s15], [sflag:$0x3], $0x1, s24, s14, $0xb8;
	[tilespmem:$0x14020] =	vst v63  }
0xff: {  	s25 =	simm.s32 $0x500  }
0x100: {  	[spmem:s3] =	stream.indirect.scatter.add.f32 [tilespmem:s15], [sflag:$0x3], $0x1, s25, s14, $0xb8;
	[tilespmem:$0x14020] =	vst v63  }
0x101: {  	s29 =	simm.s32 $0x580  }
0x102: {  	[spmem:s3] =	stream.indirect.scatter.add.f32 [tilespmem:s15], [sflag:$0x3], $0x1, s29, s14, $0xb8;
	[tilespmem:$0x14020] =	vst v63  }
0x103: {  	s30 =	simm.s32 $0x600  }
0x104: {  	[spmem:s3] =	stream.indirect.scatter.add.f32 [tilespmem:s15], [sflag:$0x3], $0x1, s30, s14, $0xb8;
	[tilespmem:$0x14020] =	vst v63  }
0x105: {  	s0 =	simm.s32 $0x680  }
0x106: {  	[spmem:s3] =	stream.indirect.scatter.add.f32 [tilespmem:s15], [sflag:$0x3], $0x1, s0, s14, $0xb8;
	[tilespmem:$0x14020] =	vst v63  }
0x107: {  	s1 =	simm.s32 $0x700  }
0x108: {  	[spmem:s3] =	stream.indirect.scatter.add.f32 [tilespmem:s15], [sflag:$0x3], $0x1, s1, s14, $0xb8;
	[tilespmem:$0x14020] =	vst v63  }
0x109: {  	s6 =	simm.s32 $0x780  }
0x10a: {  	[spmem:s3] =	stream.indirect.scatter.add.f32 [tilespmem:s15], [sflag:$0x3], $0x1, s6, s14, $0xb8;
	[tilespmem:$0x14020] =	vst v63  }
0x10b: {  	s12 =	simm.s32 $0x800  }
0x10c: {  	[spmem:s3] =	stream.indirect.scatter.add.f32 [tilespmem:s15], [sflag:$0x3], $0x1, s12, s14, $0xb8;
	[tilespmem:$0x14020] =	vst v63  }
0x10d: {  	s19 =	rddreg [dreg:$0xd]  }
0x10e: {  	[tilespmem:s2], [sflag:$0x6] =	stream.linear.gather [hbm4b:s19+s7], $0x4000, $0x38;
	[tilespmem:$0x14020] =	vst v63  }
0x10f: {  	_ =	swait.ge [sflag:s9], $0x4000  }
0x110: {  	s20 =	sld [smem:$0x7FC]  }
0x111: {  	[sflag:s9] =	ssyncset.done $0x0  }
0x112: {  	s1 =	simm.s32 $0xA680;
	[sflag:s9] =	ssyncadd.s32 $0xFFFFC000  }
0x113: {  	[spmem:s20] =	stream.linear.scatter [tilespmem:s1], [sflag:$0x6], $0x800, $0x38;
	[tilespmem:$0x14020] =	vst v63  }
0x114: {  	_ =	swait.ge [sflag:s9], $0x800  }
0x115: {  	[sflag:s9] =	ssyncset.done $0x0  }
0x116: {  	s24 =	rddreg [dreg:$0x15];
	[sflag:s9] =	ssyncadd.s32 $0xFFFFF800  }
0x117: {  	[spmem:s24] =	stream.linear.scatter [tilespmem:s1], [sflag:$0x6], $0x800, $0x38;
	[tilespmem:$0x14020] =	vst v63  }
0x118: {  	_ =	swait.ge [sflag:s9], $0x800  }
0x119: {  	[sflag:s9] =	ssyncset.done $0x0  }
0x11a: {  	s25 =	rddreg [dreg:$0x16];
	[sflag:s9] =	ssyncadd.s32 $0xFFFFF800  }
0x11b: {  	[spmem:s25] =	stream.linear.scatter [tilespmem:s1], [sflag:$0x6], $0x800, $0x38;
	[tilespmem:$0x14020] =	vst v63  }
0x11c: {  	_ =	swait.ge [sflag:s9], $0x800  }
0x11d: {  	[sflag:s9] =	ssyncset.done $0x0  }
0x11e: {  	s29 =	rddreg [dreg:$0x17];
	[sflag:s9] =	ssyncadd.s32 $0xFFFFF800  }
0x11f: {  	[spmem:s29] =	stream.linear.scatter [tilespmem:s1], [sflag:$0x6], $0x800, $0x38;
	[tilespmem:$0x14020] =	vst v63  }
0x120: {  	_ =	swait.ge [sflag:s9], $0x800  }
0x121: {  	[sflag:s9] =	ssyncset.done $0x0  }
0x122: {  	s30 =	rddreg [dreg:$0x18];
	[sflag:s9] =	ssyncadd.s32 $0xFFFFF800  }
0x123: {  	[spmem:s30] =	stream.linear.scatter [tilespmem:s1], [sflag:$0x6], $0x800, $0x38;
	[tilespmem:$0x14020] =	vst v63  }
0x124: {  	_ =	swait.ge [sflag:s9], $0x800  }
0x125: {  	[sflag:s9] =	ssyncset.done $0x0  }
0x126: {  	s0 =	rddreg [dreg:$0x19];
	[sflag:s9] =	ssyncadd.s32 $0xFFFFF800  }
0x127: {  	[spmem:s0] =	stream.linear.scatter [tilespmem:s1], [sflag:$0x6], $0x800, $0x38;
	[tilespmem:$0x14020] =	vst v63  }
0x128: {  	_ =	swait.ge [sflag:s9], $0x800  }
0x129: {  	[sflag:s9] =	ssyncset.done $0x0  }
0x12a: {  	s6 =	rddreg [dreg:$0x1a];
	[sflag:s9] =	ssyncadd.s32 $0xFFFFF800  }
0x12b: {  	[spmem:s6] =	stream.linear.scatter [tilespmem:s1], [sflag:$0x6], $0x800, $0x38;
	[tilespmem:$0x14020] =	vst v63  }
0x12c: {  	_ =	swait.ge [sflag:s9], $0x800  }
0x12d: {  	[sflag:s9] =	ssyncset.done $0x0  }
0x12e: {  	s12 =	rddreg [dreg:$0x1b];
	[sflag:s9] =	ssyncadd.s32 $0xFFFFF800  }
0x12f: {  	[spmem:s12] =	stream.linear.scatter [tilespmem:s1], [sflag:$0x6], $0x800, $0x38;
	[tilespmem:$0x14020] =	vst v63  }
0x130: {  	_ =	swait.ge [sflag:s9], $0x800  }
0x131: {  	[sflag:s9] =	ssyncset.done $0x0  }
0x132: {  	s19 =	rddreg [dreg:$0x1c];
	[sflag:s9] =	ssyncadd.s32 $0xFFFFF800  }
0x133: {  	[spmem:s19] =	stream.linear.scatter [tilespmem:s1], [sflag:$0x6], $0x800, $0x38;
	[tilespmem:$0x14020] =	vst v63  }
0x134: {  	_ =	swait.ge [sflag:s9], $0x800  }
0x135: {  	[sflag:s9] =	ssyncset.done $0x0  }
0x136: {  	s20 =	rddreg [dreg:$0x1d];
	[sflag:s9] =	ssyncadd.s32 $0xFFFFF800  }
0x137: {  	[spmem:s20] =	stream.linear.scatter [tilespmem:s1], [sflag:$0x6], $0x800, $0x38;
	[tilespmem:$0x14020] =	vst v63  }
0x138: {  	_ =	swait.ge [sflag:s9], $0x800  }
0x139: {  	[sflag:s9] =	ssyncset.done $0x0  }
0x13a: {  	[sflag:s9] =	ssyncadd.s32 $0xFFFFF800  }
0x13b: {  	_ =	swait.ge [sflag:s18], $0x80  }
0x13c: {  	[sflag:s18] =	ssyncset.done $0x0  }
0x13d: {  	[sflag:s18] =	ssyncadd.s32 $0xFFFFFF80  }
0x13e: {  	_ =	swait.ge [sflag:s18], $0x80  }
0x13f: {  	[sflag:s18] =	ssyncset.done $0x0  }
0x140: {  	[sflag:s18] =	ssyncadd.s32 $0xFFFFFF80  }
0x141: {  	_ =	swait.ge [sflag:s18], $0x80  }
0x142: {  	[sflag:s18] =	ssyncset.done $0x0  }
0x143: {  	[sflag:s18] =	ssyncadd.s32 $0xFFFFFF80  }
0x144: {  	_ =	swait.ge [sflag:s18], $0x80  }
0x145: {  	[sflag:s18] =	ssyncset.done $0x0  }
0x146: {  	[sflag:s18] =	ssyncadd.s32 $0xFFFFFF80  }
0x147: {  	_ =	swait.ge [sflag:s18], $0x80  }
0x148: {  	[sflag:s18] =	ssyncset.done $0x0  }
0x149: {  	[sflag:s18] =	ssyncadd.s32 $0xFFFFFF80  }
0x14a: {  	_ =	swait.ge [sflag:s18], $0x80  }
0x14b: {  	[sflag:s18] =	ssyncset.done $0x0  }
0x14c: {  	[sflag:s18] =	ssyncadd.s32 $0xFFFFFF80  }
0x14d: {  	_ =	swait.ge [sflag:s18], $0x80  }
0x14e: {  	[sflag:s18] =	ssyncset.done $0x0  }
0x14f: {  	[sflag:s18] =	ssyncadd.s32 $0xFFFFFF80  }
0x150: {  	_ =	swait.ge [sflag:s18], $0x80  }
0x151: {  	[sflag:s18] =	ssyncset.done $0x0  }
0x152: {  	[sflag:s18] =	ssyncadd.s32 $0xFFFFFF80  }
0x153: {  	_ =	swait.ge [sflag:s18], $0x80  }
0x154: {  	[sflag:s18] =	ssyncset.done $0x0  }
0x155: {  	[sflag:s18] =	ssyncadd.s32 $0xFFFFFF80  }
0x156: {  	_ =	swait.ge [sflag:s18], $0x80  }
0x157: {  	[sflag:s18] =	ssyncset.done $0x0  }
0x158: {  	[sflag:s18] =	ssyncadd.s32 $0xFFFFFF80  }
0x159: {  	_ =	swait.ge [sflag:s18], $0x80  }
0x15a: {  	[sflag:s18] =	ssyncset.done $0x0  }
0x15b: {  	[sflag:s18] =	ssyncadd.s32 $0xFFFFFF80  }
0x15c: {  	_ =	swait.ge [sflag:s18], $0x80  }
0x15d: {  	[sflag:s18] =	ssyncset.done $0x0  }
0x15e: {  	[sflag:s18] =	ssyncadd.s32 $0xFFFFFF80  }
0x15f: {  	_ =	swait.ge [sflag:s18], $0x80  }
0x160: {  	[sflag:s18] =	ssyncset.done $0x0  }
0x161: {  	[sflag:s18] =	ssyncadd.s32 $0xFFFFFF80  }
0x162: {  	_ =	swait.ge [sflag:s18], $0x80  }
0x163: {  	[sflag:s18] =	ssyncset.done $0x0  }
0x164: {  	[sflag:s18] =	ssyncadd.s32 $0xFFFFFF80  }
0x165: {  	_ =	swait.ge [sflag:s18], $0x80  }
0x166: {  	[sflag:s18] =	ssyncset.done $0x0  }
0x167: {  	[sflag:s18] =	ssyncadd.s32 $0xFFFFFF80  }
0x168: {  	_ =	swait.ge [sflag:s18], $0x80  }
0x169: {  	[sflag:s18] =	ssyncset.done $0x0  }
0x16a: {  	[sflag:s18] =	ssyncadd.s32 $0xFFFFFF80  }
0x16b: {  	_ =	swait.ge [sflag:s18], $0x80  }
0x16c: {  	[sflag:s18] =	ssyncset.done $0x0  }
0x16d: {  	[sflag:s18] =	ssyncadd.s32 $0xFFFFFF80  }
0x16e: {  	[bflag:$0x0] =	sbarrier.arrive $0xFFFF  }
0x16f: {  	s24 =	rddreg [dreg:$0x1e]  }
0x170: {  	[tilespmem:s13], [sflag:$0x6] =	stream.linear.gather [spmem:s24], $0x80, $0x38;
	[tilespmem:$0x14020] =	vst v63  }
0x171: {  	_ =	swait.ge [sflag:s9], $0x80  }
0x172: {  	[sflag:s9] =	ssyncset.done $0x0  }
0x173: {  	[sflag:s9] =	ssyncadd.s32 $0xFFFFFF80  }
0x174: {  	v16 =	vld [tilespmem:$0x9D80]  }
0x175: {  	v17 =	vld [tilespmem:$0x9D90];
	_ =	sdelay $0x3  }
0x176: {  	v18 =	vshra.s32 v16, $0x1;
	v16 =	vmul.f32 $5.000000000e-01, v16  }
0x177: {  	v19 =	vshra.s32 v17, $0x1;
	v17 =	vmul.f32 $5.000000000e-01, v17;
	v18 =	vsub.s32 $0x5F3759DF, v18  }
0x178: {  	v19 =	vsub.s32 $0x5F3759DF, v19;
	v20 =	vmul.f32 v18, v16  }
0x179: {  	v21 =	vmul.f32 v19, v17  }
0x17a: {  	v20 =	vmul.f32 v18, v20  }
0x17b: {  	v21 =	vmul.f32 v19, v21  }
0x17c: {  	v20 =	vsub.f32 $1.500000000e+00, v20  }
0x17d: {  	v21 =	vsub.f32 $1.500000000e+00, v21  }
0x17e: {  	v18 =	vmul.f32 v18, v20  }
0x17f: {  	v19 =	vmul.f32 v19, v21  }
0x180: {  	v23 =	vld [tilespmem:$0x9DB0];
	v20 =	vmul.f32 v18, v16  }
0x181: {  	v27 =	vld [tilespmem:$0x9DD0];
	v21 =	vmul.f32 v19, v17  }
0x182: {  	v22 =	vld [tilespmem:$0x9DA0];
	v20 =	vmul.f32 v20, v18  }
0x183: {  	v21 =	vmul.f32 v21, v19  }
0x184: {  	v20 =	vsub.f32 $1.500000000e+00, v20  }
0x185: {  	v24 =	vshra.s32 v23, $0x1;
	v21 =	vsub.f32 $1.500000000e+00, v21  }
0x186: {  	v23 =	vmul.f32 $5.000000000e-01, v23;
	v28 =	vshra.s32 v27, $0x1;
	v18 =	vmul.f32 v20, v18  }
0x187: {  	v19 =	vmul.f32 v21, v19;
	v20 =	vshra.s32 v22, $0x1;
	v21 =	vmul.f32 $5.000000000e-01, v22  }
0x188: {  	v27 =	vmul.f32 $5.000000000e-01, v27;
	v20 =	vsub.s32 $0x5F3759DF, v20;
	v16 =	vmul.f32 v18, v16  }
0x189: {  	v28 =	vsub.s32 $0x5F3759DF, v28;
	v17 =	vmul.f32 v19, v17;
	v22 =	vmul.f32 v20, v21  }
0x18a: {  	v29 =	vmul.f32 v28, v27;
	v16 =	vmul.f32 v16, v18  }
0x18b: {  	v24 =	vsub.s32 $0x5F3759DF, v24;
	v17 =	vmul.f32 v17, v19;
	v22 =	vmul.f32 v20, v22  }
0x18c: {  	v25 =	vld [tilespmem:$0x9DC0];
	v26 =	vmul.f32 v24, v23;
	v16 =	vsub.f32 $1.500000000e+00, v16  }
0x18d: {  	v29 =	vmul.f32 v28, v29;
	v17 =	vsub.f32 $1.500000000e+00, v17;
	v22 =	vsub.f32 $1.500000000e+00, v22  }
0x18e: {  	v16 =	vmul.f32 v16, v18;
	v18 =	vmul.f32 v24, v26;
	v26 =	vld [tilespmem:$0x9DE0]  }
0x18f: {  	v17 =	vmul.f32 v17, v19;
	v19 =	vmul.f32 v20, v22;
	v20 =	vld [tilespmem:$0x9DF0]  }
0x190: {  	v18 =	vsub.f32 $1.500000000e+00, v18  }
0x191: {  	v29 =	vsub.f32 $1.500000000e+00, v29;
	v22 =	vshra.s32 v25, $0x1;
	v25 =	vmul.f32 $5.000000000e-01, v25  }
0x192: {  	v22 =	vsub.s32 $0x5F3759DF, v22;
	v34 =	vmul.f32 v19, v21;
	v18 =	vmul.f32 v24, v18  }
0x193: {  	v24 =	vmul.f32 v22, v25;
	v30 =	vshra.s32 v26, $0x1;
	v26 =	vmul.f32 $5.000000000e-01, v26  }
0x194: {  	v31 =	vshra.s32 v20, $0x1;
	v20 =	vmul.f32 $5.000000000e-01, v20;
	v30 =	vsub.s32 $0x5F3759DF, v30  }
0x195: {  	v24 =	vmul.f32 v22, v24;
	v31 =	vsub.s32 $0x5F3759DF, v31;
	v32 =	vmul.f32 v30, v26  }
0x196: {  	v34 =	vmul.f32 v34, v19;
	v33 =	vmul.f32 v31, v20  }
0x197: {  	v28 =	vmul.f32 v28, v29;
	v24 =	vsub.f32 $1.500000000e+00, v24;
	v32 =	vmul.f32 v30, v32  }
0x198: {  	v35 =	vmul.f32 v18, v23;
	v34 =	vsub.f32 $1.500000000e+00, v34;
	v33 =	vmul.f32 v31, v33  }
0x199: {  	v58 =	vmul.f32 v28, v27;
	v22 =	vmul.f32 v22, v24;
	v24 =	vsub.f32 $1.500000000e+00, v32  }
0x19a: {  	v55 =	vmul.f32 v35, v18;
	v19 =	vmul.f32 v34, v19;
	v56 =	vsub.f32 $1.500000000e+00, v33  }
0x19b: {  	v57 =	vmul.f32 v22, v25;
	v24 =	vmul.f32 v30, v24  }
0x19c: {  	v32 =	vsub.f32 $1.500000000e+00, v55;
	v29 =	vmul.f32 v31, v56;
	v30 =	vmul.f32 v58, v28  }
0x19d: {  	v59 =	vmul.f32 v57, v22;
	v60 =	vmul.f32 v24, v26  }
0x19e: {  	v18 =	vmul.f32 v32, v18;
	v61 =	vmul.f32 v29, v20  }
0x19f: {  	v21 =	vmul.f32 v19, v21;
	v31 =	vsub.f32 $1.500000000e+00, v59;
	v33 =	vmul.f32 v60, v24  }
0x1a0: {  	v30 =	vsub.f32 $1.500000000e+00, v30;
	v23 =	vmul.f32 v18, v23;
	v35 =	vmul.f32 v61, v29  }
0x1a1: {  	v21 =	vmul.f32 v21, v19;
	v22 =	vmul.f32 v31, v22;
	v62 =	vsub.f32 $1.500000000e+00, v33  }
0x1a2: {  	v28 =	vmul.f32 v30, v28;
	v23 =	vmul.f32 v23, v18;
	v63 =	vsub.f32 $1.500000000e+00, v35  }
0x1a3: {  	v25 =	vmul.f32 v22, v25;
	v24 =	vmul.f32 v62, v24  }
0x1a4: {  	v27 =	vmul.f32 v28, v27;
	v29 =	vmul.f32 v63, v29  }
0x1a5: {  	v21 =	vsub.f32 $1.500000000e+00, v21;
	v25 =	vmul.f32 v25, v22;
	v26 =	vmul.f32 v24, v26  }
0x1a6: {  	v23 =	vsub.f32 $1.500000000e+00, v23;
	v27 =	vmul.f32 v27, v28;
	v20 =	vmul.f32 v29, v20  }
0x1a7: {  	[tilespmem:$0x9E00] =	vst v16;
	v16 =	vmul.f32 v21, v19;
	v19 =	vsub.f32 $1.500000000e+00, v25;
	v21 =	vmul.f32 v26, v24  }
0x1a8: {  	[tilespmem:$0x9E10] =	vst v17;
	v17 =	vmul.f32 v23, v18;
	v18 =	vsub.f32 $1.500000000e+00, v27;
	v20 =	vmul.f32 v20, v29  }
0x1a9: {  	[tilespmem:$0x9E20] =	vst v16;
	v16 =	vmul.f32 v19, v22;
	v19 =	vsub.f32 $1.500000000e+00, v21  }
0x1aa: {  	[tilespmem:$0x9E30] =	vst v17;
	v17 =	vmul.f32 v18, v28;
	v18 =	vsub.f32 $1.500000000e+00, v20  }
0x1ab: {  	[tilespmem:$0x9E40] =	vst v16;
	v16 =	vmul.f32 v19, v24  }
0x1ac: {  	[tilespmem:$0x9E50] =	vst v17;
	v17 =	vmul.f32 v18, v29  }
0x1ad: {  	[tilespmem:$0x9E60] =	vst v16  }
0x1ae: {  	s29 =	simm.s32 $0x9E00;
	s25 =	rddreg [dreg:$0x1f];
	[tilespmem:$0x9E70] =	vst v17  }
0x1af: {  	[spmem:s25] =	stream.linear.scatter [tilespmem:s29], [sflag:$0x6], $0x80, $0x38;
	[tilespmem:$0x14020] =	vst v63  }
0x1b0: {  	_ =	swait.ge [sflag:s9], $0x80  }
0x1b1: {  	s8 =	simm.s32 @!p0 $0x0;
	[sflag:s9] =	ssyncset.done $0x0  }
0x1b2: {  	s24 =	simm.s32 @!p0 $0x9E00;
	s25 =	rddreg [dreg:$0xe];
	[sflag:s9] =	ssyncadd.s32 $0xFFFFFF80  }
0x1b3: {  	[hbm4b:s25+s8] =	stream.linear.scatter @!p0 [tilespmem:s24], [sflag:$0x6], $0x80, $0x38;
	[tilespmem:$0x14020] =	vst v63  }
0x1b4: {  	s8 =	simm.s32 @!p0 $0x6  }
0x1b5: {  	_ =	swait.ge @!p0 [sflag:s8], $0x80  }
0x1b6: {  	[sflag:s8] =	ssyncset.done @!p0 $0x0  }
0x1b7: {  	s30 =	sand.u32 $0x1C0, s7;
	[sflag:s8] =	ssyncadd.s32 @!p0 $0xFFFFFF80;
	s8 =	simm.s32 $0x1C40  }
0x1b8: {  	s24 =	sshrl.u32 s30, $0x2;
	v20 =	vld [tilespmem:s8+$0x30]  }
0x1b9: {  	v17 =	vld [tilespmem:s24+$0x9E00]  }
0x1ba: {  	v23 =	vld [tilespmem:s8+$0x10]  }
0x1bb: {  	v21 =	vld [tilespmem:s8+$0xFFFFFFC0]  }
0x1bc: {  	v25 =	vld [tilespmem:s8+$0xFFFFFFE0]  }
0x1bd: {  	v18 =	vmov s7;
	v16 =	vld [tilespmem:s8+$0xFFFFFFF0]  }
0x1be: {  	v19 =	vld [tilespmem:s8+$0xFFFFFFD0];
	v17 =	vperm.xlane v17, v18  }
0x1bf: {  	v18 =	vld [tilespmem:s8+$0x20]  }
0x1c0: {  	v24 =	vmul.f32 v20, v17;
	v20 =	vld [tilespmem:s8+$0x0];
	_ =	sdelay $0x1  }
0x1c1: {  	v22 =	vmul.f32 v21, v17  }
0x1c2: {  	s28 =	simm.s32 $0x1C40;
	s25 =	simm.s32 $0x0;
	s24 =	simm.s32 $0x1;
	v21 =	vmul.f32 v25, v17;
	v23 =	vmul.f32 v23, v17  }
.LBB2_2:
0x1c3: {  	p1 =	sne.s32 s24, $0x7F;
	v19 =	vmul.f32 v19, v17;
	v18 =	vmul.f32 v18, v17;
	[tilespmem:s8+$0x30] =	vst v24;
	s25 =	sadd.s32 $0x4, s25;
	s28 =	sadd.s32 $0x80, s28  }
0x1c4: {  	v16 =	vmul.f32 v16, v17;
	s29 =	smov.u32 s24;
	s24 =	sadd.s32 $0x1, s24;
	[tilespmem:s8+$0xFFFFFFC0] =	vst v22;
	v17 =	vmul.f32 v20, v17  }
0x1c5: {  	[tilespmem:s8+$0x10] =	vst v23  }
0x1c6: {  	[tilespmem:s8+$0xFFFFFFE0] =	vst v21  }
0x1c7: {  	[tilespmem:s8+$0xFFFFFFF0] =	vst v16  }
0x1c8: {  	v16 =	vld [tilespmem:s28+$0xFFFFFFF0];
	[tilespmem:s8+$0x0] =	vst v17  }
0x1c9: {  	s30 =	sand.u32 $0x1C0, s25;
	v21 =	vld [tilespmem:s28+$0x30];
	[tilespmem:s8+$0x20] =	vst v18  }
0x1ca: {  	s30 =	sshrl.u32 s30, $0x2;
	v23 =	vld [tilespmem:s28+$0x10];
	[tilespmem:s8+$0xFFFFFFD0] =	vst v19;
	s8 =	smov.u32 s28  }
0x1cb: {  	v17 =	vld [tilespmem:s30+$0x9E00]  }
0x1cc: {  	v22 =	vld [tilespmem:s28+$0xFFFFFFC0]  }
0x1cd: {  	v25 =	vld [tilespmem:s28+$0xFFFFFFE0]  }
0x1ce: {  	v18 =	vld [tilespmem:s28+$0x20]  }
.Ltmp0:
0x1cf: {  	v20 =	vmov s29;
	v19 =	vld [tilespmem:s28+$0xFFFFFFD0];
	(pc) =	sbr.rel @p1 .LBB2_2-.Ltmp0, $3  }
0x1d0: {  	v17 =	vperm.xlane v17, v20;
	v20 =	vld [tilespmem:s28+$0x0];
	_ =	sdelay $0x1  }
0x1d1: {  	v22 =	vmul.f32 v22, v17;
	v24 =	vmul.f32 v21, v17  }
0x1d2: {  	v21 =	vmul.f32 v25, v17;
	v23 =	vmul.f32 v23, v17  }
0x1d3: {  	[tilespmem:s8+$0x30] =	vst v24  }
0x1d4: {  	[tilespmem:s8+$0xFFFFFFC0] =	vst v22  }
0x1d5: {  	v16 =	vmul.f32 v16, v17;
	[tilespmem:s8+$0x10] =	vst v23  }
0x1d6: {  	v18 =	vmul.f32 v18, v17;
	[tilespmem:s8+$0xFFFFFFE0] =	vst v21  }
0x1d7: {  	v20 =	vmul.f32 v20, v17;
	[tilespmem:s8+$0xFFFFFFF0] =	vst v16  }
0x1d8: {  	v16 =	vmul.f32 v19, v17;
	[tilespmem:s8+$0x20] =	vst v18  }
0x1d9: {  	[tilespmem:s8+$0x0] =	vst v20  }
0x1da: {  	s6 =	rddreg [dreg:$0xf];
	[tilespmem:s8+$0xFFFFFFD0] =	vst v16  }
0x1db: {  	[spmem:s6] =	stream.linear.scatter [tilespmem:s2], [sflag:$0x6], $0x4000, $0x38;
	[tilespmem:$0x14020] =	vst v63  }
0x1dc: {  	_ =	swait.ge [sflag:s9], $0x4000  }
0x1dd: {  	[sflag:s9] =	ssyncset.done $0x0  }
0x1de: {  	[sflag:s9] =	ssyncadd.s32 $0xFFFFC000  }
0x1df: {  	[bflag:$0x0] =	sbarrier.arrive $0xFFFF  }
0x1e0: {  	s8 =	simm.s32 $0x9E80;
	s6 =	rddreg [dreg:$0x7]  }
0x1e1: {  	[tilespmem:s8], [sflag:$0x3] =	stream.indirect.gather [spmem:s6], $0x1, s10, s14, $0xb8;
	[tilespmem:$0x14020] =	vst v63  }
0x1e2: {  	s24 =	simm.s32 $0xC80;
	s25 =	simm.s32 $0x9F00  }
0x1e3: {  	[tilespmem:s25], [sflag:$0x3] =	stream.indirect.gather [spmem:s6], $0x1, s24, s14, $0xb8;
	[tilespmem:$0x14020] =	vst v63  }
0x1e4: {  	s28 =	simm.s32 $0xD00;
	s29 =	simm.s32 $0x9F80  }
0x1e5: {  	[tilespmem:s29], [sflag:$0x3] =	stream.indirect.gather [spmem:s6], $0x1, s28, s14, $0xb8;
	[tilespmem:$0x14020] =	vst v63  }
0x1e6: {  	s30 =	simm.s32 $0xD80  }
0x1e7: {  	[tilespmem:s31], [sflag:$0x3] =	stream.indirect.gather [spmem:s6], $0x1, s30, s14, $0xb8;
	[tilespmem:$0x14020] =	vst v63  }
0x1e8: {  	s0 =	simm.s32 $0xE00  }
0x1e9: {  	[tilespmem:s4], [sflag:$0x3] =	stream.indirect.gather [spmem:s6], $0x1, s0, s14, $0xb8;
	[tilespmem:$0x14020] =	vst v63  }
0x1ea: {  	s13 =	simm.s32 $0xE80;
	s10 =	simm.s32 $0xA100  }
0x1eb: {  	[tilespmem:s10], [sflag:$0x3] =	stream.indirect.gather [spmem:s6], $0x1, s13, s14, $0xb8;
	[tilespmem:$0x14020] =	vst v63  }
0x1ec: {  	s19 =	simm.s32 $0xF00;
	s1 =	simm.s32 $0xA180  }
0x1ed: {  	[tilespmem:s1], [sflag:$0x3] =	stream.indirect.gather [spmem:s6], $0x1, s19, s14, $0xb8;
	[tilespmem:$0x14020] =	vst v63  }
0x1ee: {  	s2 =	simm.s32 $0xF80  }
0x1ef: {  	[tilespmem:s5], [sflag:$0x3] =	stream.indirect.gather [spmem:s6], $0x1, s2, s14, $0xb8;
	[tilespmem:$0x14020] =	vst v63  }
0x1f0: {  	s7 =	simm.s32 $0x1000  }
0x1f1: {  	[tilespmem:s21], [sflag:$0x3] =	stream.indirect.gather [spmem:s6], $0x1, s7, s14, $0xb8;
	[tilespmem:$0x14020] =	vst v63  }
0x1f2: {  	s12 =	simm.s32 $0xC00;
	s20 =	simm.s32 $0x1C00;
	s6 =	rddreg [dreg:$0x3]  }
0x1f3: {  	[tilespmem:s20], [sflag:$0x1] =	stream.indirect.gather [spmem:s6], $0x80, s12, s14, $0xb8;
	[tilespmem:$0x14020] =	vst v63  }
0x1f4: {  	_ = 	snop  }
0x1f5: {  	[tilespmem:s17], [sflag:$0x2] =	stream.indirect.gather [spmem:s6], $0x80, s24, s14, $0xb8;
	[tilespmem:$0x14020] =	vst v63  }
0x1f6: {  	_ =	swait.ge [sflag:s22], $0x4000  }
0x1f7: {  	[sflag:s22] =	ssyncset.done $0x0  }
0x1f8: {  	[sflag:s22] =	ssyncadd.s32 $0xFFFFC000  }
0x1f9: {  	s12 =	simm.s32 $0x1400;
	s24 =	rddreg [dreg:$0x4]  }
0x1fa: {  	[spmem:s24] =	stream.indirect.scatter.add.f32 [tilespmem:s20], [sflag:$0x4], $0x80, s12, s14, $0xb8;
	[tilespmem:$0x14020] =	vst v63  }
0x1fb: {  	_ = 	snop  }
0x1fc: {  	[tilespmem:s20], [sflag:$0x1] =	stream.indirect.gather [spmem:s6], $0x80, s28, s14, $0xb8;
	[tilespmem:$0x14020] =	vst v63  }
0x1fd: {  	_ =	swait.ge [sflag:s26], $0x4000  }
0x1fe: {  	[sflag:s26] =	ssyncset.done $0x0  }
0x1ff: {  	s28 =	simm.s32 $0x1480;
	[sflag:s26] =	ssyncadd.s32 $0xFFFFC000  }
0x200: {  	[spmem:s24] =	stream.indirect.scatter.add.f32 [tilespmem:s17], [sflag:$0x5], $0x80, s28, s14, $0xb8;
	[tilespmem:$0x14020] =	vst v63  }
0x201: {  	_ = 	snop  }
0x202: {  	[tilespmem:s17], [sflag:$0x2] =	stream.indirect.gather [spmem:s6], $0x80, s30, s14, $0xb8;
	[tilespmem:$0x14020] =	vst v63  }
0x203: {  	_ =	swait.ge [sflag:s22], $0x4000  }
0x204: {  	[sflag:s22] =	ssyncset.done $0x0  }
0x205: {  	[sflag:s22] =	ssyncadd.s32 $0xFFFFC000  }
0x206: {  	_ =	swait.ge [sflag:s11], $0x4000  }
0x207: {  	[sflag:s11] =	ssyncset.done $0x0  }
0x208: {  	s30 =	simm.s32 $0x1500;
	[sflag:s11] =	ssyncadd.s32 $0xFFFFC000  }
0x209: {  	[spmem:s24] =	stream.indirect.scatter.add.f32 [tilespmem:s20], [sflag:$0x4], $0x80, s30, s14, $0xb8;
	[tilespmem:$0x14020] =	vst v63  }
0x20a: {  	_ = 	snop  }
0x20b: {  	[tilespmem:s20], [sflag:$0x1] =	stream.indirect.gather [spmem:s6], $0x80, s0, s14, $0xb8;
	[tilespmem:$0x14020] =	vst v63  }
0x20c: {  	_ =	swait.ge [sflag:s26], $0x4000  }
0x20d: {  	[sflag:s26] =	ssyncset.done $0x0  }
0x20e: {  	[sflag:s26] =	ssyncadd.s32 $0xFFFFC000  }
0x20f: {  	_ =	swait.ge [sflag:s16], $0x4000  }
0x210: {  	[sflag:s16] =	ssyncset.done $0x0  }
0x211: {  	[sflag:s16] =	ssyncadd.s32 $0xFFFFC000  }
0x212: {  	[spmem:s24] =	stream.indirect.scatter.add.f32 [tilespmem:s17], [sflag:$0x5], $0x80, s23, s14, $0xb8;
	[tilespmem:$0x14020] =	vst v63  }
0x213: {  	_ = 	snop  }
0x214: {  	[tilespmem:s17], [sflag:$0x2] =	stream.indirect.gather [spmem:s6], $0x80, s13, s14, $0xb8;
	[tilespmem:$0x14020] =	vst v63  }
0x215: {  	_ =	swait.ge [sflag:s22], $0x4000  }
0x216: {  	[sflag:s22] =	ssyncset.done $0x0  }
0x217: {  	[sflag:s22] =	ssyncadd.s32 $0xFFFFC000  }
0x218: {  	_ =	swait.ge [sflag:s11], $0x4000  }
0x219: {  	[sflag:s11] =	ssyncset.done $0x0  }
0x21a: {  	s13 =	simm.s32 $0x1600;
	[sflag:s11] =	ssyncadd.s32 $0xFFFFC000  }
0x21b: {  	[spmem:s24] =	stream.indirect.scatter.add.f32 [tilespmem:s20], [sflag:$0x4], $0x80, s13, s14, $0xb8;
	[tilespmem:$0x14020] =	vst v63  }
0x21c: {  	_ = 	snop  }
0x21d: {  	[tilespmem:s20], [sflag:$0x1] =	stream.indirect.gather [spmem:s6], $0x80, s19, s14, $0xb8;
	[tilespmem:$0x14020] =	vst v63  }
0x21e: {  	_ =	swait.ge [sflag:s26], $0x4000  }
0x21f: {  	[sflag:s26] =	ssyncset.done $0x0  }
0x220: {  	[sflag:s26] =	ssyncadd.s32 $0xFFFFC000  }
0x221: {  	_ =	swait.ge [sflag:s16], $0x4000  }
0x222: {  	[sflag:s16] =	ssyncset.done $0x0  }
0x223: {  	s19 =	simm.s32 $0x1680;
	[sflag:s16] =	ssyncadd.s32 $0xFFFFC000  }
0x224: {  	[spmem:s24] =	stream.indirect.scatter.add.f32 [tilespmem:s17], [sflag:$0x5], $0x80, s19, s14, $0xb8;
	[tilespmem:$0x14020] =	vst v63  }
0x225: {  	_ = 	snop  }
0x226: {  	[tilespmem:s17], [sflag:$0x2] =	stream.indirect.gather [spmem:s6], $0x80, s2, s14, $0xb8;
	[tilespmem:$0x14020] =	vst v63  }
0x227: {  	_ =	swait.ge [sflag:s22], $0x4000  }
0x228: {  	[sflag:s22] =	ssyncset.done $0x0  }
0x229: {  	[sflag:s22] =	ssyncadd.s32 $0xFFFFC000  }
0x22a: {  	_ =	swait.ge [sflag:s11], $0x4000  }
0x22b: {  	[sflag:s11] =	ssyncset.done $0x0  }
0x22c: {  	s20 =	simm.s32 $0x1700;
	s2 =	simm.s32 $0x1C00;
	[sflag:s11] =	ssyncadd.s32 $0xFFFFC000  }
0x22d: {  	[spmem:s24] =	stream.indirect.scatter.add.f32 [tilespmem:s2], [sflag:$0x4], $0x80, s20, s14, $0xb8;
	[tilespmem:$0x14020] =	vst v63  }
0x22e: {  	_ = 	snop  }
0x22f: {  	[tilespmem:s2], [sflag:$0x1] =	stream.indirect.gather [spmem:s6], $0x80, s7, s14, $0xb8;
	[tilespmem:$0x14020] =	vst v63  }
0x230: {  	_ =	swait.ge [sflag:s26], $0x4000  }
0x231: {  	[sflag:s26] =	ssyncset.done $0x0  }
0x232: {  	[sflag:s26] =	ssyncadd.s32 $0xFFFFC000  }
0x233: {  	_ =	swait.ge [sflag:s16], $0x4000  }
0x234: {  	[sflag:s16] =	ssyncset.done $0x0  }
0x235: {  	s7 =	simm.s32 $0x1780;
	[sflag:s16] =	ssyncadd.s32 $0xFFFFC000  }
0x236: {  	[spmem:s24] =	stream.indirect.scatter.add.f32 [tilespmem:s17], [sflag:$0x5], $0x80, s7, s14, $0xb8;
	[tilespmem:$0x14020] =	vst v63  }
0x237: {  	_ =	swait.ge [sflag:s22], $0x4000  }
0x238: {  	[sflag:s22] =	ssyncset.done $0x0  }
0x239: {  	[sflag:s22] =	ssyncadd.s32 $0xFFFFC000  }
0x23a: {  	_ =	swait.ge [sflag:s11], $0x4000  }
0x23b: {  	[sflag:s11] =	ssyncset.done $0x0  }
0x23c: {  	s0 =	simm.s32 $0x1800;
	[sflag:s11] =	ssyncadd.s32 $0xFFFFC000  }
0x23d: {  	[spmem:s24] =	stream.indirect.scatter.add.f32 [tilespmem:s2], [sflag:$0x4], $0x80, s0, s14, $0xb8;
	[tilespmem:$0x14020] =	vst v63  }
0x23e: {  	_ =	swait.ge [sflag:s18], $0x80  }
0x23f: {  	[sflag:s18] =	ssyncset.done $0x0  }
0x240: {  	[sflag:s18] =	ssyncadd.s32 $0xFFFFFF80  }
0x241: {  	_ =	swait.ge [sflag:s18], $0x80  }
0x242: {  	[sflag:s18] =	ssyncset.done $0x0  }
0x243: {  	[sflag:s18] =	ssyncadd.s32 $0xFFFFFF80  }
0x244: {  	_ =	swait.ge [sflag:s18], $0x80  }
0x245: {  	[sflag:s18] =	ssyncset.done $0x0  }
0x246: {  	[sflag:s18] =	ssyncadd.s32 $0xFFFFFF80  }
0x247: {  	_ =	swait.ge [sflag:s18], $0x80  }
0x248: {  	[sflag:s18] =	ssyncset.done $0x0  }
0x249: {  	[sflag:s18] =	ssyncadd.s32 $0xFFFFFF80  }
0x24a: {  	_ =	swait.ge [sflag:s18], $0x80  }
0x24b: {  	[sflag:s18] =	ssyncset.done $0x0  }
0x24c: {  	[sflag:s18] =	ssyncadd.s32 $0xFFFFFF80  }
0x24d: {  	_ =	swait.ge [sflag:s18], $0x80  }
0x24e: {  	[sflag:s18] =	ssyncset.done $0x0  }
0x24f: {  	[sflag:s18] =	ssyncadd.s32 $0xFFFFFF80  }
0x250: {  	_ =	swait.ge [sflag:s18], $0x80  }
0x251: {  	[sflag:s18] =	ssyncset.done $0x0  }
0x252: {  	[sflag:s18] =	ssyncadd.s32 $0xFFFFFF80  }
0x253: {  	_ =	swait.ge [sflag:s18], $0x80  }
0x254: {  	[sflag:s18] =	ssyncset.done $0x0  }
0x255: {  	[sflag:s18] =	ssyncadd.s32 $0xFFFFFF80  }
0x256: {  	_ =	swait.ge [sflag:s18], $0x80  }
0x257: {  	[sflag:s18] =	ssyncset.done $0x0  }
0x258: {  	[sflag:s18] =	ssyncadd.s32 $0xFFFFFF80  }
0x259: {  	s24 =	rddreg [dreg:$0x6]  }
0x25a: {  	[spmem:s24] =	stream.indirect.scatter.add.f32 [tilespmem:s8], [sflag:$0x3], $0x1, s12, s14, $0xb8;
	[tilespmem:$0x14020] =	vst v63  }
0x25b: {  	_ = 	snop  }
0x25c: {  	[spmem:s24] =	stream.indirect.scatter.add.f32 [tilespmem:s25], [sflag:$0x3], $0x1, s28, s14, $0xb8;
	[tilespmem:$0x14020] =	vst v63  }
0x25d: {  	_ = 	snop  }
0x25e: {  	[spmem:s24] =	stream.indirect.scatter.add.f32 [tilespmem:s29], [sflag:$0x3], $0x1, s30, s14, $0xb8;
	[tilespmem:$0x14020] =	vst v63  }
0x25f: {  	_ = 	snop  }
0x260: {  	[spmem:s24] =	stream.indirect.scatter.add.f32 [tilespmem:s31], [sflag:$0x3], $0x1, s23, s14, $0xb8;
	[tilespmem:$0x14020] =	vst v63  }
0x261: {  	_ = 	snop  }
0x262: {  	[spmem:s24] =	stream.indirect.scatter.add.f32 [tilespmem:s4], [sflag:$0x3], $0x1, s13, s14, $0xb8;
	[tilespmem:$0x14020] =	vst v63  }
0x263: {  	_ = 	snop  }
0x264: {  	[spmem:s24] =	stream.indirect.scatter.add.f32 [tilespmem:s10], [sflag:$0x3], $0x1, s19, s14, $0xb8;
	[tilespmem:$0x14020] =	vst v63  }
0x265: {  	_ = 	snop  }
0x266: {  	[spmem:s24] =	stream.indirect.scatter.add.f32 [tilespmem:s1], [sflag:$0x3], $0x1, s20, s14, $0xb8;
	[tilespmem:$0x14020] =	vst v63  }
0x267: {  	_ = 	snop  }
0x268: {  	[spmem:s24] =	stream.indirect.scatter.add.f32 [tilespmem:s5], [sflag:$0x3], $0x1, s7, s14, $0xb8;
	[tilespmem:$0x14020] =	vst v63  }
0x269: {  	_ = 	snop  }
0x26a: {  	[spmem:s24] =	stream.indirect.scatter.add.f32 [tilespmem:s21], [sflag:$0x3], $0x1, s0, s14, $0xb8;
	[tilespmem:$0x14020] =	vst v63  }
0x26b: {  	_ =	swait.ge [sflag:s16], $0x4000  }
0x26c: {  	[sflag:s16] =	ssyncset.done $0x0  }
0x26d: {  	[sflag:s16] =	ssyncadd.s32 $0xFFFFC000  }
0x26e: {  	_ =	swait.ge [sflag:s11], $0x4000  }
0x26f: {  	[sflag:s11] =	ssyncset.done $0x0  }
0x270: {  	[sflag:s11] =	ssyncadd.s32 $0xFFFFC000  }
0x271: {  	_ =	swait.ge [sflag:s18], $0x80  }
0x272: {  	[sflag:s18] =	ssyncset.done $0x0  }
0x273: {  	[sflag:s18] =	ssyncadd.s32 $0xFFFFFF80  }
0x274: {  	_ =	swait.ge [sflag:s18], $0x80  }
0x275: {  	[sflag:s18] =	ssyncset.done $0x0  }
0x276: {  	[sflag:s18] =	ssyncadd.s32 $0xFFFFFF80  }
0x277: {  	_ =	swait.ge [sflag:s18], $0x80  }
0x278: {  	[sflag:s18] =	ssyncset.done $0x0  }
0x279: {  	[sflag:s18] =	ssyncadd.s32 $0xFFFFFF80  }
0x27a: {  	_ =	swait.ge [sflag:s18], $0x80  }
0x27b: {  	[sflag:s18] =	ssyncset.done $0x0  }
0x27c: {  	[sflag:s18] =	ssyncadd.s32 $0xFFFFFF80  }
0x27d: {  	_ =	swait.ge [sflag:s18], $0x80  }
0x27e: {  	[sflag:s18] =	ssyncset.done $0x0  }
0x27f: {  	[sflag:s18] =	ssyncadd.s32 $0xFFFFFF80  }
0x280: {  	_ =	swait.ge [sflag:s18], $0x80  }
0x281: {  	[sflag:s18] =	ssyncset.done $0x0  }
0x282: {  	[sflag:s18] =	ssyncadd.s32 $0xFFFFFF80  }
0x283: {  	_ =	swait.ge [sflag:s18], $0x80  }
0x284: {  	[sflag:s18] =	ssyncset.done $0x0  }
0x285: {  	[sflag:s18] =	ssyncadd.s32 $0xFFFFFF80  }
0x286: {  	_ =	swait.ge [sflag:s18], $0x80  }
0x287: {  	[sflag:s18] =	ssyncset.done $0x0  }
0x288: {  	[sflag:s18] =	ssyncadd.s32 $0xFFFFFF80  }
0x289: {  	_ =	swait.ge [sflag:s18], $0x80  }
0x28a: {  	[sflag:s18] =	ssyncset.done $0x0  }
0x28b: {  	[sflag:s18] =	ssyncadd.s32 $0xFFFFFF80  }
0x28c: {  	[bflag:$0x0] =	sbarrier.arrive $0xFFFF  }
0x28d: {  	s20 =	rddreg [dreg:$0x10]  }
0x28e: {  	[tilespmem:s2], [sflag:$0x6] =	stream.linear.gather [spmem:s20], $0x4000, $0x38;
	[tilespmem:$0x14020] =	vst v63  }
0x28f: {  	_ =	swait.ge [sflag:s9], $0x4000  }
0x290: {  	[sflag:s9] =	ssyncset.done $0x0  }
0x291: {  	s7 =	simm.s32 $0x0;
	s24 =	rddreg [dreg:$0x11];
	[sflag:s9] =	ssyncadd.s32 $0xFFFFC000  }
0x292: {  	[hbm4b:s24+s7] =	stream.linear.scatter [tilespmem:s2], [sflag:$0x6], $0x4000, $0x38;
	[tilespmem:$0x14020] =	vst v63  }
0x293: {  	_ =	swait.ge [sflag:s9], $0x4000  }
0x294: {  	s25 =	sld [smem:$0x7FD]  }
0x295: {  	[sflag:s9] =	ssyncset.done $0x0  }
0x296: {  	s13 =	simm.s32 $0x9D80;
	[sflag:s9] =	ssyncadd.s32 $0xFFFFC000  }
0x297: {  	[tilespmem:s13], [sflag:$0x6] =	stream.linear.gather [spmem:s25], $0x80, $0x38;
	[tilespmem:$0x14020] =	vst v63  }
0x298: {  	_ =	swait.ge [sflag:s9], $0x80  }
0x299: {  	[sflag:s9] =	ssyncset.done $0x0  }
0x29a: {  	s28 =	rddreg [dreg:$0x12];
	[sflag:s9] =	ssyncadd.s32 $0xFFFFFF80  }
0x29b: {  	[hbm4b:s28+s7] =	stream.linear.scatter [tilespmem:s13], [sflag:$0x6], $0x80, $0x38;
	[tilespmem:$0x14020] =	vst v63  }
0x29c: {  	_ =	swait.ge [sflag:s9], $0x80  }
0x29d: {  	s29 =	sld [smem:$0x7FB];
	_ =	sdelay $0x2  }
0x29e: {  	s30 =	rddreg [dreg:$0x13];
	s0 =	sadd.s32 $0x1, s29  }
0x29f: {  	p1 =	sne.s32 s0, s30  }
.Ltmp1:
0x2a0: {  	_ = 	snop;
	(pc) =	sbr.rel @p1 .LBB2_1-.Ltmp1, $3  }
0x2a1: {  	_ =	sdelay $0x1  }
0x2a2: {  	[sflag:s9] =	ssyncset.done $0x0  }
0x2a3: {  	s10 =	simm.s32 $0xC00;
	[sflag:s9] =	ssyncadd.s32 $0xFFFFFF80  }
0x2a4: {  	_ =	sfence.sel $0x180000  }
0x2a5: {  	[bflag:$0x0] =	sbarrier.arrive $0xFFFF  }
0x2a6: {  	_ =	strace $0x90000047  }
0x2a7: {  	s0 =	stileid.u32;
	[bflag:$0x2] =	sbarrier.arrive $0xFFFF  }
0x2a8: {  	p0 =	sne.s32 s0, $0x0;
	s0 =	rddreg [dreg:$0x8]  }
0x2a9: {  	s0 =	sadd.s32 @!p0 $0x100000, s0  }
0x2aa: {  	[sflag:s0] =	ssyncadd.tile.s32 @!p0 $0x1;
	_ =	shalt  }
.Lfunc_end2:
_tile_overlayer_lowered:
.L_overlay_start_2:
0x2ab: {  	(tag) =	ssettag $0x2  }
0x2ac: {  	s0 =	rddreg [dreg:$0x0];
	s2 =	stileid.u32  }
0x2ad: {  	s1 =	rddreg [dreg:$0x1];
	p0 =	sne.s32 s2, $0x0  }
0x2ae: {  	s3 =	rddreg [dreg:$0x2];
	[bflag:$0x3] =	sbarrier.arrive $0xFFFF;
	s2 =	simm.s32 @!p0 $0x1C06  }
0x2af: {  	[timem:s3], [sflag:s2] =	dma.local @!p0 [hbm:s0], s1  }
0x2b0: {  	s0 =	simm.s32 @!p0 $0x6  }
0x2b1: {  	_ =	swait.ge @!p0 [sflag:s0], s1  }
0x2b2: {  	s1 =	ssub.s32 @!p0 $0x0, s1;
	[sflag:s0] =	ssyncset.done @!p0 $0x0  }
0x2b3: {  	[sflag:s0] =	ssyncadd.s32 @!p0 s1  }
0x2b4: {  	[bflag:$0x3] =	sbarrier.arrive $0xFFFF  }
0x2b5: {  	_ =	shalt  }

</sc_bundles>
